<compile_context>
chip_gen: v7x
topology: tpu7x:2x2x1
jax: 0.10.2.dev20260603
libtpu: 0.0.44.dev20260713+nightly
codegen_flags: <defaults>
</compile_context>

<pallas_src>
import functools
import math

import jax
import jax.numpy as jnp
from jax import lax
from jax.experimental import pallas as pl
from jax.experimental.pallas import tpu as pltpu
from jax.experimental.pallas import tpu_sc as plsc

SIDE = 512
NPIX = SIDE * SIDE
B = 16
RES = 0.05
AMP, N_SERSIC, R_SERSIC = 20.0, 1.0, 0.25
B_N = 1.999 * N_SERSIC - 0.327
BIGJ = 1 << 28

SC_BLK = NPIX // 16
SC_MARGIN = 10368
SC_PROC = SC_BLK + 2 * SC_MARGIN
SC_GCH = NPIX // 32
SC_UNROLL = 16
SC_GUNROLL = 4

_sc_mesh = plsc.VectorSubcoreMesh(core_axis_name="c", subcore_axis_name="s")


@functools.partial(
    pl.kernel,
    mesh=_sc_mesh,
    out_type=jax.ShapeDtypeStruct((SIDE, SIDE), jnp.int32),
    scratch_types=[
        pltpu.VMEM((SC_PROC,), jnp.int32),
        pltpu.VMEM((SC_BLK,), jnp.int32),
        pltpu.VMEM_SHARED((NPIX,), jnp.int32),
        pltpu.VMEM((SC_GCH,), jnp.int32),
        pltpu.VMEM((SC_GCH,), jnp.int32),
        pltpu.VMEM((SC_GCH // SIDE, SIDE), jnp.int32),
        pltpu.SemaphoreType.DMA,
        pltpu.SemaphoreType.DMA,
    ],
    compiler_params=pltpu.CompilerParams(needs_layout_passes=False),
)
def _sc_winner(dest_ref, keep_ref, win_ref, lw_ref, lw_sh, dch_ref, gat_ref,
               out_ref, sem, sem2):
    c = lax.axis_index("c")
    s = lax.axis_index("s")
    lanes = lax.iota(jnp.int32, 16)

    j_lo = s * SC_BLK
    start = pl.multiple_of(
        jnp.clip(j_lo - SC_MARGIN, 0, NPIX - SC_PROC), 16)
    pltpu.sync_copy(dest_ref.at[pl.ds(start, SC_PROC)], win_ref)
    gbase = (c * 16 + s) * SC_GCH
    dch_cp = pltpu.async_copy(dest_ref.at[pl.ds(gbase, SC_GCH)], dch_ref,
                              sem2)

    def _scat(k, carry):
        base = k * (16 * SC_UNROLL)
        ds = [win_ref[pl.ds(base + u * 16, 16)] for u in range(SC_UNROLL)]
        locs = [d - j_lo for d in ds]
        msks = [plsc.bitcast(loc, jnp.uint32) < jnp.uint32(SC_BLK)
                for loc in locs]
        for u in range(SC_UNROLL):
            plsc.store_scatter(lw_ref, [locs[u]],
                               start + base + u * 16 + lanes, mask=msks[u])
        return carry

    lax.fori_loop(0, SC_PROC // (16 * SC_UNROLL), _scat, 0)

    pltpu.sync_copy(lw_ref, lw_sh.at[pl.ds(j_lo, SC_BLK)])
    plsc.subcore_barrier()

    dch_cp.wait()
    pltpu.async_copy(lw_sh.at[dch_ref], gat_ref, sem).wait()

    def _gath(k, carry):
        base = k * SIDE
        for g in range(SIDE // (16 * SC_GUNROLL)):
            boff = base + g * 16 * SC_GUNROLL
            ds = [dch_ref[pl.ds(boff + u * 16, 16)]
                  for u in range(SC_GUNROLL)]
            gs = [gat_ref[pl.ds(boff + u * 16, 16)]
                  for u in range(SC_GUNROLL)]
            for u in range(SC_GUNROLL):
                off = boff + u * 16
                out_ref[k, pl.ds(off - base, 16)] = jnp.where(
                    gs[u] == gbase + off + lanes, ds[u], BIGJ)
        return carry

    lax.fori_loop(0, SC_GCH // SIDE, _gath, 0)
    row0 = pl.multiple_of(gbase // SIDE, 16)
    pltpu.sync_copy(out_ref, keep_ref.at[pl.ds(row0, SC_GCH // SIDE), :])


_CH = 8
_NCH = SIDE // _CH


def _main_body(lr_ref, img_ref, kd_ref, dx_ref, dy_ref, out_ref, acc_ref):
    r = pl.program_id(0)

    acc = jnp.full((_CH, SIDE), -1.0, jnp.float32)
    for k in range(_NCH):
        c = lr_ref[0, k * _CH:(k + 1) * _CH, :]
        kdc = kd_ref[k * _CH:(k + 1) * _CH, :]
        acc = jnp.maximum(acc, jnp.where(kdc < BIGJ, c, -1.0))
    m = jnp.max(acc)

    accj = jnp.full((_CH, SIDE), BIGJ, jnp.int32)
    for k in range(_NCH):
        c = lr_ref[0, k * _CH:(k + 1) * _CH, :]
        kdc = kd_ref[k * _CH:(k + 1) * _CH, :]
        accj = jnp.minimum(
            accj, jnp.where((kdc < BIGJ) & (c == m), kdc, BIGJ))
    jbest = jnp.min(accj)
    jx = jbest & (SIDE - 1)
    jy = jbest >> 9
    xc = (jx.astype(jnp.float32) - SIDE / 2.0) * RES
    yc = ((SIDE - jy).astype(jnp.float32) - SIDE / 2.0) * RES

    k2 = -B_N * (1.0 / R_SERSIC) * math.log2(math.e)
    k1 = math.log2(AMP) + B_N * math.log2(math.e)

    zero = jnp.zeros((_CH, SIDE), jnp.float32)
    a1 = a2 = a3 = a4 = a5 = zero
    amn = jnp.full((_CH, SIDE), jnp.inf, jnp.float32)
    amx = jnp.full((_CH, SIDE), -jnp.inf, jnp.float32)
    for k in range(_NCH):
        sl = slice(k * _CH, (k + 1) * _CH)
        dxc = dx_ref[sl, :] - xc
        dyc = dy_ref[sl, :] - yc
        imc = img_ref[0, sl, :]
        r2 = jnp.maximum(dxc * dxc + dyc * dyc, 1e-36)
        rad = r2 * lax.rsqrt(r2)
        prof = jnp.exp2(k1 + k2 * rad)
        a1 = a1 + prof
        a2 = a2 + prof * prof
        a3 = a3 + prof * imc
        a4 = a4 + imc
        a5 = a5 + imc * imc
        amn = jnp.minimum(amn, prof)
        amx = jnp.maximum(amx, prof)
    s1 = jnp.sum(a1)
    s2 = jnp.sum(a2)
    s3 = jnp.sum(a3)
    s4 = jnp.sum(a4)
    s5 = jnp.sum(a5)
    mn = jnp.min(amn)
    mx = jnp.max(amx)

    @pl.when(r == 0)
    def _init():
        acc_ref[0] = s1
        acc_ref[1] = s2
        acc_ref[2] = s3
        acc_ref[3] = s4
        acc_ref[4] = s5
        acc_ref[5] = mn
        acc_ref[6] = mx

    @pl.when(r > 0)
    def _acc():
        acc_ref[0] += s1
        acc_ref[1] += s2
        acc_ref[2] += s3
        acc_ref[3] += s4
        acc_ref[4] += s5
        acc_ref[5] = jnp.minimum(acc_ref[5], mn)
        acc_ref[6] = jnp.maximum(acc_ref[6], mx)

    @pl.when(r == B - 1)
    def _final():
        t1, t2, t3 = acc_ref[0], acc_ref[1], acc_ref[2]
        t4, t5 = acc_ref[3], acc_ref[4]
        gmn, gmx = acc_ref[5], acc_ref[6]
        a = 1.0 / (gmx - gmn)
        c = a * gmn
        npix = jnp.float32(B * NPIX)
        total = (a * a * t2 - 2.0 * a * c * t1 + c * c * npix
                 - 2.0 * a * t3 + 2.0 * c * t4 + t5)
        out_ref[0, 0] = total / npix


def _sersic_mse(lr, img, kd, dx, dy):
    return pl.pallas_call(
        _main_body,
        grid=(B,),
        in_specs=[
            pl.BlockSpec((1, SIDE, SIDE), lambda r: (r, 0, 0)),
            pl.BlockSpec((1, SIDE, SIDE), lambda r: (r, 0, 0)),
            pl.BlockSpec((SIDE, SIDE), lambda r: (0, 0)),
            pl.BlockSpec((SIDE, SIDE), lambda r: (0, 0)),
            pl.BlockSpec((SIDE, SIDE), lambda r: (0, 0)),
        ],
        out_specs=pl.BlockSpec((1, 1), lambda r: (0, 0),
                               memory_space=pltpu.SMEM),
        out_shape=jax.ShapeDtypeStruct((1, 1), jnp.float32),
        scratch_shapes=[pltpu.SMEM((8,), jnp.float32)],
    )(lr, img, kd, dx, dy)


def kernel(image, LR, dest_indices, dest_x, dest_y):
    img = image.reshape(B, SIDE, SIDE)
    lr = LR.reshape(B, SIDE, SIDE)
    kd = _sc_winner(dest_indices)
    out = _sersic_mse(lr, img, kd, dest_x.reshape(SIDE, SIDE),
                      dest_y.reshape(SIDE, SIDE))
    return out.reshape(())

# --- scband reference (transcript-rebuilt; emitter-appended) ---
"""Pipeline reference for scband-sersic-profiler-16492674417271 (READ-ONLY COPY).

The authoritative reference and input builder live on the scoring server;
editing this copy changes nothing except your own understanding.
"""

import jax, jax.numpy as jnp
import numpy as np

IN_SHAPE = 512
RESOLUTION = 0.05
ALPHA = 1.0
BATCH = 16
SERSIC_ARGS = (20.0, 1.0, 0.25)


def _geometry():
    n = IN_SHAPE
    idx = jnp.arange(n)
    pos_x = jnp.broadcast_to(idx[None, :], (n, n)).astype(jnp.float32)
    pos_y = jnp.broadcast_to(idx[::-1][:, None], (n, n)).astype(jnp.float32)
    pos_x = (pos_x - n // 2) * RESOLUTION
    pos_y = (pos_y - n // 2) * RESOLUTION
    r = jnp.sqrt(pos_x ** 2 + pos_y ** 2)
    theta = jnp.arctan2(pos_y, pos_x)
    dest_r = r - ALPHA
    dxi = jnp.round(dest_r / RESOLUTION * jnp.cos(theta)).astype(jnp.int32)
    dyi = jnp.round(dest_r / RESOLUTION * jnp.sin(theta)).astype(jnp.int32)
    dyi = jnp.flip(dyi, axis=0)
    dxi = dxi + n // 2
    dyi = dyi + n // 2
    dest_indices = (dyi * n + dxi).reshape(-1)
    dest_x = (dest_r * jnp.cos(theta)).reshape(-1)
    dest_y = (dest_r * jnp.sin(theta)).reshape(-1)
    return dest_indices, dest_x, dest_y


def setup_inputs(seed: int = 0):
    key = jax.random.key(seed)
    k1, k2 = jax.random.split(key)
    image = jax.random.uniform(k1, (BATCH, 1, IN_SHAPE, IN_SHAPE), dtype=jnp.float32)
    LR = jax.random.uniform(k2, (BATCH, 1, IN_SHAPE, IN_SHAPE), dtype=jnp.float32)
    dest_indices, dest_x, dest_y = _geometry()
    return {"image": image, "LR": LR, "dest_indices": dest_indices, "dest_x": dest_x, "dest_y": dest_y}


def reference(image, LR, dest_indices, dest_x, dest_y):
    B = image.shape[0]
    x = image.shape[2]
    y = image.shape[3]
    img = image.reshape(B, -1)
    lr = LR.reshape(B, -1)
    N = img.shape[1]
    rows = jnp.broadcast_to(jnp.arange(B)[:, None], (B, N))
    cols = jnp.broadcast_to(dest_indices[None, :], (B, N))
    source_profile = jnp.zeros_like(img).at[rows, cols].set(lr)
    max_index = jnp.argmax(source_profile, axis=1)
    y_center = max_index // x
    x_center = max_index % x
    y_center = y - y_center
    x_center = (x_center.astype(jnp.float32) - x / 2.0) * RESOLUTION
    y_center = (y_center.astype(jnp.float32) - y / 2.0) * RESOLUTION
    dx = jnp.broadcast_to(dest_x[None, :], (B, N))
    dy = jnp.broadcast_to(dest_y[None, :], (B, N))
    amp, n_sersic, R_sersic = SERSIC_ARGS
    b_n = 1.999 * n_sersic - 0.327
    R = jnp.sqrt((dx - x_center[:, None]) ** 2 + (dy - y_center[:, None]) ** 2)
    I = amp * jnp.exp(-b_n * ((R / R_sersic) ** (1.0 / n_sersic) - 1.0))
    I = (I - jnp.min(I)) / (jnp.max(I) - jnp.min(I))
    sersic_profile = I.reshape(B, 1, x, y)
    return jnp.mean((sersic_profile - image) ** 2)

if __name__ == "__main__":
    import jax
    _d = setup_inputs()
    print(jax.jit(kernel)(*tuple(_d.values())))

</pallas_src>

<mosaic_0001>
#map = affine_map<(d0, d1) -> (0)>
#map1 = affine_map<(d0, d1) -> (0, 0)>
module attributes {stable_mosaic.version = 14 : i64} {
  func.func @_sc_winner(%arg0: i32, %arg1: i32, %arg2: memref<262144xi32, #tpu.memory_space<hbm>>, %arg3: memref<512x512xi32, #tpu.memory_space<hbm>>, %arg4: memref<37120xi32, #tpu.memory_space<vmem>>, %arg5: memref<16384xi32, #tpu.memory_space<vmem>>, %arg6: memref<262144xi32, #tpu.memory_space<vmem_shared>>, %arg7: memref<8192xi32, #tpu.memory_space<vmem>>, %arg8: memref<8192xi32, #tpu.memory_space<vmem>>, %arg9: memref<16x512xi32, #tpu.memory_space<vmem>>, %arg10: memref<!tpu.dma_semaphore, #tpu.memory_space<semaphore_mem>>, %arg11: memref<!tpu.dma_semaphore, #tpu.memory_space<semaphore_mem>>) attributes {dimension_semantics = [#tpu.dimension_semantics<core_parallel>, #tpu.dimension_semantics<subcore_parallel>], iteration_bounds = array<i64: 2, 16>, scalar_prefetch = 0 : i64, scratch_operands = 8 : i64, tpu.core_type = #tpu.core_type<sc_vector_subcore>, window_params = [{transform_indices = #map}, {transform_indices = #map1}]} {
    %iota3A = tpu.iota {dimensions = array<i32: 0>} : vector<16xi32>
    %mul3A = arith.constant 16384 : i32
    %mul3A_0 = arith.muli %arg1, %mul3A : i32
    %sub3A = arith.constant 10368 : i32
    %sub3A_1 = arith.subi %mul3A_0, %sub3A : i32
    %jit3A = arith.constant 0 : i32
    %jit3A_2 = arith.constant 225024 : i32
    %max3A = arith.maxsi %jit3A, %sub3A_1 : i32
    %min3A = arith.minsi %jit3A_2, %max3A : i32
    %multiple_of3A = tpu.assume_multiple %min3A, 16 : i32
    "tpu.region"() ({
      %run_scoped3A = tpu.sem_alloc : memref<!tpu.dma_semaphore, #tpu.memory_space<semaphore_mem>>
      %dma_start3A_43 = tpu.memref_slice %arg2[%multiple_of3A] : memref<262144xi32, #tpu.memory_space<hbm>> -> memref<37120xi32, #tpu.memory_space<hbm>>
      %dma_start3A_44 = tpu.memref_slice %arg2[%multiple_of3A] : memref<262144xi32, #tpu.memory_space<hbm>> -> memref<37120xi32, #tpu.memory_space<hbm>>
      tpu.enqueue_dma source(%dma_start3A_44 : memref<37120xi32, #tpu.memory_space<hbm>>) target(%arg4 : memref<37120xi32, #tpu.memory_space<vmem>>) target_semaphore(%run_scoped3A : memref<!tpu.dma_semaphore, #tpu.memory_space<semaphore_mem>>)
      %dma_wait3A_45 = tpu.memref_slice %arg2[%multiple_of3A] : memref<262144xi32, #tpu.memory_space<hbm>> -> memref<37120xi32, #tpu.memory_space<hbm>>
      %dma_wait3A_46 = tpu.memref_slice %arg2[%multiple_of3A] : memref<262144xi32, #tpu.memory_space<hbm>> -> memref<37120xi32, #tpu.memory_space<hbm>>
      tpu.wait_dma2 semaphore(%run_scoped3A : memref<!tpu.dma_semaphore, #tpu.memory_space<semaphore_mem>>) src(%dma_wait3A_46 : memref<37120xi32, #tpu.memory_space<hbm>>) dst(%arg4 : memref<37120xi32, #tpu.memory_space<vmem>>)
      tpu.yield
    }) : () -> ()
    %mul3A_3 = arith.constant 16 : i32
    %mul3A_4 = arith.muli %arg0, %mul3A_3 : i32
    %add3A = arith.addi %mul3A_4, %arg1 : i32
    %mul3A_5 = arith.constant 8192 : i32
    %mul3A_6 = arith.muli %add3A, %mul3A_5 : i32
    %dma_start3A = tpu.memref_slice %arg2[%mul3A_6] : memref<262144xi32, #tpu.memory_space<hbm>> -> memref<8192xi32, #tpu.memory_space<hbm>>
    %dma_start3A_7 = tpu.memref_slice %arg2[%mul3A_6] : memref<262144xi32, #tpu.memory_space<hbm>> -> memref<8192xi32, #tpu.memory_space<hbm>>
    tpu.enqueue_dma source(%dma_start3A_7 : memref<8192xi32, #tpu.memory_space<hbm>>) target(%arg7 : memref<8192xi32, #tpu.memory_space<vmem>>) target_semaphore(%arg11 : memref<!tpu.dma_semaphore, #tpu.memory_space<semaphore_mem>>)
    %scan3A = arith.constant 0 : i32
    %scan3A_8 = arith.constant 0 : i32
    %scan3A_9 = arith.constant 145 : i32
    %scan3A_10 = arith.addi %scan3A_8, %scan3A_9 : i32
    %scan3A_11 = arith.constant 1 : i32
    scf.for %scan3A_43 = %scan3A_8 to %scan3A_10 step %scan3A_11  : i32 {
      %mul3A_44 = arith.constant 256 : i32
      %mul3A_45 = arith.muli %scan3A_43, %mul3A_44 : i32
      %add3A_46 = arith.constant 0 : i32
      %add3A_47 = arith.addi %mul3A_45, %add3A_46 : i32
      %get3A = arith.index_cast %add3A_47 : i32 to index
      %get3A_48 = tpu.vector_load %arg4[%get3A] {strides = array<i32>} : memref<37120xi32, #tpu.memory_space<vmem>>, vector<16xi32>,
      %add3A_49 = arith.constant 16 : i32
      %add3A_50 = arith.addi %mul3A_45, %add3A_49 : i32
      %get3A_51 = arith.index_cast %add3A_50 : i32 to index
      %get3A_52 = tpu.vector_load %arg4[%get3A_51] {strides = array<i32>} : memref<37120xi32, #tpu.memory_space<vmem>>, vector<16xi32>,
      %add3A_53 = arith.constant 32 : i32
      %add3A_54 = arith.addi %mul3A_45, %add3A_53 : i32
      %get3A_55 = arith.index_cast %add3A_54 : i32 to index
      %get3A_56 = tpu.vector_load %arg4[%get3A_55] {strides = array<i32>} : memref<37120xi32, #tpu.memory_space<vmem>>, vector<16xi32>,
      %add3A_57 = arith.constant 48 : i32
      %add3A_58 = arith.addi %mul3A_45, %add3A_57 : i32
      %get3A_59 = arith.index_cast %add3A_58 : i32 to index
      %get3A_60 = tpu.vector_load %arg4[%get3A_59] {strides = array<i32>} : memref<37120xi32, #tpu.memory_space<vmem>>, vector<16xi32>,
      %add3A_61 = arith.constant 64 : i32
      %add3A_62 = arith.addi %mul3A_45, %add3A_61 : i32
      %get3A_63 = arith.index_cast %add3A_62 : i32 to index
      %get3A_64 = tpu.vector_load %arg4[%get3A_63] {strides = array<i32>} : memref<37120xi32, #tpu.memory_space<vmem>>, vector<16xi32>,
      %add3A_65 = arith.constant 80 : i32
      %add3A_66 = arith.addi %mul3A_45, %add3A_65 : i32
      %get3A_67 = arith.index_cast %add3A_66 : i32 to index
      %get3A_68 = tpu.vector_load %arg4[%get3A_67] {strides = array<i32>} : memref<37120xi32, #tpu.memory_space<vmem>>, vector<16xi32>,
      %add3A_69 = arith.constant 96 : i32
      %add3A_70 = arith.addi %mul3A_45, %add3A_69 : i32
      %get3A_71 = arith.index_cast %add3A_70 : i32 to index
      %get3A_72 = tpu.vector_load %arg4[%get3A_71] {strides = array<i32>} : memref<37120xi32, #tpu.memory_space<vmem>>, vector<16xi32>,
      %add3A_73 = arith.constant 112 : i32
      %add3A_74 = arith.addi %mul3A_45, %add3A_73 : i32
      %get3A_75 = arith.index_cast %add3A_74 : i32 to index
      %get3A_76 = tpu.vector_load %arg4[%get3A_75] {strides = array<i32>} : memref<37120xi32, #tpu.memory_space<vmem>>, vector<16xi32>,
      %add3A_77 = arith.constant 128 : i32
      %add3A_78 = arith.addi %mul3A_45, %add3A_77 : i32
      %get3A_79 = arith.index_cast %add3A_78 : i32 to index
      %get3A_80 = tpu.vector_load %arg4[%get3A_79] {strides = array<i32>} : memref<37120xi32, #tpu.memory_space<vmem>>, vector<16xi32>,
      %add3A_81 = arith.constant 144 : i32
      %add3A_82 = arith.addi %mul3A_45, %add3A_81 : i32
      %get3A_83 = arith.index_cast %add3A_82 : i32 to index
      %get3A_84 = tpu.vector_load %arg4[%get3A_83] {strides = array<i32>} : memref<37120xi32, #tpu.memory_space<vmem>>, vector<16xi32>,
      %add3A_85 = arith.constant 160 : i32
      %add3A_86 = arith.addi %mul3A_45, %add3A_85 : i32
      %get3A_87 = arith.index_cast %add3A_86 : i32 to index
      %get3A_88 = tpu.vector_load %arg4[%get3A_87] {strides = array<i32>} : memref<37120xi32, #tpu.memory_space<vmem>>, vector<16xi32>,
      %add3A_89 = arith.constant 176 : i32
      %add3A_90 = arith.addi %mul3A_45, %add3A_89 : i32
      %get3A_91 = arith.index_cast %add3A_90 : i32 to index
      %get3A_92 = tpu.vector_load %arg4[%get3A_91] {strides = array<i32>} : memref<37120xi32, #tpu.memory_space<vmem>>, vector<16xi32>,
      %add3A_93 = arith.constant 192 : i32
      %add3A_94 = arith.addi %mul3A_45, %add3A_93 : i32
      %get3A_95 = arith.index_cast %add3A_94 : i32 to index
      %get3A_96 = tpu.vector_load %arg4[%get3A_95] {strides = array<i32>} : memref<37120xi32, #tpu.memory_space<vmem>>, vector<16xi32>,
      %add3A_97 = arith.constant 208 : i32
      %add3A_98 = arith.addi %mul3A_45, %add3A_97 : i32
      %get3A_99 = arith.index_cast %add3A_98 : i32 to index
      %get3A_100 = tpu.vector_load %arg4[%get3A_99] {strides = array<i32>} : memref<37120xi32, #tpu.memory_space<vmem>>, vector<16xi32>,
      %add3A_101 = arith.constant 224 : i32
      %add3A_102 = arith.addi %mul3A_45, %add3A_101 : i32
      %get3A_103 = arith.index_cast %add3A_102 : i32 to index
      %get3A_104 = tpu.vector_load %arg4[%get3A_103] {strides = array<i32>} : memref<37120xi32, #tpu.memory_space<vmem>>, vector<16xi32>,
      %add3A_105 = arith.constant 240 : i32
      %add3A_106 = arith.addi %mul3A_45, %add3A_105 : i32
      %get3A_107 = arith.index_cast %add3A_106 : i32 to index
      %get3A_108 = tpu.vector_load %arg4[%get3A_107] {strides = array<i32>} : memref<37120xi32, #tpu.memory_space<vmem>>, vector<16xi32>,
      %sub3A_109 = vector.broadcast %mul3A_0 : i32 to vector<16xi32>
      %sub3A_110 = arith.subi %get3A_48, %sub3A_109 : vector<16xi32>
      %sub3A_111 = vector.broadcast %mul3A_0 : i32 to vector<16xi32>
      %sub3A_112 = arith.subi %get3A_52, %sub3A_111 : vector<16xi32>
      %sub3A_113 = vector.broadcast %mul3A_0 : i32 to vector<16xi32>
      %sub3A_114 = arith.subi %get3A_56, %sub3A_113 : vector<16xi32>
      %sub3A_115 = vector.broadcast %mul3A_0 : i32 to vector<16xi32>
      %sub3A_116 = arith.subi %get3A_60, %sub3A_115 : vector<16xi32>
      %sub3A_117 = vector.broadcast %mul3A_0 : i32 to vector<16xi32>
      %sub3A_118 = arith.subi %get3A_64, %sub3A_117 : vector<16xi32>
      %sub3A_119 = vector.broadcast %mul3A_0 : i32 to vector<16xi32>
      %sub3A_120 = arith.subi %get3A_68, %sub3A_119 : vector<16xi32>
      %sub3A_121 = vector.broadcast %mul3A_0 : i32 to vector<16xi32>
      %sub3A_122 = arith.subi %get3A_72, %sub3A_121 : vector<16xi32>
      %sub3A_123 = vector.broadcast %mul3A_0 : i32 to vector<16xi32>
      %sub3A_124 = arith.subi %get3A_76, %sub3A_123 : vector<16xi32>
      %sub3A_125 = vector.broadcast %mul3A_0 : i32 to vector<16xi32>
      %sub3A_126 = arith.subi %get3A_80, %sub3A_125 : vector<16xi32>
      %sub3A_127 = vector.broadcast %mul3A_0 : i32 to vector<16xi32>
      %sub3A_128 = arith.subi %get3A_84, %sub3A_127 : vector<16xi32>
      %sub3A_129 = vector.broadcast %mul3A_0 : i32 to vector<16xi32>
      %sub3A_130 = arith.subi %get3A_88, %sub3A_129 : vector<16xi32>
      %sub3A_131 = vector.broadcast %mul3A_0 : i32 to vector<16xi32>
      %sub3A_132 = arith.subi %get3A_92, %sub3A_131 : vector<16xi32>
      %sub3A_133 = vector.broadcast %mul3A_0 : i32 to vector<16xi32>
      %sub3A_134 = arith.subi %get3A_96, %sub3A_133 : vector<16xi32>
      %sub3A_135 = vector.broadcast %mul3A_0 : i32 to vector<16xi32>
      %sub3A_136 = arith.subi %get3A_100, %sub3A_135 : vector<16xi32>
      %sub3A_137 = vector.broadcast %mul3A_0 : i32 to vector<16xi32>
      %sub3A_138 = arith.subi %get3A_104, %sub3A_137 : vector<16xi32>
      %sub3A_139 = vector.broadcast %mul3A_0 : i32 to vector<16xi32>
      %sub3A_140 = arith.subi %get3A_108, %sub3A_139 : vector<16xi32>
      %bitcast3A = vector.bitcast %sub3A_110 : vector<16xi32> to vector<16xi32>
      %lt3A = arith.constant 16384 : i32
      %lt3A_141 = vector.broadcast %lt3A : i32 to vector<16xi32>
      %lt3A_142 = arith.cmpi ult, %bitcast3A, %lt3A_141 : vector<16xi32>
      %bitcast3A_143 = vector.bitcast %sub3A_112 : vector<16xi32> to vector<16xi32>
      %lt3A_144 = arith.constant 16384 : i32
      %lt3A_145 = vector.broadcast %lt3A_144 : i32 to vector<16xi32>
      %lt3A_146 = arith.cmpi ult, %bitcast3A_143, %lt3A_145 : vector<16xi32>
      %bitcast3A_147 = vector.bitcast %sub3A_114 : vector<16xi32> to vector<16xi32>
      %lt3A_148 = arith.constant 16384 : i32
      %lt3A_149 = vector.broadcast %lt3A_148 : i32 to vector<16xi32>
      %lt3A_150 = arith.cmpi ult, %bitcast3A_147, %lt3A_149 : vector<16xi32>
      %bitcast3A_151 = vector.bitcast %sub3A_116 : vector<16xi32> to vector<16xi32>
      %lt3A_152 = arith.constant 16384 : i32
      %lt3A_153 = vector.broadcast %lt3A_152 : i32 to vector<16xi32>
      %lt3A_154 = arith.cmpi ult, %bitcast3A_151, %lt3A_153 : vector<16xi32>
      %bitcast3A_155 = vector.bitcast %sub3A_118 : vector<16xi32> to vector<16xi32>
      %lt3A_156 = arith.constant 16384 : i32
      %lt3A_157 = vector.broadcast %lt3A_156 : i32 to vector<16xi32>
      %lt3A_158 = arith.cmpi ult, %bitcast3A_155, %lt3A_157 : vector<16xi32>
      %bitcast3A_159 = vector.bitcast %sub3A_120 : vector<16xi32> to vector<16xi32>
      %lt3A_160 = arith.constant 16384 : i32
      %lt3A_161 = vector.broadcast %lt3A_160 : i32 to vector<16xi32>
      %lt3A_162 = arith.cmpi ult, %bitcast3A_159, %lt3A_161 : vector<16xi32>
      %bitcast3A_163 = vector.bitcast %sub3A_122 : vector<16xi32> to vector<16xi32>
      %lt3A_164 = arith.constant 16384 : i32
      %lt3A_165 = vector.broadcast %lt3A_164 : i32 to vector<16xi32>
      %lt3A_166 = arith.cmpi ult, %bitcast3A_163, %lt3A_165 : vector<16xi32>
      %bitcast3A_167 = vector.bitcast %sub3A_124 : vector<16xi32> to vector<16xi32>
      %lt3A_168 = arith.constant 16384 : i32
      %lt3A_169 = vector.broadcast %lt3A_168 : i32 to vector<16xi32>
      %lt3A_170 = arith.cmpi ult, %bitcast3A_167, %lt3A_169 : vector<16xi32>
      %bitcast3A_171 = vector.bitcast %sub3A_126 : vector<16xi32> to vector<16xi32>
      %lt3A_172 = arith.constant 16384 : i32
      %lt3A_173 = vector.broadcast %lt3A_172 : i32 to vector<16xi32>
      %lt3A_174 = arith.cmpi ult, %bitcast3A_171, %lt3A_173 : vector<16xi32>
      %bitcast3A_175 = vector.bitcast %sub3A_128 : vector<16xi32> to vector<16xi32>
      %lt3A_176 = arith.constant 16384 : i32
      %lt3A_177 = vector.broadcast %lt3A_176 : i32 to vector<16xi32>
      %lt3A_178 = arith.cmpi ult, %bitcast3A_175, %lt3A_177 : vector<16xi32>
      %bitcast3A_179 = vector.bitcast %sub3A_130 : vector<16xi32> to vector<16xi32>
      %lt3A_180 = arith.constant 16384 : i32
      %lt3A_181 = vector.broadcast %lt3A_180 : i32 to vector<16xi32>
      %lt3A_182 = arith.cmpi ult, %bitcast3A_179, %lt3A_181 : vector<16xi32>
      %bitcast3A_183 = vector.bitcast %sub3A_132 : vector<16xi32> to vector<16xi32>
      %lt3A_184 = arith.constant 16384 : i32
      %lt3A_185 = vector.broadcast %lt3A_184 : i32 to vector<16xi32>
      %lt3A_186 = arith.cmpi ult, %bitcast3A_183, %lt3A_185 : vector<16xi32>
      %bitcast3A_187 = vector.bitcast %sub3A_134 : vector<16xi32> to vector<16xi32>
      %lt3A_188 = arith.constant 16384 : i32
      %lt3A_189 = vector.broadcast %lt3A_188 : i32 to vector<16xi32>
      %lt3A_190 = arith.cmpi ult, %bitcast3A_187, %lt3A_189 : vector<16xi32>
      %bitcast3A_191 = vector.bitcast %sub3A_136 : vector<16xi32> to vector<16xi32>
      %lt3A_192 = arith.constant 16384 : i32
      %lt3A_193 = vector.broadcast %lt3A_192 : i32 to vector<16xi32>
      %lt3A_194 = arith.cmpi ult, %bitcast3A_191, %lt3A_193 : vector<16xi32>
      %bitcast3A_195 = vector.bitcast %sub3A_138 : vector<16xi32> to vector<16xi32>
      %lt3A_196 = arith.constant 16384 : i32
      %lt3A_197 = vector.broadcast %lt3A_196 : i32 to vector<16xi32>
      %lt3A_198 = arith.cmpi ult, %bitcast3A_195, %lt3A_197 : vector<16xi32>
      %bitcast3A_199 = vector.bitcast %sub3A_140 : vector<16xi32> to vector<16xi32>
      %lt3A_200 = arith.constant 16384 : i32
      %lt3A_201 = vector.broadcast %lt3A_200 : i32 to vector<16xi32>
      %lt3A_202 = arith.cmpi ult, %bitcast3A_199, %lt3A_201 : vector<16xi32>
      %add3A_203 = arith.addi %multiple_of3A, %mul3A_45 : i32
      %add3A_204 = arith.constant 0 : i32
      %add3A_205 = arith.addi %add3A_203, %add3A_204 : i32
      %add3A_206 = vector.broadcast %add3A_205 : i32 to vector<16xi32>
      %add3A_207 = arith.addi %add3A_206, %iota3A : vector<16xi32>
      tpu.vector_store_idx %arg5[%sub3A_110], %add3A_207 masked %lt3A_142 : memref<16384xi32, #tpu.memory_space<vmem>>[vector<16xi32>], vector<16xi32>, vector<16xi1>
      %add3A_208 = arith.addi %multiple_of3A, %mul3A_45 : i32
      %add3A_209 = arith.constant 16 : i32
      %add3A_210 = arith.addi %add3A_208, %add3A_209 : i32
      %add3A_211 = vector.broadcast %add3A_210 : i32 to vector<16xi32>
      %add3A_212 = arith.addi %add3A_211, %iota3A : vector<16xi32>
      tpu.vector_store_idx %arg5[%sub3A_112], %add3A_212 masked %lt3A_146 : memref<16384xi32, #tpu.memory_space<vmem>>[vector<16xi32>], vector<16xi32>, vector<16xi1>
      %add3A_213 = arith.addi %multiple_of3A, %mul3A_45 : i32
      %add3A_214 = arith.constant 32 : i32
      %add3A_215 = arith.addi %add3A_213, %add3A_214 : i32
      %add3A_216 = vector.broadcast %add3A_215 : i32 to vector<16xi32>
      %add3A_217 = arith.addi %add3A_216, %iota3A : vector<16xi32>
      tpu.vector_store_idx %arg5[%sub3A_114], %add3A_217 masked %lt3A_150 : memref<16384xi32, #tpu.memory_space<vmem>>[vector<16xi32>], vector<16xi32>, vector<16xi1>
      %add3A_218 = arith.addi %multiple_of3A, %mul3A_45 : i32
      %add3A_219 = arith.constant 48 : i32
      %add3A_220 = arith.addi %add3A_218, %add3A_219 : i32
      %add3A_221 = vector.broadcast %add3A_220 : i32 to vector<16xi32>
      %add3A_222 = arith.addi %add3A_221, %iota3A : vector<16xi32>
      tpu.vector_store_idx %arg5[%sub3A_116], %add3A_222 masked %lt3A_154 : memref<16384xi32, #tpu.memory_space<vmem>>[vector<16xi32>], vector<16xi32>, vector<16xi1>
      %add3A_223 = arith.addi %multiple_of3A, %mul3A_45 : i32
      %add3A_224 = arith.constant 64 : i32
      %add3A_225 = arith.addi %add3A_223, %add3A_224 : i32
      %add3A_226 = vector.broadcast %add3A_225 : i32 to vector<16xi32>
      %add3A_227 = arith.addi %add3A_226, %iota3A : vector<16xi32>
      tpu.vector_store_idx %arg5[%sub3A_118], %add3A_227 masked %lt3A_158 : memref<16384xi32, #tpu.memory_space<vmem>>[vector<16xi32>], vector<16xi32>, vector<16xi1>
      %add3A_228 = arith.addi %multiple_of3A, %mul3A_45 : i32
      %add3A_229 = arith.constant 80 : i32
      %add3A_230 = arith.addi %add3A_228, %add3A_229 : i32
      %add3A_231 = vector.broadcast %add3A_230 : i32 to vector<16xi32>
      %add3A_232 = arith.addi %add3A_231, %iota3A : vector<16xi32>
      tpu.vector_store_idx %arg5[%sub3A_120], %add3A_232 masked %lt3A_162 : memref<16384xi32, #tpu.memory_space<vmem>>[vector<16xi32>], vector<16xi32>, vector<16xi1>
      %add3A_233 = arith.addi %multiple_of3A, %mul3A_45 : i32
      %add3A_234 = arith.constant 96 : i32
      %add3A_235 = arith.addi %add3A_233, %add3A_234 : i32
      %add3A_236 = vector.broadcast %add3A_235 : i32 to vector<16xi32>
      %add3A_237 = arith.addi %add3A_236, %iota3A : vector<16xi32>
      tpu.vector_store_idx %arg5[%sub3A_122], %add3A_237 masked %lt3A_166 : memref<16384xi32, #tpu.memory_space<vmem>>[vector<16xi32>], vector<16xi32>, vector<16xi1>
      %add3A_238 = arith.addi %multiple_of3A, %mul3A_45 : i32
      %add3A_239 = arith.constant 112 : i32
      %add3A_240 = arith.addi %add3A_238, %add3A_239 : i32
      %add3A_241 = vector.broadcast %add3A_240 : i32 to vector<16xi32>
      %add3A_242 = arith.addi %add3A_241, %iota3A : vector<16xi32>
      tpu.vector_store_idx %arg5[%sub3A_124], %add3A_242 masked %lt3A_170 : memref<16384xi32, #tpu.memory_space<vmem>>[vector<16xi32>], vector<16xi32>, vector<16xi1>
      %add3A_243 = arith.addi %multiple_of3A, %mul3A_45 : i32
      %add3A_244 = arith.constant 128 : i32
      %add3A_245 = arith.addi %add3A_243, %add3A_244 : i32
      %add3A_246 = vector.broadcast %add3A_245 : i32 to vector<16xi32>
      %add3A_247 = arith.addi %add3A_246, %iota3A : vector<16xi32>
      tpu.vector_store_idx %arg5[%sub3A_126], %add3A_247 masked %lt3A_174 : memref<16384xi32, #tpu.memory_space<vmem>>[vector<16xi32>], vector<16xi32>, vector<16xi1>
      %add3A_248 = arith.addi %multiple_of3A, %mul3A_45 : i32
      %add3A_249 = arith.constant 144 : i32
      %add3A_250 = arith.addi %add3A_248, %add3A_249 : i32
      %add3A_251 = vector.broadcast %add3A_250 : i32 to vector<16xi32>
      %add3A_252 = arith.addi %add3A_251, %iota3A : vector<16xi32>
      tpu.vector_store_idx %arg5[%sub3A_128], %add3A_252 masked %lt3A_178 : memref<16384xi32, #tpu.memory_space<vmem>>[vector<16xi32>], vector<16xi32>, vector<16xi1>
      %add3A_253 = arith.addi %multiple_of3A, %mul3A_45 : i32
      %add3A_254 = arith.constant 160 : i32
      %add3A_255 = arith.addi %add3A_253, %add3A_254 : i32
      %add3A_256 = vector.broadcast %add3A_255 : i32 to vector<16xi32>
      %add3A_257 = arith.addi %add3A_256, %iota3A : vector<16xi32>
      tpu.vector_store_idx %arg5[%sub3A_130], %add3A_257 masked %lt3A_182 : memref<16384xi32, #tpu.memory_space<vmem>>[vector<16xi32>], vector<16xi32>, vector<16xi1>
      %add3A_258 = arith.addi %multiple_of3A, %mul3A_45 : i32
      %add3A_259 = arith.constant 176 : i32
      %add3A_260 = arith.addi %add3A_258, %add3A_259 : i32
      %add3A_261 = vector.broadcast %add3A_260 : i32 to vector<16xi32>
      %add3A_262 = arith.addi %add3A_261, %iota3A : vector<16xi32>
      tpu.vector_store_idx %arg5[%sub3A_132], %add3A_262 masked %lt3A_186 : memref<16384xi32, #tpu.memory_space<vmem>>[vector<16xi32>], vector<16xi32>, vector<16xi1>
      %add3A_263 = arith.addi %multiple_of3A, %mul3A_45 : i32
      %add3A_264 = arith.constant 192 : i32
      %add3A_265 = arith.addi %add3A_263, %add3A_264 : i32
      %add3A_266 = vector.broadcast %add3A_265 : i32 to vector<16xi32>
      %add3A_267 = arith.addi %add3A_266, %iota3A : vector<16xi32>
      tpu.vector_store_idx %arg5[%sub3A_134], %add3A_267 masked %lt3A_190 : memref<16384xi32, #tpu.memory_space<vmem>>[vector<16xi32>], vector<16xi32>, vector<16xi1>
      %add3A_268 = arith.addi %multiple_of3A, %mul3A_45 : i32
      %add3A_269 = arith.constant 208 : i32
      %add3A_270 = arith.addi %add3A_268, %add3A_269 : i32
      %add3A_271 = vector.broadcast %add3A_270 : i32 to vector<16xi32>
      %add3A_272 = arith.addi %add3A_271, %iota3A : vector<16xi32>
      tpu.vector_store_idx %arg5[%sub3A_136], %add3A_272 masked %lt3A_194 : memref<16384xi32, #tpu.memory_space<vmem>>[vector<16xi32>], vector<16xi32>, vector<16xi1>
      %add3A_273 = arith.addi %multiple_of3A, %mul3A_45 : i32
      %add3A_274 = arith.constant 224 : i32
      %add3A_275 = arith.addi %add3A_273, %add3A_274 : i32
      %add3A_276 = vector.broadcast %add3A_275 : i32 to vector<16xi32>
      %add3A_277 = arith.addi %add3A_276, %iota3A : vector<16xi32>
      tpu.vector_store_idx %arg5[%sub3A_138], %add3A_277 masked %lt3A_198 : memref<16384xi32, #tpu.memory_space<vmem>>[vector<16xi32>], vector<16xi32>, vector<16xi1>
      %add3A_278 = arith.addi %multiple_of3A, %mul3A_45 : i32
      %add3A_279 = arith.constant 240 : i32
      %add3A_280 = arith.addi %add3A_278, %add3A_279 : i32
      %add3A_281 = vector.broadcast %add3A_280 : i32 to vector<16xi32>
      %add3A_282 = arith.addi %add3A_281, %iota3A : vector<16xi32>
      tpu.vector_store_idx %arg5[%sub3A_140], %add3A_282 masked %lt3A_202 : memref<16384xi32, #tpu.memory_space<vmem>>[vector<16xi32>], vector<16xi32>, vector<16xi1>
    }
    %scan3A_12 = arith.constant 145 : i32
    "tpu.region"() ({
      %run_scoped3A = tpu.sem_alloc : memref<!tpu.dma_semaphore, #tpu.memory_space<semaphore_mem>>
      %dma_start3A_43 = tpu.memref_slice %arg6[%mul3A_0] : memref<262144xi32, #tpu.memory_space<vmem_shared>> -> memref<16384xi32, #tpu.memory_space<vmem_shared>>
      %dma_start3A_44 = tpu.memref_slice %arg6[%mul3A_0] : memref<262144xi32, #tpu.memory_space<vmem_shared>> -> memref<16384xi32, #tpu.memory_space<vmem_shared>>
      tpu.enqueue_dma source(%arg5 : memref<16384xi32, #tpu.memory_space<vmem>>) target(%dma_start3A_44 : memref<16384xi32, #tpu.memory_space<vmem_shared>>) target_semaphore(%run_scoped3A : memref<!tpu.dma_semaphore, #tpu.memory_space<semaphore_mem>>)
      %dma_wait3A_45 = tpu.memref_slice %arg6[%mul3A_0] : memref<262144xi32, #tpu.memory_space<vmem_shared>> -> memref<16384xi32, #tpu.memory_space<vmem_shared>>
      %dma_wait3A_46 = tpu.memref_slice %arg6[%mul3A_0] : memref<262144xi32, #tpu.memory_space<vmem_shared>> -> memref<16384xi32, #tpu.memory_space<vmem_shared>>
      tpu.wait_dma2 semaphore(%run_scoped3A : memref<!tpu.dma_semaphore, #tpu.memory_space<semaphore_mem>>) src(%arg5 : memref<16384xi32, #tpu.memory_space<vmem>>) dst(%dma_wait3A_46 : memref<16384xi32, #tpu.memory_space<vmem_shared>>)
      tpu.yield
    }) : () -> ()
    %barrier3A = arith.constant 0 : index
    tpu.barrier barrier_id(%barrier3A)
    %dma_wait3A = tpu.memref_slice %arg2[%mul3A_6] : memref<262144xi32, #tpu.memory_space<hbm>> -> memref<8192xi32, #tpu.memory_space<hbm>>
    %dma_wait3A_13 = tpu.memref_slice %arg2[%mul3A_6] : memref<262144xi32, #tpu.memory_space<hbm>> -> memref<8192xi32, #tpu.memory_space<hbm>>
    tpu.wait_dma2 semaphore(%arg11 : memref<!tpu.dma_semaphore, #tpu.memory_space<semaphore_mem>>) src(%dma_wait3A_13 : memref<8192xi32, #tpu.memory_space<hbm>>) dst(%arg7 : memref<8192xi32, #tpu.memory_space<vmem>>)
    %dma_start3A_14 = arith.constant 0 : i32
    %dma_start3A_15 = tpu.memref_slice %arg6[%dma_start3A_14] : memref<262144xi32, #tpu.memory_space<vmem_shared>> -> memref<262144xi32, #tpu.memory_space<vmem_shared>>
    tpu.enqueue_indirect_dma source(%dma_start3A_15 : memref<262144xi32, #tpu.memory_space<vmem_shared>>) target(%arg8 : memref<8192xi32, #tpu.memory_space<vmem>>) offsets(%arg7 : memref<8192xi32, #tpu.memory_space<vmem>>) semaphore(%arg10 : memref<!tpu.dma_semaphore, #tpu.memory_space<semaphore_mem>>)
    %dma_wait3A_16 = arith.constant 0 : i32
    %dma_wait3A_17 = tpu.memref_slice %arg6[%dma_wait3A_16] : memref<262144xi32, #tpu.memory_space<vmem_shared>> -> memref<262144xi32, #tpu.memory_space<vmem_shared>>
    tpu.wait_indirect_dma semaphore(%arg10 : memref<!tpu.dma_semaphore, #tpu.memory_space<semaphore_mem>>) src(%dma_wait3A_17 : memref<262144xi32, #tpu.memory_space<vmem_shared>>) dst(%arg8 : memref<8192xi32, #tpu.memory_space<vmem>>)
    %scan3A_18 = arith.constant 0 : i32
    %scan3A_19 = arith.constant 0 : i32
    %scan3A_20 = arith.constant 16 : i32
    %scan3A_21 = arith.addi %scan3A_19, %scan3A_20 : i32
    %scan3A_22 = arith.constant 1 : i32
    scf.for %scan3A_43 = %scan3A_19 to %scan3A_21 step %scan3A_22  : i32 {
      %mul3A_44 = arith.constant 512 : i32
      %mul3A_45 = arith.muli %scan3A_43, %mul3A_44 : i32
      %add3A_46 = arith.constant 0 : i32
      %add3A_47 = arith.addi %mul3A_45, %add3A_46 : i32
      %add3A_48 = arith.constant 0 : i32
      %add3A_49 = arith.addi %add3A_47, %add3A_48 : i32
      %get3A = arith.index_cast %add3A_49 : i32 to index
      %get3A_50 = tpu.vector_load %arg7[%get3A] {strides = array<i32>} : memref<8192xi32, #tpu.memory_space<vmem>>, vector<16xi32>,
      %add3A_51 = arith.constant 16 : i32
      %add3A_52 = arith.addi %add3A_47, %add3A_51 : i32
      %get3A_53 = arith.index_cast %add3A_52 : i32 to index
      %get3A_54 = tpu.vector_load %arg7[%get3A_53] {strides = array<i32>} : memref<8192xi32, #tpu.memory_space<vmem>>, vector<16xi32>,
      %add3A_55 = arith.constant 32 : i32
      %add3A_56 = arith.addi %add3A_47, %add3A_55 : i32
      %get3A_57 = arith.index_cast %add3A_56 : i32 to index
      %get3A_58 = tpu.vector_load %arg7[%get3A_57] {strides = array<i32>} : memref<8192xi32, #tpu.memory_space<vmem>>, vector<16xi32>,
      %add3A_59 = arith.constant 48 : i32
      %add3A_60 = arith.addi %add3A_47, %add3A_59 : i32
      %get3A_61 = arith.index_cast %add3A_60 : i32 to index
      %get3A_62 = tpu.vector_load %arg7[%get3A_61] {strides = array<i32>} : memref<8192xi32, #tpu.memory_space<vmem>>, vector<16xi32>,
      %add3A_63 = arith.constant 0 : i32
      %add3A_64 = arith.addi %add3A_47, %add3A_63 : i32
      %get3A_65 = arith.index_cast %add3A_64 : i32 to index
      %get3A_66 = tpu.vector_load %arg8[%get3A_65] {strides = array<i32>} : memref<8192xi32, #tpu.memory_space<vmem>>, vector<16xi32>,
      %add3A_67 = arith.constant 16 : i32
      %add3A_68 = arith.addi %add3A_47, %add3A_67 : i32
      %get3A_69 = arith.index_cast %add3A_68 : i32 to index
      %get3A_70 = tpu.vector_load %arg8[%get3A_69] {strides = array<i32>} : memref<8192xi32, #tpu.memory_space<vmem>>, vector<16xi32>,
      %add3A_71 = arith.constant 32 : i32
      %add3A_72 = arith.addi %add3A_47, %add3A_71 : i32
      %get3A_73 = arith.index_cast %add3A_72 : i32 to index
      %get3A_74 = tpu.vector_load %arg8[%get3A_73] {strides = array<i32>} : memref<8192xi32, #tpu.memory_space<vmem>>, vector<16xi32>,
      %add3A_75 = arith.constant 48 : i32
      %add3A_76 = arith.addi %add3A_47, %add3A_75 : i32
      %get3A_77 = arith.index_cast %add3A_76 : i32 to index
      %get3A_78 = tpu.vector_load %arg8[%get3A_77] {strides = array<i32>} : memref<8192xi32, #tpu.memory_space<vmem>>, vector<16xi32>,
      %add3A_79 = arith.constant 0 : i32
      %add3A_80 = arith.addi %add3A_47, %add3A_79 : i32
      %add3A_81 = arith.addi %mul3A_6, %add3A_80 : i32
      %add3A_82 = vector.broadcast %add3A_81 : i32 to vector<16xi32>
      %add3A_83 = arith.addi %add3A_82, %iota3A : vector<16xi32>
      %eq3A = arith.cmpi eq, %get3A_66, %add3A_83 : vector<16xi32>
      %jit3A_84 = arith.constant 268435456 : i32
      %broadcast_in_dim3A = vector.broadcast %jit3A_84 : i32 to vector<16xi32>
      %select_n3A_85 = arith.select %eq3A, %get3A_50, %broadcast_in_dim3A : vector<16xi1>, vector<16xi32>
      %sub3A_86 = arith.subi %add3A_80, %mul3A_45 : i32
      %swap3A = arith.index_cast %scan3A_43 : i32 to index
      %swap3A_87 = arith.index_cast %sub3A_86 : i32 to index
      %swap3A_88 = tpu.vector_load %arg9[%swap3A, %swap3A_87] {strides = array<i32>} : memref<16x512xi32, #tpu.memory_space<vmem>>, vector<16xi32>,
      tpu.vector_store %arg9[%swap3A, %swap3A_87], %select_n3A_85 {strides = array<i32>} : memref<16x512xi32, #tpu.memory_space<vmem>>, vector<16xi32>,
      %add3A_89 = arith.constant 16 : i32
      %add3A_90 = arith.addi %add3A_47, %add3A_89 : i32
      %add3A_91 = arith.addi %mul3A_6, %add3A_90 : i32
      %add3A_92 = vector.broadcast %add3A_91 : i32 to vector<16xi32>
      %add3A_93 = arith.addi %add3A_92, %iota3A : vector<16xi32>
      %eq3A_94 = arith.cmpi eq, %get3A_70, %add3A_93 : vector<16xi32>
      %jit3A_95 = arith.constant 268435456 : i32
      %broadcast_in_dim3A_96 = vector.broadcast %jit3A_95 : i32 to vector<16xi32>
      %select_n3A_97 = arith.select %eq3A_94, %get3A_54, %broadcast_in_dim3A_96 : vector<16xi1>, vector<16xi32>
      %sub3A_98 = arith.subi %add3A_90, %mul3A_45 : i32
      %swap3A_99 = arith.index_cast %scan3A_43 : i32 to index
      %swap3A_100 = arith.index_cast %sub3A_98 : i32 to index
      %swap3A_101 = tpu.vector_load %arg9[%swap3A_99, %swap3A_100] {strides = array<i32>} : memref<16x512xi32, #tpu.memory_space<vmem>>, vector<16xi32>,
      tpu.vector_store %arg9[%swap3A_99, %swap3A_100], %select_n3A_97 {strides = array<i32>} : memref<16x512xi32, #tpu.memory_space<vmem>>, vector<16xi32>,
      %add3A_102 = arith.constant 32 : i32
      %add3A_103 = arith.addi %add3A_47, %add3A_102 : i32
      %add3A_104 = arith.addi %mul3A_6, %add3A_103 : i32
      %add3A_105 = vector.broadcast %add3A_104 : i32 to vector<16xi32>
      %add3A_106 = arith.addi %add3A_105, %iota3A : vector<16xi32>
      %eq3A_107 = arith.cmpi eq, %get3A_74, %add3A_106 : vector<16xi32>
      %jit3A_108 = arith.constant 268435456 : i32
      %broadcast_in_dim3A_109 = vector.broadcast %jit3A_108 : i32 to vector<16xi32>
      %select_n3A_110 = arith.select %eq3A_107, %get3A_58, %broadcast_in_dim3A_109 : vector<16xi1>, vector<16xi32>
      %sub3A_111 = arith.subi %add3A_103, %mul3A_45 : i32
      %swap3A_112 = arith.index_cast %scan3A_43 : i32 to index
      %swap3A_113 = arith.index_cast %sub3A_111 : i32 to index
      %swap3A_114 = tpu.vector_load %arg9[%swap3A_112, %swap3A_113] {strides = array<i32>} : memref<16x512xi32, #tpu.memory_space<vmem>>, vector<16xi32>,
      tpu.vector_store %arg9[%swap3A_112, %swap3A_113], %select_n3A_110 {strides = array<i32>} : memref<16x512xi32, #tpu.memory_space<vmem>>, vector<16xi32>,
      %add3A_115 = arith.constant 48 : i32
      %add3A_116 = arith.addi %add3A_47, %add3A_115 : i32
      %add3A_117 = arith.addi %mul3A_6, %add3A_116 : i32
      %add3A_118 = vector.broadcast %add3A_117 : i32 to vector<16xi32>
      %add3A_119 = arith.addi %add3A_118, %iota3A : vector<16xi32>
      %eq3A_120 = arith.cmpi eq, %get3A_78, %add3A_119 : vector<16xi32>
      %jit3A_121 = arith.constant 268435456 : i32
      %broadcast_in_dim3A_122 = vector.broadcast %jit3A_121 : i32 to vector<16xi32>
      %select_n3A_123 = arith.select %eq3A_120, %get3A_62, %broadcast_in_dim3A_122 : vector<16xi1>, vector<16xi32>
      %sub3A_124 = arith.subi %add3A_116, %mul3A_45 : i32
      %swap3A_125 = arith.index_cast %scan3A_43 : i32 to index
      %swap3A_126 = arith.index_cast %sub3A_124 : i32 to index
      %swap3A_127 = tpu.vector_load %arg9[%swap3A_125, %swap3A_126] {strides = array<i32>} : memref<16x512xi32, #tpu.memory_space<vmem>>, vector<16xi32>,
      tpu.vector_store %arg9[%swap3A_125, %swap3A_126], %select_n3A_123 {strides = array<i32>} : memref<16x512xi32, #tpu.memory_space<vmem>>, vector<16xi32>,
      %add3A_128 = arith.constant 64 : i32
      %add3A_129 = arith.addi %mul3A_45, %add3A_128 : i32
      %add3A_130 = arith.constant 0 : i32
      %add3A_131 = arith.addi %add3A_129, %add3A_130 : i32
      %get3A_132 = arith.index_cast %add3A_131 : i32 to index
      %get3A_133 = tpu.vector_load %arg7[%get3A_132] {strides = array<i32>} : memref<8192xi32, #tpu.memory_space<vmem>>, vector<16xi32>,
      %add3A_134 = arith.constant 16 : i32
      %add3A_135 = arith.addi %add3A_129, %add3A_134 : i32
      %get3A_136 = arith.index_cast %add3A_135 : i32 to index
      %get3A_137 = tpu.vector_load %arg7[%get3A_136] {strides = array<i32>} : memref<8192xi32, #tpu.memory_space<vmem>>, vector<16xi32>,
      %add3A_138 = arith.constant 32 : i32
      %add3A_139 = arith.addi %add3A_129, %add3A_138 : i32
      %get3A_140 = arith.index_cast %add3A_139 : i32 to index
      %get3A_141 = tpu.vector_load %arg7[%get3A_140] {strides = array<i32>} : memref<8192xi32, #tpu.memory_space<vmem>>, vector<16xi32>,
      %add3A_142 = arith.constant 48 : i32
      %add3A_143 = arith.addi %add3A_129, %add3A_142 : i32
      %get3A_144 = arith.index_cast %add3A_143 : i32 to index
      %get3A_145 = tpu.vector_load %arg7[%get3A_144] {strides = array<i32>} : memref<8192xi32, #tpu.memory_space<vmem>>, vector<16xi32>,
      %add3A_146 = arith.constant 0 : i32
      %add3A_147 = arith.addi %add3A_129, %add3A_146 : i32
      %get3A_148 = arith.index_cast %add3A_147 : i32 to index
      %get3A_149 = tpu.vector_load %arg8[%get3A_148] {strides = array<i32>} : memref<8192xi32, #tpu.memory_space<vmem>>, vector<16xi32>,
      %add3A_150 = arith.constant 16 : i32
      %add3A_151 = arith.addi %add3A_129, %add3A_150 : i32
      %get3A_152 = arith.index_cast %add3A_151 : i32 to index
      %get3A_153 = tpu.vector_load %arg8[%get3A_152] {strides = array<i32>} : memref<8192xi32, #tpu.memory_space<vmem>>, vector<16xi32>,
      %add3A_154 = arith.constant 32 : i32
      %add3A_155 = arith.addi %add3A_129, %add3A_154 : i32
      %get3A_156 = arith.index_cast %add3A_155 : i32 to index
      %get3A_157 = tpu.vector_load %arg8[%get3A_156] {strides = array<i32>} : memref<8192xi32, #tpu.memory_space<vmem>>, vector<16xi32>,
      %add3A_158 = arith.constant 48 : i32
      %add3A_159 = arith.addi %add3A_129, %add3A_158 : i32
      %get3A_160 = arith.index_cast %add3A_159 : i32 to index
      %get3A_161 = tpu.vector_load %arg8[%get3A_160] {strides = array<i32>} : memref<8192xi32, #tpu.memory_space<vmem>>, vector<16xi32>,
      %add3A_162 = arith.constant 0 : i32
      %add3A_163 = arith.addi %add3A_129, %add3A_162 : i32
      %add3A_164 = arith.addi %mul3A_6, %add3A_163 : i32
      %add3A_165 = vector.broadcast %add3A_164 : i32 to vector<16xi32>
      %add3A_166 = arith.addi %add3A_165, %iota3A : vector<16xi32>
      %eq3A_167 = arith.cmpi eq, %get3A_149, %add3A_166 : vector<16xi32>
      %jit3A_168 = arith.constant 268435456 : i32
      %broadcast_in_dim3A_169 = vector.broadcast %jit3A_168 : i32 to vector<16xi32>
      %select_n3A_170 = arith.select %eq3A_167, %get3A_133, %broadcast_in_dim3A_169 : vector<16xi1>, vector<16xi32>
      %sub3A_171 = arith.subi %add3A_163, %mul3A_45 : i32
      %swap3A_172 = arith.index_cast %scan3A_43 : i32 to index
      %swap3A_173 = arith.index_cast %sub3A_171 : i32 to index
      %swap3A_174 = tpu.vector_load %arg9[%swap3A_172, %swap3A_173] {strides = array<i32>} : memref<16x512xi32, #tpu.memory_space<vmem>>, vector<16xi32>,
      tpu.vector_store %arg9[%swap3A_172, %swap3A_173], %select_n3A_170 {strides = array<i32>} : memref<16x512xi32, #tpu.memory_space<vmem>>, vector<16xi32>,
      %add3A_175 = arith.constant 16 : i32
      %add3A_176 = arith.addi %add3A_129, %add3A_175 : i32
      %add3A_177 = arith.addi %mul3A_6, %add3A_176 : i32
      %add3A_178 = vector.broadcast %add3A_177 : i32 to vector<16xi32>
      %add3A_179 = arith.addi %add3A_178, %iota3A : vector<16xi32>
      %eq3A_180 = arith.cmpi eq, %get3A_153, %add3A_179 : vector<16xi32>
      %jit3A_181 = arith.constant 268435456 : i32
      %broadcast_in_dim3A_182 = vector.broadcast %jit3A_181 : i32 to vector<16xi32>
      %select_n3A_183 = arith.select %eq3A_180, %get3A_137, %broadcast_in_dim3A_182 : vector<16xi1>, vector<16xi32>
      %sub3A_184 = arith.subi %add3A_176, %mul3A_45 : i32
      %swap3A_185 = arith.index_cast %scan3A_43 : i32 to index
      %swap3A_186 = arith.index_cast %sub3A_184 : i32 to index
      %swap3A_187 = tpu.vector_load %arg9[%swap3A_185, %swap3A_186] {strides = array<i32>} : memref<16x512xi32, #tpu.memory_space<vmem>>, vector<16xi32>,
      tpu.vector_store %arg9[%swap3A_185, %swap3A_186], %select_n3A_183 {strides = array<i32>} : memref<16x512xi32, #tpu.memory_space<vmem>>, vector<16xi32>,
      %add3A_188 = arith.constant 32 : i32
      %add3A_189 = arith.addi %add3A_129, %add3A_188 : i32
      %add3A_190 = arith.addi %mul3A_6, %add3A_189 : i32
      %add3A_191 = vector.broadcast %add3A_190 : i32 to vector<16xi32>
      %add3A_192 = arith.addi %add3A_191, %iota3A : vector<16xi32>
      %eq3A_193 = arith.cmpi eq, %get3A_157, %add3A_192 : vector<16xi32>
      %jit3A_194 = arith.constant 268435456 : i32
      %broadcast_in_dim3A_195 = vector.broadcast %jit3A_194 : i32 to vector<16xi32>
      %select_n3A_196 = arith.select %eq3A_193, %get3A_141, %broadcast_in_dim3A_195 : vector<16xi1>, vector<16xi32>
      %sub3A_197 = arith.subi %add3A_189, %mul3A_45 : i32
      %swap3A_198 = arith.index_cast %scan3A_43 : i32 to index
      %swap3A_199 = arith.index_cast %sub3A_197 : i32 to index
      %swap3A_200 = tpu.vector_load %arg9[%swap3A_198, %swap3A_199] {strides = array<i32>} : memref<16x512xi32, #tpu.memory_space<vmem>>, vector<16xi32>,
      tpu.vector_store %arg9[%swap3A_198, %swap3A_199], %select_n3A_196 {strides = array<i32>} : memref<16x512xi32, #tpu.memory_space<vmem>>, vector<16xi32>,
      %add3A_201 = arith.constant 48 : i32
      %add3A_202 = arith.addi %add3A_129, %add3A_201 : i32
      %add3A_203 = arith.addi %mul3A_6, %add3A_202 : i32
      %add3A_204 = vector.broadcast %add3A_203 : i32 to vector<16xi32>
      %add3A_205 = arith.addi %add3A_204, %iota3A : vector<16xi32>
      %eq3A_206 = arith.cmpi eq, %get3A_161, %add3A_205 : vector<16xi32>
      %jit3A_207 = arith.constant 268435456 : i32
      %broadcast_in_dim3A_208 = vector.broadcast %jit3A_207 : i32 to vector<16xi32>
      %select_n3A_209 = arith.select %eq3A_206, %get3A_145, %broadcast_in_dim3A_208 : vector<16xi1>, vector<16xi32>
      %sub3A_210 = arith.subi %add3A_202, %mul3A_45 : i32
      %swap3A_211 = arith.index_cast %scan3A_43 : i32 to index
      %swap3A_212 = arith.index_cast %sub3A_210 : i32 to index
      %swap3A_213 = tpu.vector_load %arg9[%swap3A_211, %swap3A_212] {strides = array<i32>} : memref<16x512xi32, #tpu.memory_space<vmem>>, vector<16xi32>,
      tpu.vector_store %arg9[%swap3A_211, %swap3A_212], %select_n3A_209 {strides = array<i32>} : memref<16x512xi32, #tpu.memory_space<vmem>>, vector<16xi32>,
      %add3A_214 = arith.constant 128 : i32
      %add3A_215 = arith.addi %mul3A_45, %add3A_214 : i32
      %add3A_216 = arith.constant 0 : i32
      %add3A_217 = arith.addi %add3A_215, %add3A_216 : i32
      %get3A_218 = arith.index_cast %add3A_217 : i32 to index
      %get3A_219 = tpu.vector_load %arg7[%get3A_218] {strides = array<i32>} : memref<8192xi32, #tpu.memory_space<vmem>>, vector<16xi32>,
      %add3A_220 = arith.constant 16 : i32
      %add3A_221 = arith.addi %add3A_215, %add3A_220 : i32
      %get3A_222 = arith.index_cast %add3A_221 : i32 to index
      %get3A_223 = tpu.vector_load %arg7[%get3A_222] {strides = array<i32>} : memref<8192xi32, #tpu.memory_space<vmem>>, vector<16xi32>,
      %add3A_224 = arith.constant 32 : i32
      %add3A_225 = arith.addi %add3A_215, %add3A_224 : i32
      %get3A_226 = arith.index_cast %add3A_225 : i32 to index
      %get3A_227 = tpu.vector_load %arg7[%get3A_226] {strides = array<i32>} : memref<8192xi32, #tpu.memory_space<vmem>>, vector<16xi32>,
      %add3A_228 = arith.constant 48 : i32
      %add3A_229 = arith.addi %add3A_215, %add3A_228 : i32
      %get3A_230 = arith.index_cast %add3A_229 : i32 to index
      %get3A_231 = tpu.vector_load %arg7[%get3A_230] {strides = array<i32>} : memref<8192xi32, #tpu.memory_space<vmem>>, vector<16xi32>,
      %add3A_232 = arith.constant 0 : i32
      %add3A_233 = arith.addi %add3A_215, %add3A_232 : i32
      %get3A_234 = arith.index_cast %add3A_233 : i32 to index
      %get3A_235 = tpu.vector_load %arg8[%get3A_234] {strides = array<i32>} : memref<8192xi32, #tpu.memory_space<vmem>>, vector<16xi32>,
      %add3A_236 = arith.constant 16 : i32
      %add3A_237 = arith.addi %add3A_215, %add3A_236 : i32
      %get3A_238 = arith.index_cast %add3A_237 : i32 to index
      %get3A_239 = tpu.vector_load %arg8[%get3A_238] {strides = array<i32>} : memref<8192xi32, #tpu.memory_space<vmem>>, vector<16xi32>,
      %add3A_240 = arith.constant 32 : i32
      %add3A_241 = arith.addi %add3A_215, %add3A_240 : i32
      %get3A_242 = arith.index_cast %add3A_241 : i32 to index
      %get3A_243 = tpu.vector_load %arg8[%get3A_242] {strides = array<i32>} : memref<8192xi32, #tpu.memory_space<vmem>>, vector<16xi32>,
      %add3A_244 = arith.constant 48 : i32
      %add3A_245 = arith.addi %add3A_215, %add3A_244 : i32
      %get3A_246 = arith.index_cast %add3A_245 : i32 to index
      %get3A_247 = tpu.vector_load %arg8[%get3A_246] {strides = array<i32>} : memref<8192xi32, #tpu.memory_space<vmem>>, vector<16xi32>,
      %add3A_248 = arith.constant 0 : i32
      %add3A_249 = arith.addi %add3A_215, %add3A_248 : i32
      %add3A_250 = arith.addi %mul3A_6, %add3A_249 : i32
      %add3A_251 = vector.broadcast %add3A_250 : i32 to vector<16xi32>
      %add3A_252 = arith.addi %add3A_251, %iota3A : vector<16xi32>
      %eq3A_253 = arith.cmpi eq, %get3A_235, %add3A_252 : vector<16xi32>
      %jit3A_254 = arith.constant 268435456 : i32
      %broadcast_in_dim3A_255 = vector.broadcast %jit3A_254 : i32 to vector<16xi32>
      %select_n3A_256 = arith.select %eq3A_253, %get3A_219, %broadcast_in_dim3A_255 : vector<16xi1>, vector<16xi32>
      %sub3A_257 = arith.subi %add3A_249, %mul3A_45 : i32
      %swap3A_258 = arith.index_cast %scan3A_43 : i32 to index
      %swap3A_259 = arith.index_cast %sub3A_257 : i32 to index
      %swap3A_260 = tpu.vector_load %arg9[%swap3A_258, %swap3A_259] {strides = array<i32>} : memref<16x512xi32, #tpu.memory_space<vmem>>, vector<16xi32>,
      tpu.vector_store %arg9[%swap3A_258, %swap3A_259], %select_n3A_256 {strides = array<i32>} : memref<16x512xi32, #tpu.memory_space<vmem>>, vector<16xi32>,
      %add3A_261 = arith.constant 16 : i32
      %add3A_262 = arith.addi %add3A_215, %add3A_261 : i32
      %add3A_263 = arith.addi %mul3A_6, %add3A_262 : i32
      %add3A_264 = vector.broadcast %add3A_263 : i32 to vector<16xi32>
      %add3A_265 = arith.addi %add3A_264, %iota3A : vector<16xi32>
      %eq3A_266 = arith.cmpi eq, %get3A_239, %add3A_265 : vector<16xi32>
      %jit3A_267 = arith.constant 268435456 : i32
      %broadcast_in_dim3A_268 = vector.broadcast %jit3A_267 : i32 to vector<16xi32>
      %select_n3A_269 = arith.select %eq3A_266, %get3A_223, %broadcast_in_dim3A_268 : vector<16xi1>, vector<16xi32>
      %sub3A_270 = arith.subi %add3A_262, %mul3A_45 : i32
      %swap3A_271 = arith.index_cast %scan3A_43 : i32 to index
      %swap3A_272 = arith.index_cast %sub3A_270 : i32 to index
      %swap3A_273 = tpu.vector_load %arg9[%swap3A_271, %swap3A_272] {strides = array<i32>} : memref<16x512xi32, #tpu.memory_space<vmem>>, vector<16xi32>,
      tpu.vector_store %arg9[%swap3A_271, %swap3A_272], %select_n3A_269 {strides = array<i32>} : memref<16x512xi32, #tpu.memory_space<vmem>>, vector<16xi32>,
      %add3A_274 = arith.constant 32 : i32
      %add3A_275 = arith.addi %add3A_215, %add3A_274 : i32
      %add3A_276 = arith.addi %mul3A_6, %add3A_275 : i32
      %add3A_277 = vector.broadcast %add3A_276 : i32 to vector<16xi32>
      %add3A_278 = arith.addi %add3A_277, %iota3A : vector<16xi32>
      %eq3A_279 = arith.cmpi eq, %get3A_243, %add3A_278 : vector<16xi32>
      %jit3A_280 = arith.constant 268435456 : i32
      %broadcast_in_dim3A_281 = vector.broadcast %jit3A_280 : i32 to vector<16xi32>
      %select_n3A_282 = arith.select %eq3A_279, %get3A_227, %broadcast_in_dim3A_281 : vector<16xi1>, vector<16xi32>
      %sub3A_283 = arith.subi %add3A_275, %mul3A_45 : i32
      %swap3A_284 = arith.index_cast %scan3A_43 : i32 to index
      %swap3A_285 = arith.index_cast %sub3A_283 : i32 to index
      %swap3A_286 = tpu.vector_load %arg9[%swap3A_284, %swap3A_285] {strides = array<i32>} : memref<16x512xi32, #tpu.memory_space<vmem>>, vector<16xi32>,
      tpu.vector_store %arg9[%swap3A_284, %swap3A_285], %select_n3A_282 {strides = array<i32>} : memref<16x512xi32, #tpu.memory_space<vmem>>, vector<16xi32>,
      %add3A_287 = arith.constant 48 : i32
      %add3A_288 = arith.addi %add3A_215, %add3A_287 : i32
      %add3A_289 = arith.addi %mul3A_6, %add3A_288 : i32
      %add3A_290 = vector.broadcast %add3A_289 : i32 to vector<16xi32>
      %add3A_291 = arith.addi %add3A_290, %iota3A : vector<16xi32>
      %eq3A_292 = arith.cmpi eq, %get3A_247, %add3A_291 : vector<16xi32>
      %jit3A_293 = arith.constant 268435456 : i32
      %broadcast_in_dim3A_294 = vector.broadcast %jit3A_293 : i32 to vector<16xi32>
      %select_n3A_295 = arith.select %eq3A_292, %get3A_231, %broadcast_in_dim3A_294 : vector<16xi1>, vector<16xi32>
      %sub3A_296 = arith.subi %add3A_288, %mul3A_45 : i32
      %swap3A_297 = arith.index_cast %scan3A_43 : i32 to index
      %swap3A_298 = arith.index_cast %sub3A_296 : i32 to index
      %swap3A_299 = tpu.vector_load %arg9[%swap3A_297, %swap3A_298] {strides = array<i32>} : memref<16x512xi32, #tpu.memory_space<vmem>>, vector<16xi32>,
      tpu.vector_store %arg9[%swap3A_297, %swap3A_298], %select_n3A_295 {strides = array<i32>} : memref<16x512xi32, #tpu.memory_space<vmem>>, vector<16xi32>,
      %add3A_300 = arith.constant 192 : i32
      %add3A_301 = arith.addi %mul3A_45, %add3A_300 : i32
      %add3A_302 = arith.constant 0 : i32
      %add3A_303 = arith.addi %add3A_301, %add3A_302 : i32
      %get3A_304 = arith.index_cast %add3A_303 : i32 to index
      %get3A_305 = tpu.vector_load %arg7[%get3A_304] {strides = array<i32>} : memref<8192xi32, #tpu.memory_space<vmem>>, vector<16xi32>,
      %add3A_306 = arith.constant 16 : i32
      %add3A_307 = arith.addi %add3A_301, %add3A_306 : i32
      %get3A_308 = arith.index_cast %add3A_307 : i32 to index
      %get3A_309 = tpu.vector_load %arg7[%get3A_308] {strides = array<i32>} : memref<8192xi32, #tpu.memory_space<vmem>>, vector<16xi32>,
      %add3A_310 = arith.constant 32 : i32
      %add3A_311 = arith.addi %add3A_301, %add3A_310 : i32
      %get3A_312 = arith.index_cast %add3A_311 : i32 to index
      %get3A_313 = tpu.vector_load %arg7[%get3A_312] {strides = array<i32>} : memref<8192xi32, #tpu.memory_space<vmem>>, vector<16xi32>,
      %add3A_314 = arith.constant 48 : i32
      %add3A_315 = arith.addi %add3A_301, %add3A_314 : i32
      %get3A_316 = arith.index_cast %add3A_315 : i32 to index
      %get3A_317 = tpu.vector_load %arg7[%get3A_316] {strides = array<i32>} : memref<8192xi32, #tpu.memory_space<vmem>>, vector<16xi32>,
      %add3A_318 = arith.constant 0 : i32
      %add3A_319 = arith.addi %add3A_301, %add3A_318 : i32
      %get3A_320 = arith.index_cast %add3A_319 : i32 to index
      %get3A_321 = tpu.vector_load %arg8[%get3A_320] {strides = array<i32>} : memref<8192xi32, #tpu.memory_space<vmem>>, vector<16xi32>,
      %add3A_322 = arith.constant 16 : i32
      %add3A_323 = arith.addi %add3A_301, %add3A_322 : i32
      %get3A_324 = arith.index_cast %add3A_323 : i32 to index
      %get3A_325 = tpu.vector_load %arg8[%get3A_324] {strides = array<i32>} : memref<8192xi32, #tpu.memory_space<vmem>>, vector<16xi32>,
      %add3A_326 = arith.constant 32 : i32
      %add3A_327 = arith.addi %add3A_301, %add3A_326 : i32
      %get3A_328 = arith.index_cast %add3A_327 : i32 to index
      %get3A_329 = tpu.vector_load %arg8[%get3A_328] {strides = array<i32>} : memref<8192xi32, #tpu.memory_space<vmem>>, vector<16xi32>,
      %add3A_330 = arith.constant 48 : i32
      %add3A_331 = arith.addi %add3A_301, %add3A_330 : i32
      %get3A_332 = arith.index_cast %add3A_331 : i32 to index
      %get3A_333 = tpu.vector_load %arg8[%get3A_332] {strides = array<i32>} : memref<8192xi32, #tpu.memory_space<vmem>>, vector<16xi32>,
      %add3A_334 = arith.constant 0 : i32
      %add3A_335 = arith.addi %add3A_301, %add3A_334 : i32
      %add3A_336 = arith.addi %mul3A_6, %add3A_335 : i32
      %add3A_337 = vector.broadcast %add3A_336 : i32 to vector<16xi32>
      %add3A_338 = arith.addi %add3A_337, %iota3A : vector<16xi32>
      %eq3A_339 = arith.cmpi eq, %get3A_321, %add3A_338 : vector<16xi32>
      %jit3A_340 = arith.constant 268435456 : i32
      %broadcast_in_dim3A_341 = vector.broadcast %jit3A_340 : i32 to vector<16xi32>
      %select_n3A_342 = arith.select %eq3A_339, %get3A_305, %broadcast_in_dim3A_341 : vector<16xi1>, vector<16xi32>
      %sub3A_343 = arith.subi %add3A_335, %mul3A_45 : i32
      %swap3A_344 = arith.index_cast %scan3A_43 : i32 to index
      %swap3A_345 = arith.index_cast %sub3A_343 : i32 to index
      %swap3A_346 = tpu.vector_load %arg9[%swap3A_344, %swap3A_345] {strides = array<i32>} : memref<16x512xi32, #tpu.memory_space<vmem>>, vector<16xi32>,
      tpu.vector_store %arg9[%swap3A_344, %swap3A_345], %select_n3A_342 {strides = array<i32>} : memref<16x512xi32, #tpu.memory_space<vmem>>, vector<16xi32>,
      %add3A_347 = arith.constant 16 : i32
      %add3A_348 = arith.addi %add3A_301, %add3A_347 : i32
      %add3A_349 = arith.addi %mul3A_6, %add3A_348 : i32
      %add3A_350 = vector.broadcast %add3A_349 : i32 to vector<16xi32>
      %add3A_351 = arith.addi %add3A_350, %iota3A : vector<16xi32>
      %eq3A_352 = arith.cmpi eq, %get3A_325, %add3A_351 : vector<16xi32>
      %jit3A_353 = arith.constant 268435456 : i32
      %broadcast_in_dim3A_354 = vector.broadcast %jit3A_353 : i32 to vector<16xi32>
      %select_n3A_355 = arith.select %eq3A_352, %get3A_309, %broadcast_in_dim3A_354 : vector<16xi1>, vector<16xi32>
      %sub3A_356 = arith.subi %add3A_348, %mul3A_45 : i32
      %swap3A_357 = arith.index_cast %scan3A_43 : i32 to index
      %swap3A_358 = arith.index_cast %sub3A_356 : i32 to index
      %swap3A_359 = tpu.vector_load %arg9[%swap3A_357, %swap3A_358] {strides = array<i32>} : memref<16x512xi32, #tpu.memory_space<vmem>>, vector<16xi32>,
      tpu.vector_store %arg9[%swap3A_357, %swap3A_358], %select_n3A_355 {strides = array<i32>} : memref<16x512xi32, #tpu.memory_space<vmem>>, vector<16xi32>,
      %add3A_360 = arith.constant 32 : i32
      %add3A_361 = arith.addi %add3A_301, %add3A_360 : i32
      %add3A_362 = arith.addi %mul3A_6, %add3A_361 : i32
      %add3A_363 = vector.broadcast %add3A_362 : i32 to vector<16xi32>
      %add3A_364 = arith.addi %add3A_363, %iota3A : vector<16xi32>
      %eq3A_365 = arith.cmpi eq, %get3A_329, %add3A_364 : vector<16xi32>
      %jit3A_366 = arith.constant 268435456 : i32
      %broadcast_in_dim3A_367 = vector.broadcast %jit3A_366 : i32 to vector<16xi32>
      %select_n3A_368 = arith.select %eq3A_365, %get3A_313, %broadcast_in_dim3A_367 : vector<16xi1>, vector<16xi32>
      %sub3A_369 = arith.subi %add3A_361, %mul3A_45 : i32
      %swap3A_370 = arith.index_cast %scan3A_43 : i32 to index
      %swap3A_371 = arith.index_cast %sub3A_369 : i32 to index
      %swap3A_372 = tpu.vector_load %arg9[%swap3A_370, %swap3A_371] {strides = array<i32>} : memref<16x512xi32, #tpu.memory_space<vmem>>, vector<16xi32>,
      tpu.vector_store %arg9[%swap3A_370, %swap3A_371], %select_n3A_368 {strides = array<i32>} : memref<16x512xi32, #tpu.memory_space<vmem>>, vector<16xi32>,
      %add3A_373 = arith.constant 48 : i32
      %add3A_374 = arith.addi %add3A_301, %add3A_373 : i32
      %add3A_375 = arith.addi %mul3A_6, %add3A_374 : i32
      %add3A_376 = vector.broadcast %add3A_375 : i32 to vector<16xi32>
      %add3A_377 = arith.addi %add3A_376, %iota3A : vector<16xi32>
      %eq3A_378 = arith.cmpi eq, %get3A_333, %add3A_377 : vector<16xi32>
      %jit3A_379 = arith.constant 268435456 : i32
      %broadcast_in_dim3A_380 = vector.broadcast %jit3A_379 : i32 to vector<16xi32>
      %select_n3A_381 = arith.select %eq3A_378, %get3A_317, %broadcast_in_dim3A_380 : vector<16xi1>, vector<16xi32>
      %sub3A_382 = arith.subi %add3A_374, %mul3A_45 : i32
      %swap3A_383 = arith.index_cast %scan3A_43 : i32 to index
      %swap3A_384 = arith.index_cast %sub3A_382 : i32 to index
      %swap3A_385 = tpu.vector_load %arg9[%swap3A_383, %swap3A_384] {strides = array<i32>} : memref<16x512xi32, #tpu.memory_space<vmem>>, vector<16xi32>,
      tpu.vector_store %arg9[%swap3A_383, %swap3A_384], %select_n3A_381 {strides = array<i32>} : memref<16x512xi32, #tpu.memory_space<vmem>>, vector<16xi32>,
      %add3A_386 = arith.constant 256 : i32
      %add3A_387 = arith.addi %mul3A_45, %add3A_386 : i32
      %add3A_388 = arith.constant 0 : i32
      %add3A_389 = arith.addi %add3A_387, %add3A_388 : i32
      %get3A_390 = arith.index_cast %add3A_389 : i32 to index
      %get3A_391 = tpu.vector_load %arg7[%get3A_390] {strides = array<i32>} : memref<8192xi32, #tpu.memory_space<vmem>>, vector<16xi32>,
      %add3A_392 = arith.constant 16 : i32
      %add3A_393 = arith.addi %add3A_387, %add3A_392 : i32
      %get3A_394 = arith.index_cast %add3A_393 : i32 to index
      %get3A_395 = tpu.vector_load %arg7[%get3A_394] {strides = array<i32>} : memref<8192xi32, #tpu.memory_space<vmem>>, vector<16xi32>,
      %add3A_396 = arith.constant 32 : i32
      %add3A_397 = arith.addi %add3A_387, %add3A_396 : i32
      %get3A_398 = arith.index_cast %add3A_397 : i32 to index
      %get3A_399 = tpu.vector_load %arg7[%get3A_398] {strides = array<i32>} : memref<8192xi32, #tpu.memory_space<vmem>>, vector<16xi32>,
      %add3A_400 = arith.constant 48 : i32
      %add3A_401 = arith.addi %add3A_387, %add3A_400 : i32
      %get3A_402 = arith.index_cast %add3A_401 : i32 to index
      %get3A_403 = tpu.vector_load %arg7[%get3A_402] {strides = array<i32>} : memref<8192xi32, #tpu.memory_space<vmem>>, vector<16xi32>,
      %add3A_404 = arith.constant 0 : i32
      %add3A_405 = arith.addi %add3A_387, %add3A_404 : i32
      %get3A_406 = arith.index_cast %add3A_405 : i32 to index
      %get3A_407 = tpu.vector_load %arg8[%get3A_406] {strides = array<i32>} : memref<8192xi32, #tpu.memory_space<vmem>>, vector<16xi32>,
      %add3A_408 = arith.constant 16 : i32
      %add3A_409 = arith.addi %add3A_387, %add3A_408 : i32
      %get3A_410 = arith.index_cast %add3A_409 : i32 to index
      %get3A_411 = tpu.vector_load %arg8[%get3A_410] {strides = array<i32>} : memref<8192xi32, #tpu.memory_space<vmem>>, vector<16xi32>,
      %add3A_412 = arith.constant 32 : i32
      %add3A_413 = arith.addi %add3A_387, %add3A_412 : i32
      %get3A_414 = arith.index_cast %add3A_413 : i32 to index
      %get3A_415 = tpu.vector_load %arg8[%get3A_414] {strides = array<i32>} : memref<8192xi32, #tpu.memory_space<vmem>>, vector<16xi32>,
      %add3A_416 = arith.constant 48 : i32
      %add3A_417 = arith.addi %add3A_387, %add3A_416 : i32
      %get3A_418 = arith.index_cast %add3A_417 : i32 to index
      %get3A_419 = tpu.vector_load %arg8[%get3A_418] {strides = array<i32>} : memref<8192xi32, #tpu.memory_space<vmem>>, vector<16xi32>,
      %add3A_420 = arith.constant 0 : i32
      %add3A_421 = arith.addi %add3A_387, %add3A_420 : i32
      %add3A_422 = arith.addi %mul3A_6, %add3A_421 : i32
      %add3A_423 = vector.broadcast %add3A_422 : i32 to vector<16xi32>
      %add3A_424 = arith.addi %add3A_423, %iota3A : vector<16xi32>
      %eq3A_425 = arith.cmpi eq, %get3A_407, %add3A_424 : vector<16xi32>
      %jit3A_426 = arith.constant 268435456 : i32
      %broadcast_in_dim3A_427 = vector.broadcast %jit3A_426 : i32 to vector<16xi32>
      %select_n3A_428 = arith.select %eq3A_425, %get3A_391, %broadcast_in_dim3A_427 : vector<16xi1>, vector<16xi32>
      %sub3A_429 = arith.subi %add3A_421, %mul3A_45 : i32
      %swap3A_430 = arith.index_cast %scan3A_43 : i32 to index
      %swap3A_431 = arith.index_cast %sub3A_429 : i32 to index
      %swap3A_432 = tpu.vector_load %arg9[%swap3A_430, %swap3A_431] {strides = array<i32>} : memref<16x512xi32, #tpu.memory_space<vmem>>, vector<16xi32>,
      tpu.vector_store %arg9[%swap3A_430, %swap3A_431], %select_n3A_428 {strides = array<i32>} : memref<16x512xi32, #tpu.memory_space<vmem>>, vector<16xi32>,
      %add3A_433 = arith.constant 16 : i32
      %add3A_434 = arith.addi %add3A_387, %add3A_433 : i32
      %add3A_435 = arith.addi %mul3A_6, %add3A_434 : i32
      %add3A_436 = vector.broadcast %add3A_435 : i32 to vector<16xi32>
      %add3A_437 = arith.addi %add3A_436, %iota3A : vector<16xi32>
      %eq3A_438 = arith.cmpi eq, %get3A_411, %add3A_437 : vector<16xi32>
      %jit3A_439 = arith.constant 268435456 : i32
      %broadcast_in_dim3A_440 = vector.broadcast %jit3A_439 : i32 to vector<16xi32>
      %select_n3A_441 = arith.select %eq3A_438, %get3A_395, %broadcast_in_dim3A_440 : vector<16xi1>, vector<16xi32>
      %sub3A_442 = arith.subi %add3A_434, %mul3A_45 : i32
      %swap3A_443 = arith.index_cast %scan3A_43 : i32 to index
      %swap3A_444 = arith.index_cast %sub3A_442 : i32 to index
      %swap3A_445 = tpu.vector_load %arg9[%swap3A_443, %swap3A_444] {strides = array<i32>} : memref<16x512xi32, #tpu.memory_space<vmem>>, vector<16xi32>,
      tpu.vector_store %arg9[%swap3A_443, %swap3A_444], %select_n3A_441 {strides = array<i32>} : memref<16x512xi32, #tpu.memory_space<vmem>>, vector<16xi32>,
      %add3A_446 = arith.constant 32 : i32
      %add3A_447 = arith.addi %add3A_387, %add3A_446 : i32
      %add3A_448 = arith.addi %mul3A_6, %add3A_447 : i32
      %add3A_449 = vector.broadcast %add3A_448 : i32 to vector<16xi32>
      %add3A_450 = arith.addi %add3A_449, %iota3A : vector<16xi32>
      %eq3A_451 = arith.cmpi eq, %get3A_415, %add3A_450 : vector<16xi32>
      %jit3A_452 = arith.constant 268435456 : i32
      %broadcast_in_dim3A_453 = vector.broadcast %jit3A_452 : i32 to vector<16xi32>
      %select_n3A_454 = arith.select %eq3A_451, %get3A_399, %broadcast_in_dim3A_453 : vector<16xi1>, vector<16xi32>
      %sub3A_455 = arith.subi %add3A_447, %mul3A_45 : i32
      %swap3A_456 = arith.index_cast %scan3A_43 : i32 to index
      %swap3A_457 = arith.index_cast %sub3A_455 : i32 to index
      %swap3A_458 = tpu.vector_load %arg9[%swap3A_456, %swap3A_457] {strides = array<i32>} : memref<16x512xi32, #tpu.memory_space<vmem>>, vector<16xi32>,
      tpu.vector_store %arg9[%swap3A_456, %swap3A_457], %select_n3A_454 {strides = array<i32>} : memref<16x512xi32, #tpu.memory_space<vmem>>, vector<16xi32>,
      %add3A_459 = arith.constant 48 : i32
      %add3A_460 = arith.addi %add3A_387, %add3A_459 : i32
      %add3A_461 = arith.addi %mul3A_6, %add3A_460 : i32
      %add3A_462 = vector.broadcast %add3A_461 : i32 to vector<16xi32>
      %add3A_463 = arith.addi %add3A_462, %iota3A : vector<16xi32>
      %eq3A_464 = arith.cmpi eq, %get3A_419, %add3A_463 : vector<16xi32>
      %jit3A_465 = arith.constant 268435456 : i32
      %broadcast_in_dim3A_466 = vector.broadcast %jit3A_465 : i32 to vector<16xi32>
      %select_n3A_467 = arith.select %eq3A_464, %get3A_403, %broadcast_in_dim3A_466 : vector<16xi1>, vector<16xi32>
      %sub3A_468 = arith.subi %add3A_460, %mul3A_45 : i32
      %swap3A_469 = arith.index_cast %scan3A_43 : i32 to index
      %swap3A_470 = arith.index_cast %sub3A_468 : i32 to index
      %swap3A_471 = tpu.vector_load %arg9[%swap3A_469, %swap3A_470] {strides = array<i32>} : memref<16x512xi32, #tpu.memory_space<vmem>>, vector<16xi32>,
      tpu.vector_store %arg9[%swap3A_469, %swap3A_470], %select_n3A_467 {strides = array<i32>} : memref<16x512xi32, #tpu.memory_space<vmem>>, vector<16xi32>,
      %add3A_472 = arith.constant 320 : i32
      %add3A_473 = arith.addi %mul3A_45, %add3A_472 : i32
      %add3A_474 = arith.constant 0 : i32
      %add3A_475 = arith.addi %add3A_473, %add3A_474 : i32
      %get3A_476 = arith.index_cast %add3A_475 : i32 to index
      %get3A_477 = tpu.vector_load %arg7[%get3A_476] {strides = array<i32>} : memref<8192xi32, #tpu.memory_space<vmem>>, vector<16xi32>,
      %add3A_478 = arith.constant 16 : i32
      %add3A_479 = arith.addi %add3A_473, %add3A_478 : i32
      %get3A_480 = arith.index_cast %add3A_479 : i32 to index
      %get3A_481 = tpu.vector_load %arg7[%get3A_480] {strides = array<i32>} : memref<8192xi32, #tpu.memory_space<vmem>>, vector<16xi32>,
      %add3A_482 = arith.constant 32 : i32
      %add3A_483 = arith.addi %add3A_473, %add3A_482 : i32
      %get3A_484 = arith.index_cast %add3A_483 : i32 to index
      %get3A_485 = tpu.vector_load %arg7[%get3A_484] {strides = array<i32>} : memref<8192xi32, #tpu.memory_space<vmem>>, vector<16xi32>,
      %add3A_486 = arith.constant 48 : i32
      %add3A_487 = arith.addi %add3A_473, %add3A_486 : i32
      %get3A_488 = arith.index_cast %add3A_487 : i32 to index
      %get3A_489 = tpu.vector_load %arg7[%get3A_488] {strides = array<i32>} : memref<8192xi32, #tpu.memory_space<vmem>>, vector<16xi32>,
      %add3A_490 = arith.constant 0 : i32
      %add3A_491 = arith.addi %add3A_473, %add3A_490 : i32
      %get3A_492 = arith.index_cast %add3A_491 : i32 to index
      %get3A_493 = tpu.vector_load %arg8[%get3A_492] {strides = array<i32>} : memref<8192xi32, #tpu.memory_space<vmem>>, vector<16xi32>,
      %add3A_494 = arith.constant 16 : i32
      %add3A_495 = arith.addi %add3A_473, %add3A_494 : i32
      %get3A_496 = arith.index_cast %add3A_495 : i32 to index
      %get3A_497 = tpu.vector_load %arg8[%get3A_496] {strides = array<i32>} : memref<8192xi32, #tpu.memory_space<vmem>>, vector<16xi32>,
      %add3A_498 = arith.constant 32 : i32
      %add3A_499 = arith.addi %add3A_473, %add3A_498 : i32
      %get3A_500 = arith.index_cast %add3A_499 : i32 to index
      %get3A_501 = tpu.vector_load %arg8[%get3A_500] {strides = array<i32>} : memref<8192xi32, #tpu.memory_space<vmem>>, vector<16xi32>,
      %add3A_502 = arith.constant 48 : i32
      %add3A_503 = arith.addi %add3A_473, %add3A_502 : i32
      %get3A_504 = arith.index_cast %add3A_503 : i32 to index
      %get3A_505 = tpu.vector_load %arg8[%get3A_504] {strides = array<i32>} : memref<8192xi32, #tpu.memory_space<vmem>>, vector<16xi32>,
      %add3A_506 = arith.constant 0 : i32
      %add3A_507 = arith.addi %add3A_473, %add3A_506 : i32
      %add3A_508 = arith.addi %mul3A_6, %add3A_507 : i32
      %add3A_509 = vector.broadcast %add3A_508 : i32 to vector<16xi32>
      %add3A_510 = arith.addi %add3A_509, %iota3A : vector<16xi32>
      %eq3A_511 = arith.cmpi eq, %get3A_493, %add3A_510 : vector<16xi32>
      %jit3A_512 = arith.constant 268435456 : i32
      %broadcast_in_dim3A_513 = vector.broadcast %jit3A_512 : i32 to vector<16xi32>
      %select_n3A_514 = arith.select %eq3A_511, %get3A_477, %broadcast_in_dim3A_513 : vector<16xi1>, vector<16xi32>
      %sub3A_515 = arith.subi %add3A_507, %mul3A_45 : i32
      %swap3A_516 = arith.index_cast %scan3A_43 : i32 to index
      %swap3A_517 = arith.index_cast %sub3A_515 : i32 to index
      %swap3A_518 = tpu.vector_load %arg9[%swap3A_516, %swap3A_517] {strides = array<i32>} : memref<16x512xi32, #tpu.memory_space<vmem>>, vector<16xi32>,
      tpu.vector_store %arg9[%swap3A_516, %swap3A_517], %select_n3A_514 {strides = array<i32>} : memref<16x512xi32, #tpu.memory_space<vmem>>, vector<16xi32>,
      %add3A_519 = arith.constant 16 : i32
      %add3A_520 = arith.addi %add3A_473, %add3A_519 : i32
      %add3A_521 = arith.addi %mul3A_6, %add3A_520 : i32
      %add3A_522 = vector.broadcast %add3A_521 : i32 to vector<16xi32>
      %add3A_523 = arith.addi %add3A_522, %iota3A : vector<16xi32>
      %eq3A_524 = arith.cmpi eq, %get3A_497, %add3A_523 : vector<16xi32>
      %jit3A_525 = arith.constant 268435456 : i32
      %broadcast_in_dim3A_526 = vector.broadcast %jit3A_525 : i32 to vector<16xi32>
      %select_n3A_527 = arith.select %eq3A_524, %get3A_481, %broadcast_in_dim3A_526 : vector<16xi1>, vector<16xi32>
      %sub3A_528 = arith.subi %add3A_520, %mul3A_45 : i32
      %swap3A_529 = arith.index_cast %scan3A_43 : i32 to index
      %swap3A_530 = arith.index_cast %sub3A_528 : i32 to index
      %swap3A_531 = tpu.vector_load %arg9[%swap3A_529, %swap3A_530] {strides = array<i32>} : memref<16x512xi32, #tpu.memory_space<vmem>>, vector<16xi32>,
      tpu.vector_store %arg9[%swap3A_529, %swap3A_530], %select_n3A_527 {strides = array<i32>} : memref<16x512xi32, #tpu.memory_space<vmem>>, vector<16xi32>,
      %add3A_532 = arith.constant 32 : i32
      %add3A_533 = arith.addi %add3A_473, %add3A_532 : i32
      %add3A_534 = arith.addi %mul3A_6, %add3A_533 : i32
      %add3A_535 = vector.broadcast %add3A_534 : i32 to vector<16xi32>
      %add3A_536 = arith.addi %add3A_535, %iota3A : vector<16xi32>
      %eq3A_537 = arith.cmpi eq, %get3A_501, %add3A_536 : vector<16xi32>
      %jit3A_538 = arith.constant 268435456 : i32
      %broadcast_in_dim3A_539 = vector.broadcast %jit3A_538 : i32 to vector<16xi32>
      %select_n3A_540 = arith.select %eq3A_537, %get3A_485, %broadcast_in_dim3A_539 : vector<16xi1>, vector<16xi32>
      %sub3A_541 = arith.subi %add3A_533, %mul3A_45 : i32
      %swap3A_542 = arith.index_cast %scan3A_43 : i32 to index
      %swap3A_543 = arith.index_cast %sub3A_541 : i32 to index
      %swap3A_544 = tpu.vector_load %arg9[%swap3A_542, %swap3A_543] {strides = array<i32>} : memref<16x512xi32, #tpu.memory_space<vmem>>, vector<16xi32>,
      tpu.vector_store %arg9[%swap3A_542, %swap3A_543], %select_n3A_540 {strides = array<i32>} : memref<16x512xi32, #tpu.memory_space<vmem>>, vector<16xi32>,
      %add3A_545 = arith.constant 48 : i32
      %add3A_546 = arith.addi %add3A_473, %add3A_545 : i32
      %add3A_547 = arith.addi %mul3A_6, %add3A_546 : i32
      %add3A_548 = vector.broadcast %add3A_547 : i32 to vector<16xi32>
      %add3A_549 = arith.addi %add3A_548, %iota3A : vector<16xi32>
      %eq3A_550 = arith.cmpi eq, %get3A_505, %add3A_549 : vector<16xi32>
      %jit3A_551 = arith.constant 268435456 : i32
      %broadcast_in_dim3A_552 = vector.broadcast %jit3A_551 : i32 to vector<16xi32>
      %select_n3A_553 = arith.select %eq3A_550, %get3A_489, %broadcast_in_dim3A_552 : vector<16xi1>, vector<16xi32>
      %sub3A_554 = arith.subi %add3A_546, %mul3A_45 : i32
      %swap3A_555 = arith.index_cast %scan3A_43 : i32 to index
      %swap3A_556 = arith.index_cast %sub3A_554 : i32 to index
      %swap3A_557 = tpu.vector_load %arg9[%swap3A_555, %swap3A_556] {strides = array<i32>} : memref<16x512xi32, #tpu.memory_space<vmem>>, vector<16xi32>,
      tpu.vector_store %arg9[%swap3A_555, %swap3A_556], %select_n3A_553 {strides = array<i32>} : memref<16x512xi32, #tpu.memory_space<vmem>>, vector<16xi32>,
      %add3A_558 = arith.constant 384 : i32
      %add3A_559 = arith.addi %mul3A_45, %add3A_558 : i32
      %add3A_560 = arith.constant 0 : i32
      %add3A_561 = arith.addi %add3A_559, %add3A_560 : i32
      %get3A_562 = arith.index_cast %add3A_561 : i32 to index
      %get3A_563 = tpu.vector_load %arg7[%get3A_562] {strides = array<i32>} : memref<8192xi32, #tpu.memory_space<vmem>>, vector<16xi32>,
      %add3A_564 = arith.constant 16 : i32
      %add3A_565 = arith.addi %add3A_559, %add3A_564 : i32
      %get3A_566 = arith.index_cast %add3A_565 : i32 to index
      %get3A_567 = tpu.vector_load %arg7[%get3A_566] {strides = array<i32>} : memref<8192xi32, #tpu.memory_space<vmem>>, vector<16xi32>,
      %add3A_568 = arith.constant 32 : i32
      %add3A_569 = arith.addi %add3A_559, %add3A_568 : i32
      %get3A_570 = arith.index_cast %add3A_569 : i32 to index
      %get3A_571 = tpu.vector_load %arg7[%get3A_570] {strides = array<i32>} : memref<8192xi32, #tpu.memory_space<vmem>>, vector<16xi32>,
      %add3A_572 = arith.constant 48 : i32
      %add3A_573 = arith.addi %add3A_559, %add3A_572 : i32
      %get3A_574 = arith.index_cast %add3A_573 : i32 to index
      %get3A_575 = tpu.vector_load %arg7[%get3A_574] {strides = array<i32>} : memref<8192xi32, #tpu.memory_space<vmem>>, vector<16xi32>,
      %add3A_576 = arith.constant 0 : i32
      %add3A_577 = arith.addi %add3A_559, %add3A_576 : i32
      %get3A_578 = arith.index_cast %add3A_577 : i32 to index
      %get3A_579 = tpu.vector_load %arg8[%get3A_578] {strides = array<i32>} : memref<8192xi32, #tpu.memory_space<vmem>>, vector<16xi32>,
      %add3A_580 = arith.constant 16 : i32
      %add3A_581 = arith.addi %add3A_559, %add3A_580 : i32
      %get3A_582 = arith.index_cast %add3A_581 : i32 to index
      %get3A_583 = tpu.vector_load %arg8[%get3A_582] {strides = array<i32>} : memref<8192xi32, #tpu.memory_space<vmem>>, vector<16xi32>,
      %add3A_584 = arith.constant 32 : i32
      %add3A_585 = arith.addi %add3A_559, %add3A_584 : i32
      %get3A_586 = arith.index_cast %add3A_585 : i32 to index
      %get3A_587 = tpu.vector_load %arg8[%get3A_586] {strides = array<i32>} : memref<8192xi32, #tpu.memory_space<vmem>>, vector<16xi32>,
      %add3A_588 = arith.constant 48 : i32
      %add3A_589 = arith.addi %add3A_559, %add3A_588 : i32
      %get3A_590 = arith.index_cast %add3A_589 : i32 to index
      %get3A_591 = tpu.vector_load %arg8[%get3A_590] {strides = array<i32>} : memref<8192xi32, #tpu.memory_space<vmem>>, vector<16xi32>,
      %add3A_592 = arith.constant 0 : i32
      %add3A_593 = arith.addi %add3A_559, %add3A_592 : i32
      %add3A_594 = arith.addi %mul3A_6, %add3A_593 : i32
      %add3A_595 = vector.broadcast %add3A_594 : i32 to vector<16xi32>
      %add3A_596 = arith.addi %add3A_595, %iota3A : vector<16xi32>
      %eq3A_597 = arith.cmpi eq, %get3A_579, %add3A_596 : vector<16xi32>
      %jit3A_598 = arith.constant 268435456 : i32
      %broadcast_in_dim3A_599 = vector.broadcast %jit3A_598 : i32 to vector<16xi32>
      %select_n3A_600 = arith.select %eq3A_597, %get3A_563, %broadcast_in_dim3A_599 : vector<16xi1>, vector<16xi32>
      %sub3A_601 = arith.subi %add3A_593, %mul3A_45 : i32
      %swap3A_602 = arith.index_cast %scan3A_43 : i32 to index
      %swap3A_603 = arith.index_cast %sub3A_601 : i32 to index
      %swap3A_604 = tpu.vector_load %arg9[%swap3A_602, %swap3A_603] {strides = array<i32>} : memref<16x512xi32, #tpu.memory_space<vmem>>, vector<16xi32>,
      tpu.vector_store %arg9[%swap3A_602, %swap3A_603], %select_n3A_600 {strides = array<i32>} : memref<16x512xi32, #tpu.memory_space<vmem>>, vector<16xi32>,
      %add3A_605 = arith.constant 16 : i32
      %add3A_606 = arith.addi %add3A_559, %add3A_605 : i32
      %add3A_607 = arith.addi %mul3A_6, %add3A_606 : i32
      %add3A_608 = vector.broadcast %add3A_607 : i32 to vector<16xi32>
      %add3A_609 = arith.addi %add3A_608, %iota3A : vector<16xi32>
      %eq3A_610 = arith.cmpi eq, %get3A_583, %add3A_609 : vector<16xi32>
      %jit3A_611 = arith.constant 268435456 : i32
      %broadcast_in_dim3A_612 = vector.broadcast %jit3A_611 : i32 to vector<16xi32>
      %select_n3A_613 = arith.select %eq3A_610, %get3A_567, %broadcast_in_dim3A_612 : vector<16xi1>, vector<16xi32>
      %sub3A_614 = arith.subi %add3A_606, %mul3A_45 : i32
      %swap3A_615 = arith.index_cast %scan3A_43 : i32 to index
      %swap3A_616 = arith.index_cast %sub3A_614 : i32 to index
      %swap3A_617 = tpu.vector_load %arg9[%swap3A_615, %swap3A_616] {strides = array<i32>} : memref<16x512xi32, #tpu.memory_space<vmem>>, vector<16xi32>,
      tpu.vector_store %arg9[%swap3A_615, %swap3A_616], %select_n3A_613 {strides = array<i32>} : memref<16x512xi32, #tpu.memory_space<vmem>>, vector<16xi32>,
      %add3A_618 = arith.constant 32 : i32
      %add3A_619 = arith.addi %add3A_559, %add3A_618 : i32
      %add3A_620 = arith.addi %mul3A_6, %add3A_619 : i32
      %add3A_621 = vector.broadcast %add3A_620 : i32 to vector<16xi32>
      %add3A_622 = arith.addi %add3A_621, %iota3A : vector<16xi32>
      %eq3A_623 = arith.cmpi eq, %get3A_587, %add3A_622 : vector<16xi32>
      %jit3A_624 = arith.constant 268435456 : i32
      %broadcast_in_dim3A_625 = vector.broadcast %jit3A_624 : i32 to vector<16xi32>
      %select_n3A_626 = arith.select %eq3A_623, %get3A_571, %broadcast_in_dim3A_625 : vector<16xi1>, vector<16xi32>
      %sub3A_627 = arith.subi %add3A_619, %mul3A_45 : i32
      %swap3A_628 = arith.index_cast %scan3A_43 : i32 to index
      %swap3A_629 = arith.index_cast %sub3A_627 : i32 to index
      %swap3A_630 = tpu.vector_load %arg9[%swap3A_628, %swap3A_629] {strides = array<i32>} : memref<16x512xi32, #tpu.memory_space<vmem>>, vector<16xi32>,
      tpu.vector_store %arg9[%swap3A_628, %swap3A_629], %select_n3A_626 {strides = array<i32>} : memref<16x512xi32, #tpu.memory_space<vmem>>, vector<16xi32>,
      %add3A_631 = arith.constant 48 : i32
      %add3A_632 = arith.addi %add3A_559, %add3A_631 : i32
      %add3A_633 = arith.addi %mul3A_6, %add3A_632 : i32
      %add3A_634 = vector.broadcast %add3A_633 : i32 to vector<16xi32>
      %add3A_635 = arith.addi %add3A_634, %iota3A : vector<16xi32>
      %eq3A_636 = arith.cmpi eq, %get3A_591, %add3A_635 : vector<16xi32>
      %jit3A_637 = arith.constant 268435456 : i32
      %broadcast_in_dim3A_638 = vector.broadcast %jit3A_637 : i32 to vector<16xi32>
      %select_n3A_639 = arith.select %eq3A_636, %get3A_575, %broadcast_in_dim3A_638 : vector<16xi1>, vector<16xi32>
      %sub3A_640 = arith.subi %add3A_632, %mul3A_45 : i32
      %swap3A_641 = arith.index_cast %scan3A_43 : i32 to index
      %swap3A_642 = arith.index_cast %sub3A_640 : i32 to index
      %swap3A_643 = tpu.vector_load %arg9[%swap3A_641, %swap3A_642] {strides = array<i32>} : memref<16x512xi32, #tpu.memory_space<vmem>>, vector<16xi32>,
      tpu.vector_store %arg9[%swap3A_641, %swap3A_642], %select_n3A_639 {strides = array<i32>} : memref<16x512xi32, #tpu.memory_space<vmem>>, vector<16xi32>,
      %add3A_644 = arith.constant 448 : i32
      %add3A_645 = arith.addi %mul3A_45, %add3A_644 : i32
      %add3A_646 = arith.constant 0 : i32
      %add3A_647 = arith.addi %add3A_645, %add3A_646 : i32
      %get3A_648 = arith.index_cast %add3A_647 : i32 to index
      %get3A_649 = tpu.vector_load %arg7[%get3A_648] {strides = array<i32>} : memref<8192xi32, #tpu.memory_space<vmem>>, vector<16xi32>,
      %add3A_650 = arith.constant 16 : i32
      %add3A_651 = arith.addi %add3A_645, %add3A_650 : i32
      %get3A_652 = arith.index_cast %add3A_651 : i32 to index
      %get3A_653 = tpu.vector_load %arg7[%get3A_652] {strides = array<i32>} : memref<8192xi32, #tpu.memory_space<vmem>>, vector<16xi32>,
      %add3A_654 = arith.constant 32 : i32
      %add3A_655 = arith.addi %add3A_645, %add3A_654 : i32
      %get3A_656 = arith.index_cast %add3A_655 : i32 to index
      %get3A_657 = tpu.vector_load %arg7[%get3A_656] {strides = array<i32>} : memref<8192xi32, #tpu.memory_space<vmem>>, vector<16xi32>,
      %add3A_658 = arith.constant 48 : i32
      %add3A_659 = arith.addi %add3A_645, %add3A_658 : i32
      %get3A_660 = arith.index_cast %add3A_659 : i32 to index
      %get3A_661 = tpu.vector_load %arg7[%get3A_660] {strides = array<i32>} : memref<8192xi32, #tpu.memory_space<vmem>>, vector<16xi32>,
      %add3A_662 = arith.constant 0 : i32
      %add3A_663 = arith.addi %add3A_645, %add3A_662 : i32
      %get3A_664 = arith.index_cast %add3A_663 : i32 to index
      %get3A_665 = tpu.vector_load %arg8[%get3A_664] {strides = array<i32>} : memref<8192xi32, #tpu.memory_space<vmem>>, vector<16xi32>,
      %add3A_666 = arith.constant 16 : i32
      %add3A_667 = arith.addi %add3A_645, %add3A_666 : i32
      %get3A_668 = arith.index_cast %add3A_667 : i32 to index
      %get3A_669 = tpu.vector_load %arg8[%get3A_668] {strides = array<i32>} : memref<8192xi32, #tpu.memory_space<vmem>>, vector<16xi32>,
      %add3A_670 = arith.constant 32 : i32
      %add3A_671 = arith.addi %add3A_645, %add3A_670 : i32
      %get3A_672 = arith.index_cast %add3A_671 : i32 to index
      %get3A_673 = tpu.vector_load %arg8[%get3A_672] {strides = array<i32>} : memref<8192xi32, #tpu.memory_space<vmem>>, vector<16xi32>,
      %add3A_674 = arith.constant 48 : i32
      %add3A_675 = arith.addi %add3A_645, %add3A_674 : i32
      %get3A_676 = arith.index_cast %add3A_675 : i32 to index
      %get3A_677 = tpu.vector_load %arg8[%get3A_676] {strides = array<i32>} : memref<8192xi32, #tpu.memory_space<vmem>>, vector<16xi32>,
      %add3A_678 = arith.constant 0 : i32
      %add3A_679 = arith.addi %add3A_645, %add3A_678 : i32
      %add3A_680 = arith.addi %mul3A_6, %add3A_679 : i32
      %add3A_681 = vector.broadcast %add3A_680 : i32 to vector<16xi32>
      %add3A_682 = arith.addi %add3A_681, %iota3A : vector<16xi32>
      %eq3A_683 = arith.cmpi eq, %get3A_665, %add3A_682 : vector<16xi32>
      %jit3A_684 = arith.constant 268435456 : i32
      %broadcast_in_dim3A_685 = vector.broadcast %jit3A_684 : i32 to vector<16xi32>
      %select_n3A_686 = arith.select %eq3A_683, %get3A_649, %broadcast_in_dim3A_685 : vector<16xi1>, vector<16xi32>
      %sub3A_687 = arith.subi %add3A_679, %mul3A_45 : i32
      %swap3A_688 = arith.index_cast %scan3A_43 : i32 to index
      %swap3A_689 = arith.index_cast %sub3A_687 : i32 to index
      %swap3A_690 = tpu.vector_load %arg9[%swap3A_688, %swap3A_689] {strides = array<i32>} : memref<16x512xi32, #tpu.memory_space<vmem>>, vector<16xi32>,
      tpu.vector_store %arg9[%swap3A_688, %swap3A_689], %select_n3A_686 {strides = array<i32>} : memref<16x512xi32, #tpu.memory_space<vmem>>, vector<16xi32>,
      %add3A_691 = arith.constant 16 : i32
      %add3A_692 = arith.addi %add3A_645, %add3A_691 : i32
      %add3A_693 = arith.addi %mul3A_6, %add3A_692 : i32
      %add3A_694 = vector.broadcast %add3A_693 : i32 to vector<16xi32>
      %add3A_695 = arith.addi %add3A_694, %iota3A : vector<16xi32>
      %eq3A_696 = arith.cmpi eq, %get3A_669, %add3A_695 : vector<16xi32>
      %jit3A_697 = arith.constant 268435456 : i32
      %broadcast_in_dim3A_698 = vector.broadcast %jit3A_697 : i32 to vector<16xi32>
      %select_n3A_699 = arith.select %eq3A_696, %get3A_653, %broadcast_in_dim3A_698 : vector<16xi1>, vector<16xi32>
      %sub3A_700 = arith.subi %add3A_692, %mul3A_45 : i32
      %swap3A_701 = arith.index_cast %scan3A_43 : i32 to index
      %swap3A_702 = arith.index_cast %sub3A_700 : i32 to index
      %swap3A_703 = tpu.vector_load %arg9[%swap3A_701, %swap3A_702] {strides = array<i32>} : memref<16x512xi32, #tpu.memory_space<vmem>>, vector<16xi32>,
      tpu.vector_store %arg9[%swap3A_701, %swap3A_702], %select_n3A_699 {strides = array<i32>} : memref<16x512xi32, #tpu.memory_space<vmem>>, vector<16xi32>,
      %add3A_704 = arith.constant 32 : i32
      %add3A_705 = arith.addi %add3A_645, %add3A_704 : i32
      %add3A_706 = arith.addi %mul3A_6, %add3A_705 : i32
      %add3A_707 = vector.broadcast %add3A_706 : i32 to vector<16xi32>
      %add3A_708 = arith.addi %add3A_707, %iota3A : vector<16xi32>
      %eq3A_709 = arith.cmpi eq, %get3A_673, %add3A_708 : vector<16xi32>
      %jit3A_710 = arith.constant 268435456 : i32
      %broadcast_in_dim3A_711 = vector.broadcast %jit3A_710 : i32 to vector<16xi32>
      %select_n3A_712 = arith.select %eq3A_709, %get3A_657, %broadcast_in_dim3A_711 : vector<16xi1>, vector<16xi32>
      %sub3A_713 = arith.subi %add3A_705, %mul3A_45 : i32
      %swap3A_714 = arith.index_cast %scan3A_43 : i32 to index
      %swap3A_715 = arith.index_cast %sub3A_713 : i32 to index
      %swap3A_716 = tpu.vector_load %arg9[%swap3A_714, %swap3A_715] {strides = array<i32>} : memref<16x512xi32, #tpu.memory_space<vmem>>, vector<16xi32>,
      tpu.vector_store %arg9[%swap3A_714, %swap3A_715], %select_n3A_712 {strides = array<i32>} : memref<16x512xi32, #tpu.memory_space<vmem>>, vector<16xi32>,
      %add3A_717 = arith.constant 48 : i32
      %add3A_718 = arith.addi %add3A_645, %add3A_717 : i32
      %add3A_719 = arith.addi %mul3A_6, %add3A_718 : i32
      %add3A_720 = vector.broadcast %add3A_719 : i32 to vector<16xi32>
      %add3A_721 = arith.addi %add3A_720, %iota3A : vector<16xi32>
      %eq3A_722 = arith.cmpi eq, %get3A_677, %add3A_721 : vector<16xi32>
      %jit3A_723 = arith.constant 268435456 : i32
      %broadcast_in_dim3A_724 = vector.broadcast %jit3A_723 : i32 to vector<16xi32>
      %select_n3A_725 = arith.select %eq3A_722, %get3A_661, %broadcast_in_dim3A_724 : vector<16xi1>, vector<16xi32>
      %sub3A_726 = arith.subi %add3A_718, %mul3A_45 : i32
      %swap3A_727 = arith.index_cast %scan3A_43 : i32 to index
      %swap3A_728 = arith.index_cast %sub3A_726 : i32 to index
      %swap3A_729 = tpu.vector_load %arg9[%swap3A_727, %swap3A_728] {strides = array<i32>} : memref<16x512xi32, #tpu.memory_space<vmem>>, vector<16xi32>,
      tpu.vector_store %arg9[%swap3A_727, %swap3A_728], %select_n3A_725 {strides = array<i32>} : memref<16x512xi32, #tpu.memory_space<vmem>>, vector<16xi32>,
    }
    %scan3A_23 = arith.constant 16 : i32
    %jit3A_24 = arith.constant 512 : i32
    %div3A = arith.divsi %mul3A_6, %jit3A_24 : i32
    %sign3A = arith.constant 0 : i32
    %sign3A_25 = arith.cmpi sgt, %mul3A_6, %sign3A : i32
    %sign3A_26 = arith.extui %sign3A_25 : i1 to i32
    %sign3A_27 = arith.constant 0 : i32
    %sign3A_28 = arith.cmpi slt, %mul3A_6, %sign3A_27 : i32
    %sign3A_29 = arith.extui %sign3A_28 : i1 to i32
    %sign3A_30 = arith.subi %sign3A_26, %sign3A_29 : i32
    %sign3A_31 = arith.constant 0 : i32
    %sign3A_32 = arith.cmpi sgt, %jit3A_24, %sign3A_31 : i32
    %sign3A_33 = arith.extui %sign3A_32 : i1 to i32
    %sign3A_34 = arith.constant 0 : i32
    %sign3A_35 = arith.cmpi slt, %jit3A_24, %sign3A_34 : i32
    %sign3A_36 = arith.extui %sign3A_35 : i1 to i32
    %sign3A_37 = arith.subi %sign3A_33, %sign3A_36 : i32
    %ne3A = arith.cmpi ne, %sign3A_30, %sign3A_37 : i32
    %rem3A = arith.remsi %mul3A_6, %jit3A_24 : i32
    %ne3A_38 = arith.constant 0 : i32
    %ne3A_39 = arith.cmpi ne, %rem3A, %ne3A_38 : i32
    %and3A = arith.andi %ne3A, %ne3A_39 : i1
    %sub3A_40 = arith.constant 1 : i32
    %sub3A_41 = arith.subi %div3A, %sub3A_40 : i32
    %select_n3A = arith.select %and3A, %sub3A_41, %div3A : i32
    %multiple_of3A_42 = tpu.assume_multiple %select_n3A, 16 : i32
    "tpu.region"() ({
      %run_scoped3A = tpu.sem_alloc : memref<!tpu.dma_semaphore, #tpu.memory_space<semaphore_mem>>
      %dma_start3A_43 = arith.constant 0 : i32
      %dma_start3A_44 = tpu.memref_slice %arg3[%multiple_of3A_42, %dma_start3A_43] : memref<512x512xi32, #tpu.memory_space<hbm>> -> memref<16x512xi32, #tpu.memory_space<hbm>>
      %dma_start3A_45 = arith.constant 0 : i32
      %dma_start3A_46 = tpu.memref_slice %arg3[%multiple_of3A_42, %dma_start3A_45] : memref<512x512xi32, #tpu.memory_space<hbm>> -> memref<16x512xi32, #tpu.memory_space<hbm>>
      tpu.enqueue_dma source(%arg9 : memref<16x512xi32, #tpu.memory_space<vmem>>) target(%dma_start3A_46 : memref<16x512xi32, #tpu.memory_space<hbm>>) target_semaphore(%run_scoped3A : memref<!tpu.dma_semaphore, #tpu.memory_space<semaphore_mem>>)
      %dma_wait3A_47 = arith.constant 0 : i32
      %dma_wait3A_48 = tpu.memref_slice %arg3[%multiple_of3A_42, %dma_wait3A_47] : memref<512x512xi32, #tpu.memory_space<hbm>> -> memref<16x512xi32, #tpu.memory_space<hbm>>
      %dma_wait3A_49 = arith.constant 0 : i32
      %dma_wait3A_50 = tpu.memref_slice %arg3[%multiple_of3A_42, %dma_wait3A_49] : memref<512x512xi32, #tpu.memory_space<hbm>> -> memref<16x512xi32, #tpu.memory_space<hbm>>
      tpu.wait_dma2 semaphore(%run_scoped3A : memref<!tpu.dma_semaphore, #tpu.memory_space<semaphore_mem>>) src(%arg9 : memref<16x512xi32, #tpu.memory_space<vmem>>) dst(%dma_wait3A_50 : memref<16x512xi32, #tpu.memory_space<hbm>>)
      tpu.yield
    }) : () -> ()
    return
  }
}

module attributes {stable_mosaic.version = 14 : i64} {
  func.func @_main_body(%arg0: i32, %arg1: memref<1x512x512xf32, #tpu.memory_space<vmem>>, %arg2: memref<1x512x512xf32, #tpu.memory_space<vmem>>, %arg3: memref<512x512xi32, #tpu.memory_space<vmem>>, %arg4: memref<512x512xf32, #tpu.memory_space<vmem>>, %arg5: memref<512x512xf32, #tpu.memory_space<vmem>>, %arg6: memref<1x1xf32, #tpu.memory_space<smem>>, %arg7: memref<8xf32, #tpu.memory_space<smem>>) attributes {dimension_semantics = [#tpu.dimension_semantics<arbitrary>], iteration_bounds = array<i64: 16>, scalar_prefetch = 0 : i64, scratch_operands = 1 : i64, tpu.core_type = #tpu.core_type<tc>, window_params = [{transform_indices = @transform_0, window_bounds = array<i64: 1, 512, 512>}, {transform_indices = @transform_1, window_bounds = array<i64: 1, 512, 512>}, {pipeline_mode = #tpu.pipeline_mode<synchronous>, transform_indices = @transform_2, window_bounds = array<i64: 512, 512>}, {pipeline_mode = #tpu.pipeline_mode<synchronous>, transform_indices = @transform_3, window_bounds = array<i64: 512, 512>}, {pipeline_mode = #tpu.pipeline_mode<synchronous>, transform_indices = @transform_4, window_bounds = array<i64: 512, 512>}, {transform_indices = @transform_5, window_bounds = array<i64: 1, 1>}]} {
    %broadcast_in_dim3A = arith.constant -1.000000e+00 : f32
    %broadcast_in_dim3A_0 = vector.broadcast %broadcast_in_dim3A : f32 to vector<8x512xf32>
    %get3A = arith.constant 0 : index
    %get3A_1 = arith.constant 0 : index
    %get3A_2 = arith.constant 0 : index
    %get3A_3 = vector.load %arg1[%get3A, %get3A_1, %get3A_2] : memref<1x512x512xf32, #tpu.memory_space<vmem>>, vector<1x8x512xf32>
    %get3A_4 = vector.shape_cast %get3A_3 : vector<1x8x512xf32> to vector<8x512xf32>
    %get3A_5 = arith.constant 0 : index
    %get3A_6 = arith.constant 0 : index
    %get3A_7 = vector.load %arg3[%get3A_5, %get3A_6] : memref<512x512xi32, #tpu.memory_space<vmem>>, vector<8x512xi32>
    %lt3A = arith.constant 268435456 : i32
    %lt3A_8 = vector.broadcast %lt3A : i32 to vector<8x512xi32>
    %lt3A_9 = arith.cmpi slt, %get3A_7, %lt3A_8 : vector<8x512xi32>
    %jit3A = arith.constant -1.000000e+00 : f32
    %broadcast_in_dim3A_10 = vector.broadcast %jit3A : f32 to vector<8x512xf32>
    %select_n3A = arith.select %lt3A_9, %get3A_4, %broadcast_in_dim3A_10 : vector<8x512xi1>, vector<8x512xf32>
    %max3A = arith.maximumf %broadcast_in_dim3A_0, %select_n3A : vector<8x512xf32>
    %get3A_11 = arith.constant 0 : index
    %get3A_12 = arith.constant 8 : index
    %get3A_13 = arith.constant 0 : index
    %get3A_14 = vector.load %arg1[%get3A_11, %get3A_12, %get3A_13] : memref<1x512x512xf32, #tpu.memory_space<vmem>>, vector<1x8x512xf32>
    %get3A_15 = vector.shape_cast %get3A_14 : vector<1x8x512xf32> to vector<8x512xf32>
    %get3A_16 = arith.constant 8 : index
    %get3A_17 = arith.constant 0 : index
    %get3A_18 = vector.load %arg3[%get3A_16, %get3A_17] : memref<512x512xi32, #tpu.memory_space<vmem>>, vector<8x512xi32>
    %lt3A_19 = arith.constant 268435456 : i32
    %lt3A_20 = vector.broadcast %lt3A_19 : i32 to vector<8x512xi32>
    %lt3A_21 = arith.cmpi slt, %get3A_18, %lt3A_20 : vector<8x512xi32>
    %jit3A_22 = arith.constant -1.000000e+00 : f32
    %broadcast_in_dim3A_23 = vector.broadcast %jit3A_22 : f32 to vector<8x512xf32>
    %select_n3A_24 = arith.select %lt3A_21, %get3A_15, %broadcast_in_dim3A_23 : vector<8x512xi1>, vector<8x512xf32>
    %max3A_25 = arith.maximumf %max3A, %select_n3A_24 : vector<8x512xf32>
    %get3A_26 = arith.constant 0 : index
    %get3A_27 = arith.constant 16 : index
    %get3A_28 = arith.constant 0 : index
    %get3A_29 = vector.load %arg1[%get3A_26, %get3A_27, %get3A_28] : memref<1x512x512xf32, #tpu.memory_space<vmem>>, vector<1x8x512xf32>
    %get3A_30 = vector.shape_cast %get3A_29 : vector<1x8x512xf32> to vector<8x512xf32>
    %get3A_31 = arith.constant 16 : index
    %get3A_32 = arith.constant 0 : index
    %get3A_33 = vector.load %arg3[%get3A_31, %get3A_32] : memref<512x512xi32, #tpu.memory_space<vmem>>, vector<8x512xi32>
    %lt3A_34 = arith.constant 268435456 : i32
    %lt3A_35 = vector.broadcast %lt3A_34 : i32 to vector<8x512xi32>
    %lt3A_36 = arith.cmpi slt, %get3A_33, %lt3A_35 : vector<8x512xi32>
    %jit3A_37 = arith.constant -1.000000e+00 : f32
    %broadcast_in_dim3A_38 = vector.broadcast %jit3A_37 : f32 to vector<8x512xf32>
    %select_n3A_39 = arith.select %lt3A_36, %get3A_30, %broadcast_in_dim3A_38 : vector<8x512xi1>, vector<8x512xf32>
    %max3A_40 = arith.maximumf %max3A_25, %select_n3A_39 : vector<8x512xf32>
    %get3A_41 = arith.constant 0 : index
    %get3A_42 = arith.constant 24 : index
    %get3A_43 = arith.constant 0 : index
    %get3A_44 = vector.load %arg1[%get3A_41, %get3A_42, %get3A_43] : memref<1x512x512xf32, #tpu.memory_space<vmem>>, vector<1x8x512xf32>
    %get3A_45 = vector.shape_cast %get3A_44 : vector<1x8x512xf32> to vector<8x512xf32>
    %get3A_46 = arith.constant 24 : index
    %get3A_47 = arith.constant 0 : index
    %get3A_48 = vector.load %arg3[%get3A_46, %get3A_47] : memref<512x512xi32, #tpu.memory_space<vmem>>, vector<8x512xi32>
    %lt3A_49 = arith.constant 268435456 : i32
    %lt3A_50 = vector.broadcast %lt3A_49 : i32 to vector<8x512xi32>
    %lt3A_51 = arith.cmpi slt, %get3A_48, %lt3A_50 : vector<8x512xi32>
    %jit3A_52 = arith.constant -1.000000e+00 : f32
    %broadcast_in_dim3A_53 = vector.broadcast %jit3A_52 : f32 to vector<8x512xf32>
    %select_n3A_54 = arith.select %lt3A_51, %get3A_45, %broadcast_in_dim3A_53 : vector<8x512xi1>, vector<8x512xf32>
    %max3A_55 = arith.maximumf %max3A_40, %select_n3A_54 : vector<8x512xf32>
    %get3A_56 = arith.constant 0 : index
    %get3A_57 = arith.constant 32 : index
    %get3A_58 = arith.constant 0 : index
    %get3A_59 = vector.load %arg1[%get3A_56, %get3A_57, %get3A_58] : memref<1x512x512xf32, #tpu.memory_space<vmem>>, vector<1x8x512xf32>
    %get3A_60 = vector.shape_cast %get3A_59 : vector<1x8x512xf32> to vector<8x512xf32>
    %get3A_61 = arith.constant 32 : index
    %get3A_62 = arith.constant 0 : index
    %get3A_63 = vector.load %arg3[%get3A_61, %get3A_62] : memref<512x512xi32, #tpu.memory_space<vmem>>, vector<8x512xi32>
    %lt3A_64 = arith.constant 268435456 : i32
    %lt3A_65 = vector.broadcast %lt3A_64 : i32 to vector<8x512xi32>
    %lt3A_66 = arith.cmpi slt, %get3A_63, %lt3A_65 : vector<8x512xi32>
    %jit3A_67 = arith.constant -1.000000e+00 : f32
    %broadcast_in_dim3A_68 = vector.broadcast %jit3A_67 : f32 to vector<8x512xf32>
    %select_n3A_69 = arith.select %lt3A_66, %get3A_60, %broadcast_in_dim3A_68 : vector<8x512xi1>, vector<8x512xf32>
    %max3A_70 = arith.maximumf %max3A_55, %select_n3A_69 : vector<8x512xf32>
    %get3A_71 = arith.constant 0 : index
    %get3A_72 = arith.constant 40 : index
    %get3A_73 = arith.constant 0 : index
    %get3A_74 = vector.load %arg1[%get3A_71, %get3A_72, %get3A_73] : memref<1x512x512xf32, #tpu.memory_space<vmem>>, vector<1x8x512xf32>
    %get3A_75 = vector.shape_cast %get3A_74 : vector<1x8x512xf32> to vector<8x512xf32>
    %get3A_76 = arith.constant 40 : index
    %get3A_77 = arith.constant 0 : index
    %get3A_78 = vector.load %arg3[%get3A_76, %get3A_77] : memref<512x512xi32, #tpu.memory_space<vmem>>, vector<8x512xi32>
    %lt3A_79 = arith.constant 268435456 : i32
    %lt3A_80 = vector.broadcast %lt3A_79 : i32 to vector<8x512xi32>
    %lt3A_81 = arith.cmpi slt, %get3A_78, %lt3A_80 : vector<8x512xi32>
    %jit3A_82 = arith.constant -1.000000e+00 : f32
    %broadcast_in_dim3A_83 = vector.broadcast %jit3A_82 : f32 to vector<8x512xf32>
    %select_n3A_84 = arith.select %lt3A_81, %get3A_75, %broadcast_in_dim3A_83 : vector<8x512xi1>, vector<8x512xf32>
    %max3A_85 = arith.maximumf %max3A_70, %select_n3A_84 : vector<8x512xf32>
    %get3A_86 = arith.constant 0 : index
    %get3A_87 = arith.constant 48 : index
    %get3A_88 = arith.constant 0 : index
    %get3A_89 = vector.load %arg1[%get3A_86, %get3A_87, %get3A_88] : memref<1x512x512xf32, #tpu.memory_space<vmem>>, vector<1x8x512xf32>
    %get3A_90 = vector.shape_cast %get3A_89 : vector<1x8x512xf32> to vector<8x512xf32>
    %get3A_91 = arith.constant 48 : index
    %get3A_92 = arith.constant 0 : index
    %get3A_93 = vector.load %arg3[%get3A_91, %get3A_92] : memref<512x512xi32, #tpu.memory_space<vmem>>, vector<8x512xi32>
    %lt3A_94 = arith.constant 268435456 : i32
    %lt3A_95 = vector.broadcast %lt3A_94 : i32 to vector<8x512xi32>
    %lt3A_96 = arith.cmpi slt, %get3A_93, %lt3A_95 : vector<8x512xi32>
    %jit3A_97 = arith.constant -1.000000e+00 : f32
    %broadcast_in_dim3A_98 = vector.broadcast %jit3A_97 : f32 to vector<8x512xf32>
    %select_n3A_99 = arith.select %lt3A_96, %get3A_90, %broadcast_in_dim3A_98 : vector<8x512xi1>, vector<8x512xf32>
    %max3A_100 = arith.maximumf %max3A_85, %select_n3A_99 : vector<8x512xf32>
    %get3A_101 = arith.constant 0 : index
    %get3A_102 = arith.constant 56 : index
    %get3A_103 = arith.constant 0 : index
    %get3A_104 = vector.load %arg1[%get3A_101, %get3A_102, %get3A_103] : memref<1x512x512xf32, #tpu.memory_space<vmem>>, vector<1x8x512xf32>
    %get3A_105 = vector.shape_cast %get3A_104 : vector<1x8x512xf32> to vector<8x512xf32>
    %get3A_106 = arith.constant 56 : index
    %get3A_107 = arith.constant 0 : index
    %get3A_108 = vector.load %arg3[%get3A_106, %get3A_107] : memref<512x512xi32, #tpu.memory_space<vmem>>, vector<8x512xi32>
    %lt3A_109 = arith.constant 268435456 : i32
    %lt3A_110 = vector.broadcast %lt3A_109 : i32 to vector<8x512xi32>
    %lt3A_111 = arith.cmpi slt, %get3A_108, %lt3A_110 : vector<8x512xi32>
    %jit3A_112 = arith.constant -1.000000e+00 : f32
    %broadcast_in_dim3A_113 = vector.broadcast %jit3A_112 : f32 to vector<8x512xf32>
    %select_n3A_114 = arith.select %lt3A_111, %get3A_105, %broadcast_in_dim3A_113 : vector<8x512xi1>, vector<8x512xf32>
    %max3A_115 = arith.maximumf %max3A_100, %select_n3A_114 : vector<8x512xf32>
    %get3A_116 = arith.constant 0 : index
    %get3A_117 = arith.constant 64 : index
    %get3A_118 = arith.constant 0 : index
    %get3A_119 = vector.load %arg1[%get3A_116, %get3A_117, %get3A_118] : memref<1x512x512xf32, #tpu.memory_space<vmem>>, vector<1x8x512xf32>
    %get3A_120 = vector.shape_cast %get3A_119 : vector<1x8x512xf32> to vector<8x512xf32>
    %get3A_121 = arith.constant 64 : index
    %get3A_122 = arith.constant 0 : index
    %get3A_123 = vector.load %arg3[%get3A_121, %get3A_122] : memref<512x512xi32, #tpu.memory_space<vmem>>, vector<8x512xi32>
    %lt3A_124 = arith.constant 268435456 : i32
    %lt3A_125 = vector.broadcast %lt3A_124 : i32 to vector<8x512xi32>
    %lt3A_126 = arith.cmpi slt, %get3A_123, %lt3A_125 : vector<8x512xi32>
    %jit3A_127 = arith.constant -1.000000e+00 : f32
    %broadcast_in_dim3A_128 = vector.broadcast %jit3A_127 : f32 to vector<8x512xf32>
    %select_n3A_129 = arith.select %lt3A_126, %get3A_120, %broadcast_in_dim3A_128 : vector<8x512xi1>, vector<8x512xf32>
    %max3A_130 = arith.maximumf %max3A_115, %select_n3A_129 : vector<8x512xf32>
    %get3A_131 = arith.constant 0 : index
    %get3A_132 = arith.constant 72 : index
    %get3A_133 = arith.constant 0 : index
    %get3A_134 = vector.load %arg1[%get3A_131, %get3A_132, %get3A_133] : memref<1x512x512xf32, #tpu.memory_space<vmem>>, vector<1x8x512xf32>
    %get3A_135 = vector.shape_cast %get3A_134 : vector<1x8x512xf32> to vector<8x512xf32>
    %get3A_136 = arith.constant 72 : index
    %get3A_137 = arith.constant 0 : index
    %get3A_138 = vector.load %arg3[%get3A_136, %get3A_137] : memref<512x512xi32, #tpu.memory_space<vmem>>, vector<8x512xi32>
    %lt3A_139 = arith.constant 268435456 : i32
    %lt3A_140 = vector.broadcast %lt3A_139 : i32 to vector<8x512xi32>
    %lt3A_141 = arith.cmpi slt, %get3A_138, %lt3A_140 : vector<8x512xi32>
    %jit3A_142 = arith.constant -1.000000e+00 : f32
    %broadcast_in_dim3A_143 = vector.broadcast %jit3A_142 : f32 to vector<8x512xf32>
    %select_n3A_144 = arith.select %lt3A_141, %get3A_135, %broadcast_in_dim3A_143 : vector<8x512xi1>, vector<8x512xf32>
    %max3A_145 = arith.maximumf %max3A_130, %select_n3A_144 : vector<8x512xf32>
    %get3A_146 = arith.constant 0 : index
    %get3A_147 = arith.constant 80 : index
    %get3A_148 = arith.constant 0 : index
    %get3A_149 = vector.load %arg1[%get3A_146, %get3A_147, %get3A_148] : memref<1x512x512xf32, #tpu.memory_space<vmem>>, vector<1x8x512xf32>
    %get3A_150 = vector.shape_cast %get3A_149 : vector<1x8x512xf32> to vector<8x512xf32>
    %get3A_151 = arith.constant 80 : index
    %get3A_152 = arith.constant 0 : index
    %get3A_153 = vector.load %arg3[%get3A_151, %get3A_152] : memref<512x512xi32, #tpu.memory_space<vmem>>, vector<8x512xi32>
    %lt3A_154 = arith.constant 268435456 : i32
    %lt3A_155 = vector.broadcast %lt3A_154 : i32 to vector<8x512xi32>
    %lt3A_156 = arith.cmpi slt, %get3A_153, %lt3A_155 : vector<8x512xi32>
    %jit3A_157 = arith.constant -1.000000e+00 : f32
    %broadcast_in_dim3A_158 = vector.broadcast %jit3A_157 : f32 to vector<8x512xf32>
    %select_n3A_159 = arith.select %lt3A_156, %get3A_150, %broadcast_in_dim3A_158 : vector<8x512xi1>, vector<8x512xf32>
    %max3A_160 = arith.maximumf %max3A_145, %select_n3A_159 : vector<8x512xf32>
    %get3A_161 = arith.constant 0 : index
    %get3A_162 = arith.constant 88 : index
    %get3A_163 = arith.constant 0 : index
    %get3A_164 = vector.load %arg1[%get3A_161, %get3A_162, %get3A_163] : memref<1x512x512xf32, #tpu.memory_space<vmem>>, vector<1x8x512xf32>
    %get3A_165 = vector.shape_cast %get3A_164 : vector<1x8x512xf32> to vector<8x512xf32>
    %get3A_166 = arith.constant 88 : index
    %get3A_167 = arith.constant 0 : index
    %get3A_168 = vector.load %arg3[%get3A_166, %get3A_167] : memref<512x512xi32, #tpu.memory_space<vmem>>, vector<8x512xi32>
    %lt3A_169 = arith.constant 268435456 : i32
    %lt3A_170 = vector.broadcast %lt3A_169 : i32 to vector<8x512xi32>
    %lt3A_171 = arith.cmpi slt, %get3A_168, %lt3A_170 : vector<8x512xi32>
    %jit3A_172 = arith.constant -1.000000e+00 : f32
    %broadcast_in_dim3A_173 = vector.broadcast %jit3A_172 : f32 to vector<8x512xf32>
    %select_n3A_174 = arith.select %lt3A_171, %get3A_165, %broadcast_in_dim3A_173 : vector<8x512xi1>, vector<8x512xf32>
    %max3A_175 = arith.maximumf %max3A_160, %select_n3A_174 : vector<8x512xf32>
    %get3A_176 = arith.constant 0 : index
    %get3A_177 = arith.constant 96 : index
    %get3A_178 = arith.constant 0 : index
    %get3A_179 = vector.load %arg1[%get3A_176, %get3A_177, %get3A_178] : memref<1x512x512xf32, #tpu.memory_space<vmem>>, vector<1x8x512xf32>
    %get3A_180 = vector.shape_cast %get3A_179 : vector<1x8x512xf32> to vector<8x512xf32>
    %get3A_181 = arith.constant 96 : index
    %get3A_182 = arith.constant 0 : index
    %get3A_183 = vector.load %arg3[%get3A_181, %get3A_182] : memref<512x512xi32, #tpu.memory_space<vmem>>, vector<8x512xi32>
    %lt3A_184 = arith.constant 268435456 : i32
    %lt3A_185 = vector.broadcast %lt3A_184 : i32 to vector<8x512xi32>
    %lt3A_186 = arith.cmpi slt, %get3A_183, %lt3A_185 : vector<8x512xi32>
    %jit3A_187 = arith.constant -1.000000e+00 : f32
    %broadcast_in_dim3A_188 = vector.broadcast %jit3A_187 : f32 to vector<8x512xf32>
    %select_n3A_189 = arith.select %lt3A_186, %get3A_180, %broadcast_in_dim3A_188 : vector<8x512xi1>, vector<8x512xf32>
    %max3A_190 = arith.maximumf %max3A_175, %select_n3A_189 : vector<8x512xf32>
    %get3A_191 = arith.constant 0 : index
    %get3A_192 = arith.constant 104 : index
    %get3A_193 = arith.constant 0 : index
    %get3A_194 = vector.load %arg1[%get3A_191, %get3A_192, %get3A_193] : memref<1x512x512xf32, #tpu.memory_space<vmem>>, vector<1x8x512xf32>
    %get3A_195 = vector.shape_cast %get3A_194 : vector<1x8x512xf32> to vector<8x512xf32>
    %get3A_196 = arith.constant 104 : index
    %get3A_197 = arith.constant 0 : index
    %get3A_198 = vector.load %arg3[%get3A_196, %get3A_197] : memref<512x512xi32, #tpu.memory_space<vmem>>, vector<8x512xi32>
    %lt3A_199 = arith.constant 268435456 : i32
    %lt3A_200 = vector.broadcast %lt3A_199 : i32 to vector<8x512xi32>
    %lt3A_201 = arith.cmpi slt, %get3A_198, %lt3A_200 : vector<8x512xi32>
    %jit3A_202 = arith.constant -1.000000e+00 : f32
    %broadcast_in_dim3A_203 = vector.broadcast %jit3A_202 : f32 to vector<8x512xf32>
    %select_n3A_204 = arith.select %lt3A_201, %get3A_195, %broadcast_in_dim3A_203 : vector<8x512xi1>, vector<8x512xf32>
    %max3A_205 = arith.maximumf %max3A_190, %select_n3A_204 : vector<8x512xf32>
    %get3A_206 = arith.constant 0 : index
    %get3A_207 = arith.constant 112 : index
    %get3A_208 = arith.constant 0 : index
    %get3A_209 = vector.load %arg1[%get3A_206, %get3A_207, %get3A_208] : memref<1x512x512xf32, #tpu.memory_space<vmem>>, vector<1x8x512xf32>
    %get3A_210 = vector.shape_cast %get3A_209 : vector<1x8x512xf32> to vector<8x512xf32>
    %get3A_211 = arith.constant 112 : index
    %get3A_212 = arith.constant 0 : index
    %get3A_213 = vector.load %arg3[%get3A_211, %get3A_212] : memref<512x512xi32, #tpu.memory_space<vmem>>, vector<8x512xi32>
    %lt3A_214 = arith.constant 268435456 : i32
    %lt3A_215 = vector.broadcast %lt3A_214 : i32 to vector<8x512xi32>
    %lt3A_216 = arith.cmpi slt, %get3A_213, %lt3A_215 : vector<8x512xi32>
    %jit3A_217 = arith.constant -1.000000e+00 : f32
    %broadcast_in_dim3A_218 = vector.broadcast %jit3A_217 : f32 to vector<8x512xf32>
    %select_n3A_219 = arith.select %lt3A_216, %get3A_210, %broadcast_in_dim3A_218 : vector<8x512xi1>, vector<8x512xf32>
    %max3A_220 = arith.maximumf %max3A_205, %select_n3A_219 : vector<8x512xf32>
    %get3A_221 = arith.constant 0 : index
    %get3A_222 = arith.constant 120 : index
    %get3A_223 = arith.constant 0 : index
    %get3A_224 = vector.load %arg1[%get3A_221, %get3A_222, %get3A_223] : memref<1x512x512xf32, #tpu.memory_space<vmem>>, vector<1x8x512xf32>
    %get3A_225 = vector.shape_cast %get3A_224 : vector<1x8x512xf32> to vector<8x512xf32>
    %get3A_226 = arith.constant 120 : index
    %get3A_227 = arith.constant 0 : index
    %get3A_228 = vector.load %arg3[%get3A_226, %get3A_227] : memref<512x512xi32, #tpu.memory_space<vmem>>, vector<8x512xi32>
    %lt3A_229 = arith.constant 268435456 : i32
    %lt3A_230 = vector.broadcast %lt3A_229 : i32 to vector<8x512xi32>
    %lt3A_231 = arith.cmpi slt, %get3A_228, %lt3A_230 : vector<8x512xi32>
    %jit3A_232 = arith.constant -1.000000e+00 : f32
    %broadcast_in_dim3A_233 = vector.broadcast %jit3A_232 : f32 to vector<8x512xf32>
    %select_n3A_234 = arith.select %lt3A_231, %get3A_225, %broadcast_in_dim3A_233 : vector<8x512xi1>, vector<8x512xf32>
    %max3A_235 = arith.maximumf %max3A_220, %select_n3A_234 : vector<8x512xf32>
    %get3A_236 = arith.constant 0 : index
    %get3A_237 = arith.constant 128 : index
    %get3A_238 = arith.constant 0 : index
    %get3A_239 = vector.load %arg1[%get3A_236, %get3A_237, %get3A_238] : memref<1x512x512xf32, #tpu.memory_space<vmem>>, vector<1x8x512xf32>
    %get3A_240 = vector.shape_cast %get3A_239 : vector<1x8x512xf32> to vector<8x512xf32>
    %get3A_241 = arith.constant 128 : index
    %get3A_242 = arith.constant 0 : index
    %get3A_243 = vector.load %arg3[%get3A_241, %get3A_242] : memref<512x512xi32, #tpu.memory_space<vmem>>, vector<8x512xi32>
    %lt3A_244 = arith.constant 268435456 : i32
    %lt3A_245 = vector.broadcast %lt3A_244 : i32 to vector<8x512xi32>
    %lt3A_246 = arith.cmpi slt, %get3A_243, %lt3A_245 : vector<8x512xi32>
    %jit3A_247 = arith.constant -1.000000e+00 : f32
    %broadcast_in_dim3A_248 = vector.broadcast %jit3A_247 : f32 to vector<8x512xf32>
    %select_n3A_249 = arith.select %lt3A_246, %get3A_240, %broadcast_in_dim3A_248 : vector<8x512xi1>, vector<8x512xf32>
    %max3A_250 = arith.maximumf %max3A_235, %select_n3A_249 : vector<8x512xf32>
    %get3A_251 = arith.constant 0 : index
    %get3A_252 = arith.constant 136 : index
    %get3A_253 = arith.constant 0 : index
    %get3A_254 = vector.load %arg1[%get3A_251, %get3A_252, %get3A_253] : memref<1x512x512xf32, #tpu.memory_space<vmem>>, vector<1x8x512xf32>
    %get3A_255 = vector.shape_cast %get3A_254 : vector<1x8x512xf32> to vector<8x512xf32>
    %get3A_256 = arith.constant 136 : index
    %get3A_257 = arith.constant 0 : index
    %get3A_258 = vector.load %arg3[%get3A_256, %get3A_257] : memref<512x512xi32, #tpu.memory_space<vmem>>, vector<8x512xi32>
    %lt3A_259 = arith.constant 268435456 : i32
    %lt3A_260 = vector.broadcast %lt3A_259 : i32 to vector<8x512xi32>
    %lt3A_261 = arith.cmpi slt, %get3A_258, %lt3A_260 : vector<8x512xi32>
    %jit3A_262 = arith.constant -1.000000e+00 : f32
    %broadcast_in_dim3A_263 = vector.broadcast %jit3A_262 : f32 to vector<8x512xf32>
    %select_n3A_264 = arith.select %lt3A_261, %get3A_255, %broadcast_in_dim3A_263 : vector<8x512xi1>, vector<8x512xf32>
    %max3A_265 = arith.maximumf %max3A_250, %select_n3A_264 : vector<8x512xf32>
    %get3A_266 = arith.constant 0 : index
    %get3A_267 = arith.constant 144 : index
    %get3A_268 = arith.constant 0 : index
    %get3A_269 = vector.load %arg1[%get3A_266, %get3A_267, %get3A_268] : memref<1x512x512xf32, #tpu.memory_space<vmem>>, vector<1x8x512xf32>
    %get3A_270 = vector.shape_cast %get3A_269 : vector<1x8x512xf32> to vector<8x512xf32>
    %get3A_271 = arith.constant 144 : index
    %get3A_272 = arith.constant 0 : index
    %get3A_273 = vector.load %arg3[%get3A_271, %get3A_272] : memref<512x512xi32, #tpu.memory_space<vmem>>, vector<8x512xi32>
    %lt3A_274 = arith.constant 268435456 : i32
    %lt3A_275 = vector.broadcast %lt3A_274 : i32 to vector<8x512xi32>
    %lt3A_276 = arith.cmpi slt, %get3A_273, %lt3A_275 : vector<8x512xi32>
    %jit3A_277 = arith.constant -1.000000e+00 : f32
    %broadcast_in_dim3A_278 = vector.broadcast %jit3A_277 : f32 to vector<8x512xf32>
    %select_n3A_279 = arith.select %lt3A_276, %get3A_270, %broadcast_in_dim3A_278 : vector<8x512xi1>, vector<8x512xf32>
    %max3A_280 = arith.maximumf %max3A_265, %select_n3A_279 : vector<8x512xf32>
    %get3A_281 = arith.constant 0 : index
    %get3A_282 = arith.constant 152 : index
    %get3A_283 = arith.constant 0 : index
    %get3A_284 = vector.load %arg1[%get3A_281, %get3A_282, %get3A_283] : memref<1x512x512xf32, #tpu.memory_space<vmem>>, vector<1x8x512xf32>
    %get3A_285 = vector.shape_cast %get3A_284 : vector<1x8x512xf32> to vector<8x512xf32>
    %get3A_286 = arith.constant 152 : index
    %get3A_287 = arith.constant 0 : index
    %get3A_288 = vector.load %arg3[%get3A_286, %get3A_287] : memref<512x512xi32, #tpu.memory_space<vmem>>, vector<8x512xi32>
    %lt3A_289 = arith.constant 268435456 : i32
    %lt3A_290 = vector.broadcast %lt3A_289 : i32 to vector<8x512xi32>
    %lt3A_291 = arith.cmpi slt, %get3A_288, %lt3A_290 : vector<8x512xi32>
    %jit3A_292 = arith.constant -1.000000e+00 : f32
    %broadcast_in_dim3A_293 = vector.broadcast %jit3A_292 : f32 to vector<8x512xf32>
    %select_n3A_294 = arith.select %lt3A_291, %get3A_285, %broadcast_in_dim3A_293 : vector<8x512xi1>, vector<8x512xf32>
    %max3A_295 = arith.maximumf %max3A_280, %select_n3A_294 : vector<8x512xf32>
    %get3A_296 = arith.constant 0 : index
    %get3A_297 = arith.constant 160 : index
    %get3A_298 = arith.constant 0 : index
    %get3A_299 = vector.load %arg1[%get3A_296, %get3A_297, %get3A_298] : memref<1x512x512xf32, #tpu.memory_space<vmem>>, vector<1x8x512xf32>
    %get3A_300 = vector.shape_cast %get3A_299 : vector<1x8x512xf32> to vector<8x512xf32>
    %get3A_301 = arith.constant 160 : index
    %get3A_302 = arith.constant 0 : index
    %get3A_303 = vector.load %arg3[%get3A_301, %get3A_302] : memref<512x512xi32, #tpu.memory_space<vmem>>, vector<8x512xi32>
    %lt3A_304 = arith.constant 268435456 : i32
    %lt3A_305 = vector.broadcast %lt3A_304 : i32 to vector<8x512xi32>
    %lt3A_306 = arith.cmpi slt, %get3A_303, %lt3A_305 : vector<8x512xi32>
    %jit3A_307 = arith.constant -1.000000e+00 : f32
    %broadcast_in_dim3A_308 = vector.broadcast %jit3A_307 : f32 to vector<8x512xf32>
    %select_n3A_309 = arith.select %lt3A_306, %get3A_300, %broadcast_in_dim3A_308 : vector<8x512xi1>, vector<8x512xf32>
    %max3A_310 = arith.maximumf %max3A_295, %select_n3A_309 : vector<8x512xf32>
    %get3A_311 = arith.constant 0 : index
    %get3A_312 = arith.constant 168 : index
    %get3A_313 = arith.constant 0 : index
    %get3A_314 = vector.load %arg1[%get3A_311, %get3A_312, %get3A_313] : memref<1x512x512xf32, #tpu.memory_space<vmem>>, vector<1x8x512xf32>
    %get3A_315 = vector.shape_cast %get3A_314 : vector<1x8x512xf32> to vector<8x512xf32>
    %get3A_316 = arith.constant 168 : index
    %get3A_317 = arith.constant 0 : index
    %get3A_318 = vector.load %arg3[%get3A_316, %get3A_317] : memref<512x512xi32, #tpu.memory_space<vmem>>, vector<8x512xi32>
    %lt3A_319 = arith.constant 268435456 : i32
    %lt3A_320 = vector.broadcast %lt3A_319 : i32 to vector<8x512xi32>
    %lt3A_321 = arith.cmpi slt, %get3A_318, %lt3A_320 : vector<8x512xi32>
    %jit3A_322 = arith.constant -1.000000e+00 : f32
    %broadcast_in_dim3A_323 = vector.broadcast %jit3A_322 : f32 to vector<8x512xf32>
    %select_n3A_324 = arith.select %lt3A_321, %get3A_315, %broadcast_in_dim3A_323 : vector<8x512xi1>, vector<8x512xf32>
    %max3A_325 = arith.maximumf %max3A_310, %select_n3A_324 : vector<8x512xf32>
    %get3A_326 = arith.constant 0 : index
    %get3A_327 = arith.constant 176 : index
    %get3A_328 = arith.constant 0 : index
    %get3A_329 = vector.load %arg1[%get3A_326, %get3A_327, %get3A_328] : memref<1x512x512xf32, #tpu.memory_space<vmem>>, vector<1x8x512xf32>
    %get3A_330 = vector.shape_cast %get3A_329 : vector<1x8x512xf32> to vector<8x512xf32>
    %get3A_331 = arith.constant 176 : index
    %get3A_332 = arith.constant 0 : index
    %get3A_333 = vector.load %arg3[%get3A_331, %get3A_332] : memref<512x512xi32, #tpu.memory_space<vmem>>, vector<8x512xi32>
    %lt3A_334 = arith.constant 268435456 : i32
    %lt3A_335 = vector.broadcast %lt3A_334 : i32 to vector<8x512xi32>
    %lt3A_336 = arith.cmpi slt, %get3A_333, %lt3A_335 : vector<8x512xi32>
    %jit3A_337 = arith.constant -1.000000e+00 : f32
    %broadcast_in_dim3A_338 = vector.broadcast %jit3A_337 : f32 to vector<8x512xf32>
    %select_n3A_339 = arith.select %lt3A_336, %get3A_330, %broadcast_in_dim3A_338 : vector<8x512xi1>, vector<8x512xf32>
    %max3A_340 = arith.maximumf %max3A_325, %select_n3A_339 : vector<8x512xf32>
    %get3A_341 = arith.constant 0 : index
    %get3A_342 = arith.constant 184 : index
    %get3A_343 = arith.constant 0 : index
    %get3A_344 = vector.load %arg1[%get3A_341, %get3A_342, %get3A_343] : memref<1x512x512xf32, #tpu.memory_space<vmem>>, vector<1x8x512xf32>
    %get3A_345 = vector.shape_cast %get3A_344 : vector<1x8x512xf32> to vector<8x512xf32>
    %get3A_346 = arith.constant 184 : index
    %get3A_347 = arith.constant 0 : index
    %get3A_348 = vector.load %arg3[%get3A_346, %get3A_347] : memref<512x512xi32, #tpu.memory_space<vmem>>, vector<8x512xi32>
    %lt3A_349 = arith.constant 268435456 : i32
    %lt3A_350 = vector.broadcast %lt3A_349 : i32 to vector<8x512xi32>
    %lt3A_351 = arith.cmpi slt, %get3A_348, %lt3A_350 : vector<8x512xi32>
    %jit3A_352 = arith.constant -1.000000e+00 : f32
    %broadcast_in_dim3A_353 = vector.broadcast %jit3A_352 : f32 to vector<8x512xf32>
    %select_n3A_354 = arith.select %lt3A_351, %get3A_345, %broadcast_in_dim3A_353 : vector<8x512xi1>, vector<8x512xf32>
    %max3A_355 = arith.maximumf %max3A_340, %select_n3A_354 : vector<8x512xf32>
    %get3A_356 = arith.constant 0 : index
    %get3A_357 = arith.constant 192 : index
    %get3A_358 = arith.constant 0 : index
    %get3A_359 = vector.load %arg1[%get3A_356, %get3A_357, %get3A_358] : memref<1x512x512xf32, #tpu.memory_space<vmem>>, vector<1x8x512xf32>
    %get3A_360 = vector.shape_cast %get3A_359 : vector<1x8x512xf32> to vector<8x512xf32>
    %get3A_361 = arith.constant 192 : index
    %get3A_362 = arith.constant 0 : index
    %get3A_363 = vector.load %arg3[%get3A_361, %get3A_362] : memref<512x512xi32, #tpu.memory_space<vmem>>, vector<8x512xi32>
    %lt3A_364 = arith.constant 268435456 : i32
    %lt3A_365 = vector.broadcast %lt3A_364 : i32 to vector<8x512xi32>
    %lt3A_366 = arith.cmpi slt, %get3A_363, %lt3A_365 : vector<8x512xi32>
    %jit3A_367 = arith.constant -1.000000e+00 : f32
    %broadcast_in_dim3A_368 = vector.broadcast %jit3A_367 : f32 to vector<8x512xf32>
    %select_n3A_369 = arith.select %lt3A_366, %get3A_360, %broadcast_in_dim3A_368 : vector<8x512xi1>, vector<8x512xf32>
    %max3A_370 = arith.maximumf %max3A_355, %select_n3A_369 : vector<8x512xf32>
    %get3A_371 = arith.constant 0 : index
    %get3A_372 = arith.constant 200 : index
    %get3A_373 = arith.constant 0 : index
    %get3A_374 = vector.load %arg1[%get3A_371, %get3A_372, %get3A_373] : memref<1x512x512xf32, #tpu.memory_space<vmem>>, vector<1x8x512xf32>
    %get3A_375 = vector.shape_cast %get3A_374 : vector<1x8x512xf32> to vector<8x512xf32>
    %get3A_376 = arith.constant 200 : index
    %get3A_377 = arith.constant 0 : index
    %get3A_378 = vector.load %arg3[%get3A_376, %get3A_377] : memref<512x512xi32, #tpu.memory_space<vmem>>, vector<8x512xi32>
    %lt3A_379 = arith.constant 268435456 : i32
    %lt3A_380 = vector.broadcast %lt3A_379 : i32 to vector<8x512xi32>
    %lt3A_381 = arith.cmpi slt, %get3A_378, %lt3A_380 : vector<8x512xi32>
    %jit3A_382 = arith.constant -1.000000e+00 : f32
    %broadcast_in_dim3A_383 = vector.broadcast %jit3A_382 : f32 to vector<8x512xf32>
    %select_n3A_384 = arith.select %lt3A_381, %get3A_375, %broadcast_in_dim3A_383 : vector<8x512xi1>, vector<8x512xf32>
    %max3A_385 = arith.maximumf %max3A_370, %select_n3A_384 : vector<8x512xf32>
    %get3A_386 = arith.constant 0 : index
    %get3A_387 = arith.constant 208 : index
    %get3A_388 = arith.constant 0 : index
    %get3A_389 = vector.load %arg1[%get3A_386, %get3A_387, %get3A_388] : memref<1x512x512xf32, #tpu.memory_space<vmem>>, vector<1x8x512xf32>
    %get3A_390 = vector.shape_cast %get3A_389 : vector<1x8x512xf32> to vector<8x512xf32>
    %get3A_391 = arith.constant 208 : index
    %get3A_392 = arith.constant 0 : index
    %get3A_393 = vector.load %arg3[%get3A_391, %get3A_392] : memref<512x512xi32, #tpu.memory_space<vmem>>, vector<8x512xi32>
    %lt3A_394 = arith.constant 268435456 : i32
    %lt3A_395 = vector.broadcast %lt3A_394 : i32 to vector<8x512xi32>
    %lt3A_396 = arith.cmpi slt, %get3A_393, %lt3A_395 : vector<8x512xi32>
    %jit3A_397 = arith.constant -1.000000e+00 : f32
    %broadcast_in_dim3A_398 = vector.broadcast %jit3A_397 : f32 to vector<8x512xf32>
    %select_n3A_399 = arith.select %lt3A_396, %get3A_390, %broadcast_in_dim3A_398 : vector<8x512xi1>, vector<8x512xf32>
    %max3A_400 = arith.maximumf %max3A_385, %select_n3A_399 : vector<8x512xf32>
    %get3A_401 = arith.constant 0 : index
    %get3A_402 = arith.constant 216 : index
    %get3A_403 = arith.constant 0 : index
    %get3A_404 = vector.load %arg1[%get3A_401, %get3A_402, %get3A_403] : memref<1x512x512xf32, #tpu.memory_space<vmem>>, vector<1x8x512xf32>
    %get3A_405 = vector.shape_cast %get3A_404 : vector<1x8x512xf32> to vector<8x512xf32>
    %get3A_406 = arith.constant 216 : index
    %get3A_407 = arith.constant 0 : index
    %get3A_408 = vector.load %arg3[%get3A_406, %get3A_407] : memref<512x512xi32, #tpu.memory_space<vmem>>, vector<8x512xi32>
    %lt3A_409 = arith.constant 268435456 : i32
    %lt3A_410 = vector.broadcast %lt3A_409 : i32 to vector<8x512xi32>
    %lt3A_411 = arith.cmpi slt, %get3A_408, %lt3A_410 : vector<8x512xi32>
    %jit3A_412 = arith.constant -1.000000e+00 : f32
    %broadcast_in_dim3A_413 = vector.broadcast %jit3A_412 : f32 to vector<8x512xf32>
    %select_n3A_414 = arith.select %lt3A_411, %get3A_405, %broadcast_in_dim3A_413 : vector<8x512xi1>, vector<8x512xf32>
    %max3A_415 = arith.maximumf %max3A_400, %select_n3A_414 : vector<8x512xf32>
    %get3A_416 = arith.constant 0 : index
    %get3A_417 = arith.constant 224 : index
    %get3A_418 = arith.constant 0 : index
    %get3A_419 = vector.load %arg1[%get3A_416, %get3A_417, %get3A_418] : memref<1x512x512xf32, #tpu.memory_space<vmem>>, vector<1x8x512xf32>
    %get3A_420 = vector.shape_cast %get3A_419 : vector<1x8x512xf32> to vector<8x512xf32>
    %get3A_421 = arith.constant 224 : index
    %get3A_422 = arith.constant 0 : index
    %get3A_423 = vector.load %arg3[%get3A_421, %get3A_422] : memref<512x512xi32, #tpu.memory_space<vmem>>, vector<8x512xi32>
    %lt3A_424 = arith.constant 268435456 : i32
    %lt3A_425 = vector.broadcast %lt3A_424 : i32 to vector<8x512xi32>
    %lt3A_426 = arith.cmpi slt, %get3A_423, %lt3A_425 : vector<8x512xi32>
    %jit3A_427 = arith.constant -1.000000e+00 : f32
    %broadcast_in_dim3A_428 = vector.broadcast %jit3A_427 : f32 to vector<8x512xf32>
    %select_n3A_429 = arith.select %lt3A_426, %get3A_420, %broadcast_in_dim3A_428 : vector<8x512xi1>, vector<8x512xf32>
    %max3A_430 = arith.maximumf %max3A_415, %select_n3A_429 : vector<8x512xf32>
    %get3A_431 = arith.constant 0 : index
    %get3A_432 = arith.constant 232 : index
    %get3A_433 = arith.constant 0 : index
    %get3A_434 = vector.load %arg1[%get3A_431, %get3A_432, %get3A_433] : memref<1x512x512xf32, #tpu.memory_space<vmem>>, vector<1x8x512xf32>
    %get3A_435 = vector.shape_cast %get3A_434 : vector<1x8x512xf32> to vector<8x512xf32>
    %get3A_436 = arith.constant 232 : index
    %get3A_437 = arith.constant 0 : index
    %get3A_438 = vector.load %arg3[%get3A_436, %get3A_437] : memref<512x512xi32, #tpu.memory_space<vmem>>, vector<8x512xi32>
    %lt3A_439 = arith.constant 268435456 : i32
    %lt3A_440 = vector.broadcast %lt3A_439 : i32 to vector<8x512xi32>
    %lt3A_441 = arith.cmpi slt, %get3A_438, %lt3A_440 : vector<8x512xi32>
    %jit3A_442 = arith.constant -1.000000e+00 : f32
    %broadcast_in_dim3A_443 = vector.broadcast %jit3A_442 : f32 to vector<8x512xf32>
    %select_n3A_444 = arith.select %lt3A_441, %get3A_435, %broadcast_in_dim3A_443 : vector<8x512xi1>, vector<8x512xf32>
    %max3A_445 = arith.maximumf %max3A_430, %select_n3A_444 : vector<8x512xf32>
    %get3A_446 = arith.constant 0 : index
    %get3A_447 = arith.constant 240 : index
    %get3A_448 = arith.constant 0 : index
    %get3A_449 = vector.load %arg1[%get3A_446, %get3A_447, %get3A_448] : memref<1x512x512xf32, #tpu.memory_space<vmem>>, vector<1x8x512xf32>
    %get3A_450 = vector.shape_cast %get3A_449 : vector<1x8x512xf32> to vector<8x512xf32>
    %get3A_451 = arith.constant 240 : index
    %get3A_452 = arith.constant 0 : index
    %get3A_453 = vector.load %arg3[%get3A_451, %get3A_452] : memref<512x512xi32, #tpu.memory_space<vmem>>, vector<8x512xi32>
    %lt3A_454 = arith.constant 268435456 : i32
    %lt3A_455 = vector.broadcast %lt3A_454 : i32 to vector<8x512xi32>
    %lt3A_456 = arith.cmpi slt, %get3A_453, %lt3A_455 : vector<8x512xi32>
    %jit3A_457 = arith.constant -1.000000e+00 : f32
    %broadcast_in_dim3A_458 = vector.broadcast %jit3A_457 : f32 to vector<8x512xf32>
    %select_n3A_459 = arith.select %lt3A_456, %get3A_450, %broadcast_in_dim3A_458 : vector<8x512xi1>, vector<8x512xf32>
    %max3A_460 = arith.maximumf %max3A_445, %select_n3A_459 : vector<8x512xf32>
    %get3A_461 = arith.constant 0 : index
    %get3A_462 = arith.constant 248 : index
    %get3A_463 = arith.constant 0 : index
    %get3A_464 = vector.load %arg1[%get3A_461, %get3A_462, %get3A_463] : memref<1x512x512xf32, #tpu.memory_space<vmem>>, vector<1x8x512xf32>
    %get3A_465 = vector.shape_cast %get3A_464 : vector<1x8x512xf32> to vector<8x512xf32>
    %get3A_466 = arith.constant 248 : index
    %get3A_467 = arith.constant 0 : index
    %get3A_468 = vector.load %arg3[%get3A_466, %get3A_467] : memref<512x512xi32, #tpu.memory_space<vmem>>, vector<8x512xi32>
    %lt3A_469 = arith.constant 268435456 : i32
    %lt3A_470 = vector.broadcast %lt3A_469 : i32 to vector<8x512xi32>
    %lt3A_471 = arith.cmpi slt, %get3A_468, %lt3A_470 : vector<8x512xi32>
    %jit3A_472 = arith.constant -1.000000e+00 : f32
    %broadcast_in_dim3A_473 = vector.broadcast %jit3A_472 : f32 to vector<8x512xf32>
    %select_n3A_474 = arith.select %lt3A_471, %get3A_465, %broadcast_in_dim3A_473 : vector<8x512xi1>, vector<8x512xf32>
    %max3A_475 = arith.maximumf %max3A_460, %select_n3A_474 : vector<8x512xf32>
    %get3A_476 = arith.constant 0 : index
    %get3A_477 = arith.constant 256 : index
    %get3A_478 = arith.constant 0 : index
    %get3A_479 = vector.load %arg1[%get3A_476, %get3A_477, %get3A_478] : memref<1x512x512xf32, #tpu.memory_space<vmem>>, vector<1x8x512xf32>
    %get3A_480 = vector.shape_cast %get3A_479 : vector<1x8x512xf32> to vector<8x512xf32>
    %get3A_481 = arith.constant 256 : index
    %get3A_482 = arith.constant 0 : index
    %get3A_483 = vector.load %arg3[%get3A_481, %get3A_482] : memref<512x512xi32, #tpu.memory_space<vmem>>, vector<8x512xi32>
    %lt3A_484 = arith.constant 268435456 : i32
    %lt3A_485 = vector.broadcast %lt3A_484 : i32 to vector<8x512xi32>
    %lt3A_486 = arith.cmpi slt, %get3A_483, %lt3A_485 : vector<8x512xi32>
    %jit3A_487 = arith.constant -1.000000e+00 : f32
    %broadcast_in_dim3A_488 = vector.broadcast %jit3A_487 : f32 to vector<8x512xf32>
    %select_n3A_489 = arith.select %lt3A_486, %get3A_480, %broadcast_in_dim3A_488 : vector<8x512xi1>, vector<8x512xf32>
    %max3A_490 = arith.maximumf %max3A_475, %select_n3A_489 : vector<8x512xf32>
    %get3A_491 = arith.constant 0 : index
    %get3A_492 = arith.constant 264 : index
    %get3A_493 = arith.constant 0 : index
    %get3A_494 = vector.load %arg1[%get3A_491, %get3A_492, %get3A_493] : memref<1x512x512xf32, #tpu.memory_space<vmem>>, vector<1x8x512xf32>
    %get3A_495 = vector.shape_cast %get3A_494 : vector<1x8x512xf32> to vector<8x512xf32>
    %get3A_496 = arith.constant 264 : index
    %get3A_497 = arith.constant 0 : index
    %get3A_498 = vector.load %arg3[%get3A_496, %get3A_497] : memref<512x512xi32, #tpu.memory_space<vmem>>, vector<8x512xi32>
    %lt3A_499 = arith.constant 268435456 : i32
    %lt3A_500 = vector.broadcast %lt3A_499 : i32 to vector<8x512xi32>
    %lt3A_501 = arith.cmpi slt, %get3A_498, %lt3A_500 : vector<8x512xi32>
    %jit3A_502 = arith.constant -1.000000e+00 : f32
    %broadcast_in_dim3A_503 = vector.broadcast %jit3A_502 : f32 to vector<8x512xf32>
    %select_n3A_504 = arith.select %lt3A_501, %get3A_495, %broadcast_in_dim3A_503 : vector<8x512xi1>, vector<8x512xf32>
    %max3A_505 = arith.maximumf %max3A_490, %select_n3A_504 : vector<8x512xf32>
    %get3A_506 = arith.constant 0 : index
    %get3A_507 = arith.constant 272 : index
    %get3A_508 = arith.constant 0 : index
    %get3A_509 = vector.load %arg1[%get3A_506, %get3A_507, %get3A_508] : memref<1x512x512xf32, #tpu.memory_space<vmem>>, vector<1x8x512xf32>
    %get3A_510 = vector.shape_cast %get3A_509 : vector<1x8x512xf32> to vector<8x512xf32>
    %get3A_511 = arith.constant 272 : index
    %get3A_512 = arith.constant 0 : index
    %get3A_513 = vector.load %arg3[%get3A_511, %get3A_512] : memref<512x512xi32, #tpu.memory_space<vmem>>, vector<8x512xi32>
    %lt3A_514 = arith.constant 268435456 : i32
    %lt3A_515 = vector.broadcast %lt3A_514 : i32 to vector<8x512xi32>
    %lt3A_516 = arith.cmpi slt, %get3A_513, %lt3A_515 : vector<8x512xi32>
    %jit3A_517 = arith.constant -1.000000e+00 : f32
    %broadcast_in_dim3A_518 = vector.broadcast %jit3A_517 : f32 to vector<8x512xf32>
    %select_n3A_519 = arith.select %lt3A_516, %get3A_510, %broadcast_in_dim3A_518 : vector<8x512xi1>, vector<8x512xf32>
    %max3A_520 = arith.maximumf %max3A_505, %select_n3A_519 : vector<8x512xf32>
    %get3A_521 = arith.constant 0 : index
    %get3A_522 = arith.constant 280 : index
    %get3A_523 = arith.constant 0 : index
    %get3A_524 = vector.load %arg1[%get3A_521, %get3A_522, %get3A_523] : memref<1x512x512xf32, #tpu.memory_space<vmem>>, vector<1x8x512xf32>
    %get3A_525 = vector.shape_cast %get3A_524 : vector<1x8x512xf32> to vector<8x512xf32>
    %get3A_526 = arith.constant 280 : index
    %get3A_527 = arith.constant 0 : index
    %get3A_528 = vector.load %arg3[%get3A_526, %get3A_527] : memref<512x512xi32, #tpu.memory_space<vmem>>, vector<8x512xi32>
    %lt3A_529 = arith.constant 268435456 : i32
    %lt3A_530 = vector.broadcast %lt3A_529 : i32 to vector<8x512xi32>
    %lt3A_531 = arith.cmpi slt, %get3A_528, %lt3A_530 : vector<8x512xi32>
    %jit3A_532 = arith.constant -1.000000e+00 : f32
    %broadcast_in_dim3A_533 = vector.broadcast %jit3A_532 : f32 to vector<8x512xf32>
    %select_n3A_534 = arith.select %lt3A_531, %get3A_525, %broadcast_in_dim3A_533 : vector<8x512xi1>, vector<8x512xf32>
    %max3A_535 = arith.maximumf %max3A_520, %select_n3A_534 : vector<8x512xf32>
    %get3A_536 = arith.constant 0 : index
    %get3A_537 = arith.constant 288 : index
    %get3A_538 = arith.constant 0 : index
    %get3A_539 = vector.load %arg1[%get3A_536, %get3A_537, %get3A_538] : memref<1x512x512xf32, #tpu.memory_space<vmem>>, vector<1x8x512xf32>
    %get3A_540 = vector.shape_cast %get3A_539 : vector<1x8x512xf32> to vector<8x512xf32>
    %get3A_541 = arith.constant 288 : index
    %get3A_542 = arith.constant 0 : index
    %get3A_543 = vector.load %arg3[%get3A_541, %get3A_542] : memref<512x512xi32, #tpu.memory_space<vmem>>, vector<8x512xi32>
    %lt3A_544 = arith.constant 268435456 : i32
    %lt3A_545 = vector.broadcast %lt3A_544 : i32 to vector<8x512xi32>
    %lt3A_546 = arith.cmpi slt, %get3A_543, %lt3A_545 : vector<8x512xi32>
    %jit3A_547 = arith.constant -1.000000e+00 : f32
    %broadcast_in_dim3A_548 = vector.broadcast %jit3A_547 : f32 to vector<8x512xf32>
    %select_n3A_549 = arith.select %lt3A_546, %get3A_540, %broadcast_in_dim3A_548 : vector<8x512xi1>, vector<8x512xf32>
    %max3A_550 = arith.maximumf %max3A_535, %select_n3A_549 : vector<8x512xf32>
    %get3A_551 = arith.constant 0 : index
    %get3A_552 = arith.constant 296 : index
    %get3A_553 = arith.constant 0 : index
    %get3A_554 = vector.load %arg1[%get3A_551, %get3A_552, %get3A_553] : memref<1x512x512xf32, #tpu.memory_space<vmem>>, vector<1x8x512xf32>
    %get3A_555 = vector.shape_cast %get3A_554 : vector<1x8x512xf32> to vector<8x512xf32>
    %get3A_556 = arith.constant 296 : index
    %get3A_557 = arith.constant 0 : index
    %get3A_558 = vector.load %arg3[%get3A_556, %get3A_557] : memref<512x512xi32, #tpu.memory_space<vmem>>, vector<8x512xi32>
    %lt3A_559 = arith.constant 268435456 : i32
    %lt3A_560 = vector.broadcast %lt3A_559 : i32 to vector<8x512xi32>
    %lt3A_561 = arith.cmpi slt, %get3A_558, %lt3A_560 : vector<8x512xi32>
    %jit3A_562 = arith.constant -1.000000e+00 : f32
    %broadcast_in_dim3A_563 = vector.broadcast %jit3A_562 : f32 to vector<8x512xf32>
    %select_n3A_564 = arith.select %lt3A_561, %get3A_555, %broadcast_in_dim3A_563 : vector<8x512xi1>, vector<8x512xf32>
    %max3A_565 = arith.maximumf %max3A_550, %select_n3A_564 : vector<8x512xf32>
    %get3A_566 = arith.constant 0 : index
    %get3A_567 = arith.constant 304 : index
    %get3A_568 = arith.constant 0 : index
    %get3A_569 = vector.load %arg1[%get3A_566, %get3A_567, %get3A_568] : memref<1x512x512xf32, #tpu.memory_space<vmem>>, vector<1x8x512xf32>
    %get3A_570 = vector.shape_cast %get3A_569 : vector<1x8x512xf32> to vector<8x512xf32>
    %get3A_571 = arith.constant 304 : index
    %get3A_572 = arith.constant 0 : index
    %get3A_573 = vector.load %arg3[%get3A_571, %get3A_572] : memref<512x512xi32, #tpu.memory_space<vmem>>, vector<8x512xi32>
    %lt3A_574 = arith.constant 268435456 : i32
    %lt3A_575 = vector.broadcast %lt3A_574 : i32 to vector<8x512xi32>
    %lt3A_576 = arith.cmpi slt, %get3A_573, %lt3A_575 : vector<8x512xi32>
    %jit3A_577 = arith.constant -1.000000e+00 : f32
    %broadcast_in_dim3A_578 = vector.broadcast %jit3A_577 : f32 to vector<8x512xf32>
    %select_n3A_579 = arith.select %lt3A_576, %get3A_570, %broadcast_in_dim3A_578 : vector<8x512xi1>, vector<8x512xf32>
    %max3A_580 = arith.maximumf %max3A_565, %select_n3A_579 : vector<8x512xf32>
    %get3A_581 = arith.constant 0 : index
    %get3A_582 = arith.constant 312 : index
    %get3A_583 = arith.constant 0 : index
    %get3A_584 = vector.load %arg1[%get3A_581, %get3A_582, %get3A_583] : memref<1x512x512xf32, #tpu.memory_space<vmem>>, vector<1x8x512xf32>
    %get3A_585 = vector.shape_cast %get3A_584 : vector<1x8x512xf32> to vector<8x512xf32>
    %get3A_586 = arith.constant 312 : index
    %get3A_587 = arith.constant 0 : index
    %get3A_588 = vector.load %arg3[%get3A_586, %get3A_587] : memref<512x512xi32, #tpu.memory_space<vmem>>, vector<8x512xi32>
    %lt3A_589 = arith.constant 268435456 : i32
    %lt3A_590 = vector.broadcast %lt3A_589 : i32 to vector<8x512xi32>
    %lt3A_591 = arith.cmpi slt, %get3A_588, %lt3A_590 : vector<8x512xi32>
    %jit3A_592 = arith.constant -1.000000e+00 : f32
    %broadcast_in_dim3A_593 = vector.broadcast %jit3A_592 : f32 to vector<8x512xf32>
    %select_n3A_594 = arith.select %lt3A_591, %get3A_585, %broadcast_in_dim3A_593 : vector<8x512xi1>, vector<8x512xf32>
    %max3A_595 = arith.maximumf %max3A_580, %select_n3A_594 : vector<8x512xf32>
    %get3A_596 = arith.constant 0 : index
    %get3A_597 = arith.constant 320 : index
    %get3A_598 = arith.constant 0 : index
    %get3A_599 = vector.load %arg1[%get3A_596, %get3A_597, %get3A_598] : memref<1x512x512xf32, #tpu.memory_space<vmem>>, vector<1x8x512xf32>
    %get3A_600 = vector.shape_cast %get3A_599 : vector<1x8x512xf32> to vector<8x512xf32>
    %get3A_601 = arith.constant 320 : index
    %get3A_602 = arith.constant 0 : index
    %get3A_603 = vector.load %arg3[%get3A_601, %get3A_602] : memref<512x512xi32, #tpu.memory_space<vmem>>, vector<8x512xi32>
    %lt3A_604 = arith.constant 268435456 : i32
    %lt3A_605 = vector.broadcast %lt3A_604 : i32 to vector<8x512xi32>
    %lt3A_606 = arith.cmpi slt, %get3A_603, %lt3A_605 : vector<8x512xi32>
    %jit3A_607 = arith.constant -1.000000e+00 : f32
    %broadcast_in_dim3A_608 = vector.broadcast %jit3A_607 : f32 to vector<8x512xf32>
    %select_n3A_609 = arith.select %lt3A_606, %get3A_600, %broadcast_in_dim3A_608 : vector<8x512xi1>, vector<8x512xf32>
    %max3A_610 = arith.maximumf %max3A_595, %select_n3A_609 : vector<8x512xf32>
    %get3A_611 = arith.constant 0 : index
    %get3A_612 = arith.constant 328 : index
    %get3A_613 = arith.constant 0 : index
    %get3A_614 = vector.load %arg1[%get3A_611, %get3A_612, %get3A_613] : memref<1x512x512xf32, #tpu.memory_space<vmem>>, vector<1x8x512xf32>
    %get3A_615 = vector.shape_cast %get3A_614 : vector<1x8x512xf32> to vector<8x512xf32>
    %get3A_616 = arith.constant 328 : index
    %get3A_617 = arith.constant 0 : index
    %get3A_618 = vector.load %arg3[%get3A_616, %get3A_617] : memref<512x512xi32, #tpu.memory_space<vmem>>, vector<8x512xi32>
    %lt3A_619 = arith.constant 268435456 : i32
    %lt3A_620 = vector.broadcast %lt3A_619 : i32 to vector<8x512xi32>
    %lt3A_621 = arith.cmpi slt, %get3A_618, %lt3A_620 : vector<8x512xi32>
    %jit3A_622 = arith.constant -1.000000e+00 : f32
    %broadcast_in_dim3A_623 = vector.broadcast %jit3A_622 : f32 to vector<8x512xf32>
    %select_n3A_624 = arith.select %lt3A_621, %get3A_615, %broadcast_in_dim3A_623 : vector<8x512xi1>, vector<8x512xf32>
    %max3A_625 = arith.maximumf %max3A_610, %select_n3A_624 : vector<8x512xf32>
    %get3A_626 = arith.constant 0 : index
    %get3A_627 = arith.constant 336 : index
    %get3A_628 = arith.constant 0 : index
    %get3A_629 = vector.load %arg1[%get3A_626, %get3A_627, %get3A_628] : memref<1x512x512xf32, #tpu.memory_space<vmem>>, vector<1x8x512xf32>
    %get3A_630 = vector.shape_cast %get3A_629 : vector<1x8x512xf32> to vector<8x512xf32>
    %get3A_631 = arith.constant 336 : index
    %get3A_632 = arith.constant 0 : index
    %get3A_633 = vector.load %arg3[%get3A_631, %get3A_632] : memref<512x512xi32, #tpu.memory_space<vmem>>, vector<8x512xi32>
    %lt3A_634 = arith.constant 268435456 : i32
    %lt3A_635 = vector.broadcast %lt3A_634 : i32 to vector<8x512xi32>
    %lt3A_636 = arith.cmpi slt, %get3A_633, %lt3A_635 : vector<8x512xi32>
    %jit3A_637 = arith.constant -1.000000e+00 : f32
    %broadcast_in_dim3A_638 = vector.broadcast %jit3A_637 : f32 to vector<8x512xf32>
    %select_n3A_639 = arith.select %lt3A_636, %get3A_630, %broadcast_in_dim3A_638 : vector<8x512xi1>, vector<8x512xf32>
    %max3A_640 = arith.maximumf %max3A_625, %select_n3A_639 : vector<8x512xf32>
    %get3A_641 = arith.constant 0 : index
    %get3A_642 = arith.constant 344 : index
    %get3A_643 = arith.constant 0 : index
    %get3A_644 = vector.load %arg1[%get3A_641, %get3A_642, %get3A_643] : memref<1x512x512xf32, #tpu.memory_space<vmem>>, vector<1x8x512xf32>
    %get3A_645 = vector.shape_cast %get3A_644 : vector<1x8x512xf32> to vector<8x512xf32>
    %get3A_646 = arith.constant 344 : index
    %get3A_647 = arith.constant 0 : index
    %get3A_648 = vector.load %arg3[%get3A_646, %get3A_647] : memref<512x512xi32, #tpu.memory_space<vmem>>, vector<8x512xi32>
    %lt3A_649 = arith.constant 268435456 : i32
    %lt3A_650 = vector.broadcast %lt3A_649 : i32 to vector<8x512xi32>
    %lt3A_651 = arith.cmpi slt, %get3A_648, %lt3A_650 : vector<8x512xi32>
    %jit3A_652 = arith.constant -1.000000e+00 : f32
    %broadcast_in_dim3A_653 = vector.broadcast %jit3A_652 : f32 to vector<8x512xf32>
    %select_n3A_654 = arith.select %lt3A_651, %get3A_645, %broadcast_in_dim3A_653 : vector<8x512xi1>, vector<8x512xf32>
    %max3A_655 = arith.maximumf %max3A_640, %select_n3A_654 : vector<8x512xf32>
    %get3A_656 = arith.constant 0 : index
    %get3A_657 = arith.constant 352 : index
    %get3A_658 = arith.constant 0 : index
    %get3A_659 = vector.load %arg1[%get3A_656, %get3A_657, %get3A_658] : memref<1x512x512xf32, #tpu.memory_space<vmem>>, vector<1x8x512xf32>
    %get3A_660 = vector.shape_cast %get3A_659 : vector<1x8x512xf32> to vector<8x512xf32>
    %get3A_661 = arith.constant 352 : index
    %get3A_662 = arith.constant 0 : index
    %get3A_663 = vector.load %arg3[%get3A_661, %get3A_662] : memref<512x512xi32, #tpu.memory_space<vmem>>, vector<8x512xi32>
    %lt3A_664 = arith.constant 268435456 : i32
    %lt3A_665 = vector.broadcast %lt3A_664 : i32 to vector<8x512xi32>
    %lt3A_666 = arith.cmpi slt, %get3A_663, %lt3A_665 : vector<8x512xi32>
    %jit3A_667 = arith.constant -1.000000e+00 : f32
    %broadcast_in_dim3A_668 = vector.broadcast %jit3A_667 : f32 to vector<8x512xf32>
    %select_n3A_669 = arith.select %lt3A_666, %get3A_660, %broadcast_in_dim3A_668 : vector<8x512xi1>, vector<8x512xf32>
    %max3A_670 = arith.maximumf %max3A_655, %select_n3A_669 : vector<8x512xf32>
    %get3A_671 = arith.constant 0 : index
    %get3A_672 = arith.constant 360 : index
    %get3A_673 = arith.constant 0 : index
    %get3A_674 = vector.load %arg1[%get3A_671, %get3A_672, %get3A_673] : memref<1x512x512xf32, #tpu.memory_space<vmem>>, vector<1x8x512xf32>
    %get3A_675 = vector.shape_cast %get3A_674 : vector<1x8x512xf32> to vector<8x512xf32>
    %get3A_676 = arith.constant 360 : index
    %get3A_677 = arith.constant 0 : index
    %get3A_678 = vector.load %arg3[%get3A_676, %get3A_677] : memref<512x512xi32, #tpu.memory_space<vmem>>, vector<8x512xi32>
    %lt3A_679 = arith.constant 268435456 : i32
    %lt3A_680 = vector.broadcast %lt3A_679 : i32 to vector<8x512xi32>
    %lt3A_681 = arith.cmpi slt, %get3A_678, %lt3A_680 : vector<8x512xi32>
    %jit3A_682 = arith.constant -1.000000e+00 : f32
    %broadcast_in_dim3A_683 = vector.broadcast %jit3A_682 : f32 to vector<8x512xf32>
    %select_n3A_684 = arith.select %lt3A_681, %get3A_675, %broadcast_in_dim3A_683 : vector<8x512xi1>, vector<8x512xf32>
    %max3A_685 = arith.maximumf %max3A_670, %select_n3A_684 : vector<8x512xf32>
    %get3A_686 = arith.constant 0 : index
    %get3A_687 = arith.constant 368 : index
    %get3A_688 = arith.constant 0 : index
    %get3A_689 = vector.load %arg1[%get3A_686, %get3A_687, %get3A_688] : memref<1x512x512xf32, #tpu.memory_space<vmem>>, vector<1x8x512xf32>
    %get3A_690 = vector.shape_cast %get3A_689 : vector<1x8x512xf32> to vector<8x512xf32>
    %get3A_691 = arith.constant 368 : index
    %get3A_692 = arith.constant 0 : index
    %get3A_693 = vector.load %arg3[%get3A_691, %get3A_692] : memref<512x512xi32, #tpu.memory_space<vmem>>, vector<8x512xi32>
    %lt3A_694 = arith.constant 268435456 : i32
    %lt3A_695 = vector.broadcast %lt3A_694 : i32 to vector<8x512xi32>
    %lt3A_696 = arith.cmpi slt, %get3A_693, %lt3A_695 : vector<8x512xi32>
    %jit3A_697 = arith.constant -1.000000e+00 : f32
    %broadcast_in_dim3A_698 = vector.broadcast %jit3A_697 : f32 to vector<8x512xf32>
    %select_n3A_699 = arith.select %lt3A_696, %get3A_690, %broadcast_in_dim3A_698 : vector<8x512xi1>, vector<8x512xf32>
    %max3A_700 = arith.maximumf %max3A_685, %select_n3A_699 : vector<8x512xf32>
    %get3A_701 = arith.constant 0 : index
    %get3A_702 = arith.constant 376 : index
    %get3A_703 = arith.constant 0 : index
    %get3A_704 = vector.load %arg1[%get3A_701, %get3A_702, %get3A_703] : memref<1x512x512xf32, #tpu.memory_space<vmem>>, vector<1x8x512xf32>
    %get3A_705 = vector.shape_cast %get3A_704 : vector<1x8x512xf32> to vector<8x512xf32>
    %get3A_706 = arith.constant 376 : index
    %get3A_707 = arith.constant 0 : index
    %get3A_708 = vector.load %arg3[%get3A_706, %get3A_707] : memref<512x512xi32, #tpu.memory_space<vmem>>, vector<8x512xi32>
    %lt3A_709 = arith.constant 268435456 : i32
    %lt3A_710 = vector.broadcast %lt3A_709 : i32 to vector<8x512xi32>
    %lt3A_711 = arith.cmpi slt, %get3A_708, %lt3A_710 : vector<8x512xi32>
    %jit3A_712 = arith.constant -1.000000e+00 : f32
    %broadcast_in_dim3A_713 = vector.broadcast %jit3A_712 : f32 to vector<8x512xf32>
    %select_n3A_714 = arith.select %lt3A_711, %get3A_705, %broadcast_in_dim3A_713 : vector<8x512xi1>, vector<8x512xf32>
    %max3A_715 = arith.maximumf %max3A_700, %select_n3A_714 : vector<8x512xf32>
    %get3A_716 = arith.constant 0 : index
    %get3A_717 = arith.constant 384 : index
    %get3A_718 = arith.constant 0 : index
    %get3A_719 = vector.load %arg1[%get3A_716, %get3A_717, %get3A_718] : memref<1x512x512xf32, #tpu.memory_space<vmem>>, vector<1x8x512xf32>
    %get3A_720 = vector.shape_cast %get3A_719 : vector<1x8x512xf32> to vector<8x512xf32>
    %get3A_721 = arith.constant 384 : index
    %get3A_722 = arith.constant 0 : index
    %get3A_723 = vector.load %arg3[%get3A_721, %get3A_722] : memref<512x512xi32, #tpu.memory_space<vmem>>, vector<8x512xi32>
    %lt3A_724 = arith.constant 268435456 : i32
    %lt3A_725 = vector.broadcast %lt3A_724 : i32 to vector<8x512xi32>
    %lt3A_726 = arith.cmpi slt, %get3A_723, %lt3A_725 : vector<8x512xi32>
    %jit3A_727 = arith.constant -1.000000e+00 : f32
    %broadcast_in_dim3A_728 = vector.broadcast %jit3A_727 : f32 to vector<8x512xf32>
    %select_n3A_729 = arith.select %lt3A_726, %get3A_720, %broadcast_in_dim3A_728 : vector<8x512xi1>, vector<8x512xf32>
    %max3A_730 = arith.maximumf %max3A_715, %select_n3A_729 : vector<8x512xf32>
    %get3A_731 = arith.constant 0 : index
    %get3A_732 = arith.constant 392 : index
    %get3A_733 = arith.constant 0 : index
    %get3A_734 = vector.load %arg1[%get3A_731, %get3A_732, %get3A_733] : memref<1x512x512xf32, #tpu.memory_space<vmem>>, vector<1x8x512xf32>
    %get3A_735 = vector.shape_cast %get3A_734 : vector<1x8x512xf32> to vector<8x512xf32>
    %get3A_736 = arith.constant 392 : index
    %get3A_737 = arith.constant 0 : index
    %get3A_738 = vector.load %arg3[%get3A_736, %get3A_737] : memref<512x512xi32, #tpu.memory_space<vmem>>, vector<8x512xi32>
    %lt3A_739 = arith.constant 268435456 : i32
    %lt3A_740 = vector.broadcast %lt3A_739 : i32 to vector<8x512xi32>
    %lt3A_741 = arith.cmpi slt, %get3A_738, %lt3A_740 : vector<8x512xi32>
    %jit3A_742 = arith.constant -1.000000e+00 : f32
    %broadcast_in_dim3A_743 = vector.broadcast %jit3A_742 : f32 to vector<8x512xf32>
    %select_n3A_744 = arith.select %lt3A_741, %get3A_735, %broadcast_in_dim3A_743 : vector<8x512xi1>, vector<8x512xf32>
    %max3A_745 = arith.maximumf %max3A_730, %select_n3A_744 : vector<8x512xf32>
    %get3A_746 = arith.constant 0 : index
    %get3A_747 = arith.constant 400 : index
    %get3A_748 = arith.constant 0 : index
    %get3A_749 = vector.load %arg1[%get3A_746, %get3A_747, %get3A_748] : memref<1x512x512xf32, #tpu.memory_space<vmem>>, vector<1x8x512xf32>
    %get3A_750 = vector.shape_cast %get3A_749 : vector<1x8x512xf32> to vector<8x512xf32>
    %get3A_751 = arith.constant 400 : index
    %get3A_752 = arith.constant 0 : index
    %get3A_753 = vector.load %arg3[%get3A_751, %get3A_752] : memref<512x512xi32, #tpu.memory_space<vmem>>, vector<8x512xi32>
    %lt3A_754 = arith.constant 268435456 : i32
    %lt3A_755 = vector.broadcast %lt3A_754 : i32 to vector<8x512xi32>
    %lt3A_756 = arith.cmpi slt, %get3A_753, %lt3A_755 : vector<8x512xi32>
    %jit3A_757 = arith.constant -1.000000e+00 : f32
    %broadcast_in_dim3A_758 = vector.broadcast %jit3A_757 : f32 to vector<8x512xf32>
    %select_n3A_759 = arith.select %lt3A_756, %get3A_750, %broadcast_in_dim3A_758 : vector<8x512xi1>, vector<8x512xf32>
    %max3A_760 = arith.maximumf %max3A_745, %select_n3A_759 : vector<8x512xf32>
    %get3A_761 = arith.constant 0 : index
    %get3A_762 = arith.constant 408 : index
    %get3A_763 = arith.constant 0 : index
    %get3A_764 = vector.load %arg1[%get3A_761, %get3A_762, %get3A_763] : memref<1x512x512xf32, #tpu.memory_space<vmem>>, vector<1x8x512xf32>
    %get3A_765 = vector.shape_cast %get3A_764 : vector<1x8x512xf32> to vector<8x512xf32>
    %get3A_766 = arith.constant 408 : index
    %get3A_767 = arith.constant 0 : index
    %get3A_768 = vector.load %arg3[%get3A_766, %get3A_767] : memref<512x512xi32, #tpu.memory_space<vmem>>, vector<8x512xi32>
    %lt3A_769 = arith.constant 268435456 : i32
    %lt3A_770 = vector.broadcast %lt3A_769 : i32 to vector<8x512xi32>
    %lt3A_771 = arith.cmpi slt, %get3A_768, %lt3A_770 : vector<8x512xi32>
    %jit3A_772 = arith.constant -1.000000e+00 : f32
    %broadcast_in_dim3A_773 = vector.broadcast %jit3A_772 : f32 to vector<8x512xf32>
    %select_n3A_774 = arith.select %lt3A_771, %get3A_765, %broadcast_in_dim3A_773 : vector<8x512xi1>, vector<8x512xf32>
    %max3A_775 = arith.maximumf %max3A_760, %select_n3A_774 : vector<8x512xf32>
    %get3A_776 = arith.constant 0 : index
    %get3A_777 = arith.constant 416 : index
    %get3A_778 = arith.constant 0 : index
    %get3A_779 = vector.load %arg1[%get3A_776, %get3A_777, %get3A_778] : memref<1x512x512xf32, #tpu.memory_space<vmem>>, vector<1x8x512xf32>
    %get3A_780 = vector.shape_cast %get3A_779 : vector<1x8x512xf32> to vector<8x512xf32>
    %get3A_781 = arith.constant 416 : index
    %get3A_782 = arith.constant 0 : index
    %get3A_783 = vector.load %arg3[%get3A_781, %get3A_782] : memref<512x512xi32, #tpu.memory_space<vmem>>, vector<8x512xi32>
    %lt3A_784 = arith.constant 268435456 : i32
    %lt3A_785 = vector.broadcast %lt3A_784 : i32 to vector<8x512xi32>
    %lt3A_786 = arith.cmpi slt, %get3A_783, %lt3A_785 : vector<8x512xi32>
    %jit3A_787 = arith.constant -1.000000e+00 : f32
    %broadcast_in_dim3A_788 = vector.broadcast %jit3A_787 : f32 to vector<8x512xf32>
    %select_n3A_789 = arith.select %lt3A_786, %get3A_780, %broadcast_in_dim3A_788 : vector<8x512xi1>, vector<8x512xf32>
    %max3A_790 = arith.maximumf %max3A_775, %select_n3A_789 : vector<8x512xf32>
    %get3A_791 = arith.constant 0 : index
    %get3A_792 = arith.constant 424 : index
    %get3A_793 = arith.constant 0 : index
    %get3A_794 = vector.load %arg1[%get3A_791, %get3A_792, %get3A_793] : memref<1x512x512xf32, #tpu.memory_space<vmem>>, vector<1x8x512xf32>
    %get3A_795 = vector.shape_cast %get3A_794 : vector<1x8x512xf32> to vector<8x512xf32>
    %get3A_796 = arith.constant 424 : index
    %get3A_797 = arith.constant 0 : index
    %get3A_798 = vector.load %arg3[%get3A_796, %get3A_797] : memref<512x512xi32, #tpu.memory_space<vmem>>, vector<8x512xi32>
    %lt3A_799 = arith.constant 268435456 : i32
    %lt3A_800 = vector.broadcast %lt3A_799 : i32 to vector<8x512xi32>
    %lt3A_801 = arith.cmpi slt, %get3A_798, %lt3A_800 : vector<8x512xi32>
    %jit3A_802 = arith.constant -1.000000e+00 : f32
    %broadcast_in_dim3A_803 = vector.broadcast %jit3A_802 : f32 to vector<8x512xf32>
    %select_n3A_804 = arith.select %lt3A_801, %get3A_795, %broadcast_in_dim3A_803 : vector<8x512xi1>, vector<8x512xf32>
    %max3A_805 = arith.maximumf %max3A_790, %select_n3A_804 : vector<8x512xf32>
    %get3A_806 = arith.constant 0 : index
    %get3A_807 = arith.constant 432 : index
    %get3A_808 = arith.constant 0 : index
    %get3A_809 = vector.load %arg1[%get3A_806, %get3A_807, %get3A_808] : memref<1x512x512xf32, #tpu.memory_space<vmem>>, vector<1x8x512xf32>
    %get3A_810 = vector.shape_cast %get3A_809 : vector<1x8x512xf32> to vector<8x512xf32>
    %get3A_811 = arith.constant 432 : index
    %get3A_812 = arith.constant 0 : index
    %get3A_813 = vector.load %arg3[%get3A_811, %get3A_812] : memref<512x512xi32, #tpu.memory_space<vmem>>, vector<8x512xi32>
    %lt3A_814 = arith.constant 268435456 : i32
    %lt3A_815 = vector.broadcast %lt3A_814 : i32 to vector<8x512xi32>
    %lt3A_816 = arith.cmpi slt, %get3A_813, %lt3A_815 : vector<8x512xi32>
    %jit3A_817 = arith.constant -1.000000e+00 : f32
    %broadcast_in_dim3A_818 = vector.broadcast %jit3A_817 : f32 to vector<8x512xf32>
    %select_n3A_819 = arith.select %lt3A_816, %get3A_810, %broadcast_in_dim3A_818 : vector<8x512xi1>, vector<8x512xf32>
    %max3A_820 = arith.maximumf %max3A_805, %select_n3A_819 : vector<8x512xf32>
    %get3A_821 = arith.constant 0 : index
    %get3A_822 = arith.constant 440 : index
    %get3A_823 = arith.constant 0 : index
    %get3A_824 = vector.load %arg1[%get3A_821, %get3A_822, %get3A_823] : memref<1x512x512xf32, #tpu.memory_space<vmem>>, vector<1x8x512xf32>
    %get3A_825 = vector.shape_cast %get3A_824 : vector<1x8x512xf32> to vector<8x512xf32>
    %get3A_826 = arith.constant 440 : index
    %get3A_827 = arith.constant 0 : index
    %get3A_828 = vector.load %arg3[%get3A_826, %get3A_827] : memref<512x512xi32, #tpu.memory_space<vmem>>, vector<8x512xi32>
    %lt3A_829 = arith.constant 268435456 : i32
    %lt3A_830 = vector.broadcast %lt3A_829 : i32 to vector<8x512xi32>
    %lt3A_831 = arith.cmpi slt, %get3A_828, %lt3A_830 : vector<8x512xi32>
    %jit3A_832 = arith.constant -1.000000e+00 : f32
    %broadcast_in_dim3A_833 = vector.broadcast %jit3A_832 : f32 to vector<8x512xf32>
    %select_n3A_834 = arith.select %lt3A_831, %get3A_825, %broadcast_in_dim3A_833 : vector<8x512xi1>, vector<8x512xf32>
    %max3A_835 = arith.maximumf %max3A_820, %select_n3A_834 : vector<8x512xf32>
    %get3A_836 = arith.constant 0 : index
    %get3A_837 = arith.constant 448 : index
    %get3A_838 = arith.constant 0 : index
    %get3A_839 = vector.load %arg1[%get3A_836, %get3A_837, %get3A_838] : memref<1x512x512xf32, #tpu.memory_space<vmem>>, vector<1x8x512xf32>
    %get3A_840 = vector.shape_cast %get3A_839 : vector<1x8x512xf32> to vector<8x512xf32>
    %get3A_841 = arith.constant 448 : index
    %get3A_842 = arith.constant 0 : index
    %get3A_843 = vector.load %arg3[%get3A_841, %get3A_842] : memref<512x512xi32, #tpu.memory_space<vmem>>, vector<8x512xi32>
    %lt3A_844 = arith.constant 268435456 : i32
    %lt3A_845 = vector.broadcast %lt3A_844 : i32 to vector<8x512xi32>
    %lt3A_846 = arith.cmpi slt, %get3A_843, %lt3A_845 : vector<8x512xi32>
    %jit3A_847 = arith.constant -1.000000e+00 : f32
    %broadcast_in_dim3A_848 = vector.broadcast %jit3A_847 : f32 to vector<8x512xf32>
    %select_n3A_849 = arith.select %lt3A_846, %get3A_840, %broadcast_in_dim3A_848 : vector<8x512xi1>, vector<8x512xf32>
    %max3A_850 = arith.maximumf %max3A_835, %select_n3A_849 : vector<8x512xf32>
    %get3A_851 = arith.constant 0 : index
    %get3A_852 = arith.constant 456 : index
    %get3A_853 = arith.constant 0 : index
    %get3A_854 = vector.load %arg1[%get3A_851, %get3A_852, %get3A_853] : memref<1x512x512xf32, #tpu.memory_space<vmem>>, vector<1x8x512xf32>
    %get3A_855 = vector.shape_cast %get3A_854 : vector<1x8x512xf32> to vector<8x512xf32>
    %get3A_856 = arith.constant 456 : index
    %get3A_857 = arith.constant 0 : index
    %get3A_858 = vector.load %arg3[%get3A_856, %get3A_857] : memref<512x512xi32, #tpu.memory_space<vmem>>, vector<8x512xi32>
    %lt3A_859 = arith.constant 268435456 : i32
    %lt3A_860 = vector.broadcast %lt3A_859 : i32 to vector<8x512xi32>
    %lt3A_861 = arith.cmpi slt, %get3A_858, %lt3A_860 : vector<8x512xi32>
    %jit3A_862 = arith.constant -1.000000e+00 : f32
    %broadcast_in_dim3A_863 = vector.broadcast %jit3A_862 : f32 to vector<8x512xf32>
    %select_n3A_864 = arith.select %lt3A_861, %get3A_855, %broadcast_in_dim3A_863 : vector<8x512xi1>, vector<8x512xf32>
    %max3A_865 = arith.maximumf %max3A_850, %select_n3A_864 : vector<8x512xf32>
    %get3A_866 = arith.constant 0 : index
    %get3A_867 = arith.constant 464 : index
    %get3A_868 = arith.constant 0 : index
    %get3A_869 = vector.load %arg1[%get3A_866, %get3A_867, %get3A_868] : memref<1x512x512xf32, #tpu.memory_space<vmem>>, vector<1x8x512xf32>
    %get3A_870 = vector.shape_cast %get3A_869 : vector<1x8x512xf32> to vector<8x512xf32>
    %get3A_871 = arith.constant 464 : index
    %get3A_872 = arith.constant 0 : index
    %get3A_873 = vector.load %arg3[%get3A_871, %get3A_872] : memref<512x512xi32, #tpu.memory_space<vmem>>, vector<8x512xi32>
    %lt3A_874 = arith.constant 268435456 : i32
    %lt3A_875 = vector.broadcast %lt3A_874 : i32 to vector<8x512xi32>
    %lt3A_876 = arith.cmpi slt, %get3A_873, %lt3A_875 : vector<8x512xi32>
    %jit3A_877 = arith.constant -1.000000e+00 : f32
    %broadcast_in_dim3A_878 = vector.broadcast %jit3A_877 : f32 to vector<8x512xf32>
    %select_n3A_879 = arith.select %lt3A_876, %get3A_870, %broadcast_in_dim3A_878 : vector<8x512xi1>, vector<8x512xf32>
    %max3A_880 = arith.maximumf %max3A_865, %select_n3A_879 : vector<8x512xf32>
    %get3A_881 = arith.constant 0 : index
    %get3A_882 = arith.constant 472 : index
    %get3A_883 = arith.constant 0 : index
    %get3A_884 = vector.load %arg1[%get3A_881, %get3A_882, %get3A_883] : memref<1x512x512xf32, #tpu.memory_space<vmem>>, vector<1x8x512xf32>
    %get3A_885 = vector.shape_cast %get3A_884 : vector<1x8x512xf32> to vector<8x512xf32>
    %get3A_886 = arith.constant 472 : index
    %get3A_887 = arith.constant 0 : index
    %get3A_888 = vector.load %arg3[%get3A_886, %get3A_887] : memref<512x512xi32, #tpu.memory_space<vmem>>, vector<8x512xi32>
    %lt3A_889 = arith.constant 268435456 : i32
    %lt3A_890 = vector.broadcast %lt3A_889 : i32 to vector<8x512xi32>
    %lt3A_891 = arith.cmpi slt, %get3A_888, %lt3A_890 : vector<8x512xi32>
    %jit3A_892 = arith.constant -1.000000e+00 : f32
    %broadcast_in_dim3A_893 = vector.broadcast %jit3A_892 : f32 to vector<8x512xf32>
    %select_n3A_894 = arith.select %lt3A_891, %get3A_885, %broadcast_in_dim3A_893 : vector<8x512xi1>, vector<8x512xf32>
    %max3A_895 = arith.maximumf %max3A_880, %select_n3A_894 : vector<8x512xf32>
    %get3A_896 = arith.constant 0 : index
    %get3A_897 = arith.constant 480 : index
    %get3A_898 = arith.constant 0 : index
    %get3A_899 = vector.load %arg1[%get3A_896, %get3A_897, %get3A_898] : memref<1x512x512xf32, #tpu.memory_space<vmem>>, vector<1x8x512xf32>
    %get3A_900 = vector.shape_cast %get3A_899 : vector<1x8x512xf32> to vector<8x512xf32>
    %get3A_901 = arith.constant 480 : index
    %get3A_902 = arith.constant 0 : index
    %get3A_903 = vector.load %arg3[%get3A_901, %get3A_902] : memref<512x512xi32, #tpu.memory_space<vmem>>, vector<8x512xi32>
    %lt3A_904 = arith.constant 268435456 : i32
    %lt3A_905 = vector.broadcast %lt3A_904 : i32 to vector<8x512xi32>
    %lt3A_906 = arith.cmpi slt, %get3A_903, %lt3A_905 : vector<8x512xi32>
    %jit3A_907 = arith.constant -1.000000e+00 : f32
    %broadcast_in_dim3A_908 = vector.broadcast %jit3A_907 : f32 to vector<8x512xf32>
    %select_n3A_909 = arith.select %lt3A_906, %get3A_900, %broadcast_in_dim3A_908 : vector<8x512xi1>, vector<8x512xf32>
    %max3A_910 = arith.maximumf %max3A_895, %select_n3A_909 : vector<8x512xf32>
    %get3A_911 = arith.constant 0 : index
    %get3A_912 = arith.constant 488 : index
    %get3A_913 = arith.constant 0 : index
    %get3A_914 = vector.load %arg1[%get3A_911, %get3A_912, %get3A_913] : memref<1x512x512xf32, #tpu.memory_space<vmem>>, vector<1x8x512xf32>
    %get3A_915 = vector.shape_cast %get3A_914 : vector<1x8x512xf32> to vector<8x512xf32>
    %get3A_916 = arith.constant 488 : index
    %get3A_917 = arith.constant 0 : index
    %get3A_918 = vector.load %arg3[%get3A_916, %get3A_917] : memref<512x512xi32, #tpu.memory_space<vmem>>, vector<8x512xi32>
    %lt3A_919 = arith.constant 268435456 : i32
    %lt3A_920 = vector.broadcast %lt3A_919 : i32 to vector<8x512xi32>
    %lt3A_921 = arith.cmpi slt, %get3A_918, %lt3A_920 : vector<8x512xi32>
    %jit3A_922 = arith.constant -1.000000e+00 : f32
    %broadcast_in_dim3A_923 = vector.broadcast %jit3A_922 : f32 to vector<8x512xf32>
    %select_n3A_924 = arith.select %lt3A_921, %get3A_915, %broadcast_in_dim3A_923 : vector<8x512xi1>, vector<8x512xf32>
    %max3A_925 = arith.maximumf %max3A_910, %select_n3A_924 : vector<8x512xf32>
    %get3A_926 = arith.constant 0 : index
    %get3A_927 = arith.constant 496 : index
    %get3A_928 = arith.constant 0 : index
    %get3A_929 = vector.load %arg1[%get3A_926, %get3A_927, %get3A_928] : memref<1x512x512xf32, #tpu.memory_space<vmem>>, vector<1x8x512xf32>
    %get3A_930 = vector.shape_cast %get3A_929 : vector<1x8x512xf32> to vector<8x512xf32>
    %get3A_931 = arith.constant 496 : index
    %get3A_932 = arith.constant 0 : index
    %get3A_933 = vector.load %arg3[%get3A_931, %get3A_932] : memref<512x512xi32, #tpu.memory_space<vmem>>, vector<8x512xi32>
    %lt3A_934 = arith.constant 268435456 : i32
    %lt3A_935 = vector.broadcast %lt3A_934 : i32 to vector<8x512xi32>
    %lt3A_936 = arith.cmpi slt, %get3A_933, %lt3A_935 : vector<8x512xi32>
    %jit3A_937 = arith.constant -1.000000e+00 : f32
    %broadcast_in_dim3A_938 = vector.broadcast %jit3A_937 : f32 to vector<8x512xf32>
    %select_n3A_939 = arith.select %lt3A_936, %get3A_930, %broadcast_in_dim3A_938 : vector<8x512xi1>, vector<8x512xf32>
    %max3A_940 = arith.maximumf %max3A_925, %select_n3A_939 : vector<8x512xf32>
    %get3A_941 = arith.constant 0 : index
    %get3A_942 = arith.constant 504 : index
    %get3A_943 = arith.constant 0 : index
    %get3A_944 = vector.load %arg1[%get3A_941, %get3A_942, %get3A_943] : memref<1x512x512xf32, #tpu.memory_space<vmem>>, vector<1x8x512xf32>
    %get3A_945 = vector.shape_cast %get3A_944 : vector<1x8x512xf32> to vector<8x512xf32>
    %get3A_946 = arith.constant 504 : index
    %get3A_947 = arith.constant 0 : index
    %get3A_948 = vector.load %arg3[%get3A_946, %get3A_947] : memref<512x512xi32, #tpu.memory_space<vmem>>, vector<8x512xi32>
    %lt3A_949 = arith.constant 268435456 : i32
    %lt3A_950 = vector.broadcast %lt3A_949 : i32 to vector<8x512xi32>
    %lt3A_951 = arith.cmpi slt, %get3A_948, %lt3A_950 : vector<8x512xi32>
    %jit3A_952 = arith.constant -1.000000e+00 : f32
    %broadcast_in_dim3A_953 = vector.broadcast %jit3A_952 : f32 to vector<8x512xf32>
    %select_n3A_954 = arith.select %lt3A_951, %get3A_945, %broadcast_in_dim3A_953 : vector<8x512xi1>, vector<8x512xf32>
    %max3A_955 = arith.maximumf %max3A_940, %select_n3A_954 : vector<8x512xf32>
    %reduce_max3A = vector.shape_cast %max3A_955 : vector<8x512xf32> to vector<1x8x512xf32>
    %reduce_max3A_956 = arith.constant dense<0xFF800000> : vector<1xf32>
    %reduce_max3A_957 = vector.multi_reduction <maximumf>, %reduce_max3A, %reduce_max3A_956 [1, 2] : vector<1x8x512xf32> to vector<1xf32>
    %reduce_max3A_958 = vector.shape_cast %reduce_max3A_957 : vector<1xf32> to vector<1x1x1xf32>
    %reduce_max3A_959 = vector.extract %reduce_max3A_958[0, 0, 0] : f32 from vector<1x1x1xf32>
    %broadcast_in_dim3A_960 = arith.constant 268435456 : i32
    %broadcast_in_dim3A_961 = vector.broadcast %broadcast_in_dim3A_960 : i32 to vector<8x512xi32>
    %get3A_962 = arith.constant 0 : index
    %get3A_963 = arith.constant 0 : index
    %get3A_964 = arith.constant 0 : index
    %get3A_965 = vector.load %arg1[%get3A_962, %get3A_963, %get3A_964] : memref<1x512x512xf32, #tpu.memory_space<vmem>>, vector<1x8x512xf32>
    %get3A_966 = vector.shape_cast %get3A_965 : vector<1x8x512xf32> to vector<8x512xf32>
    %get3A_967 = arith.constant 0 : index
    %get3A_968 = arith.constant 0 : index
    %get3A_969 = vector.load %arg3[%get3A_967, %get3A_968] : memref<512x512xi32, #tpu.memory_space<vmem>>, vector<8x512xi32>
    %lt3A_970 = arith.constant 268435456 : i32
    %lt3A_971 = vector.broadcast %lt3A_970 : i32 to vector<8x512xi32>
    %lt3A_972 = arith.cmpi slt, %get3A_969, %lt3A_971 : vector<8x512xi32>
    %eq3A = vector.broadcast %reduce_max3A_959 : f32 to vector<8x512xf32>
    %eq3A_973 = arith.cmpf oeq, %get3A_966, %eq3A : vector<8x512xf32>
    %and3A = arith.andi %lt3A_972, %eq3A_973 : vector<8x512xi1>
    %jit3A_974 = arith.constant 268435456 : i32
    %broadcast_in_dim3A_975 = vector.broadcast %jit3A_974 : i32 to vector<8x512xi32>
    %select_n3A_976 = arith.select %and3A, %get3A_969, %broadcast_in_dim3A_975 : vector<8x512xi1>, vector<8x512xi32>
    %min3A = arith.minsi %broadcast_in_dim3A_961, %select_n3A_976 : vector<8x512xi32>
    %get3A_977 = arith.constant 0 : index
    %get3A_978 = arith.constant 8 : index
    %get3A_979 = arith.constant 0 : index
    %get3A_980 = vector.load %arg1[%get3A_977, %get3A_978, %get3A_979] : memref<1x512x512xf32, #tpu.memory_space<vmem>>, vector<1x8x512xf32>
    %get3A_981 = vector.shape_cast %get3A_980 : vector<1x8x512xf32> to vector<8x512xf32>
    %get3A_982 = arith.constant 8 : index
    %get3A_983 = arith.constant 0 : index
    %get3A_984 = vector.load %arg3[%get3A_982, %get3A_983] : memref<512x512xi32, #tpu.memory_space<vmem>>, vector<8x512xi32>
    %lt3A_985 = arith.constant 268435456 : i32
    %lt3A_986 = vector.broadcast %lt3A_985 : i32 to vector<8x512xi32>
    %lt3A_987 = arith.cmpi slt, %get3A_984, %lt3A_986 : vector<8x512xi32>
    %eq3A_988 = vector.broadcast %reduce_max3A_959 : f32 to vector<8x512xf32>
    %eq3A_989 = arith.cmpf oeq, %get3A_981, %eq3A_988 : vector<8x512xf32>
    %and3A_990 = arith.andi %lt3A_987, %eq3A_989 : vector<8x512xi1>
    %jit3A_991 = arith.constant 268435456 : i32
    %broadcast_in_dim3A_992 = vector.broadcast %jit3A_991 : i32 to vector<8x512xi32>
    %select_n3A_993 = arith.select %and3A_990, %get3A_984, %broadcast_in_dim3A_992 : vector<8x512xi1>, vector<8x512xi32>
    %min3A_994 = arith.minsi %min3A, %select_n3A_993 : vector<8x512xi32>
    %get3A_995 = arith.constant 0 : index
    %get3A_996 = arith.constant 16 : index
    %get3A_997 = arith.constant 0 : index
    %get3A_998 = vector.load %arg1[%get3A_995, %get3A_996, %get3A_997] : memref<1x512x512xf32, #tpu.memory_space<vmem>>, vector<1x8x512xf32>
    %get3A_999 = vector.shape_cast %get3A_998 : vector<1x8x512xf32> to vector<8x512xf32>
    %get3A_1000 = arith.constant 16 : index
    %get3A_1001 = arith.constant 0 : index
    %get3A_1002 = vector.load %arg3[%get3A_1000, %get3A_1001] : memref<512x512xi32, #tpu.memory_space<vmem>>, vector<8x512xi32>
    %lt3A_1003 = arith.constant 268435456 : i32
    %lt3A_1004 = vector.broadcast %lt3A_1003 : i32 to vector<8x512xi32>
    %lt3A_1005 = arith.cmpi slt, %get3A_1002, %lt3A_1004 : vector<8x512xi32>
    %eq3A_1006 = vector.broadcast %reduce_max3A_959 : f32 to vector<8x512xf32>
    %eq3A_1007 = arith.cmpf oeq, %get3A_999, %eq3A_1006 : vector<8x512xf32>
    %and3A_1008 = arith.andi %lt3A_1005, %eq3A_1007 : vector<8x512xi1>
    %jit3A_1009 = arith.constant 268435456 : i32
    %broadcast_in_dim3A_1010 = vector.broadcast %jit3A_1009 : i32 to vector<8x512xi32>
    %select_n3A_1011 = arith.select %and3A_1008, %get3A_1002, %broadcast_in_dim3A_1010 : vector<8x512xi1>, vector<8x512xi32>
    %min3A_1012 = arith.minsi %min3A_994, %select_n3A_1011 : vector<8x512xi32>
    %get3A_1013 = arith.constant 0 : index
    %get3A_1014 = arith.constant 24 : index
    %get3A_1015 = arith.constant 0 : index
    %get3A_1016 = vector.load %arg1[%get3A_1013, %get3A_1014, %get3A_1015] : memref<1x512x512xf32, #tpu.memory_space<vmem>>, vector<1x8x512xf32>
    %get3A_1017 = vector.shape_cast %get3A_1016 : vector<1x8x512xf32> to vector<8x512xf32>
    %get3A_1018 = arith.constant 24 : index
    %get3A_1019 = arith.constant 0 : index
    %get3A_1020 = vector.load %arg3[%get3A_1018, %get3A_1019] : memref<512x512xi32, #tpu.memory_space<vmem>>, vector<8x512xi32>
    %lt3A_1021 = arith.constant 268435456 : i32
    %lt3A_1022 = vector.broadcast %lt3A_1021 : i32 to vector<8x512xi32>
    %lt3A_1023 = arith.cmpi slt, %get3A_1020, %lt3A_1022 : vector<8x512xi32>
    %eq3A_1024 = vector.broadcast %reduce_max3A_959 : f32 to vector<8x512xf32>
    %eq3A_1025 = arith.cmpf oeq, %get3A_1017, %eq3A_1024 : vector<8x512xf32>
    %and3A_1026 = arith.andi %lt3A_1023, %eq3A_1025 : vector<8x512xi1>
    %jit3A_1027 = arith.constant 268435456 : i32
    %broadcast_in_dim3A_1028 = vector.broadcast %jit3A_1027 : i32 to vector<8x512xi32>
    %select_n3A_1029 = arith.select %and3A_1026, %get3A_1020, %broadcast_in_dim3A_1028 : vector<8x512xi1>, vector<8x512xi32>
    %min3A_1030 = arith.minsi %min3A_1012, %select_n3A_1029 : vector<8x512xi32>
    %get3A_1031 = arith.constant 0 : index
    %get3A_1032 = arith.constant 32 : index
    %get3A_1033 = arith.constant 0 : index
    %get3A_1034 = vector.load %arg1[%get3A_1031, %get3A_1032, %get3A_1033] : memref<1x512x512xf32, #tpu.memory_space<vmem>>, vector<1x8x512xf32>
    %get3A_1035 = vector.shape_cast %get3A_1034 : vector<1x8x512xf32> to vector<8x512xf32>
    %get3A_1036 = arith.constant 32 : index
    %get3A_1037 = arith.constant 0 : index
    %get3A_1038 = vector.load %arg3[%get3A_1036, %get3A_1037] : memref<512x512xi32, #tpu.memory_space<vmem>>, vector<8x512xi32>
    %lt3A_1039 = arith.constant 268435456 : i32
    %lt3A_1040 = vector.broadcast %lt3A_1039 : i32 to vector<8x512xi32>
    %lt3A_1041 = arith.cmpi slt, %get3A_1038, %lt3A_1040 : vector<8x512xi32>
    %eq3A_1042 = vector.broadcast %reduce_max3A_959 : f32 to vector<8x512xf32>
    %eq3A_1043 = arith.cmpf oeq, %get3A_1035, %eq3A_1042 : vector<8x512xf32>
    %and3A_1044 = arith.andi %lt3A_1041, %eq3A_1043 : vector<8x512xi1>
    %jit3A_1045 = arith.constant 268435456 : i32
    %broadcast_in_dim3A_1046 = vector.broadcast %jit3A_1045 : i32 to vector<8x512xi32>
    %select_n3A_1047 = arith.select %and3A_1044, %get3A_1038, %broadcast_in_dim3A_1046 : vector<8x512xi1>, vector<8x512xi32>
    %min3A_1048 = arith.minsi %min3A_1030, %select_n3A_1047 : vector<8x512xi32>
    %get3A_1049 = arith.constant 0 : index
    %get3A_1050 = arith.constant 40 : index
    %get3A_1051 = arith.constant 0 : index
    %get3A_1052 = vector.load %arg1[%get3A_1049, %get3A_1050, %get3A_1051] : memref<1x512x512xf32, #tpu.memory_space<vmem>>, vector<1x8x512xf32>
    %get3A_1053 = vector.shape_cast %get3A_1052 : vector<1x8x512xf32> to vector<8x512xf32>
    %get3A_1054 = arith.constant 40 : index
    %get3A_1055 = arith.constant 0 : index
    %get3A_1056 = vector.load %arg3[%get3A_1054, %get3A_1055] : memref<512x512xi32, #tpu.memory_space<vmem>>, vector<8x512xi32>
    %lt3A_1057 = arith.constant 268435456 : i32
    %lt3A_1058 = vector.broadcast %lt3A_1057 : i32 to vector<8x512xi32>
    %lt3A_1059 = arith.cmpi slt, %get3A_1056, %lt3A_1058 : vector<8x512xi32>
    %eq3A_1060 = vector.broadcast %reduce_max3A_959 : f32 to vector<8x512xf32>
    %eq3A_1061 = arith.cmpf oeq, %get3A_1053, %eq3A_1060 : vector<8x512xf32>
    %and3A_1062 = arith.andi %lt3A_1059, %eq3A_1061 : vector<8x512xi1>
    %jit3A_1063 = arith.constant 268435456 : i32
    %broadcast_in_dim3A_1064 = vector.broadcast %jit3A_1063 : i32 to vector<8x512xi32>
    %select_n3A_1065 = arith.select %and3A_1062, %get3A_1056, %broadcast_in_dim3A_1064 : vector<8x512xi1>, vector<8x512xi32>
    %min3A_1066 = arith.minsi %min3A_1048, %select_n3A_1065 : vector<8x512xi32>
    %get3A_1067 = arith.constant 0 : index
    %get3A_1068 = arith.constant 48 : index
    %get3A_1069 = arith.constant 0 : index
    %get3A_1070 = vector.load %arg1[%get3A_1067, %get3A_1068, %get3A_1069] : memref<1x512x512xf32, #tpu.memory_space<vmem>>, vector<1x8x512xf32>
    %get3A_1071 = vector.shape_cast %get3A_1070 : vector<1x8x512xf32> to vector<8x512xf32>
    %get3A_1072 = arith.constant 48 : index
    %get3A_1073 = arith.constant 0 : index
    %get3A_1074 = vector.load %arg3[%get3A_1072, %get3A_1073] : memref<512x512xi32, #tpu.memory_space<vmem>>, vector<8x512xi32>
    %lt3A_1075 = arith.constant 268435456 : i32
    %lt3A_1076 = vector.broadcast %lt3A_1075 : i32 to vector<8x512xi32>
    %lt3A_1077 = arith.cmpi slt, %get3A_1074, %lt3A_1076 : vector<8x512xi32>
    %eq3A_1078 = vector.broadcast %reduce_max3A_959 : f32 to vector<8x512xf32>
    %eq3A_1079 = arith.cmpf oeq, %get3A_1071, %eq3A_1078 : vector<8x512xf32>
    %and3A_1080 = arith.andi %lt3A_1077, %eq3A_1079 : vector<8x512xi1>
    %jit3A_1081 = arith.constant 268435456 : i32
    %broadcast_in_dim3A_1082 = vector.broadcast %jit3A_1081 : i32 to vector<8x512xi32>
    %select_n3A_1083 = arith.select %and3A_1080, %get3A_1074, %broadcast_in_dim3A_1082 : vector<8x512xi1>, vector<8x512xi32>
    %min3A_1084 = arith.minsi %min3A_1066, %select_n3A_1083 : vector<8x512xi32>
    %get3A_1085 = arith.constant 0 : index
    %get3A_1086 = arith.constant 56 : index
    %get3A_1087 = arith.constant 0 : index
    %get3A_1088 = vector.load %arg1[%get3A_1085, %get3A_1086, %get3A_1087] : memref<1x512x512xf32, #tpu.memory_space<vmem>>, vector<1x8x512xf32>
    %get3A_1089 = vector.shape_cast %get3A_1088 : vector<1x8x512xf32> to vector<8x512xf32>
    %get3A_1090 = arith.constant 56 : index
    %get3A_1091 = arith.constant 0 : index
    %get3A_1092 = vector.load %arg3[%get3A_1090, %get3A_1091] : memref<512x512xi32, #tpu.memory_space<vmem>>, vector<8x512xi32>
    %lt3A_1093 = arith.constant 268435456 : i32
    %lt3A_1094 = vector.broadcast %lt3A_1093 : i32 to vector<8x512xi32>
    %lt3A_1095 = arith.cmpi slt, %get3A_1092, %lt3A_1094 : vector<8x512xi32>
    %eq3A_1096 = vector.broadcast %reduce_max3A_959 : f32 to vector<8x512xf32>
    %eq3A_1097 = arith.cmpf oeq, %get3A_1089, %eq3A_1096 : vector<8x512xf32>
    %and3A_1098 = arith.andi %lt3A_1095, %eq3A_1097 : vector<8x512xi1>
    %jit3A_1099 = arith.constant 268435456 : i32
    %broadcast_in_dim3A_1100 = vector.broadcast %jit3A_1099 : i32 to vector<8x512xi32>
    %select_n3A_1101 = arith.select %and3A_1098, %get3A_1092, %broadcast_in_dim3A_1100 : vector<8x512xi1>, vector<8x512xi32>
    %min3A_1102 = arith.minsi %min3A_1084, %select_n3A_1101 : vector<8x512xi32>
    %get3A_1103 = arith.constant 0 : index
    %get3A_1104 = arith.constant 64 : index
    %get3A_1105 = arith.constant 0 : index
    %get3A_1106 = vector.load %arg1[%get3A_1103, %get3A_1104, %get3A_1105] : memref<1x512x512xf32, #tpu.memory_space<vmem>>, vector<1x8x512xf32>
    %get3A_1107 = vector.shape_cast %get3A_1106 : vector<1x8x512xf32> to vector<8x512xf32>
    %get3A_1108 = arith.constant 64 : index
    %get3A_1109 = arith.constant 0 : index
    %get3A_1110 = vector.load %arg3[%get3A_1108, %get3A_1109] : memref<512x512xi32, #tpu.memory_space<vmem>>, vector<8x512xi32>
    %lt3A_1111 = arith.constant 268435456 : i32
    %lt3A_1112 = vector.broadcast %lt3A_1111 : i32 to vector<8x512xi32>
    %lt3A_1113 = arith.cmpi slt, %get3A_1110, %lt3A_1112 : vector<8x512xi32>
    %eq3A_1114 = vector.broadcast %reduce_max3A_959 : f32 to vector<8x512xf32>
    %eq3A_1115 = arith.cmpf oeq, %get3A_1107, %eq3A_1114 : vector<8x512xf32>
    %and3A_1116 = arith.andi %lt3A_1113, %eq3A_1115 : vector<8x512xi1>
    %jit3A_1117 = arith.constant 268435456 : i32
    %broadcast_in_dim3A_1118 = vector.broadcast %jit3A_1117 : i32 to vector<8x512xi32>
    %select_n3A_1119 = arith.select %and3A_1116, %get3A_1110, %broadcast_in_dim3A_1118 : vector<8x512xi1>, vector<8x512xi32>
    %min3A_1120 = arith.minsi %min3A_1102, %select_n3A_1119 : vector<8x512xi32>
    %get3A_1121 = arith.constant 0 : index
    %get3A_1122 = arith.constant 72 : index
    %get3A_1123 = arith.constant 0 : index
    %get3A_1124 = vector.load %arg1[%get3A_1121, %get3A_1122, %get3A_1123] : memref<1x512x512xf32, #tpu.memory_space<vmem>>, vector<1x8x512xf32>
    %get3A_1125 = vector.shape_cast %get3A_1124 : vector<1x8x512xf32> to vector<8x512xf32>
    %get3A_1126 = arith.constant 72 : index
    %get3A_1127 = arith.constant 0 : index
    %get3A_1128 = vector.load %arg3[%get3A_1126, %get3A_1127] : memref<512x512xi32, #tpu.memory_space<vmem>>, vector<8x512xi32>
    %lt3A_1129 = arith.constant 268435456 : i32
    %lt3A_1130 = vector.broadcast %lt3A_1129 : i32 to vector<8x512xi32>
    %lt3A_1131 = arith.cmpi slt, %get3A_1128, %lt3A_1130 : vector<8x512xi32>
    %eq3A_1132 = vector.broadcast %reduce_max3A_959 : f32 to vector<8x512xf32>
    %eq3A_1133 = arith.cmpf oeq, %get3A_1125, %eq3A_1132 : vector<8x512xf32>
    %and3A_1134 = arith.andi %lt3A_1131, %eq3A_1133 : vector<8x512xi1>
    %jit3A_1135 = arith.constant 268435456 : i32
    %broadcast_in_dim3A_1136 = vector.broadcast %jit3A_1135 : i32 to vector<8x512xi32>
    %select_n3A_1137 = arith.select %and3A_1134, %get3A_1128, %broadcast_in_dim3A_1136 : vector<8x512xi1>, vector<8x512xi32>
    %min3A_1138 = arith.minsi %min3A_1120, %select_n3A_1137 : vector<8x512xi32>
    %get3A_1139 = arith.constant 0 : index
    %get3A_1140 = arith.constant 80 : index
    %get3A_1141 = arith.constant 0 : index
    %get3A_1142 = vector.load %arg1[%get3A_1139, %get3A_1140, %get3A_1141] : memref<1x512x512xf32, #tpu.memory_space<vmem>>, vector<1x8x512xf32>
    %get3A_1143 = vector.shape_cast %get3A_1142 : vector<1x8x512xf32> to vector<8x512xf32>
    %get3A_1144 = arith.constant 80 : index
    %get3A_1145 = arith.constant 0 : index
    %get3A_1146 = vector.load %arg3[%get3A_1144, %get3A_1145] : memref<512x512xi32, #tpu.memory_space<vmem>>, vector<8x512xi32>
    %lt3A_1147 = arith.constant 268435456 : i32
    %lt3A_1148 = vector.broadcast %lt3A_1147 : i32 to vector<8x512xi32>
    %lt3A_1149 = arith.cmpi slt, %get3A_1146, %lt3A_1148 : vector<8x512xi32>
    %eq3A_1150 = vector.broadcast %reduce_max3A_959 : f32 to vector<8x512xf32>
    %eq3A_1151 = arith.cmpf oeq, %get3A_1143, %eq3A_1150 : vector<8x512xf32>
    %and3A_1152 = arith.andi %lt3A_1149, %eq3A_1151 : vector<8x512xi1>
    %jit3A_1153 = arith.constant 268435456 : i32
    %broadcast_in_dim3A_1154 = vector.broadcast %jit3A_1153 : i32 to vector<8x512xi32>
    %select_n3A_1155 = arith.select %and3A_1152, %get3A_1146, %broadcast_in_dim3A_1154 : vector<8x512xi1>, vector<8x512xi32>
    %min3A_1156 = arith.minsi %min3A_1138, %select_n3A_1155 : vector<8x512xi32>
    %get3A_1157 = arith.constant 0 : index
    %get3A_1158 = arith.constant 88 : index
    %get3A_1159 = arith.constant 0 : index
    %get3A_1160 = vector.load %arg1[%get3A_1157, %get3A_1158, %get3A_1159] : memref<1x512x512xf32, #tpu.memory_space<vmem>>, vector<1x8x512xf32>
    %get3A_1161 = vector.shape_cast %get3A_1160 : vector<1x8x512xf32> to vector<8x512xf32>
    %get3A_1162 = arith.constant 88 : index
    %get3A_1163 = arith.constant 0 : index
    %get3A_1164 = vector.load %arg3[%get3A_1162, %get3A_1163] : memref<512x512xi32, #tpu.memory_space<vmem>>, vector<8x512xi32>
    %lt3A_1165 = arith.constant 268435456 : i32
    %lt3A_1166 = vector.broadcast %lt3A_1165 : i32 to vector<8x512xi32>
    %lt3A_1167 = arith.cmpi slt, %get3A_1164, %lt3A_1166 : vector<8x512xi32>
    %eq3A_1168 = vector.broadcast %reduce_max3A_959 : f32 to vector<8x512xf32>
    %eq3A_1169 = arith.cmpf oeq, %get3A_1161, %eq3A_1168 : vector<8x512xf32>
    %and3A_1170 = arith.andi %lt3A_1167, %eq3A_1169 : vector<8x512xi1>
    %jit3A_1171 = arith.constant 268435456 : i32
    %broadcast_in_dim3A_1172 = vector.broadcast %jit3A_1171 : i32 to vector<8x512xi32>
    %select_n3A_1173 = arith.select %and3A_1170, %get3A_1164, %broadcast_in_dim3A_1172 : vector<8x512xi1>, vector<8x512xi32>
    %min3A_1174 = arith.minsi %min3A_1156, %select_n3A_1173 : vector<8x512xi32>
    %get3A_1175 = arith.constant 0 : index
    %get3A_1176 = arith.constant 96 : index
    %get3A_1177 = arith.constant 0 : index
    %get3A_1178 = vector.load %arg1[%get3A_1175, %get3A_1176, %get3A_1177] : memref<1x512x512xf32, #tpu.memory_space<vmem>>, vector<1x8x512xf32>
    %get3A_1179 = vector.shape_cast %get3A_1178 : vector<1x8x512xf32> to vector<8x512xf32>
    %get3A_1180 = arith.constant 96 : index
    %get3A_1181 = arith.constant 0 : index
    %get3A_1182 = vector.load %arg3[%get3A_1180, %get3A_1181] : memref<512x512xi32, #tpu.memory_space<vmem>>, vector<8x512xi32>
    %lt3A_1183 = arith.constant 268435456 : i32
    %lt3A_1184 = vector.broadcast %lt3A_1183 : i32 to vector<8x512xi32>
    %lt3A_1185 = arith.cmpi slt, %get3A_1182, %lt3A_1184 : vector<8x512xi32>
    %eq3A_1186 = vector.broadcast %reduce_max3A_959 : f32 to vector<8x512xf32>
    %eq3A_1187 = arith.cmpf oeq, %get3A_1179, %eq3A_1186 : vector<8x512xf32>
    %and3A_1188 = arith.andi %lt3A_1185, %eq3A_1187 : vector<8x512xi1>
    %jit3A_1189 = arith.constant 268435456 : i32
    %broadcast_in_dim3A_1190 = vector.broadcast %jit3A_1189 : i32 to vector<8x512xi32>
    %select_n3A_1191 = arith.select %and3A_1188, %get3A_1182, %broadcast_in_dim3A_1190 : vector<8x512xi1>, vector<8x512xi32>
    %min3A_1192 = arith.minsi %min3A_1174, %select_n3A_1191 : vector<8x512xi32>
    %get3A_1193 = arith.constant 0 : index
    %get3A_1194 = arith.constant 104 : index
    %get3A_1195 = arith.constant 0 : index
    %get3A_1196 = vector.load %arg1[%get3A_1193, %get3A_1194, %get3A_1195] : memref<1x512x512xf32, #tpu.memory_space<vmem>>, vector<1x8x512xf32>
    %get3A_1197 = vector.shape_cast %get3A_1196 : vector<1x8x512xf32> to vector<8x512xf32>
    %get3A_1198 = arith.constant 104 : index
    %get3A_1199 = arith.constant 0 : index
    %get3A_1200 = vector.load %arg3[%get3A_1198, %get3A_1199] : memref<512x512xi32, #tpu.memory_space<vmem>>, vector<8x512xi32>
    %lt3A_1201 = arith.constant 268435456 : i32
    %lt3A_1202 = vector.broadcast %lt3A_1201 : i32 to vector<8x512xi32>
    %lt3A_1203 = arith.cmpi slt, %get3A_1200, %lt3A_1202 : vector<8x512xi32>
    %eq3A_1204 = vector.broadcast %reduce_max3A_959 : f32 to vector<8x512xf32>
    %eq3A_1205 = arith.cmpf oeq, %get3A_1197, %eq3A_1204 : vector<8x512xf32>
    %and3A_1206 = arith.andi %lt3A_1203, %eq3A_1205 : vector<8x512xi1>
    %jit3A_1207 = arith.constant 268435456 : i32
    %broadcast_in_dim3A_1208 = vector.broadcast %jit3A_1207 : i32 to vector<8x512xi32>
    %select_n3A_1209 = arith.select %and3A_1206, %get3A_1200, %broadcast_in_dim3A_1208 : vector<8x512xi1>, vector<8x512xi32>
    %min3A_1210 = arith.minsi %min3A_1192, %select_n3A_1209 : vector<8x512xi32>
    %get3A_1211 = arith.constant 0 : index
    %get3A_1212 = arith.constant 112 : index
    %get3A_1213 = arith.constant 0 : index
    %get3A_1214 = vector.load %arg1[%get3A_1211, %get3A_1212, %get3A_1213] : memref<1x512x512xf32, #tpu.memory_space<vmem>>, vector<1x8x512xf32>
    %get3A_1215 = vector.shape_cast %get3A_1214 : vector<1x8x512xf32> to vector<8x512xf32>
    %get3A_1216 = arith.constant 112 : index
    %get3A_1217 = arith.constant 0 : index
    %get3A_1218 = vector.load %arg3[%get3A_1216, %get3A_1217] : memref<512x512xi32, #tpu.memory_space<vmem>>, vector<8x512xi32>
    %lt3A_1219 = arith.constant 268435456 : i32
    %lt3A_1220 = vector.broadcast %lt3A_1219 : i32 to vector<8x512xi32>
    %lt3A_1221 = arith.cmpi slt, %get3A_1218, %lt3A_1220 : vector<8x512xi32>
    %eq3A_1222 = vector.broadcast %reduce_max3A_959 : f32 to vector<8x512xf32>
    %eq3A_1223 = arith.cmpf oeq, %get3A_1215, %eq3A_1222 : vector<8x512xf32>
    %and3A_1224 = arith.andi %lt3A_1221, %eq3A_1223 : vector<8x512xi1>
    %jit3A_1225 = arith.constant 268435456 : i32
    %broadcast_in_dim3A_1226 = vector.broadcast %jit3A_1225 : i32 to vector<8x512xi32>
    %select_n3A_1227 = arith.select %and3A_1224, %get3A_1218, %broadcast_in_dim3A_1226 : vector<8x512xi1>, vector<8x512xi32>
    %min3A_1228 = arith.minsi %min3A_1210, %select_n3A_1227 : vector<8x512xi32>
    %get3A_1229 = arith.constant 0 : index
    %get3A_1230 = arith.constant 120 : index
    %get3A_1231 = arith.constant 0 : index
    %get3A_1232 = vector.load %arg1[%get3A_1229, %get3A_1230, %get3A_1231] : memref<1x512x512xf32, #tpu.memory_space<vmem>>, vector<1x8x512xf32>
    %get3A_1233 = vector.shape_cast %get3A_1232 : vector<1x8x512xf32> to vector<8x512xf32>
    %get3A_1234 = arith.constant 120 : index
    %get3A_1235 = arith.constant 0 : index
    %get3A_1236 = vector.load %arg3[%get3A_1234, %get3A_1235] : memref<512x512xi32, #tpu.memory_space<vmem>>, vector<8x512xi32>
    %lt3A_1237 = arith.constant 268435456 : i32
    %lt3A_1238 = vector.broadcast %lt3A_1237 : i32 to vector<8x512xi32>
    %lt3A_1239 = arith.cmpi slt, %get3A_1236, %lt3A_1238 : vector<8x512xi32>
    %eq3A_1240 = vector.broadcast %reduce_max3A_959 : f32 to vector<8x512xf32>
    %eq3A_1241 = arith.cmpf oeq, %get3A_1233, %eq3A_1240 : vector<8x512xf32>
    %and3A_1242 = arith.andi %lt3A_1239, %eq3A_1241 : vector<8x512xi1>
    %jit3A_1243 = arith.constant 268435456 : i32
    %broadcast_in_dim3A_1244 = vector.broadcast %jit3A_1243 : i32 to vector<8x512xi32>
    %select_n3A_1245 = arith.select %and3A_1242, %get3A_1236, %broadcast_in_dim3A_1244 : vector<8x512xi1>, vector<8x512xi32>
    %min3A_1246 = arith.minsi %min3A_1228, %select_n3A_1245 : vector<8x512xi32>
    %get3A_1247 = arith.constant 0 : index
    %get3A_1248 = arith.constant 128 : index
    %get3A_1249 = arith.constant 0 : index
    %get3A_1250 = vector.load %arg1[%get3A_1247, %get3A_1248, %get3A_1249] : memref<1x512x512xf32, #tpu.memory_space<vmem>>, vector<1x8x512xf32>
    %get3A_1251 = vector.shape_cast %get3A_1250 : vector<1x8x512xf32> to vector<8x512xf32>
    %get3A_1252 = arith.constant 128 : index
    %get3A_1253 = arith.constant 0 : index
    %get3A_1254 = vector.load %arg3[%get3A_1252, %get3A_1253] : memref<512x512xi32, #tpu.memory_space<vmem>>, vector<8x512xi32>
    %lt3A_1255 = arith.constant 268435456 : i32
    %lt3A_1256 = vector.broadcast %lt3A_1255 : i32 to vector<8x512xi32>
    %lt3A_1257 = arith.cmpi slt, %get3A_1254, %lt3A_1256 : vector<8x512xi32>
    %eq3A_1258 = vector.broadcast %reduce_max3A_959 : f32 to vector<8x512xf32>
    %eq3A_1259 = arith.cmpf oeq, %get3A_1251, %eq3A_1258 : vector<8x512xf32>
    %and3A_1260 = arith.andi %lt3A_1257, %eq3A_1259 : vector<8x512xi1>
    %jit3A_1261 = arith.constant 268435456 : i32
    %broadcast_in_dim3A_1262 = vector.broadcast %jit3A_1261 : i32 to vector<8x512xi32>
    %select_n3A_1263 = arith.select %and3A_1260, %get3A_1254, %broadcast_in_dim3A_1262 : vector<8x512xi1>, vector<8x512xi32>
    %min3A_1264 = arith.minsi %min3A_1246, %select_n3A_1263 : vector<8x512xi32>
    %get3A_1265 = arith.constant 0 : index
    %get3A_1266 = arith.constant 136 : index
    %get3A_1267 = arith.constant 0 : index
    %get3A_1268 = vector.load %arg1[%get3A_1265, %get3A_1266, %get3A_1267] : memref<1x512x512xf32, #tpu.memory_space<vmem>>, vector<1x8x512xf32>
    %get3A_1269 = vector.shape_cast %get3A_1268 : vector<1x8x512xf32> to vector<8x512xf32>
    %get3A_1270 = arith.constant 136 : index
    %get3A_1271 = arith.constant 0 : index
    %get3A_1272 = vector.load %arg3[%get3A_1270, %get3A_1271] : memref<512x512xi32, #tpu.memory_space<vmem>>, vector<8x512xi32>
    %lt3A_1273 = arith.constant 268435456 : i32
    %lt3A_1274 = vector.broadcast %lt3A_1273 : i32 to vector<8x512xi32>
    %lt3A_1275 = arith.cmpi slt, %get3A_1272, %lt3A_1274 : vector<8x512xi32>
    %eq3A_1276 = vector.broadcast %reduce_max3A_959 : f32 to vector<8x512xf32>
    %eq3A_1277 = arith.cmpf oeq, %get3A_1269, %eq3A_1276 : vector<8x512xf32>
    %and3A_1278 = arith.andi %lt3A_1275, %eq3A_1277 : vector<8x512xi1>
    %jit3A_1279 = arith.constant 268435456 : i32
    %broadcast_in_dim3A_1280 = vector.broadcast %jit3A_1279 : i32 to vector<8x512xi32>
    %select_n3A_1281 = arith.select %and3A_1278, %get3A_1272, %broadcast_in_dim3A_1280 : vector<8x512xi1>, vector<8x512xi32>
    %min3A_1282 = arith.minsi %min3A_1264, %select_n3A_1281 : vector<8x512xi32>
    %get3A_1283 = arith.constant 0 : index
    %get3A_1284 = arith.constant 144 : index
    %get3A_1285 = arith.constant 0 : index
    %get3A_1286 = vector.load %arg1[%get3A_1283, %get3A_1284, %get3A_1285] : memref<1x512x512xf32, #tpu.memory_space<vmem>>, vector<1x8x512xf32>
    %get3A_1287 = vector.shape_cast %get3A_1286 : vector<1x8x512xf32> to vector<8x512xf32>
    %get3A_1288 = arith.constant 144 : index
    %get3A_1289 = arith.constant 0 : index
    %get3A_1290 = vector.load %arg3[%get3A_1288, %get3A_1289] : memref<512x512xi32, #tpu.memory_space<vmem>>, vector<8x512xi32>
    %lt3A_1291 = arith.constant 268435456 : i32
    %lt3A_1292 = vector.broadcast %lt3A_1291 : i32 to vector<8x512xi32>
    %lt3A_1293 = arith.cmpi slt, %get3A_1290, %lt3A_1292 : vector<8x512xi32>
    %eq3A_1294 = vector.broadcast %reduce_max3A_959 : f32 to vector<8x512xf32>
    %eq3A_1295 = arith.cmpf oeq, %get3A_1287, %eq3A_1294 : vector<8x512xf32>
    %and3A_1296 = arith.andi %lt3A_1293, %eq3A_1295 : vector<8x512xi1>
    %jit3A_1297 = arith.constant 268435456 : i32
    %broadcast_in_dim3A_1298 = vector.broadcast %jit3A_1297 : i32 to vector<8x512xi32>
    %select_n3A_1299 = arith.select %and3A_1296, %get3A_1290, %broadcast_in_dim3A_1298 : vector<8x512xi1>, vector<8x512xi32>
    %min3A_1300 = arith.minsi %min3A_1282, %select_n3A_1299 : vector<8x512xi32>
    %get3A_1301 = arith.constant 0 : index
    %get3A_1302 = arith.constant 152 : index
    %get3A_1303 = arith.constant 0 : index
    %get3A_1304 = vector.load %arg1[%get3A_1301, %get3A_1302, %get3A_1303] : memref<1x512x512xf32, #tpu.memory_space<vmem>>, vector<1x8x512xf32>
    %get3A_1305 = vector.shape_cast %get3A_1304 : vector<1x8x512xf32> to vector<8x512xf32>
    %get3A_1306 = arith.constant 152 : index
    %get3A_1307 = arith.constant 0 : index
    %get3A_1308 = vector.load %arg3[%get3A_1306, %get3A_1307] : memref<512x512xi32, #tpu.memory_space<vmem>>, vector<8x512xi32>
    %lt3A_1309 = arith.constant 268435456 : i32
    %lt3A_1310 = vector.broadcast %lt3A_1309 : i32 to vector<8x512xi32>
    %lt3A_1311 = arith.cmpi slt, %get3A_1308, %lt3A_1310 : vector<8x512xi32>
    %eq3A_1312 = vector.broadcast %reduce_max3A_959 : f32 to vector<8x512xf32>
    %eq3A_1313 = arith.cmpf oeq, %get3A_1305, %eq3A_1312 : vector<8x512xf32>
    %and3A_1314 = arith.andi %lt3A_1311, %eq3A_1313 : vector<8x512xi1>
    %jit3A_1315 = arith.constant 268435456 : i32
    %broadcast_in_dim3A_1316 = vector.broadcast %jit3A_1315 : i32 to vector<8x512xi32>
    %select_n3A_1317 = arith.select %and3A_1314, %get3A_1308, %broadcast_in_dim3A_1316 : vector<8x512xi1>, vector<8x512xi32>
    %min3A_1318 = arith.minsi %min3A_1300, %select_n3A_1317 : vector<8x512xi32>
    %get3A_1319 = arith.constant 0 : index
    %get3A_1320 = arith.constant 160 : index
    %get3A_1321 = arith.constant 0 : index
    %get3A_1322 = vector.load %arg1[%get3A_1319, %get3A_1320, %get3A_1321] : memref<1x512x512xf32, #tpu.memory_space<vmem>>, vector<1x8x512xf32>
    %get3A_1323 = vector.shape_cast %get3A_1322 : vector<1x8x512xf32> to vector<8x512xf32>
    %get3A_1324 = arith.constant 160 : index
    %get3A_1325 = arith.constant 0 : index
    %get3A_1326 = vector.load %arg3[%get3A_1324, %get3A_1325] : memref<512x512xi32, #tpu.memory_space<vmem>>, vector<8x512xi32>
    %lt3A_1327 = arith.constant 268435456 : i32
    %lt3A_1328 = vector.broadcast %lt3A_1327 : i32 to vector<8x512xi32>
    %lt3A_1329 = arith.cmpi slt, %get3A_1326, %lt3A_1328 : vector<8x512xi32>
    %eq3A_1330 = vector.broadcast %reduce_max3A_959 : f32 to vector<8x512xf32>
    %eq3A_1331 = arith.cmpf oeq, %get3A_1323, %eq3A_1330 : vector<8x512xf32>
    %and3A_1332 = arith.andi %lt3A_1329, %eq3A_1331 : vector<8x512xi1>
    %jit3A_1333 = arith.constant 268435456 : i32
    %broadcast_in_dim3A_1334 = vector.broadcast %jit3A_1333 : i32 to vector<8x512xi32>
    %select_n3A_1335 = arith.select %and3A_1332, %get3A_1326, %broadcast_in_dim3A_1334 : vector<8x512xi1>, vector<8x512xi32>
    %min3A_1336 = arith.minsi %min3A_1318, %select_n3A_1335 : vector<8x512xi32>
    %get3A_1337 = arith.constant 0 : index
    %get3A_1338 = arith.constant 168 : index
    %get3A_1339 = arith.constant 0 : index
    %get3A_1340 = vector.load %arg1[%get3A_1337, %get3A_1338, %get3A_1339] : memref<1x512x512xf32, #tpu.memory_space<vmem>>, vector<1x8x512xf32>
    %get3A_1341 = vector.shape_cast %get3A_1340 : vector<1x8x512xf32> to vector<8x512xf32>
    %get3A_1342 = arith.constant 168 : index
    %get3A_1343 = arith.constant 0 : index
    %get3A_1344 = vector.load %arg3[%get3A_1342, %get3A_1343] : memref<512x512xi32, #tpu.memory_space<vmem>>, vector<8x512xi32>
    %lt3A_1345 = arith.constant 268435456 : i32
    %lt3A_1346 = vector.broadcast %lt3A_1345 : i32 to vector<8x512xi32>
    %lt3A_1347 = arith.cmpi slt, %get3A_1344, %lt3A_1346 : vector<8x512xi32>
    %eq3A_1348 = vector.broadcast %reduce_max3A_959 : f32 to vector<8x512xf32>
    %eq3A_1349 = arith.cmpf oeq, %get3A_1341, %eq3A_1348 : vector<8x512xf32>
    %and3A_1350 = arith.andi %lt3A_1347, %eq3A_1349 : vector<8x512xi1>
    %jit3A_1351 = arith.constant 268435456 : i32
    %broadcast_in_dim3A_1352 = vector.broadcast %jit3A_1351 : i32 to vector<8x512xi32>
    %select_n3A_1353 = arith.select %and3A_1350, %get3A_1344, %broadcast_in_dim3A_1352 : vector<8x512xi1>, vector<8x512xi32>
    %min3A_1354 = arith.minsi %min3A_1336, %select_n3A_1353 : vector<8x512xi32>
    %get3A_1355 = arith.constant 0 : index
    %get3A_1356 = arith.constant 176 : index
    %get3A_1357 = arith.constant 0 : index
    %get3A_1358 = vector.load %arg1[%get3A_1355, %get3A_1356, %get3A_1357] : memref<1x512x512xf32, #tpu.memory_space<vmem>>, vector<1x8x512xf32>
    %get3A_1359 = vector.shape_cast %get3A_1358 : vector<1x8x512xf32> to vector<8x512xf32>
    %get3A_1360 = arith.constant 176 : index
    %get3A_1361 = arith.constant 0 : index
    %get3A_1362 = vector.load %arg3[%get3A_1360, %get3A_1361] : memref<512x512xi32, #tpu.memory_space<vmem>>, vector<8x512xi32>
    %lt3A_1363 = arith.constant 268435456 : i32
    %lt3A_1364 = vector.broadcast %lt3A_1363 : i32 to vector<8x512xi32>
    %lt3A_1365 = arith.cmpi slt, %get3A_1362, %lt3A_1364 : vector<8x512xi32>
    %eq3A_1366 = vector.broadcast %reduce_max3A_959 : f32 to vector<8x512xf32>
    %eq3A_1367 = arith.cmpf oeq, %get3A_1359, %eq3A_1366 : vector<8x512xf32>
    %and3A_1368 = arith.andi %lt3A_1365, %eq3A_1367 : vector<8x512xi1>
    %jit3A_1369 = arith.constant 268435456 : i32
    %broadcast_in_dim3A_1370 = vector.broadcast %jit3A_1369 : i32 to vector<8x512xi32>
    %select_n3A_1371 = arith.select %and3A_1368, %get3A_1362, %broadcast_in_dim3A_1370 : vector<8x512xi1>, vector<8x512xi32>
    %min3A_1372 = arith.minsi %min3A_1354, %select_n3A_1371 : vector<8x512xi32>
    %get3A_1373 = arith.constant 0 : index
    %get3A_1374 = arith.constant 184 : index
    %get3A_1375 = arith.constant 0 : index
    %get3A_1376 = vector.load %arg1[%get3A_1373, %get3A_1374, %get3A_1375] : memref<1x512x512xf32, #tpu.memory_space<vmem>>, vector<1x8x512xf32>
    %get3A_1377 = vector.shape_cast %get3A_1376 : vector<1x8x512xf32> to vector<8x512xf32>
    %get3A_1378 = arith.constant 184 : index
    %get3A_1379 = arith.constant 0 : index
    %get3A_1380 = vector.load %arg3[%get3A_1378, %get3A_1379] : memref<512x512xi32, #tpu.memory_space<vmem>>, vector<8x512xi32>
    %lt3A_1381 = arith.constant 268435456 : i32
    %lt3A_1382 = vector.broadcast %lt3A_1381 : i32 to vector<8x512xi32>
    %lt3A_1383 = arith.cmpi slt, %get3A_1380, %lt3A_1382 : vector<8x512xi32>
    %eq3A_1384 = vector.broadcast %reduce_max3A_959 : f32 to vector<8x512xf32>
    %eq3A_1385 = arith.cmpf oeq, %get3A_1377, %eq3A_1384 : vector<8x512xf32>
    %and3A_1386 = arith.andi %lt3A_1383, %eq3A_1385 : vector<8x512xi1>
    %jit3A_1387 = arith.constant 268435456 : i32
    %broadcast_in_dim3A_1388 = vector.broadcast %jit3A_1387 : i32 to vector<8x512xi32>
    %select_n3A_1389 = arith.select %and3A_1386, %get3A_1380, %broadcast_in_dim3A_1388 : vector<8x512xi1>, vector<8x512xi32>
    %min3A_1390 = arith.minsi %min3A_1372, %select_n3A_1389 : vector<8x512xi32>
    %get3A_1391 = arith.constant 0 : index
    %get3A_1392 = arith.constant 192 : index
    %get3A_1393 = arith.constant 0 : index
    %get3A_1394 = vector.load %arg1[%get3A_1391, %get3A_1392, %get3A_1393] : memref<1x512x512xf32, #tpu.memory_space<vmem>>, vector<1x8x512xf32>
    %get3A_1395 = vector.shape_cast %get3A_1394 : vector<1x8x512xf32> to vector<8x512xf32>
    %get3A_1396 = arith.constant 192 : index
    %get3A_1397 = arith.constant 0 : index
    %get3A_1398 = vector.load %arg3[%get3A_1396, %get3A_1397] : memref<512x512xi32, #tpu.memory_space<vmem>>, vector<8x512xi32>
    %lt3A_1399 = arith.constant 268435456 : i32
    %lt3A_1400 = vector.broadcast %lt3A_1399 : i32 to vector<8x512xi32>
    %lt3A_1401 = arith.cmpi slt, %get3A_1398, %lt3A_1400 : vector<8x512xi32>
    %eq3A_1402 = vector.broadcast %reduce_max3A_959 : f32 to vector<8x512xf32>
    %eq3A_1403 = arith.cmpf oeq, %get3A_1395, %eq3A_1402 : vector<8x512xf32>
    %and3A_1404 = arith.andi %lt3A_1401, %eq3A_1403 : vector<8x512xi1>
    %jit3A_1405 = arith.constant 268435456 : i32
    %broadcast_in_dim3A_1406 = vector.broadcast %jit3A_1405 : i32 to vector<8x512xi32>
    %select_n3A_1407 = arith.select %and3A_1404, %get3A_1398, %broadcast_in_dim3A_1406 : vector<8x512xi1>, vector<8x512xi32>
    %min3A_1408 = arith.minsi %min3A_1390, %select_n3A_1407 : vector<8x512xi32>
    %get3A_1409 = arith.constant 0 : index
    %get3A_1410 = arith.constant 200 : index
    %get3A_1411 = arith.constant 0 : index
    %get3A_1412 = vector.load %arg1[%get3A_1409, %get3A_1410, %get3A_1411] : memref<1x512x512xf32, #tpu.memory_space<vmem>>, vector<1x8x512xf32>
    %get3A_1413 = vector.shape_cast %get3A_1412 : vector<1x8x512xf32> to vector<8x512xf32>
    %get3A_1414 = arith.constant 200 : index
    %get3A_1415 = arith.constant 0 : index
    %get3A_1416 = vector.load %arg3[%get3A_1414, %get3A_1415] : memref<512x512xi32, #tpu.memory_space<vmem>>, vector<8x512xi32>
    %lt3A_1417 = arith.constant 268435456 : i32
    %lt3A_1418 = vector.broadcast %lt3A_1417 : i32 to vector<8x512xi32>
    %lt3A_1419 = arith.cmpi slt, %get3A_1416, %lt3A_1418 : vector<8x512xi32>
    %eq3A_1420 = vector.broadcast %reduce_max3A_959 : f32 to vector<8x512xf32>
    %eq3A_1421 = arith.cmpf oeq, %get3A_1413, %eq3A_1420 : vector<8x512xf32>
    %and3A_1422 = arith.andi %lt3A_1419, %eq3A_1421 : vector<8x512xi1>
    %jit3A_1423 = arith.constant 268435456 : i32
    %broadcast_in_dim3A_1424 = vector.broadcast %jit3A_1423 : i32 to vector<8x512xi32>
    %select_n3A_1425 = arith.select %and3A_1422, %get3A_1416, %broadcast_in_dim3A_1424 : vector<8x512xi1>, vector<8x512xi32>
    %min3A_1426 = arith.minsi %min3A_1408, %select_n3A_1425 : vector<8x512xi32>
    %get3A_1427 = arith.constant 0 : index
    %get3A_1428 = arith.constant 208 : index
    %get3A_1429 = arith.constant 0 : index
    %get3A_1430 = vector.load %arg1[%get3A_1427, %get3A_1428, %get3A_1429] : memref<1x512x512xf32, #tpu.memory_space<vmem>>, vector<1x8x512xf32>
    %get3A_1431 = vector.shape_cast %get3A_1430 : vector<1x8x512xf32> to vector<8x512xf32>
    %get3A_1432 = arith.constant 208 : index
    %get3A_1433 = arith.constant 0 : index
    %get3A_1434 = vector.load %arg3[%get3A_1432, %get3A_1433] : memref<512x512xi32, #tpu.memory_space<vmem>>, vector<8x512xi32>
    %lt3A_1435 = arith.constant 268435456 : i32
    %lt3A_1436 = vector.broadcast %lt3A_1435 : i32 to vector<8x512xi32>
    %lt3A_1437 = arith.cmpi slt, %get3A_1434, %lt3A_1436 : vector<8x512xi32>
    %eq3A_1438 = vector.broadcast %reduce_max3A_959 : f32 to vector<8x512xf32>
    %eq3A_1439 = arith.cmpf oeq, %get3A_1431, %eq3A_1438 : vector<8x512xf32>
    %and3A_1440 = arith.andi %lt3A_1437, %eq3A_1439 : vector<8x512xi1>
    %jit3A_1441 = arith.constant 268435456 : i32
    %broadcast_in_dim3A_1442 = vector.broadcast %jit3A_1441 : i32 to vector<8x512xi32>
    %select_n3A_1443 = arith.select %and3A_1440, %get3A_1434, %broadcast_in_dim3A_1442 : vector<8x512xi1>, vector<8x512xi32>
    %min3A_1444 = arith.minsi %min3A_1426, %select_n3A_1443 : vector<8x512xi32>
    %get3A_1445 = arith.constant 0 : index
    %get3A_1446 = arith.constant 216 : index
    %get3A_1447 = arith.constant 0 : index
    %get3A_1448 = vector.load %arg1[%get3A_1445, %get3A_1446, %get3A_1447] : memref<1x512x512xf32, #tpu.memory_space<vmem>>, vector<1x8x512xf32>
    %get3A_1449 = vector.shape_cast %get3A_1448 : vector<1x8x512xf32> to vector<8x512xf32>
    %get3A_1450 = arith.constant 216 : index
    %get3A_1451 = arith.constant 0 : index
    %get3A_1452 = vector.load %arg3[%get3A_1450, %get3A_1451] : memref<512x512xi32, #tpu.memory_space<vmem>>, vector<8x512xi32>
    %lt3A_1453 = arith.constant 268435456 : i32
    %lt3A_1454 = vector.broadcast %lt3A_1453 : i32 to vector<8x512xi32>
    %lt3A_1455 = arith.cmpi slt, %get3A_1452, %lt3A_1454 : vector<8x512xi32>
    %eq3A_1456 = vector.broadcast %reduce_max3A_959 : f32 to vector<8x512xf32>
    %eq3A_1457 = arith.cmpf oeq, %get3A_1449, %eq3A_1456 : vector<8x512xf32>
    %and3A_1458 = arith.andi %lt3A_1455, %eq3A_1457 : vector<8x512xi1>
    %jit3A_1459 = arith.constant 268435456 : i32
    %broadcast_in_dim3A_1460 = vector.broadcast %jit3A_1459 : i32 to vector<8x512xi32>
    %select_n3A_1461 = arith.select %and3A_1458, %get3A_1452, %broadcast_in_dim3A_1460 : vector<8x512xi1>, vector<8x512xi32>
    %min3A_1462 = arith.minsi %min3A_1444, %select_n3A_1461 : vector<8x512xi32>
    %get3A_1463 = arith.constant 0 : index
    %get3A_1464 = arith.constant 224 : index
    %get3A_1465 = arith.constant 0 : index
    %get3A_1466 = vector.load %arg1[%get3A_1463, %get3A_1464, %get3A_1465] : memref<1x512x512xf32, #tpu.memory_space<vmem>>, vector<1x8x512xf32>
    %get3A_1467 = vector.shape_cast %get3A_1466 : vector<1x8x512xf32> to vector<8x512xf32>
    %get3A_1468 = arith.constant 224 : index
    %get3A_1469 = arith.constant 0 : index
    %get3A_1470 = vector.load %arg3[%get3A_1468, %get3A_1469] : memref<512x512xi32, #tpu.memory_space<vmem>>, vector<8x512xi32>
    %lt3A_1471 = arith.constant 268435456 : i32
    %lt3A_1472 = vector.broadcast %lt3A_1471 : i32 to vector<8x512xi32>
    %lt3A_1473 = arith.cmpi slt, %get3A_1470, %lt3A_1472 : vector<8x512xi32>
    %eq3A_1474 = vector.broadcast %reduce_max3A_959 : f32 to vector<8x512xf32>
    %eq3A_1475 = arith.cmpf oeq, %get3A_1467, %eq3A_1474 : vector<8x512xf32>
    %and3A_1476 = arith.andi %lt3A_1473, %eq3A_1475 : vector<8x512xi1>
    %jit3A_1477 = arith.constant 268435456 : i32
    %broadcast_in_dim3A_1478 = vector.broadcast %jit3A_1477 : i32 to vector<8x512xi32>
    %select_n3A_1479 = arith.select %and3A_1476, %get3A_1470, %broadcast_in_dim3A_1478 : vector<8x512xi1>, vector<8x512xi32>
    %min3A_1480 = arith.minsi %min3A_1462, %select_n3A_1479 : vector<8x512xi32>
    %get3A_1481 = arith.constant 0 : index
    %get3A_1482 = arith.constant 232 : index
    %get3A_1483 = arith.constant 0 : index
    %get3A_1484 = vector.load %arg1[%get3A_1481, %get3A_1482, %get3A_1483] : memref<1x512x512xf32, #tpu.memory_space<vmem>>, vector<1x8x512xf32>
    %get3A_1485 = vector.shape_cast %get3A_1484 : vector<1x8x512xf32> to vector<8x512xf32>
    %get3A_1486 = arith.constant 232 : index
    %get3A_1487 = arith.constant 0 : index
    %get3A_1488 = vector.load %arg3[%get3A_1486, %get3A_1487] : memref<512x512xi32, #tpu.memory_space<vmem>>, vector<8x512xi32>
    %lt3A_1489 = arith.constant 268435456 : i32
    %lt3A_1490 = vector.broadcast %lt3A_1489 : i32 to vector<8x512xi32>
    %lt3A_1491 = arith.cmpi slt, %get3A_1488, %lt3A_1490 : vector<8x512xi32>
    %eq3A_1492 = vector.broadcast %reduce_max3A_959 : f32 to vector<8x512xf32>
    %eq3A_1493 = arith.cmpf oeq, %get3A_1485, %eq3A_1492 : vector<8x512xf32>
    %and3A_1494 = arith.andi %lt3A_1491, %eq3A_1493 : vector<8x512xi1>
    %jit3A_1495 = arith.constant 268435456 : i32
    %broadcast_in_dim3A_1496 = vector.broadcast %jit3A_1495 : i32 to vector<8x512xi32>
    %select_n3A_1497 = arith.select %and3A_1494, %get3A_1488, %broadcast_in_dim3A_1496 : vector<8x512xi1>, vector<8x512xi32>
    %min3A_1498 = arith.minsi %min3A_1480, %select_n3A_1497 : vector<8x512xi32>
    %get3A_1499 = arith.constant 0 : index
    %get3A_1500 = arith.constant 240 : index
    %get3A_1501 = arith.constant 0 : index
    %get3A_1502 = vector.load %arg1[%get3A_1499, %get3A_1500, %get3A_1501] : memref<1x512x512xf32, #tpu.memory_space<vmem>>, vector<1x8x512xf32>
    %get3A_1503 = vector.shape_cast %get3A_1502 : vector<1x8x512xf32> to vector<8x512xf32>
    %get3A_1504 = arith.constant 240 : index
    %get3A_1505 = arith.constant 0 : index
    %get3A_1506 = vector.load %arg3[%get3A_1504, %get3A_1505] : memref<512x512xi32, #tpu.memory_space<vmem>>, vector<8x512xi32>
    %lt3A_1507 = arith.constant 268435456 : i32
    %lt3A_1508 = vector.broadcast %lt3A_1507 : i32 to vector<8x512xi32>
    %lt3A_1509 = arith.cmpi slt, %get3A_1506, %lt3A_1508 : vector<8x512xi32>
    %eq3A_1510 = vector.broadcast %reduce_max3A_959 : f32 to vector<8x512xf32>
    %eq3A_1511 = arith.cmpf oeq, %get3A_1503, %eq3A_1510 : vector<8x512xf32>
    %and3A_1512 = arith.andi %lt3A_1509, %eq3A_1511 : vector<8x512xi1>
    %jit3A_1513 = arith.constant 268435456 : i32
    %broadcast_in_dim3A_1514 = vector.broadcast %jit3A_1513 : i32 to vector<8x512xi32>
    %select_n3A_1515 = arith.select %and3A_1512, %get3A_1506, %broadcast_in_dim3A_1514 : vector<8x512xi1>, vector<8x512xi32>
    %min3A_1516 = arith.minsi %min3A_1498, %select_n3A_1515 : vector<8x512xi32>
    %get3A_1517 = arith.constant 0 : index
    %get3A_1518 = arith.constant 248 : index
    %get3A_1519 = arith.constant 0 : index
    %get3A_1520 = vector.load %arg1[%get3A_1517, %get3A_1518, %get3A_1519] : memref<1x512x512xf32, #tpu.memory_space<vmem>>, vector<1x8x512xf32>
    %get3A_1521 = vector.shape_cast %get3A_1520 : vector<1x8x512xf32> to vector<8x512xf32>
    %get3A_1522 = arith.constant 248 : index
    %get3A_1523 = arith.constant 0 : index
    %get3A_1524 = vector.load %arg3[%get3A_1522, %get3A_1523] : memref<512x512xi32, #tpu.memory_space<vmem>>, vector<8x512xi32>
    %lt3A_1525 = arith.constant 268435456 : i32
    %lt3A_1526 = vector.broadcast %lt3A_1525 : i32 to vector<8x512xi32>
    %lt3A_1527 = arith.cmpi slt, %get3A_1524, %lt3A_1526 : vector<8x512xi32>
    %eq3A_1528 = vector.broadcast %reduce_max3A_959 : f32 to vector<8x512xf32>
    %eq3A_1529 = arith.cmpf oeq, %get3A_1521, %eq3A_1528 : vector<8x512xf32>
    %and3A_1530 = arith.andi %lt3A_1527, %eq3A_1529 : vector<8x512xi1>
    %jit3A_1531 = arith.constant 268435456 : i32
    %broadcast_in_dim3A_1532 = vector.broadcast %jit3A_1531 : i32 to vector<8x512xi32>
    %select_n3A_1533 = arith.select %and3A_1530, %get3A_1524, %broadcast_in_dim3A_1532 : vector<8x512xi1>, vector<8x512xi32>
    %min3A_1534 = arith.minsi %min3A_1516, %select_n3A_1533 : vector<8x512xi32>
    %get3A_1535 = arith.constant 0 : index
    %get3A_1536 = arith.constant 256 : index
    %get3A_1537 = arith.constant 0 : index
    %get3A_1538 = vector.load %arg1[%get3A_1535, %get3A_1536, %get3A_1537] : memref<1x512x512xf32, #tpu.memory_space<vmem>>, vector<1x8x512xf32>
    %get3A_1539 = vector.shape_cast %get3A_1538 : vector<1x8x512xf32> to vector<8x512xf32>
    %get3A_1540 = arith.constant 256 : index
    %get3A_1541 = arith.constant 0 : index
    %get3A_1542 = vector.load %arg3[%get3A_1540, %get3A_1541] : memref<512x512xi32, #tpu.memory_space<vmem>>, vector<8x512xi32>
    %lt3A_1543 = arith.constant 268435456 : i32
    %lt3A_1544 = vector.broadcast %lt3A_1543 : i32 to vector<8x512xi32>
    %lt3A_1545 = arith.cmpi slt, %get3A_1542, %lt3A_1544 : vector<8x512xi32>
    %eq3A_1546 = vector.broadcast %reduce_max3A_959 : f32 to vector<8x512xf32>
    %eq3A_1547 = arith.cmpf oeq, %get3A_1539, %eq3A_1546 : vector<8x512xf32>
    %and3A_1548 = arith.andi %lt3A_1545, %eq3A_1547 : vector<8x512xi1>
    %jit3A_1549 = arith.constant 268435456 : i32
    %broadcast_in_dim3A_1550 = vector.broadcast %jit3A_1549 : i32 to vector<8x512xi32>
    %select_n3A_1551 = arith.select %and3A_1548, %get3A_1542, %broadcast_in_dim3A_1550 : vector<8x512xi1>, vector<8x512xi32>
    %min3A_1552 = arith.minsi %min3A_1534, %select_n3A_1551 : vector<8x512xi32>
    %get3A_1553 = arith.constant 0 : index
    %get3A_1554 = arith.constant 264 : index
    %get3A_1555 = arith.constant 0 : index
    %get3A_1556 = vector.load %arg1[%get3A_1553, %get3A_1554, %get3A_1555] : memref<1x512x512xf32, #tpu.memory_space<vmem>>, vector<1x8x512xf32>
    %get3A_1557 = vector.shape_cast %get3A_1556 : vector<1x8x512xf32> to vector<8x512xf32>
    %get3A_1558 = arith.constant 264 : index
    %get3A_1559 = arith.constant 0 : index
    %get3A_1560 = vector.load %arg3[%get3A_1558, %get3A_1559] : memref<512x512xi32, #tpu.memory_space<vmem>>, vector<8x512xi32>
    %lt3A_1561 = arith.constant 268435456 : i32
    %lt3A_1562 = vector.broadcast %lt3A_1561 : i32 to vector<8x512xi32>
    %lt3A_1563 = arith.cmpi slt, %get3A_1560, %lt3A_1562 : vector<8x512xi32>
    %eq3A_1564 = vector.broadcast %reduce_max3A_959 : f32 to vector<8x512xf32>
    %eq3A_1565 = arith.cmpf oeq, %get3A_1557, %eq3A_1564 : vector<8x512xf32>
    %and3A_1566 = arith.andi %lt3A_1563, %eq3A_1565 : vector<8x512xi1>
    %jit3A_1567 = arith.constant 268435456 : i32
    %broadcast_in_dim3A_1568 = vector.broadcast %jit3A_1567 : i32 to vector<8x512xi32>
    %select_n3A_1569 = arith.select %and3A_1566, %get3A_1560, %broadcast_in_dim3A_1568 : vector<8x512xi1>, vector<8x512xi32>
    %min3A_1570 = arith.minsi %min3A_1552, %select_n3A_1569 : vector<8x512xi32>
    %get3A_1571 = arith.constant 0 : index
    %get3A_1572 = arith.constant 272 : index
    %get3A_1573 = arith.constant 0 : index
    %get3A_1574 = vector.load %arg1[%get3A_1571, %get3A_1572, %get3A_1573] : memref<1x512x512xf32, #tpu.memory_space<vmem>>, vector<1x8x512xf32>
    %get3A_1575 = vector.shape_cast %get3A_1574 : vector<1x8x512xf32> to vector<8x512xf32>
    %get3A_1576 = arith.constant 272 : index
    %get3A_1577 = arith.constant 0 : index
    %get3A_1578 = vector.load %arg3[%get3A_1576, %get3A_1577] : memref<512x512xi32, #tpu.memory_space<vmem>>, vector<8x512xi32>
    %lt3A_1579 = arith.constant 268435456 : i32
    %lt3A_1580 = vector.broadcast %lt3A_1579 : i32 to vector<8x512xi32>
    %lt3A_1581 = arith.cmpi slt, %get3A_1578, %lt3A_1580 : vector<8x512xi32>
    %eq3A_1582 = vector.broadcast %reduce_max3A_959 : f32 to vector<8x512xf32>
    %eq3A_1583 = arith.cmpf oeq, %get3A_1575, %eq3A_1582 : vector<8x512xf32>
    %and3A_1584 = arith.andi %lt3A_1581, %eq3A_1583 : vector<8x512xi1>
    %jit3A_1585 = arith.constant 268435456 : i32
    %broadcast_in_dim3A_1586 = vector.broadcast %jit3A_1585 : i32 to vector<8x512xi32>
    %select_n3A_1587 = arith.select %and3A_1584, %get3A_1578, %broadcast_in_dim3A_1586 : vector<8x512xi1>, vector<8x512xi32>
    %min3A_1588 = arith.minsi %min3A_1570, %select_n3A_1587 : vector<8x512xi32>
    %get3A_1589 = arith.constant 0 : index
    %get3A_1590 = arith.constant 280 : index
    %get3A_1591 = arith.constant 0 : index
    %get3A_1592 = vector.load %arg1[%get3A_1589, %get3A_1590, %get3A_1591] : memref<1x512x512xf32, #tpu.memory_space<vmem>>, vector<1x8x512xf32>
    %get3A_1593 = vector.shape_cast %get3A_1592 : vector<1x8x512xf32> to vector<8x512xf32>
    %get3A_1594 = arith.constant 280 : index
    %get3A_1595 = arith.constant 0 : index
    %get3A_1596 = vector.load %arg3[%get3A_1594, %get3A_1595] : memref<512x512xi32, #tpu.memory_space<vmem>>, vector<8x512xi32>
    %lt3A_1597 = arith.constant 268435456 : i32
    %lt3A_1598 = vector.broadcast %lt3A_1597 : i32 to vector<8x512xi32>
    %lt3A_1599 = arith.cmpi slt, %get3A_1596, %lt3A_1598 : vector<8x512xi32>
    %eq3A_1600 = vector.broadcast %reduce_max3A_959 : f32 to vector<8x512xf32>
    %eq3A_1601 = arith.cmpf oeq, %get3A_1593, %eq3A_1600 : vector<8x512xf32>
    %and3A_1602 = arith.andi %lt3A_1599, %eq3A_1601 : vector<8x512xi1>
    %jit3A_1603 = arith.constant 268435456 : i32
    %broadcast_in_dim3A_1604 = vector.broadcast %jit3A_1603 : i32 to vector<8x512xi32>
    %select_n3A_1605 = arith.select %and3A_1602, %get3A_1596, %broadcast_in_dim3A_1604 : vector<8x512xi1>, vector<8x512xi32>
    %min3A_1606 = arith.minsi %min3A_1588, %select_n3A_1605 : vector<8x512xi32>
    %get3A_1607 = arith.constant 0 : index
    %get3A_1608 = arith.constant 288 : index
    %get3A_1609 = arith.constant 0 : index
    %get3A_1610 = vector.load %arg1[%get3A_1607, %get3A_1608, %get3A_1609] : memref<1x512x512xf32, #tpu.memory_space<vmem>>, vector<1x8x512xf32>
    %get3A_1611 = vector.shape_cast %get3A_1610 : vector<1x8x512xf32> to vector<8x512xf32>
    %get3A_1612 = arith.constant 288 : index
    %get3A_1613 = arith.constant 0 : index
    %get3A_1614 = vector.load %arg3[%get3A_1612, %get3A_1613] : memref<512x512xi32, #tpu.memory_space<vmem>>, vector<8x512xi32>
    %lt3A_1615 = arith.constant 268435456 : i32
    %lt3A_1616 = vector.broadcast %lt3A_1615 : i32 to vector<8x512xi32>
    %lt3A_1617 = arith.cmpi slt, %get3A_1614, %lt3A_1616 : vector<8x512xi32>
    %eq3A_1618 = vector.broadcast %reduce_max3A_959 : f32 to vector<8x512xf32>
    %eq3A_1619 = arith.cmpf oeq, %get3A_1611, %eq3A_1618 : vector<8x512xf32>
    %and3A_1620 = arith.andi %lt3A_1617, %eq3A_1619 : vector<8x512xi1>
    %jit3A_1621 = arith.constant 268435456 : i32
    %broadcast_in_dim3A_1622 = vector.broadcast %jit3A_1621 : i32 to vector<8x512xi32>
    %select_n3A_1623 = arith.select %and3A_1620, %get3A_1614, %broadcast_in_dim3A_1622 : vector<8x512xi1>, vector<8x512xi32>
    %min3A_1624 = arith.minsi %min3A_1606, %select_n3A_1623 : vector<8x512xi32>
    %get3A_1625 = arith.constant 0 : index
    %get3A_1626 = arith.constant 296 : index
    %get3A_1627 = arith.constant 0 : index
    %get3A_1628 = vector.load %arg1[%get3A_1625, %get3A_1626, %get3A_1627] : memref<1x512x512xf32, #tpu.memory_space<vmem>>, vector<1x8x512xf32>
    %get3A_1629 = vector.shape_cast %get3A_1628 : vector<1x8x512xf32> to vector<8x512xf32>
    %get3A_1630 = arith.constant 296 : index
    %get3A_1631 = arith.constant 0 : index
    %get3A_1632 = vector.load %arg3[%get3A_1630, %get3A_1631] : memref<512x512xi32, #tpu.memory_space<vmem>>, vector<8x512xi32>
    %lt3A_1633 = arith.constant 268435456 : i32
    %lt3A_1634 = vector.broadcast %lt3A_1633 : i32 to vector<8x512xi32>
    %lt3A_1635 = arith.cmpi slt, %get3A_1632, %lt3A_1634 : vector<8x512xi32>
    %eq3A_1636 = vector.broadcast %reduce_max3A_959 : f32 to vector<8x512xf32>
    %eq3A_1637 = arith.cmpf oeq, %get3A_1629, %eq3A_1636 : vector<8x512xf32>
    %and3A_1638 = arith.andi %lt3A_1635, %eq3A_1637 : vector<8x512xi1>
    %jit3A_1639 = arith.constant 268435456 : i32
    %broadcast_in_dim3A_1640 = vector.broadcast %jit3A_1639 : i32 to vector<8x512xi32>
    %select_n3A_1641 = arith.select %and3A_1638, %get3A_1632, %broadcast_in_dim3A_1640 : vector<8x512xi1>, vector<8x512xi32>
    %min3A_1642 = arith.minsi %min3A_1624, %select_n3A_1641 : vector<8x512xi32>
    %get3A_1643 = arith.constant 0 : index
    %get3A_1644 = arith.constant 304 : index
    %get3A_1645 = arith.constant 0 : index
    %get3A_1646 = vector.load %arg1[%get3A_1643, %get3A_1644, %get3A_1645] : memref<1x512x512xf32, #tpu.memory_space<vmem>>, vector<1x8x512xf32>
    %get3A_1647 = vector.shape_cast %get3A_1646 : vector<1x8x512xf32> to vector<8x512xf32>
    %get3A_1648 = arith.constant 304 : index
    %get3A_1649 = arith.constant 0 : index
    %get3A_1650 = vector.load %arg3[%get3A_1648, %get3A_1649] : memref<512x512xi32, #tpu.memory_space<vmem>>, vector<8x512xi32>
    %lt3A_1651 = arith.constant 268435456 : i32
    %lt3A_1652 = vector.broadcast %lt3A_1651 : i32 to vector<8x512xi32>
    %lt3A_1653 = arith.cmpi slt, %get3A_1650, %lt3A_1652 : vector<8x512xi32>
    %eq3A_1654 = vector.broadcast %reduce_max3A_959 : f32 to vector<8x512xf32>
    %eq3A_1655 = arith.cmpf oeq, %get3A_1647, %eq3A_1654 : vector<8x512xf32>
    %and3A_1656 = arith.andi %lt3A_1653, %eq3A_1655 : vector<8x512xi1>
    %jit3A_1657 = arith.constant 268435456 : i32
    %broadcast_in_dim3A_1658 = vector.broadcast %jit3A_1657 : i32 to vector<8x512xi32>
    %select_n3A_1659 = arith.select %and3A_1656, %get3A_1650, %broadcast_in_dim3A_1658 : vector<8x512xi1>, vector<8x512xi32>
    %min3A_1660 = arith.minsi %min3A_1642, %select_n3A_1659 : vector<8x512xi32>
    %get3A_1661 = arith.constant 0 : index
    %get3A_1662 = arith.constant 312 : index
    %get3A_1663 = arith.constant 0 : index
    %get3A_1664 = vector.load %arg1[%get3A_1661, %get3A_1662, %get3A_1663] : memref<1x512x512xf32, #tpu.memory_space<vmem>>, vector<1x8x512xf32>
    %get3A_1665 = vector.shape_cast %get3A_1664 : vector<1x8x512xf32> to vector<8x512xf32>
    %get3A_1666 = arith.constant 312 : index
    %get3A_1667 = arith.constant 0 : index
    %get3A_1668 = vector.load %arg3[%get3A_1666, %get3A_1667] : memref<512x512xi32, #tpu.memory_space<vmem>>, vector<8x512xi32>
    %lt3A_1669 = arith.constant 268435456 : i32
    %lt3A_1670 = vector.broadcast %lt3A_1669 : i32 to vector<8x512xi32>
    %lt3A_1671 = arith.cmpi slt, %get3A_1668, %lt3A_1670 : vector<8x512xi32>
    %eq3A_1672 = vector.broadcast %reduce_max3A_959 : f32 to vector<8x512xf32>
    %eq3A_1673 = arith.cmpf oeq, %get3A_1665, %eq3A_1672 : vector<8x512xf32>
    %and3A_1674 = arith.andi %lt3A_1671, %eq3A_1673 : vector<8x512xi1>
    %jit3A_1675 = arith.constant 268435456 : i32
    %broadcast_in_dim3A_1676 = vector.broadcast %jit3A_1675 : i32 to vector<8x512xi32>
    %select_n3A_1677 = arith.select %and3A_1674, %get3A_1668, %broadcast_in_dim3A_1676 : vector<8x512xi1>, vector<8x512xi32>
    %min3A_1678 = arith.minsi %min3A_1660, %select_n3A_1677 : vector<8x512xi32>
    %get3A_1679 = arith.constant 0 : index
    %get3A_1680 = arith.constant 320 : index
    %get3A_1681 = arith.constant 0 : index
    %get3A_1682 = vector.load %arg1[%get3A_1679, %get3A_1680, %get3A_1681] : memref<1x512x512xf32, #tpu.memory_space<vmem>>, vector<1x8x512xf32>
    %get3A_1683 = vector.shape_cast %get3A_1682 : vector<1x8x512xf32> to vector<8x512xf32>
    %get3A_1684 = arith.constant 320 : index
    %get3A_1685 = arith.constant 0 : index
    %get3A_1686 = vector.load %arg3[%get3A_1684, %get3A_1685] : memref<512x512xi32, #tpu.memory_space<vmem>>, vector<8x512xi32>
    %lt3A_1687 = arith.constant 268435456 : i32
    %lt3A_1688 = vector.broadcast %lt3A_1687 : i32 to vector<8x512xi32>
    %lt3A_1689 = arith.cmpi slt, %get3A_1686, %lt3A_1688 : vector<8x512xi32>
    %eq3A_1690 = vector.broadcast %reduce_max3A_959 : f32 to vector<8x512xf32>
    %eq3A_1691 = arith.cmpf oeq, %get3A_1683, %eq3A_1690 : vector<8x512xf32>
    %and3A_1692 = arith.andi %lt3A_1689, %eq3A_1691 : vector<8x512xi1>
    %jit3A_1693 = arith.constant 268435456 : i32
    %broadcast_in_dim3A_1694 = vector.broadcast %jit3A_1693 : i32 to vector<8x512xi32>
    %select_n3A_1695 = arith.select %and3A_1692, %get3A_1686, %broadcast_in_dim3A_1694 : vector<8x512xi1>, vector<8x512xi32>
    %min3A_1696 = arith.minsi %min3A_1678, %select_n3A_1695 : vector<8x512xi32>
    %get3A_1697 = arith.constant 0 : index
    %get3A_1698 = arith.constant 328 : index
    %get3A_1699 = arith.constant 0 : index
    %get3A_1700 = vector.load %arg1[%get3A_1697, %get3A_1698, %get3A_1699] : memref<1x512x512xf32, #tpu.memory_space<vmem>>, vector<1x8x512xf32>
    %get3A_1701 = vector.shape_cast %get3A_1700 : vector<1x8x512xf32> to vector<8x512xf32>
    %get3A_1702 = arith.constant 328 : index
    %get3A_1703 = arith.constant 0 : index
    %get3A_1704 = vector.load %arg3[%get3A_1702, %get3A_1703] : memref<512x512xi32, #tpu.memory_space<vmem>>, vector<8x512xi32>
    %lt3A_1705 = arith.constant 268435456 : i32
    %lt3A_1706 = vector.broadcast %lt3A_1705 : i32 to vector<8x512xi32>
    %lt3A_1707 = arith.cmpi slt, %get3A_1704, %lt3A_1706 : vector<8x512xi32>
    %eq3A_1708 = vector.broadcast %reduce_max3A_959 : f32 to vector<8x512xf32>
    %eq3A_1709 = arith.cmpf oeq, %get3A_1701, %eq3A_1708 : vector<8x512xf32>
    %and3A_1710 = arith.andi %lt3A_1707, %eq3A_1709 : vector<8x512xi1>
    %jit3A_1711 = arith.constant 268435456 : i32
    %broadcast_in_dim3A_1712 = vector.broadcast %jit3A_1711 : i32 to vector<8x512xi32>
    %select_n3A_1713 = arith.select %and3A_1710, %get3A_1704, %broadcast_in_dim3A_1712 : vector<8x512xi1>, vector<8x512xi32>
    %min3A_1714 = arith.minsi %min3A_1696, %select_n3A_1713 : vector<8x512xi32>
    %get3A_1715 = arith.constant 0 : index
    %get3A_1716 = arith.constant 336 : index
    %get3A_1717 = arith.constant 0 : index
    %get3A_1718 = vector.load %arg1[%get3A_1715, %get3A_1716, %get3A_1717] : memref<1x512x512xf32, #tpu.memory_space<vmem>>, vector<1x8x512xf32>
    %get3A_1719 = vector.shape_cast %get3A_1718 : vector<1x8x512xf32> to vector<8x512xf32>
    %get3A_1720 = arith.constant 336 : index
    %get3A_1721 = arith.constant 0 : index
    %get3A_1722 = vector.load %arg3[%get3A_1720, %get3A_1721] : memref<512x512xi32, #tpu.memory_space<vmem>>, vector<8x512xi32>
    %lt3A_1723 = arith.constant 268435456 : i32
    %lt3A_1724 = vector.broadcast %lt3A_1723 : i32 to vector<8x512xi32>
    %lt3A_1725 = arith.cmpi slt, %get3A_1722, %lt3A_1724 : vector<8x512xi32>
    %eq3A_1726 = vector.broadcast %reduce_max3A_959 : f32 to vector<8x512xf32>
    %eq3A_1727 = arith.cmpf oeq, %get3A_1719, %eq3A_1726 : vector<8x512xf32>
    %and3A_1728 = arith.andi %lt3A_1725, %eq3A_1727 : vector<8x512xi1>
    %jit3A_1729 = arith.constant 268435456 : i32
    %broadcast_in_dim3A_1730 = vector.broadcast %jit3A_1729 : i32 to vector<8x512xi32>
    %select_n3A_1731 = arith.select %and3A_1728, %get3A_1722, %broadcast_in_dim3A_1730 : vector<8x512xi1>, vector<8x512xi32>
    %min3A_1732 = arith.minsi %min3A_1714, %select_n3A_1731 : vector<8x512xi32>
    %get3A_1733 = arith.constant 0 : index
    %get3A_1734 = arith.constant 344 : index
    %get3A_1735 = arith.constant 0 : index
    %get3A_1736 = vector.load %arg1[%get3A_1733, %get3A_1734, %get3A_1735] : memref<1x512x512xf32, #tpu.memory_space<vmem>>, vector<1x8x512xf32>
    %get3A_1737 = vector.shape_cast %get3A_1736 : vector<1x8x512xf32> to vector<8x512xf32>
    %get3A_1738 = arith.constant 344 : index
    %get3A_1739 = arith.constant 0 : index
    %get3A_1740 = vector.load %arg3[%get3A_1738, %get3A_1739] : memref<512x512xi32, #tpu.memory_space<vmem>>, vector<8x512xi32>
    %lt3A_1741 = arith.constant 268435456 : i32
    %lt3A_1742 = vector.broadcast %lt3A_1741 : i32 to vector<8x512xi32>
    %lt3A_1743 = arith.cmpi slt, %get3A_1740, %lt3A_1742 : vector<8x512xi32>
    %eq3A_1744 = vector.broadcast %reduce_max3A_959 : f32 to vector<8x512xf32>
    %eq3A_1745 = arith.cmpf oeq, %get3A_1737, %eq3A_1744 : vector<8x512xf32>
    %and3A_1746 = arith.andi %lt3A_1743, %eq3A_1745 : vector<8x512xi1>
    %jit3A_1747 = arith.constant 268435456 : i32
    %broadcast_in_dim3A_1748 = vector.broadcast %jit3A_1747 : i32 to vector<8x512xi32>
    %select_n3A_1749 = arith.select %and3A_1746, %get3A_1740, %broadcast_in_dim3A_1748 : vector<8x512xi1>, vector<8x512xi32>
    %min3A_1750 = arith.minsi %min3A_1732, %select_n3A_1749 : vector<8x512xi32>
    %get3A_1751 = arith.constant 0 : index
    %get3A_1752 = arith.constant 352 : index
    %get3A_1753 = arith.constant 0 : index
    %get3A_1754 = vector.load %arg1[%get3A_1751, %get3A_1752, %get3A_1753] : memref<1x512x512xf32, #tpu.memory_space<vmem>>, vector<1x8x512xf32>
    %get3A_1755 = vector.shape_cast %get3A_1754 : vector<1x8x512xf32> to vector<8x512xf32>
    %get3A_1756 = arith.constant 352 : index
    %get3A_1757 = arith.constant 0 : index
    %get3A_1758 = vector.load %arg3[%get3A_1756, %get3A_1757] : memref<512x512xi32, #tpu.memory_space<vmem>>, vector<8x512xi32>
    %lt3A_1759 = arith.constant 268435456 : i32
    %lt3A_1760 = vector.broadcast %lt3A_1759 : i32 to vector<8x512xi32>
    %lt3A_1761 = arith.cmpi slt, %get3A_1758, %lt3A_1760 : vector<8x512xi32>
    %eq3A_1762 = vector.broadcast %reduce_max3A_959 : f32 to vector<8x512xf32>
    %eq3A_1763 = arith.cmpf oeq, %get3A_1755, %eq3A_1762 : vector<8x512xf32>
    %and3A_1764 = arith.andi %lt3A_1761, %eq3A_1763 : vector<8x512xi1>
    %jit3A_1765 = arith.constant 268435456 : i32
    %broadcast_in_dim3A_1766 = vector.broadcast %jit3A_1765 : i32 to vector<8x512xi32>
    %select_n3A_1767 = arith.select %and3A_1764, %get3A_1758, %broadcast_in_dim3A_1766 : vector<8x512xi1>, vector<8x512xi32>
    %min3A_1768 = arith.minsi %min3A_1750, %select_n3A_1767 : vector<8x512xi32>
    %get3A_1769 = arith.constant 0 : index
    %get3A_1770 = arith.constant 360 : index
    %get3A_1771 = arith.constant 0 : index
    %get3A_1772 = vector.load %arg1[%get3A_1769, %get3A_1770, %get3A_1771] : memref<1x512x512xf32, #tpu.memory_space<vmem>>, vector<1x8x512xf32>
    %get3A_1773 = vector.shape_cast %get3A_1772 : vector<1x8x512xf32> to vector<8x512xf32>
    %get3A_1774 = arith.constant 360 : index
    %get3A_1775 = arith.constant 0 : index
    %get3A_1776 = vector.load %arg3[%get3A_1774, %get3A_1775] : memref<512x512xi32, #tpu.memory_space<vmem>>, vector<8x512xi32>
    %lt3A_1777 = arith.constant 268435456 : i32
    %lt3A_1778 = vector.broadcast %lt3A_1777 : i32 to vector<8x512xi32>
    %lt3A_1779 = arith.cmpi slt, %get3A_1776, %lt3A_1778 : vector<8x512xi32>
    %eq3A_1780 = vector.broadcast %reduce_max3A_959 : f32 to vector<8x512xf32>
    %eq3A_1781 = arith.cmpf oeq, %get3A_1773, %eq3A_1780 : vector<8x512xf32>
    %and3A_1782 = arith.andi %lt3A_1779, %eq3A_1781 : vector<8x512xi1>
    %jit3A_1783 = arith.constant 268435456 : i32
    %broadcast_in_dim3A_1784 = vector.broadcast %jit3A_1783 : i32 to vector<8x512xi32>
    %select_n3A_1785 = arith.select %and3A_1782, %get3A_1776, %broadcast_in_dim3A_1784 : vector<8x512xi1>, vector<8x512xi32>
    %min3A_1786 = arith.minsi %min3A_1768, %select_n3A_1785 : vector<8x512xi32>
    %get3A_1787 = arith.constant 0 : index
    %get3A_1788 = arith.constant 368 : index
    %get3A_1789 = arith.constant 0 : index
    %get3A_1790 = vector.load %arg1[%get3A_1787, %get3A_1788, %get3A_1789] : memref<1x512x512xf32, #tpu.memory_space<vmem>>, vector<1x8x512xf32>
    %get3A_1791 = vector.shape_cast %get3A_1790 : vector<1x8x512xf32> to vector<8x512xf32>
    %get3A_1792 = arith.constant 368 : index
    %get3A_1793 = arith.constant 0 : index
    %get3A_1794 = vector.load %arg3[%get3A_1792, %get3A_1793] : memref<512x512xi32, #tpu.memory_space<vmem>>, vector<8x512xi32>
    %lt3A_1795 = arith.constant 268435456 : i32
    %lt3A_1796 = vector.broadcast %lt3A_1795 : i32 to vector<8x512xi32>
    %lt3A_1797 = arith.cmpi slt, %get3A_1794, %lt3A_1796 : vector<8x512xi32>
    %eq3A_1798 = vector.broadcast %reduce_max3A_959 : f32 to vector<8x512xf32>
    %eq3A_1799 = arith.cmpf oeq, %get3A_1791, %eq3A_1798 : vector<8x512xf32>
    %and3A_1800 = arith.andi %lt3A_1797, %eq3A_1799 : vector<8x512xi1>
    %jit3A_1801 = arith.constant 268435456 : i32
    %broadcast_in_dim3A_1802 = vector.broadcast %jit3A_1801 : i32 to vector<8x512xi32>
    %select_n3A_1803 = arith.select %and3A_1800, %get3A_1794, %broadcast_in_dim3A_1802 : vector<8x512xi1>, vector<8x512xi32>
    %min3A_1804 = arith.minsi %min3A_1786, %select_n3A_1803 : vector<8x512xi32>
    %get3A_1805 = arith.constant 0 : index
    %get3A_1806 = arith.constant 376 : index
    %get3A_1807 = arith.constant 0 : index
    %get3A_1808 = vector.load %arg1[%get3A_1805, %get3A_1806, %get3A_1807] : memref<1x512x512xf32, #tpu.memory_space<vmem>>, vector<1x8x512xf32>
    %get3A_1809 = vector.shape_cast %get3A_1808 : vector<1x8x512xf32> to vector<8x512xf32>
    %get3A_1810 = arith.constant 376 : index
    %get3A_1811 = arith.constant 0 : index
    %get3A_1812 = vector.load %arg3[%get3A_1810, %get3A_1811] : memref<512x512xi32, #tpu.memory_space<vmem>>, vector<8x512xi32>
    %lt3A_1813 = arith.constant 268435456 : i32
    %lt3A_1814 = vector.broadcast %lt3A_1813 : i32 to vector<8x512xi32>
    %lt3A_1815 = arith.cmpi slt, %get3A_1812, %lt3A_1814 : vector<8x512xi32>
    %eq3A_1816 = vector.broadcast %reduce_max3A_959 : f32 to vector<8x512xf32>
    %eq3A_1817 = arith.cmpf oeq, %get3A_1809, %eq3A_1816 : vector<8x512xf32>
    %and3A_1818 = arith.andi %lt3A_1815, %eq3A_1817 : vector<8x512xi1>
    %jit3A_1819 = arith.constant 268435456 : i32
    %broadcast_in_dim3A_1820 = vector.broadcast %jit3A_1819 : i32 to vector<8x512xi32>
    %select_n3A_1821 = arith.select %and3A_1818, %get3A_1812, %broadcast_in_dim3A_1820 : vector<8x512xi1>, vector<8x512xi32>
    %min3A_1822 = arith.minsi %min3A_1804, %select_n3A_1821 : vector<8x512xi32>
    %get3A_1823 = arith.constant 0 : index
    %get3A_1824 = arith.constant 384 : index
    %get3A_1825 = arith.constant 0 : index
    %get3A_1826 = vector.load %arg1[%get3A_1823, %get3A_1824, %get3A_1825] : memref<1x512x512xf32, #tpu.memory_space<vmem>>, vector<1x8x512xf32>
    %get3A_1827 = vector.shape_cast %get3A_1826 : vector<1x8x512xf32> to vector<8x512xf32>
    %get3A_1828 = arith.constant 384 : index
    %get3A_1829 = arith.constant 0 : index
    %get3A_1830 = vector.load %arg3[%get3A_1828, %get3A_1829] : memref<512x512xi32, #tpu.memory_space<vmem>>, vector<8x512xi32>
    %lt3A_1831 = arith.constant 268435456 : i32
    %lt3A_1832 = vector.broadcast %lt3A_1831 : i32 to vector<8x512xi32>
    %lt3A_1833 = arith.cmpi slt, %get3A_1830, %lt3A_1832 : vector<8x512xi32>
    %eq3A_1834 = vector.broadcast %reduce_max3A_959 : f32 to vector<8x512xf32>
    %eq3A_1835 = arith.cmpf oeq, %get3A_1827, %eq3A_1834 : vector<8x512xf32>
    %and3A_1836 = arith.andi %lt3A_1833, %eq3A_1835 : vector<8x512xi1>
    %jit3A_1837 = arith.constant 268435456 : i32
    %broadcast_in_dim3A_1838 = vector.broadcast %jit3A_1837 : i32 to vector<8x512xi32>
    %select_n3A_1839 = arith.select %and3A_1836, %get3A_1830, %broadcast_in_dim3A_1838 : vector<8x512xi1>, vector<8x512xi32>
    %min3A_1840 = arith.minsi %min3A_1822, %select_n3A_1839 : vector<8x512xi32>
    %get3A_1841 = arith.constant 0 : index
    %get3A_1842 = arith.constant 392 : index
    %get3A_1843 = arith.constant 0 : index
    %get3A_1844 = vector.load %arg1[%get3A_1841, %get3A_1842, %get3A_1843] : memref<1x512x512xf32, #tpu.memory_space<vmem>>, vector<1x8x512xf32>
    %get3A_1845 = vector.shape_cast %get3A_1844 : vector<1x8x512xf32> to vector<8x512xf32>
    %get3A_1846 = arith.constant 392 : index
    %get3A_1847 = arith.constant 0 : index
    %get3A_1848 = vector.load %arg3[%get3A_1846, %get3A_1847] : memref<512x512xi32, #tpu.memory_space<vmem>>, vector<8x512xi32>
    %lt3A_1849 = arith.constant 268435456 : i32
    %lt3A_1850 = vector.broadcast %lt3A_1849 : i32 to vector<8x512xi32>
    %lt3A_1851 = arith.cmpi slt, %get3A_1848, %lt3A_1850 : vector<8x512xi32>
    %eq3A_1852 = vector.broadcast %reduce_max3A_959 : f32 to vector<8x512xf32>
    %eq3A_1853 = arith.cmpf oeq, %get3A_1845, %eq3A_1852 : vector<8x512xf32>
    %and3A_1854 = arith.andi %lt3A_1851, %eq3A_1853 : vector<8x512xi1>
    %jit3A_1855 = arith.constant 268435456 : i32
    %broadcast_in_dim3A_1856 = vector.broadcast %jit3A_1855 : i32 to vector<8x512xi32>
    %select_n3A_1857 = arith.select %and3A_1854, %get3A_1848, %broadcast_in_dim3A_1856 : vector<8x512xi1>, vector<8x512xi32>
    %min3A_1858 = arith.minsi %min3A_1840, %select_n3A_1857 : vector<8x512xi32>
    %get3A_1859 = arith.constant 0 : index
    %get3A_1860 = arith.constant 400 : index
    %get3A_1861 = arith.constant 0 : index
    %get3A_1862 = vector.load %arg1[%get3A_1859, %get3A_1860, %get3A_1861] : memref<1x512x512xf32, #tpu.memory_space<vmem>>, vector<1x8x512xf32>
    %get3A_1863 = vector.shape_cast %get3A_1862 : vector<1x8x512xf32> to vector<8x512xf32>
    %get3A_1864 = arith.constant 400 : index
    %get3A_1865 = arith.constant 0 : index
    %get3A_1866 = vector.load %arg3[%get3A_1864, %get3A_1865] : memref<512x512xi32, #tpu.memory_space<vmem>>, vector<8x512xi32>
    %lt3A_1867 = arith.constant 268435456 : i32
    %lt3A_1868 = vector.broadcast %lt3A_1867 : i32 to vector<8x512xi32>
    %lt3A_1869 = arith.cmpi slt, %get3A_1866, %lt3A_1868 : vector<8x512xi32>
    %eq3A_1870 = vector.broadcast %reduce_max3A_959 : f32 to vector<8x512xf32>
    %eq3A_1871 = arith.cmpf oeq, %get3A_1863, %eq3A_1870 : vector<8x512xf32>
    %and3A_1872 = arith.andi %lt3A_1869, %eq3A_1871 : vector<8x512xi1>
    %jit3A_1873 = arith.constant 268435456 : i32
    %broadcast_in_dim3A_1874 = vector.broadcast %jit3A_1873 : i32 to vector<8x512xi32>
    %select_n3A_1875 = arith.select %and3A_1872, %get3A_1866, %broadcast_in_dim3A_1874 : vector<8x512xi1>, vector<8x512xi32>
    %min3A_1876 = arith.minsi %min3A_1858, %select_n3A_1875 : vector<8x512xi32>
    %get3A_1877 = arith.constant 0 : index
    %get3A_1878 = arith.constant 408 : index
    %get3A_1879 = arith.constant 0 : index
    %get3A_1880 = vector.load %arg1[%get3A_1877, %get3A_1878, %get3A_1879] : memref<1x512x512xf32, #tpu.memory_space<vmem>>, vector<1x8x512xf32>
    %get3A_1881 = vector.shape_cast %get3A_1880 : vector<1x8x512xf32> to vector<8x512xf32>
    %get3A_1882 = arith.constant 408 : index
    %get3A_1883 = arith.constant 0 : index
    %get3A_1884 = vector.load %arg3[%get3A_1882, %get3A_1883] : memref<512x512xi32, #tpu.memory_space<vmem>>, vector<8x512xi32>
    %lt3A_1885 = arith.constant 268435456 : i32
    %lt3A_1886 = vector.broadcast %lt3A_1885 : i32 to vector<8x512xi32>
    %lt3A_1887 = arith.cmpi slt, %get3A_1884, %lt3A_1886 : vector<8x512xi32>
    %eq3A_1888 = vector.broadcast %reduce_max3A_959 : f32 to vector<8x512xf32>
    %eq3A_1889 = arith.cmpf oeq, %get3A_1881, %eq3A_1888 : vector<8x512xf32>
    %and3A_1890 = arith.andi %lt3A_1887, %eq3A_1889 : vector<8x512xi1>
    %jit3A_1891 = arith.constant 268435456 : i32
    %broadcast_in_dim3A_1892 = vector.broadcast %jit3A_1891 : i32 to vector<8x512xi32>
    %select_n3A_1893 = arith.select %and3A_1890, %get3A_1884, %broadcast_in_dim3A_1892 : vector<8x512xi1>, vector<8x512xi32>
    %min3A_1894 = arith.minsi %min3A_1876, %select_n3A_1893 : vector<8x512xi32>
    %get3A_1895 = arith.constant 0 : index
    %get3A_1896 = arith.constant 416 : index
    %get3A_1897 = arith.constant 0 : index
    %get3A_1898 = vector.load %arg1[%get3A_1895, %get3A_1896, %get3A_1897] : memref<1x512x512xf32, #tpu.memory_space<vmem>>, vector<1x8x512xf32>
    %get3A_1899 = vector.shape_cast %get3A_1898 : vector<1x8x512xf32> to vector<8x512xf32>
    %get3A_1900 = arith.constant 416 : index
    %get3A_1901 = arith.constant 0 : index
    %get3A_1902 = vector.load %arg3[%get3A_1900, %get3A_1901] : memref<512x512xi32, #tpu.memory_space<vmem>>, vector<8x512xi32>
    %lt3A_1903 = arith.constant 268435456 : i32
    %lt3A_1904 = vector.broadcast %lt3A_1903 : i32 to vector<8x512xi32>
    %lt3A_1905 = arith.cmpi slt, %get3A_1902, %lt3A_1904 : vector<8x512xi32>
    %eq3A_1906 = vector.broadcast %reduce_max3A_959 : f32 to vector<8x512xf32>
    %eq3A_1907 = arith.cmpf oeq, %get3A_1899, %eq3A_1906 : vector<8x512xf32>
    %and3A_1908 = arith.andi %lt3A_1905, %eq3A_1907 : vector<8x512xi1>
    %jit3A_1909 = arith.constant 268435456 : i32
    %broadcast_in_dim3A_1910 = vector.broadcast %jit3A_1909 : i32 to vector<8x512xi32>
    %select_n3A_1911 = arith.select %and3A_1908, %get3A_1902, %broadcast_in_dim3A_1910 : vector<8x512xi1>, vector<8x512xi32>
    %min3A_1912 = arith.minsi %min3A_1894, %select_n3A_1911 : vector<8x512xi32>
    %get3A_1913 = arith.constant 0 : index
    %get3A_1914 = arith.constant 424 : index
    %get3A_1915 = arith.constant 0 : index
    %get3A_1916 = vector.load %arg1[%get3A_1913, %get3A_1914, %get3A_1915] : memref<1x512x512xf32, #tpu.memory_space<vmem>>, vector<1x8x512xf32>
    %get3A_1917 = vector.shape_cast %get3A_1916 : vector<1x8x512xf32> to vector<8x512xf32>
    %get3A_1918 = arith.constant 424 : index
    %get3A_1919 = arith.constant 0 : index
    %get3A_1920 = vector.load %arg3[%get3A_1918, %get3A_1919] : memref<512x512xi32, #tpu.memory_space<vmem>>, vector<8x512xi32>
    %lt3A_1921 = arith.constant 268435456 : i32
    %lt3A_1922 = vector.broadcast %lt3A_1921 : i32 to vector<8x512xi32>
    %lt3A_1923 = arith.cmpi slt, %get3A_1920, %lt3A_1922 : vector<8x512xi32>
    %eq3A_1924 = vector.broadcast %reduce_max3A_959 : f32 to vector<8x512xf32>
    %eq3A_1925 = arith.cmpf oeq, %get3A_1917, %eq3A_1924 : vector<8x512xf32>
    %and3A_1926 = arith.andi %lt3A_1923, %eq3A_1925 : vector<8x512xi1>
    %jit3A_1927 = arith.constant 268435456 : i32
    %broadcast_in_dim3A_1928 = vector.broadcast %jit3A_1927 : i32 to vector<8x512xi32>
    %select_n3A_1929 = arith.select %and3A_1926, %get3A_1920, %broadcast_in_dim3A_1928 : vector<8x512xi1>, vector<8x512xi32>
    %min3A_1930 = arith.minsi %min3A_1912, %select_n3A_1929 : vector<8x512xi32>
    %get3A_1931 = arith.constant 0 : index
    %get3A_1932 = arith.constant 432 : index
    %get3A_1933 = arith.constant 0 : index
    %get3A_1934 = vector.load %arg1[%get3A_1931, %get3A_1932, %get3A_1933] : memref<1x512x512xf32, #tpu.memory_space<vmem>>, vector<1x8x512xf32>
    %get3A_1935 = vector.shape_cast %get3A_1934 : vector<1x8x512xf32> to vector<8x512xf32>
    %get3A_1936 = arith.constant 432 : index
    %get3A_1937 = arith.constant 0 : index
    %get3A_1938 = vector.load %arg3[%get3A_1936, %get3A_1937] : memref<512x512xi32, #tpu.memory_space<vmem>>, vector<8x512xi32>
    %lt3A_1939 = arith.constant 268435456 : i32
    %lt3A_1940 = vector.broadcast %lt3A_1939 : i32 to vector<8x512xi32>
    %lt3A_1941 = arith.cmpi slt, %get3A_1938, %lt3A_1940 : vector<8x512xi32>
    %eq3A_1942 = vector.broadcast %reduce_max3A_959 : f32 to vector<8x512xf32>
    %eq3A_1943 = arith.cmpf oeq, %get3A_1935, %eq3A_1942 : vector<8x512xf32>
    %and3A_1944 = arith.andi %lt3A_1941, %eq3A_1943 : vector<8x512xi1>
    %jit3A_1945 = arith.constant 268435456 : i32
    %broadcast_in_dim3A_1946 = vector.broadcast %jit3A_1945 : i32 to vector<8x512xi32>
    %select_n3A_1947 = arith.select %and3A_1944, %get3A_1938, %broadcast_in_dim3A_1946 : vector<8x512xi1>, vector<8x512xi32>
    %min3A_1948 = arith.minsi %min3A_1930, %select_n3A_1947 : vector<8x512xi32>
    %get3A_1949 = arith.constant 0 : index
    %get3A_1950 = arith.constant 440 : index
    %get3A_1951 = arith.constant 0 : index
    %get3A_1952 = vector.load %arg1[%get3A_1949, %get3A_1950, %get3A_1951] : memref<1x512x512xf32, #tpu.memory_space<vmem>>, vector<1x8x512xf32>
    %get3A_1953 = vector.shape_cast %get3A_1952 : vector<1x8x512xf32> to vector<8x512xf32>
    %get3A_1954 = arith.constant 440 : index
    %get3A_1955 = arith.constant 0 : index
    %get3A_1956 = vector.load %arg3[%get3A_1954, %get3A_1955] : memref<512x512xi32, #tpu.memory_space<vmem>>, vector<8x512xi32>
    %lt3A_1957 = arith.constant 268435456 : i32
    %lt3A_1958 = vector.broadcast %lt3A_1957 : i32 to vector<8x512xi32>
    %lt3A_1959 = arith.cmpi slt, %get3A_1956, %lt3A_1958 : vector<8x512xi32>
    %eq3A_1960 = vector.broadcast %reduce_max3A_959 : f32 to vector<8x512xf32>
    %eq3A_1961 = arith.cmpf oeq, %get3A_1953, %eq3A_1960 : vector<8x512xf32>
    %and3A_1962 = arith.andi %lt3A_1959, %eq3A_1961 : vector<8x512xi1>
    %jit3A_1963 = arith.constant 268435456 : i32
    %broadcast_in_dim3A_1964 = vector.broadcast %jit3A_1963 : i32 to vector<8x512xi32>
    %select_n3A_1965 = arith.select %and3A_1962, %get3A_1956, %broadcast_in_dim3A_1964 : vector<8x512xi1>, vector<8x512xi32>
    %min3A_1966 = arith.minsi %min3A_1948, %select_n3A_1965 : vector<8x512xi32>
    %get3A_1967 = arith.constant 0 : index
    %get3A_1968 = arith.constant 448 : index
    %get3A_1969 = arith.constant 0 : index
    %get3A_1970 = vector.load %arg1[%get3A_1967, %get3A_1968, %get3A_1969] : memref<1x512x512xf32, #tpu.memory_space<vmem>>, vector<1x8x512xf32>
    %get3A_1971 = vector.shape_cast %get3A_1970 : vector<1x8x512xf32> to vector<8x512xf32>
    %get3A_1972 = arith.constant 448 : index
    %get3A_1973 = arith.constant 0 : index
    %get3A_1974 = vector.load %arg3[%get3A_1972, %get3A_1973] : memref<512x512xi32, #tpu.memory_space<vmem>>, vector<8x512xi32>
    %lt3A_1975 = arith.constant 268435456 : i32
    %lt3A_1976 = vector.broadcast %lt3A_1975 : i32 to vector<8x512xi32>
    %lt3A_1977 = arith.cmpi slt, %get3A_1974, %lt3A_1976 : vector<8x512xi32>
    %eq3A_1978 = vector.broadcast %reduce_max3A_959 : f32 to vector<8x512xf32>
    %eq3A_1979 = arith.cmpf oeq, %get3A_1971, %eq3A_1978 : vector<8x512xf32>
    %and3A_1980 = arith.andi %lt3A_1977, %eq3A_1979 : vector<8x512xi1>
    %jit3A_1981 = arith.constant 268435456 : i32
    %broadcast_in_dim3A_1982 = vector.broadcast %jit3A_1981 : i32 to vector<8x512xi32>
    %select_n3A_1983 = arith.select %and3A_1980, %get3A_1974, %broadcast_in_dim3A_1982 : vector<8x512xi1>, vector<8x512xi32>
    %min3A_1984 = arith.minsi %min3A_1966, %select_n3A_1983 : vector<8x512xi32>
    %get3A_1985 = arith.constant 0 : index
    %get3A_1986 = arith.constant 456 : index
    %get3A_1987 = arith.constant 0 : index
    %get3A_1988 = vector.load %arg1[%get3A_1985, %get3A_1986, %get3A_1987] : memref<1x512x512xf32, #tpu.memory_space<vmem>>, vector<1x8x512xf32>
    %get3A_1989 = vector.shape_cast %get3A_1988 : vector<1x8x512xf32> to vector<8x512xf32>
    %get3A_1990 = arith.constant 456 : index
    %get3A_1991 = arith.constant 0 : index
    %get3A_1992 = vector.load %arg3[%get3A_1990, %get3A_1991] : memref<512x512xi32, #tpu.memory_space<vmem>>, vector<8x512xi32>
    %lt3A_1993 = arith.constant 268435456 : i32
    %lt3A_1994 = vector.broadcast %lt3A_1993 : i32 to vector<8x512xi32>
    %lt3A_1995 = arith.cmpi slt, %get3A_1992, %lt3A_1994 : vector<8x512xi32>
    %eq3A_1996 = vector.broadcast %reduce_max3A_959 : f32 to vector<8x512xf32>
    %eq3A_1997 = arith.cmpf oeq, %get3A_1989, %eq3A_1996 : vector<8x512xf32>
    %and3A_1998 = arith.andi %lt3A_1995, %eq3A_1997 : vector<8x512xi1>
    %jit3A_1999 = arith.constant 268435456 : i32
    %broadcast_in_dim3A_2000 = vector.broadcast %jit3A_1999 : i32 to vector<8x512xi32>
    %select_n3A_2001 = arith.select %and3A_1998, %get3A_1992, %broadcast_in_dim3A_2000 : vector<8x512xi1>, vector<8x512xi32>
    %min3A_2002 = arith.minsi %min3A_1984, %select_n3A_2001 : vector<8x512xi32>
    %get3A_2003 = arith.constant 0 : index
    %get3A_2004 = arith.constant 464 : index
    %get3A_2005 = arith.constant 0 : index
    %get3A_2006 = vector.load %arg1[%get3A_2003, %get3A_2004, %get3A_2005] : memref<1x512x512xf32, #tpu.memory_space<vmem>>, vector<1x8x512xf32>
    %get3A_2007 = vector.shape_cast %get3A_2006 : vector<1x8x512xf32> to vector<8x512xf32>
    %get3A_2008 = arith.constant 464 : index
    %get3A_2009 = arith.constant 0 : index
    %get3A_2010 = vector.load %arg3[%get3A_2008, %get3A_2009] : memref<512x512xi32, #tpu.memory_space<vmem>>, vector<8x512xi32>
    %lt3A_2011 = arith.constant 268435456 : i32
    %lt3A_2012 = vector.broadcast %lt3A_2011 : i32 to vector<8x512xi32>
    %lt3A_2013 = arith.cmpi slt, %get3A_2010, %lt3A_2012 : vector<8x512xi32>
    %eq3A_2014 = vector.broadcast %reduce_max3A_959 : f32 to vector<8x512xf32>
    %eq3A_2015 = arith.cmpf oeq, %get3A_2007, %eq3A_2014 : vector<8x512xf32>
    %and3A_2016 = arith.andi %lt3A_2013, %eq3A_2015 : vector<8x512xi1>
    %jit3A_2017 = arith.constant 268435456 : i32
    %broadcast_in_dim3A_2018 = vector.broadcast %jit3A_2017 : i32 to vector<8x512xi32>
    %select_n3A_2019 = arith.select %and3A_2016, %get3A_2010, %broadcast_in_dim3A_2018 : vector<8x512xi1>, vector<8x512xi32>
    %min3A_2020 = arith.minsi %min3A_2002, %select_n3A_2019 : vector<8x512xi32>
    %get3A_2021 = arith.constant 0 : index
    %get3A_2022 = arith.constant 472 : index
    %get3A_2023 = arith.constant 0 : index
    %get3A_2024 = vector.load %arg1[%get3A_2021, %get3A_2022, %get3A_2023] : memref<1x512x512xf32, #tpu.memory_space<vmem>>, vector<1x8x512xf32>
    %get3A_2025 = vector.shape_cast %get3A_2024 : vector<1x8x512xf32> to vector<8x512xf32>
    %get3A_2026 = arith.constant 472 : index
    %get3A_2027 = arith.constant 0 : index
    %get3A_2028 = vector.load %arg3[%get3A_2026, %get3A_2027] : memref<512x512xi32, #tpu.memory_space<vmem>>, vector<8x512xi32>
    %lt3A_2029 = arith.constant 268435456 : i32
    %lt3A_2030 = vector.broadcast %lt3A_2029 : i32 to vector<8x512xi32>
    %lt3A_2031 = arith.cmpi slt, %get3A_2028, %lt3A_2030 : vector<8x512xi32>
    %eq3A_2032 = vector.broadcast %reduce_max3A_959 : f32 to vector<8x512xf32>
    %eq3A_2033 = arith.cmpf oeq, %get3A_2025, %eq3A_2032 : vector<8x512xf32>
    %and3A_2034 = arith.andi %lt3A_2031, %eq3A_2033 : vector<8x512xi1>
    %jit3A_2035 = arith.constant 268435456 : i32
    %broadcast_in_dim3A_2036 = vector.broadcast %jit3A_2035 : i32 to vector<8x512xi32>
    %select_n3A_2037 = arith.select %and3A_2034, %get3A_2028, %broadcast_in_dim3A_2036 : vector<8x512xi1>, vector<8x512xi32>
    %min3A_2038 = arith.minsi %min3A_2020, %select_n3A_2037 : vector<8x512xi32>
    %get3A_2039 = arith.constant 0 : index
    %get3A_2040 = arith.constant 480 : index
    %get3A_2041 = arith.constant 0 : index
    %get3A_2042 = vector.load %arg1[%get3A_2039, %get3A_2040, %get3A_2041] : memref<1x512x512xf32, #tpu.memory_space<vmem>>, vector<1x8x512xf32>
    %get3A_2043 = vector.shape_cast %get3A_2042 : vector<1x8x512xf32> to vector<8x512xf32>
    %get3A_2044 = arith.constant 480 : index
    %get3A_2045 = arith.constant 0 : index
    %get3A_2046 = vector.load %arg3[%get3A_2044, %get3A_2045] : memref<512x512xi32, #tpu.memory_space<vmem>>, vector<8x512xi32>
    %lt3A_2047 = arith.constant 268435456 : i32
    %lt3A_2048 = vector.broadcast %lt3A_2047 : i32 to vector<8x512xi32>
    %lt3A_2049 = arith.cmpi slt, %get3A_2046, %lt3A_2048 : vector<8x512xi32>
    %eq3A_2050 = vector.broadcast %reduce_max3A_959 : f32 to vector<8x512xf32>
    %eq3A_2051 = arith.cmpf oeq, %get3A_2043, %eq3A_2050 : vector<8x512xf32>
    %and3A_2052 = arith.andi %lt3A_2049, %eq3A_2051 : vector<8x512xi1>
    %jit3A_2053 = arith.constant 268435456 : i32
    %broadcast_in_dim3A_2054 = vector.broadcast %jit3A_2053 : i32 to vector<8x512xi32>
    %select_n3A_2055 = arith.select %and3A_2052, %get3A_2046, %broadcast_in_dim3A_2054 : vector<8x512xi1>, vector<8x512xi32>
    %min3A_2056 = arith.minsi %min3A_2038, %select_n3A_2055 : vector<8x512xi32>
    %get3A_2057 = arith.constant 0 : index
    %get3A_2058 = arith.constant 488 : index
    %get3A_2059 = arith.constant 0 : index
    %get3A_2060 = vector.load %arg1[%get3A_2057, %get3A_2058, %get3A_2059] : memref<1x512x512xf32, #tpu.memory_space<vmem>>, vector<1x8x512xf32>
    %get3A_2061 = vector.shape_cast %get3A_2060 : vector<1x8x512xf32> to vector<8x512xf32>
    %get3A_2062 = arith.constant 488 : index
    %get3A_2063 = arith.constant 0 : index
    %get3A_2064 = vector.load %arg3[%get3A_2062, %get3A_2063] : memref<512x512xi32, #tpu.memory_space<vmem>>, vector<8x512xi32>
    %lt3A_2065 = arith.constant 268435456 : i32
    %lt3A_2066 = vector.broadcast %lt3A_2065 : i32 to vector<8x512xi32>
    %lt3A_2067 = arith.cmpi slt, %get3A_2064, %lt3A_2066 : vector<8x512xi32>
    %eq3A_2068 = vector.broadcast %reduce_max3A_959 : f32 to vector<8x512xf32>
    %eq3A_2069 = arith.cmpf oeq, %get3A_2061, %eq3A_2068 : vector<8x512xf32>
    %and3A_2070 = arith.andi %lt3A_2067, %eq3A_2069 : vector<8x512xi1>
    %jit3A_2071 = arith.constant 268435456 : i32
    %broadcast_in_dim3A_2072 = vector.broadcast %jit3A_2071 : i32 to vector<8x512xi32>
    %select_n3A_2073 = arith.select %and3A_2070, %get3A_2064, %broadcast_in_dim3A_2072 : vector<8x512xi1>, vector<8x512xi32>
    %min3A_2074 = arith.minsi %min3A_2056, %select_n3A_2073 : vector<8x512xi32>
    %get3A_2075 = arith.constant 0 : index
    %get3A_2076 = arith.constant 496 : index
    %get3A_2077 = arith.constant 0 : index
    %get3A_2078 = vector.load %arg1[%get3A_2075, %get3A_2076, %get3A_2077] : memref<1x512x512xf32, #tpu.memory_space<vmem>>, vector<1x8x512xf32>
    %get3A_2079 = vector.shape_cast %get3A_2078 : vector<1x8x512xf32> to vector<8x512xf32>
    %get3A_2080 = arith.constant 496 : index
    %get3A_2081 = arith.constant 0 : index
    %get3A_2082 = vector.load %arg3[%get3A_2080, %get3A_2081] : memref<512x512xi32, #tpu.memory_space<vmem>>, vector<8x512xi32>
    %lt3A_2083 = arith.constant 268435456 : i32
    %lt3A_2084 = vector.broadcast %lt3A_2083 : i32 to vector<8x512xi32>
    %lt3A_2085 = arith.cmpi slt, %get3A_2082, %lt3A_2084 : vector<8x512xi32>
    %eq3A_2086 = vector.broadcast %reduce_max3A_959 : f32 to vector<8x512xf32>
    %eq3A_2087 = arith.cmpf oeq, %get3A_2079, %eq3A_2086 : vector<8x512xf32>
    %and3A_2088 = arith.andi %lt3A_2085, %eq3A_2087 : vector<8x512xi1>
    %jit3A_2089 = arith.constant 268435456 : i32
    %broadcast_in_dim3A_2090 = vector.broadcast %jit3A_2089 : i32 to vector<8x512xi32>
    %select_n3A_2091 = arith.select %and3A_2088, %get3A_2082, %broadcast_in_dim3A_2090 : vector<8x512xi1>, vector<8x512xi32>
    %min3A_2092 = arith.minsi %min3A_2074, %select_n3A_2091 : vector<8x512xi32>
    %get3A_2093 = arith.constant 0 : index
    %get3A_2094 = arith.constant 504 : index
    %get3A_2095 = arith.constant 0 : index
    %get3A_2096 = vector.load %arg1[%get3A_2093, %get3A_2094, %get3A_2095] : memref<1x512x512xf32, #tpu.memory_space<vmem>>, vector<1x8x512xf32>
    %get3A_2097 = vector.shape_cast %get3A_2096 : vector<1x8x512xf32> to vector<8x512xf32>
    %get3A_2098 = arith.constant 504 : index
    %get3A_2099 = arith.constant 0 : index
    %get3A_2100 = vector.load %arg3[%get3A_2098, %get3A_2099] : memref<512x512xi32, #tpu.memory_space<vmem>>, vector<8x512xi32>
    %lt3A_2101 = arith.constant 268435456 : i32
    %lt3A_2102 = vector.broadcast %lt3A_2101 : i32 to vector<8x512xi32>
    %lt3A_2103 = arith.cmpi slt, %get3A_2100, %lt3A_2102 : vector<8x512xi32>
    %eq3A_2104 = vector.broadcast %reduce_max3A_959 : f32 to vector<8x512xf32>
    %eq3A_2105 = arith.cmpf oeq, %get3A_2097, %eq3A_2104 : vector<8x512xf32>
    %and3A_2106 = arith.andi %lt3A_2103, %eq3A_2105 : vector<8x512xi1>
    %jit3A_2107 = arith.constant 268435456 : i32
    %broadcast_in_dim3A_2108 = vector.broadcast %jit3A_2107 : i32 to vector<8x512xi32>
    %select_n3A_2109 = arith.select %and3A_2106, %get3A_2100, %broadcast_in_dim3A_2108 : vector<8x512xi1>, vector<8x512xi32>
    %min3A_2110 = arith.minsi %min3A_2092, %select_n3A_2109 : vector<8x512xi32>
    %reduce_min3A = vector.shape_cast %min3A_2110 : vector<8x512xi32> to vector<1x8x512xi32>
    %reduce_min3A_2111 = arith.constant dense<2147483647> : vector<1xi32>
    %reduce_min3A_2112 = vector.multi_reduction <minsi>, %reduce_min3A, %reduce_min3A_2111 [1, 2] : vector<1x8x512xi32> to vector<1xi32>
    %reduce_min3A_2113 = vector.shape_cast %reduce_min3A_2112 : vector<1xi32> to vector<1x1x1xi32>
    %reduce_min3A_2114 = vector.extract %reduce_min3A_2113[0, 0, 0] : i32 from vector<1x1x1xi32>
    %and3A_2115 = arith.constant 511 : i32
    %and3A_2116 = arith.andi %reduce_min3A_2114, %and3A_2115 : i32
    %shift_right_arithmetic3A = arith.constant 9 : i32
    %shift_right_arithmetic3A_2117 = arith.shrsi %reduce_min3A_2114, %shift_right_arithmetic3A : i32
    %convert_element_type3A = arith.sitofp %and3A_2116 : i32 to f32
    %sub3A = arith.constant 2.560000e+02 : f32
    %sub3A_2118 = arith.subf %convert_element_type3A, %sub3A : f32
    %mul3A = arith.constant 5.000000e-02 : f32
    %mul3A_2119 = arith.mulf %sub3A_2118, %mul3A : f32
    %sub3A_2120 = arith.constant 512 : i32
    %sub3A_2121 = arith.subi %sub3A_2120, %shift_right_arithmetic3A_2117 : i32
    %convert_element_type3A_2122 = arith.sitofp %sub3A_2121 : i32 to f32
    %sub3A_2123 = arith.constant 2.560000e+02 : f32
    %sub3A_2124 = arith.subf %convert_element_type3A_2122, %sub3A_2123 : f32
    %mul3A_2125 = arith.constant 5.000000e-02 : f32
    %mul3A_2126 = arith.mulf %sub3A_2124, %mul3A_2125 : f32
    %broadcast_in_dim3A_2127 = arith.constant 0.000000e+00 : f32
    %broadcast_in_dim3A_2128 = vector.broadcast %broadcast_in_dim3A_2127 : f32 to vector<8x512xf32>
    %broadcast_in_dim3A_2129 = arith.constant 0x7F800000 : f32
    %broadcast_in_dim3A_2130 = vector.broadcast %broadcast_in_dim3A_2129 : f32 to vector<8x512xf32>
    %broadcast_in_dim3A_2131 = arith.constant 0xFF800000 : f32
    %broadcast_in_dim3A_2132 = vector.broadcast %broadcast_in_dim3A_2131 : f32 to vector<8x512xf32>
    %get3A_2133 = arith.constant 0 : index
    %get3A_2134 = arith.constant 0 : index
    %get3A_2135 = vector.load %arg4[%get3A_2133, %get3A_2134] : memref<512x512xf32, #tpu.memory_space<vmem>>, vector<8x512xf32>
    %sub3A_2136 = vector.broadcast %mul3A_2119 : f32 to vector<8x512xf32>
    %sub3A_2137 = arith.subf %get3A_2135, %sub3A_2136 : vector<8x512xf32>
    %get3A_2138 = arith.constant 0 : index
    %get3A_2139 = arith.constant 0 : index
    %get3A_2140 = vector.load %arg5[%get3A_2138, %get3A_2139] : memref<512x512xf32, #tpu.memory_space<vmem>>, vector<8x512xf32>
    %sub3A_2141 = vector.broadcast %mul3A_2126 : f32 to vector<8x512xf32>
    %sub3A_2142 = arith.subf %get3A_2140, %sub3A_2141 : vector<8x512xf32>
    %get3A_2143 = arith.constant 0 : index
    %get3A_2144 = arith.constant 0 : index
    %get3A_2145 = arith.constant 0 : index
    %get3A_2146 = vector.load %arg2[%get3A_2143, %get3A_2144, %get3A_2145] : memref<1x512x512xf32, #tpu.memory_space<vmem>>, vector<1x8x512xf32>
    %get3A_2147 = vector.shape_cast %get3A_2146 : vector<1x8x512xf32> to vector<8x512xf32>
    %mul3A_2148 = arith.mulf %sub3A_2137, %sub3A_2137 : vector<8x512xf32>
    %mul3A_2149 = arith.mulf %sub3A_2142, %sub3A_2142 : vector<8x512xf32>
    %add3A = arith.addf %mul3A_2148, %mul3A_2149 : vector<8x512xf32>
    %max3A_2150 = arith.constant 1.000000e-36 : f32
    %max3A_2151 = vector.broadcast %max3A_2150 : f32 to vector<8x512xf32>
    %max3A_2152 = arith.maximumf %add3A, %max3A_2151 : vector<8x512xf32>
    %rsqrt3A = math.rsqrt %max3A_2152 : vector<8x512xf32>
    %mul3A_2153 = arith.mulf %max3A_2152, %rsqrt3A : vector<8x512xf32>
    %mul3A_2154 = arith.constant -9.64874458 : f32
    %mul3A_2155 = vector.broadcast %mul3A_2154 : f32 to vector<8x512xf32>
    %mul3A_2156 = arith.mulf %mul3A_2155, %mul3A_2153 : vector<8x512xf32>
    %add3A_2157 = arith.constant 6.73411417 : f32
    %add3A_2158 = vector.broadcast %add3A_2157 : f32 to vector<8x512xf32>
    %add3A_2159 = arith.addf %add3A_2158, %mul3A_2156 : vector<8x512xf32>
    %exp23A = math.exp2 %add3A_2159 : vector<8x512xf32>
    %add3A_2160 = arith.addf %broadcast_in_dim3A_2128, %exp23A : vector<8x512xf32>
    %mul3A_2161 = arith.mulf %exp23A, %exp23A : vector<8x512xf32>
    %add3A_2162 = arith.addf %broadcast_in_dim3A_2128, %mul3A_2161 : vector<8x512xf32>
    %mul3A_2163 = arith.mulf %exp23A, %get3A_2147 : vector<8x512xf32>
    %add3A_2164 = arith.addf %broadcast_in_dim3A_2128, %mul3A_2163 : vector<8x512xf32>
    %add3A_2165 = arith.addf %broadcast_in_dim3A_2128, %get3A_2147 : vector<8x512xf32>
    %mul3A_2166 = arith.mulf %get3A_2147, %get3A_2147 : vector<8x512xf32>
    %add3A_2167 = arith.addf %broadcast_in_dim3A_2128, %mul3A_2166 : vector<8x512xf32>
    %min3A_2168 = arith.minimumf %broadcast_in_dim3A_2130, %exp23A : vector<8x512xf32>
    %max3A_2169 = arith.maximumf %broadcast_in_dim3A_2132, %exp23A : vector<8x512xf32>
    %get3A_2170 = arith.constant 8 : index
    %get3A_2171 = arith.constant 0 : index
    %get3A_2172 = vector.load %arg4[%get3A_2170, %get3A_2171] : memref<512x512xf32, #tpu.memory_space<vmem>>, vector<8x512xf32>
    %sub3A_2173 = vector.broadcast %mul3A_2119 : f32 to vector<8x512xf32>
    %sub3A_2174 = arith.subf %get3A_2172, %sub3A_2173 : vector<8x512xf32>
    %get3A_2175 = arith.constant 8 : index
    %get3A_2176 = arith.constant 0 : index
    %get3A_2177 = vector.load %arg5[%get3A_2175, %get3A_2176] : memref<512x512xf32, #tpu.memory_space<vmem>>, vector<8x512xf32>
    %sub3A_2178 = vector.broadcast %mul3A_2126 : f32 to vector<8x512xf32>
    %sub3A_2179 = arith.subf %get3A_2177, %sub3A_2178 : vector<8x512xf32>
    %get3A_2180 = arith.constant 0 : index
    %get3A_2181 = arith.constant 8 : index
    %get3A_2182 = arith.constant 0 : index
    %get3A_2183 = vector.load %arg2[%get3A_2180, %get3A_2181, %get3A_2182] : memref<1x512x512xf32, #tpu.memory_space<vmem>>, vector<1x8x512xf32>
    %get3A_2184 = vector.shape_cast %get3A_2183 : vector<1x8x512xf32> to vector<8x512xf32>
    %mul3A_2185 = arith.mulf %sub3A_2174, %sub3A_2174 : vector<8x512xf32>
    %mul3A_2186 = arith.mulf %sub3A_2179, %sub3A_2179 : vector<8x512xf32>
    %add3A_2187 = arith.addf %mul3A_2185, %mul3A_2186 : vector<8x512xf32>
    %max3A_2188 = arith.constant 1.000000e-36 : f32
    %max3A_2189 = vector.broadcast %max3A_2188 : f32 to vector<8x512xf32>
    %max3A_2190 = arith.maximumf %add3A_2187, %max3A_2189 : vector<8x512xf32>
    %rsqrt3A_2191 = math.rsqrt %max3A_2190 : vector<8x512xf32>
    %mul3A_2192 = arith.mulf %max3A_2190, %rsqrt3A_2191 : vector<8x512xf32>
    %mul3A_2193 = arith.constant -9.64874458 : f32
    %mul3A_2194 = vector.broadcast %mul3A_2193 : f32 to vector<8x512xf32>
    %mul3A_2195 = arith.mulf %mul3A_2194, %mul3A_2192 : vector<8x512xf32>
    %add3A_2196 = arith.constant 6.73411417 : f32
    %add3A_2197 = vector.broadcast %add3A_2196 : f32 to vector<8x512xf32>
    %add3A_2198 = arith.addf %add3A_2197, %mul3A_2195 : vector<8x512xf32>
    %exp23A_2199 = math.exp2 %add3A_2198 : vector<8x512xf32>
    %add3A_2200 = arith.addf %add3A_2160, %exp23A_2199 : vector<8x512xf32>
    %mul3A_2201 = arith.mulf %exp23A_2199, %exp23A_2199 : vector<8x512xf32>
    %add3A_2202 = arith.addf %add3A_2162, %mul3A_2201 : vector<8x512xf32>
    %mul3A_2203 = arith.mulf %exp23A_2199, %get3A_2184 : vector<8x512xf32>
    %add3A_2204 = arith.addf %add3A_2164, %mul3A_2203 : vector<8x512xf32>
    %add3A_2205 = arith.addf %add3A_2165, %get3A_2184 : vector<8x512xf32>
    %mul3A_2206 = arith.mulf %get3A_2184, %get3A_2184 : vector<8x512xf32>
    %add3A_2207 = arith.addf %add3A_2167, %mul3A_2206 : vector<8x512xf32>
    %min3A_2208 = arith.minimumf %min3A_2168, %exp23A_2199 : vector<8x512xf32>
    %max3A_2209 = arith.maximumf %max3A_2169, %exp23A_2199 : vector<8x512xf32>
    %get3A_2210 = arith.constant 16 : index
    %get3A_2211 = arith.constant 0 : index
    %get3A_2212 = vector.load %arg4[%get3A_2210, %get3A_2211] : memref<512x512xf32, #tpu.memory_space<vmem>>, vector<8x512xf32>
    %sub3A_2213 = vector.broadcast %mul3A_2119 : f32 to vector<8x512xf32>
    %sub3A_2214 = arith.subf %get3A_2212, %sub3A_2213 : vector<8x512xf32>
    %get3A_2215 = arith.constant 16 : index
    %get3A_2216 = arith.constant 0 : index
    %get3A_2217 = vector.load %arg5[%get3A_2215, %get3A_2216] : memref<512x512xf32, #tpu.memory_space<vmem>>, vector<8x512xf32>
    %sub3A_2218 = vector.broadcast %mul3A_2126 : f32 to vector<8x512xf32>
    %sub3A_2219 = arith.subf %get3A_2217, %sub3A_2218 : vector<8x512xf32>
    %get3A_2220 = arith.constant 0 : index
    %get3A_2221 = arith.constant 16 : index
    %get3A_2222 = arith.constant 0 : index
    %get3A_2223 = vector.load %arg2[%get3A_2220, %get3A_2221, %get3A_2222] : memref<1x512x512xf32, #tpu.memory_space<vmem>>, vector<1x8x512xf32>
    %get3A_2224 = vector.shape_cast %get3A_2223 : vector<1x8x512xf32> to vector<8x512xf32>
    %mul3A_2225 = arith.mulf %sub3A_2214, %sub3A_2214 : vector<8x512xf32>
    %mul3A_2226 = arith.mulf %sub3A_2219, %sub3A_2219 : vector<8x512xf32>
    %add3A_2227 = arith.addf %mul3A_2225, %mul3A_2226 : vector<8x512xf32>
    %max3A_2228 = arith.constant 1.000000e-36 : f32
    %max3A_2229 = vector.broadcast %max3A_2228 : f32 to vector<8x512xf32>
    %max3A_2230 = arith.maximumf %add3A_2227, %max3A_2229 : vector<8x512xf32>
    %rsqrt3A_2231 = math.rsqrt %max3A_2230 : vector<8x512xf32>
    %mul3A_2232 = arith.mulf %max3A_2230, %rsqrt3A_2231 : vector<8x512xf32>
    %mul3A_2233 = arith.constant -9.64874458 : f32
    %mul3A_2234 = vector.broadcast %mul3A_2233 : f32 to vector<8x512xf32>
    %mul3A_2235 = arith.mulf %mul3A_2234, %mul3A_2232 : vector<8x512xf32>
    %add3A_2236 = arith.constant 6.73411417 : f32
    %add3A_2237 = vector.broadcast %add3A_2236 : f32 to vector<8x512xf32>
    %add3A_2238 = arith.addf %add3A_2237, %mul3A_2235 : vector<8x512xf32>
    %exp23A_2239 = math.exp2 %add3A_2238 : vector<8x512xf32>
    %add3A_2240 = arith.addf %add3A_2200, %exp23A_2239 : vector<8x512xf32>
    %mul3A_2241 = arith.mulf %exp23A_2239, %exp23A_2239 : vector<8x512xf32>
    %add3A_2242 = arith.addf %add3A_2202, %mul3A_2241 : vector<8x512xf32>
    %mul3A_2243 = arith.mulf %exp23A_2239, %get3A_2224 : vector<8x512xf32>
    %add3A_2244 = arith.addf %add3A_2204, %mul3A_2243 : vector<8x512xf32>
    %add3A_2245 = arith.addf %add3A_2205, %get3A_2224 : vector<8x512xf32>
    %mul3A_2246 = arith.mulf %get3A_2224, %get3A_2224 : vector<8x512xf32>
    %add3A_2247 = arith.addf %add3A_2207, %mul3A_2246 : vector<8x512xf32>
    %min3A_2248 = arith.minimumf %min3A_2208, %exp23A_2239 : vector<8x512xf32>
    %max3A_2249 = arith.maximumf %max3A_2209, %exp23A_2239 : vector<8x512xf32>
    %get3A_2250 = arith.constant 24 : index
    %get3A_2251 = arith.constant 0 : index
    %get3A_2252 = vector.load %arg4[%get3A_2250, %get3A_2251] : memref<512x512xf32, #tpu.memory_space<vmem>>, vector<8x512xf32>
    %sub3A_2253 = vector.broadcast %mul3A_2119 : f32 to vector<8x512xf32>
    %sub3A_2254 = arith.subf %get3A_2252, %sub3A_2253 : vector<8x512xf32>
    %get3A_2255 = arith.constant 24 : index
    %get3A_2256 = arith.constant 0 : index
    %get3A_2257 = vector.load %arg5[%get3A_2255, %get3A_2256] : memref<512x512xf32, #tpu.memory_space<vmem>>, vector<8x512xf32>
    %sub3A_2258 = vector.broadcast %mul3A_2126 : f32 to vector<8x512xf32>
    %sub3A_2259 = arith.subf %get3A_2257, %sub3A_2258 : vector<8x512xf32>
    %get3A_2260 = arith.constant 0 : index
    %get3A_2261 = arith.constant 24 : index
    %get3A_2262 = arith.constant 0 : index
    %get3A_2263 = vector.load %arg2[%get3A_2260, %get3A_2261, %get3A_2262] : memref<1x512x512xf32, #tpu.memory_space<vmem>>, vector<1x8x512xf32>
    %get3A_2264 = vector.shape_cast %get3A_2263 : vector<1x8x512xf32> to vector<8x512xf32>
    %mul3A_2265 = arith.mulf %sub3A_2254, %sub3A_2254 : vector<8x512xf32>
    %mul3A_2266 = arith.mulf %sub3A_2259, %sub3A_2259 : vector<8x512xf32>
    %add3A_2267 = arith.addf %mul3A_2265, %mul3A_2266 : vector<8x512xf32>
    %max3A_2268 = arith.constant 1.000000e-36 : f32
    %max3A_2269 = vector.broadcast %max3A_2268 : f32 to vector<8x512xf32>
    %max3A_2270 = arith.maximumf %add3A_2267, %max3A_2269 : vector<8x512xf32>
    %rsqrt3A_2271 = math.rsqrt %max3A_2270 : vector<8x512xf32>
    %mul3A_2272 = arith.mulf %max3A_2270, %rsqrt3A_2271 : vector<8x512xf32>
    %mul3A_2273 = arith.constant -9.64874458 : f32
    %mul3A_2274 = vector.broadcast %mul3A_2273 : f32 to vector<8x512xf32>
    %mul3A_2275 = arith.mulf %mul3A_2274, %mul3A_2272 : vector<8x512xf32>
    %add3A_2276 = arith.constant 6.73411417 : f32
    %add3A_2277 = vector.broadcast %add3A_2276 : f32 to vector<8x512xf32>
    %add3A_2278 = arith.addf %add3A_2277, %mul3A_2275 : vector<8x512xf32>
    %exp23A_2279 = math.exp2 %add3A_2278 : vector<8x512xf32>
    %add3A_2280 = arith.addf %add3A_2240, %exp23A_2279 : vector<8x512xf32>
    %mul3A_2281 = arith.mulf %exp23A_2279, %exp23A_2279 : vector<8x512xf32>
    %add3A_2282 = arith.addf %add3A_2242, %mul3A_2281 : vector<8x512xf32>
    %mul3A_2283 = arith.mulf %exp23A_2279, %get3A_2264 : vector<8x512xf32>
    %add3A_2284 = arith.addf %add3A_2244, %mul3A_2283 : vector<8x512xf32>
    %add3A_2285 = arith.addf %add3A_2245, %get3A_2264 : vector<8x512xf32>
    %mul3A_2286 = arith.mulf %get3A_2264, %get3A_2264 : vector<8x512xf32>
    %add3A_2287 = arith.addf %add3A_2247, %mul3A_2286 : vector<8x512xf32>
    %min3A_2288 = arith.minimumf %min3A_2248, %exp23A_2279 : vector<8x512xf32>
    %max3A_2289 = arith.maximumf %max3A_2249, %exp23A_2279 : vector<8x512xf32>
    %get3A_2290 = arith.constant 32 : index
    %get3A_2291 = arith.constant 0 : index
    %get3A_2292 = vector.load %arg4[%get3A_2290, %get3A_2291] : memref<512x512xf32, #tpu.memory_space<vmem>>, vector<8x512xf32>
    %sub3A_2293 = vector.broadcast %mul3A_2119 : f32 to vector<8x512xf32>
    %sub3A_2294 = arith.subf %get3A_2292, %sub3A_2293 : vector<8x512xf32>
    %get3A_2295 = arith.constant 32 : index
    %get3A_2296 = arith.constant 0 : index
    %get3A_2297 = vector.load %arg5[%get3A_2295, %get3A_2296] : memref<512x512xf32, #tpu.memory_space<vmem>>, vector<8x512xf32>
    %sub3A_2298 = vector.broadcast %mul3A_2126 : f32 to vector<8x512xf32>
    %sub3A_2299 = arith.subf %get3A_2297, %sub3A_2298 : vector<8x512xf32>
    %get3A_2300 = arith.constant 0 : index
    %get3A_2301 = arith.constant 32 : index
    %get3A_2302 = arith.constant 0 : index
    %get3A_2303 = vector.load %arg2[%get3A_2300, %get3A_2301, %get3A_2302] : memref<1x512x512xf32, #tpu.memory_space<vmem>>, vector<1x8x512xf32>
    %get3A_2304 = vector.shape_cast %get3A_2303 : vector<1x8x512xf32> to vector<8x512xf32>
    %mul3A_2305 = arith.mulf %sub3A_2294, %sub3A_2294 : vector<8x512xf32>
    %mul3A_2306 = arith.mulf %sub3A_2299, %sub3A_2299 : vector<8x512xf32>
    %add3A_2307 = arith.addf %mul3A_2305, %mul3A_2306 : vector<8x512xf32>
    %max3A_2308 = arith.constant 1.000000e-36 : f32
    %max3A_2309 = vector.broadcast %max3A_2308 : f32 to vector<8x512xf32>
    %max3A_2310 = arith.maximumf %add3A_2307, %max3A_2309 : vector<8x512xf32>
    %rsqrt3A_2311 = math.rsqrt %max3A_2310 : vector<8x512xf32>
    %mul3A_2312 = arith.mulf %max3A_2310, %rsqrt3A_2311 : vector<8x512xf32>
    %mul3A_2313 = arith.constant -9.64874458 : f32
    %mul3A_2314 = vector.broadcast %mul3A_2313 : f32 to vector<8x512xf32>
    %mul3A_2315 = arith.mulf %mul3A_2314, %mul3A_2312 : vector<8x512xf32>
    %add3A_2316 = arith.constant 6.73411417 : f32
    %add3A_2317 = vector.broadcast %add3A_2316 : f32 to vector<8x512xf32>
    %add3A_2318 = arith.addf %add3A_2317, %mul3A_2315 : vector<8x512xf32>
    %exp23A_2319 = math.exp2 %add3A_2318 : vector<8x512xf32>
    %add3A_2320 = arith.addf %add3A_2280, %exp23A_2319 : vector<8x512xf32>
    %mul3A_2321 = arith.mulf %exp23A_2319, %exp23A_2319 : vector<8x512xf32>
    %add3A_2322 = arith.addf %add3A_2282, %mul3A_2321 : vector<8x512xf32>
    %mul3A_2323 = arith.mulf %exp23A_2319, %get3A_2304 : vector<8x512xf32>
    %add3A_2324 = arith.addf %add3A_2284, %mul3A_2323 : vector<8x512xf32>
    %add3A_2325 = arith.addf %add3A_2285, %get3A_2304 : vector<8x512xf32>
    %mul3A_2326 = arith.mulf %get3A_2304, %get3A_2304 : vector<8x512xf32>
    %add3A_2327 = arith.addf %add3A_2287, %mul3A_2326 : vector<8x512xf32>
    %min3A_2328 = arith.minimumf %min3A_2288, %exp23A_2319 : vector<8x512xf32>
    %max3A_2329 = arith.maximumf %max3A_2289, %exp23A_2319 : vector<8x512xf32>
    %get3A_2330 = arith.constant 40 : index
    %get3A_2331 = arith.constant 0 : index
    %get3A_2332 = vector.load %arg4[%get3A_2330, %get3A_2331] : memref<512x512xf32, #tpu.memory_space<vmem>>, vector<8x512xf32>
    %sub3A_2333 = vector.broadcast %mul3A_2119 : f32 to vector<8x512xf32>
    %sub3A_2334 = arith.subf %get3A_2332, %sub3A_2333 : vector<8x512xf32>
    %get3A_2335 = arith.constant 40 : index
    %get3A_2336 = arith.constant 0 : index
    %get3A_2337 = vector.load %arg5[%get3A_2335, %get3A_2336] : memref<512x512xf32, #tpu.memory_space<vmem>>, vector<8x512xf32>
    %sub3A_2338 = vector.broadcast %mul3A_2126 : f32 to vector<8x512xf32>
    %sub3A_2339 = arith.subf %get3A_2337, %sub3A_2338 : vector<8x512xf32>
    %get3A_2340 = arith.constant 0 : index
    %get3A_2341 = arith.constant 40 : index
    %get3A_2342 = arith.constant 0 : index
    %get3A_2343 = vector.load %arg2[%get3A_2340, %get3A_2341, %get3A_2342] : memref<1x512x512xf32, #tpu.memory_space<vmem>>, vector<1x8x512xf32>
    %get3A_2344 = vector.shape_cast %get3A_2343 : vector<1x8x512xf32> to vector<8x512xf32>
    %mul3A_2345 = arith.mulf %sub3A_2334, %sub3A_2334 : vector<8x512xf32>
    %mul3A_2346 = arith.mulf %sub3A_2339, %sub3A_2339 : vector<8x512xf32>
    %add3A_2347 = arith.addf %mul3A_2345, %mul3A_2346 : vector<8x512xf32>
    %max3A_2348 = arith.constant 1.000000e-36 : f32
    %max3A_2349 = vector.broadcast %max3A_2348 : f32 to vector<8x512xf32>
    %max3A_2350 = arith.maximumf %add3A_2347, %max3A_2349 : vector<8x512xf32>
    %rsqrt3A_2351 = math.rsqrt %max3A_2350 : vector<8x512xf32>
    %mul3A_2352 = arith.mulf %max3A_2350, %rsqrt3A_2351 : vector<8x512xf32>
    %mul3A_2353 = arith.constant -9.64874458 : f32
    %mul3A_2354 = vector.broadcast %mul3A_2353 : f32 to vector<8x512xf32>
    %mul3A_2355 = arith.mulf %mul3A_2354, %mul3A_2352 : vector<8x512xf32>
    %add3A_2356 = arith.constant 6.73411417 : f32
    %add3A_2357 = vector.broadcast %add3A_2356 : f32 to vector<8x512xf32>
    %add3A_2358 = arith.addf %add3A_2357, %mul3A_2355 : vector<8x512xf32>
    %exp23A_2359 = math.exp2 %add3A_2358 : vector<8x512xf32>
    %add3A_2360 = arith.addf %add3A_2320, %exp23A_2359 : vector<8x512xf32>
    %mul3A_2361 = arith.mulf %exp23A_2359, %exp23A_2359 : vector<8x512xf32>
    %add3A_2362 = arith.addf %add3A_2322, %mul3A_2361 : vector<8x512xf32>
    %mul3A_2363 = arith.mulf %exp23A_2359, %get3A_2344 : vector<8x512xf32>
    %add3A_2364 = arith.addf %add3A_2324, %mul3A_2363 : vector<8x512xf32>
    %add3A_2365 = arith.addf %add3A_2325, %get3A_2344 : vector<8x512xf32>
    %mul3A_2366 = arith.mulf %get3A_2344, %get3A_2344 : vector<8x512xf32>
    %add3A_2367 = arith.addf %add3A_2327, %mul3A_2366 : vector<8x512xf32>
    %min3A_2368 = arith.minimumf %min3A_2328, %exp23A_2359 : vector<8x512xf32>
    %max3A_2369 = arith.maximumf %max3A_2329, %exp23A_2359 : vector<8x512xf32>
    %get3A_2370 = arith.constant 48 : index
    %get3A_2371 = arith.constant 0 : index
    %get3A_2372 = vector.load %arg4[%get3A_2370, %get3A_2371] : memref<512x512xf32, #tpu.memory_space<vmem>>, vector<8x512xf32>
    %sub3A_2373 = vector.broadcast %mul3A_2119 : f32 to vector<8x512xf32>
    %sub3A_2374 = arith.subf %get3A_2372, %sub3A_2373 : vector<8x512xf32>
    %get3A_2375 = arith.constant 48 : index
    %get3A_2376 = arith.constant 0 : index
    %get3A_2377 = vector.load %arg5[%get3A_2375, %get3A_2376] : memref<512x512xf32, #tpu.memory_space<vmem>>, vector<8x512xf32>
    %sub3A_2378 = vector.broadcast %mul3A_2126 : f32 to vector<8x512xf32>
    %sub3A_2379 = arith.subf %get3A_2377, %sub3A_2378 : vector<8x512xf32>
    %get3A_2380 = arith.constant 0 : index
    %get3A_2381 = arith.constant 48 : index
    %get3A_2382 = arith.constant 0 : index
    %get3A_2383 = vector.load %arg2[%get3A_2380, %get3A_2381, %get3A_2382] : memref<1x512x512xf32, #tpu.memory_space<vmem>>, vector<1x8x512xf32>
    %get3A_2384 = vector.shape_cast %get3A_2383 : vector<1x8x512xf32> to vector<8x512xf32>
    %mul3A_2385 = arith.mulf %sub3A_2374, %sub3A_2374 : vector<8x512xf32>
    %mul3A_2386 = arith.mulf %sub3A_2379, %sub3A_2379 : vector<8x512xf32>
    %add3A_2387 = arith.addf %mul3A_2385, %mul3A_2386 : vector<8x512xf32>
    %max3A_2388 = arith.constant 1.000000e-36 : f32
    %max3A_2389 = vector.broadcast %max3A_2388 : f32 to vector<8x512xf32>
    %max3A_2390 = arith.maximumf %add3A_2387, %max3A_2389 : vector<8x512xf32>
    %rsqrt3A_2391 = math.rsqrt %max3A_2390 : vector<8x512xf32>
    %mul3A_2392 = arith.mulf %max3A_2390, %rsqrt3A_2391 : vector<8x512xf32>
    %mul3A_2393 = arith.constant -9.64874458 : f32
    %mul3A_2394 = vector.broadcast %mul3A_2393 : f32 to vector<8x512xf32>
    %mul3A_2395 = arith.mulf %mul3A_2394, %mul3A_2392 : vector<8x512xf32>
    %add3A_2396 = arith.constant 6.73411417 : f32
    %add3A_2397 = vector.broadcast %add3A_2396 : f32 to vector<8x512xf32>
    %add3A_2398 = arith.addf %add3A_2397, %mul3A_2395 : vector<8x512xf32>
    %exp23A_2399 = math.exp2 %add3A_2398 : vector<8x512xf32>
    %add3A_2400 = arith.addf %add3A_2360, %exp23A_2399 : vector<8x512xf32>
    %mul3A_2401 = arith.mulf %exp23A_2399, %exp23A_2399 : vector<8x512xf32>
    %add3A_2402 = arith.addf %add3A_2362, %mul3A_2401 : vector<8x512xf32>
    %mul3A_2403 = arith.mulf %exp23A_2399, %get3A_2384 : vector<8x512xf32>
    %add3A_2404 = arith.addf %add3A_2364, %mul3A_2403 : vector<8x512xf32>
    %add3A_2405 = arith.addf %add3A_2365, %get3A_2384 : vector<8x512xf32>
    %mul3A_2406 = arith.mulf %get3A_2384, %get3A_2384 : vector<8x512xf32>
    %add3A_2407 = arith.addf %add3A_2367, %mul3A_2406 : vector<8x512xf32>
    %min3A_2408 = arith.minimumf %min3A_2368, %exp23A_2399 : vector<8x512xf32>
    %max3A_2409 = arith.maximumf %max3A_2369, %exp23A_2399 : vector<8x512xf32>
    %get3A_2410 = arith.constant 56 : index
    %get3A_2411 = arith.constant 0 : index
    %get3A_2412 = vector.load %arg4[%get3A_2410, %get3A_2411] : memref<512x512xf32, #tpu.memory_space<vmem>>, vector<8x512xf32>
    %sub3A_2413 = vector.broadcast %mul3A_2119 : f32 to vector<8x512xf32>
    %sub3A_2414 = arith.subf %get3A_2412, %sub3A_2413 : vector<8x512xf32>
    %get3A_2415 = arith.constant 56 : index
    %get3A_2416 = arith.constant 0 : index
    %get3A_2417 = vector.load %arg5[%get3A_2415, %get3A_2416] : memref<512x512xf32, #tpu.memory_space<vmem>>, vector<8x512xf32>
    %sub3A_2418 = vector.broadcast %mul3A_2126 : f32 to vector<8x512xf32>
    %sub3A_2419 = arith.subf %get3A_2417, %sub3A_2418 : vector<8x512xf32>
    %get3A_2420 = arith.constant 0 : index
    %get3A_2421 = arith.constant 56 : index
    %get3A_2422 = arith.constant 0 : index
    %get3A_2423 = vector.load %arg2[%get3A_2420, %get3A_2421, %get3A_2422] : memref<1x512x512xf32, #tpu.memory_space<vmem>>, vector<1x8x512xf32>
    %get3A_2424 = vector.shape_cast %get3A_2423 : vector<1x8x512xf32> to vector<8x512xf32>
    %mul3A_2425 = arith.mulf %sub3A_2414, %sub3A_2414 : vector<8x512xf32>
    %mul3A_2426 = arith.mulf %sub3A_2419, %sub3A_2419 : vector<8x512xf32>
    %add3A_2427 = arith.addf %mul3A_2425, %mul3A_2426 : vector<8x512xf32>
    %max3A_2428 = arith.constant 1.000000e-36 : f32
    %max3A_2429 = vector.broadcast %max3A_2428 : f32 to vector<8x512xf32>
    %max3A_2430 = arith.maximumf %add3A_2427, %max3A_2429 : vector<8x512xf32>
    %rsqrt3A_2431 = math.rsqrt %max3A_2430 : vector<8x512xf32>
    %mul3A_2432 = arith.mulf %max3A_2430, %rsqrt3A_2431 : vector<8x512xf32>
    %mul3A_2433 = arith.constant -9.64874458 : f32
    %mul3A_2434 = vector.broadcast %mul3A_2433 : f32 to vector<8x512xf32>
    %mul3A_2435 = arith.mulf %mul3A_2434, %mul3A_2432 : vector<8x512xf32>
    %add3A_2436 = arith.constant 6.73411417 : f32
    %add3A_2437 = vector.broadcast %add3A_2436 : f32 to vector<8x512xf32>
    %add3A_2438 = arith.addf %add3A_2437, %mul3A_2435 : vector<8x512xf32>
    %exp23A_2439 = math.exp2 %add3A_2438 : vector<8x512xf32>
    %add3A_2440 = arith.addf %add3A_2400, %exp23A_2439 : vector<8x512xf32>
    %mul3A_2441 = arith.mulf %exp23A_2439, %exp23A_2439 : vector<8x512xf32>
    %add3A_2442 = arith.addf %add3A_2402, %mul3A_2441 : vector<8x512xf32>
    %mul3A_2443 = arith.mulf %exp23A_2439, %get3A_2424 : vector<8x512xf32>
    %add3A_2444 = arith.addf %add3A_2404, %mul3A_2443 : vector<8x512xf32>
    %add3A_2445 = arith.addf %add3A_2405, %get3A_2424 : vector<8x512xf32>
    %mul3A_2446 = arith.mulf %get3A_2424, %get3A_2424 : vector<8x512xf32>
    %add3A_2447 = arith.addf %add3A_2407, %mul3A_2446 : vector<8x512xf32>
    %min3A_2448 = arith.minimumf %min3A_2408, %exp23A_2439 : vector<8x512xf32>
    %max3A_2449 = arith.maximumf %max3A_2409, %exp23A_2439 : vector<8x512xf32>
    %get3A_2450 = arith.constant 64 : index
    %get3A_2451 = arith.constant 0 : index
    %get3A_2452 = vector.load %arg4[%get3A_2450, %get3A_2451] : memref<512x512xf32, #tpu.memory_space<vmem>>, vector<8x512xf32>
    %sub3A_2453 = vector.broadcast %mul3A_2119 : f32 to vector<8x512xf32>
    %sub3A_2454 = arith.subf %get3A_2452, %sub3A_2453 : vector<8x512xf32>
    %get3A_2455 = arith.constant 64 : index
    %get3A_2456 = arith.constant 0 : index
    %get3A_2457 = vector.load %arg5[%get3A_2455, %get3A_2456] : memref<512x512xf32, #tpu.memory_space<vmem>>, vector<8x512xf32>
    %sub3A_2458 = vector.broadcast %mul3A_2126 : f32 to vector<8x512xf32>
    %sub3A_2459 = arith.subf %get3A_2457, %sub3A_2458 : vector<8x512xf32>
    %get3A_2460 = arith.constant 0 : index
    %get3A_2461 = arith.constant 64 : index
    %get3A_2462 = arith.constant 0 : index
    %get3A_2463 = vector.load %arg2[%get3A_2460, %get3A_2461, %get3A_2462] : memref<1x512x512xf32, #tpu.memory_space<vmem>>, vector<1x8x512xf32>
    %get3A_2464 = vector.shape_cast %get3A_2463 : vector<1x8x512xf32> to vector<8x512xf32>
    %mul3A_2465 = arith.mulf %sub3A_2454, %sub3A_2454 : vector<8x512xf32>
    %mul3A_2466 = arith.mulf %sub3A_2459, %sub3A_2459 : vector<8x512xf32>
    %add3A_2467 = arith.addf %mul3A_2465, %mul3A_2466 : vector<8x512xf32>
    %max3A_2468 = arith.constant 1.000000e-36 : f32
    %max3A_2469 = vector.broadcast %max3A_2468 : f32 to vector<8x512xf32>
    %max3A_2470 = arith.maximumf %add3A_2467, %max3A_2469 : vector<8x512xf32>
    %rsqrt3A_2471 = math.rsqrt %max3A_2470 : vector<8x512xf32>
    %mul3A_2472 = arith.mulf %max3A_2470, %rsqrt3A_2471 : vector<8x512xf32>
    %mul3A_2473 = arith.constant -9.64874458 : f32
    %mul3A_2474 = vector.broadcast %mul3A_2473 : f32 to vector<8x512xf32>
    %mul3A_2475 = arith.mulf %mul3A_2474, %mul3A_2472 : vector<8x512xf32>
    %add3A_2476 = arith.constant 6.73411417 : f32
    %add3A_2477 = vector.broadcast %add3A_2476 : f32 to vector<8x512xf32>
    %add3A_2478 = arith.addf %add3A_2477, %mul3A_2475 : vector<8x512xf32>
    %exp23A_2479 = math.exp2 %add3A_2478 : vector<8x512xf32>
    %add3A_2480 = arith.addf %add3A_2440, %exp23A_2479 : vector<8x512xf32>
    %mul3A_2481 = arith.mulf %exp23A_2479, %exp23A_2479 : vector<8x512xf32>
    %add3A_2482 = arith.addf %add3A_2442, %mul3A_2481 : vector<8x512xf32>
    %mul3A_2483 = arith.mulf %exp23A_2479, %get3A_2464 : vector<8x512xf32>
    %add3A_2484 = arith.addf %add3A_2444, %mul3A_2483 : vector<8x512xf32>
    %add3A_2485 = arith.addf %add3A_2445, %get3A_2464 : vector<8x512xf32>
    %mul3A_2486 = arith.mulf %get3A_2464, %get3A_2464 : vector<8x512xf32>
    %add3A_2487 = arith.addf %add3A_2447, %mul3A_2486 : vector<8x512xf32>
    %min3A_2488 = arith.minimumf %min3A_2448, %exp23A_2479 : vector<8x512xf32>
    %max3A_2489 = arith.maximumf %max3A_2449, %exp23A_2479 : vector<8x512xf32>
    %get3A_2490 = arith.constant 72 : index
    %get3A_2491 = arith.constant 0 : index
    %get3A_2492 = vector.load %arg4[%get3A_2490, %get3A_2491] : memref<512x512xf32, #tpu.memory_space<vmem>>, vector<8x512xf32>
    %sub3A_2493 = vector.broadcast %mul3A_2119 : f32 to vector<8x512xf32>
    %sub3A_2494 = arith.subf %get3A_2492, %sub3A_2493 : vector<8x512xf32>
    %get3A_2495 = arith.constant 72 : index
    %get3A_2496 = arith.constant 0 : index
    %get3A_2497 = vector.load %arg5[%get3A_2495, %get3A_2496] : memref<512x512xf32, #tpu.memory_space<vmem>>, vector<8x512xf32>
    %sub3A_2498 = vector.broadcast %mul3A_2126 : f32 to vector<8x512xf32>
    %sub3A_2499 = arith.subf %get3A_2497, %sub3A_2498 : vector<8x512xf32>
    %get3A_2500 = arith.constant 0 : index
    %get3A_2501 = arith.constant 72 : index
    %get3A_2502 = arith.constant 0 : index
    %get3A_2503 = vector.load %arg2[%get3A_2500, %get3A_2501, %get3A_2502] : memref<1x512x512xf32, #tpu.memory_space<vmem>>, vector<1x8x512xf32>
    %get3A_2504 = vector.shape_cast %get3A_2503 : vector<1x8x512xf32> to vector<8x512xf32>
    %mul3A_2505 = arith.mulf %sub3A_2494, %sub3A_2494 : vector<8x512xf32>
    %mul3A_2506 = arith.mulf %sub3A_2499, %sub3A_2499 : vector<8x512xf32>
    %add3A_2507 = arith.addf %mul3A_2505, %mul3A_2506 : vector<8x512xf32>
    %max3A_2508 = arith.constant 1.000000e-36 : f32
    %max3A_2509 = vector.broadcast %max3A_2508 : f32 to vector<8x512xf32>
    %max3A_2510 = arith.maximumf %add3A_2507, %max3A_2509 : vector<8x512xf32>
    %rsqrt3A_2511 = math.rsqrt %max3A_2510 : vector<8x512xf32>
    %mul3A_2512 = arith.mulf %max3A_2510, %rsqrt3A_2511 : vector<8x512xf32>
    %mul3A_2513 = arith.constant -9.64874458 : f32
    %mul3A_2514 = vector.broadcast %mul3A_2513 : f32 to vector<8x512xf32>
    %mul3A_2515 = arith.mulf %mul3A_2514, %mul3A_2512 : vector<8x512xf32>
    %add3A_2516 = arith.constant 6.73411417 : f32
    %add3A_2517 = vector.broadcast %add3A_2516 : f32 to vector<8x512xf32>
    %add3A_2518 = arith.addf %add3A_2517, %mul3A_2515 : vector<8x512xf32>
    %exp23A_2519 = math.exp2 %add3A_2518 : vector<8x512xf32>
    %add3A_2520 = arith.addf %add3A_2480, %exp23A_2519 : vector<8x512xf32>
    %mul3A_2521 = arith.mulf %exp23A_2519, %exp23A_2519 : vector<8x512xf32>
    %add3A_2522 = arith.addf %add3A_2482, %mul3A_2521 : vector<8x512xf32>
    %mul3A_2523 = arith.mulf %exp23A_2519, %get3A_2504 : vector<8x512xf32>
    %add3A_2524 = arith.addf %add3A_2484, %mul3A_2523 : vector<8x512xf32>
    %add3A_2525 = arith.addf %add3A_2485, %get3A_2504 : vector<8x512xf32>
    %mul3A_2526 = arith.mulf %get3A_2504, %get3A_2504 : vector<8x512xf32>
    %add3A_2527 = arith.addf %add3A_2487, %mul3A_2526 : vector<8x512xf32>
    %min3A_2528 = arith.minimumf %min3A_2488, %exp23A_2519 : vector<8x512xf32>
    %max3A_2529 = arith.maximumf %max3A_2489, %exp23A_2519 : vector<8x512xf32>
    %get3A_2530 = arith.constant 80 : index
    %get3A_2531 = arith.constant 0 : index
    %get3A_2532 = vector.load %arg4[%get3A_2530, %get3A_2531] : memref<512x512xf32, #tpu.memory_space<vmem>>, vector<8x512xf32>
    %sub3A_2533 = vector.broadcast %mul3A_2119 : f32 to vector<8x512xf32>
    %sub3A_2534 = arith.subf %get3A_2532, %sub3A_2533 : vector<8x512xf32>
    %get3A_2535 = arith.constant 80 : index
    %get3A_2536 = arith.constant 0 : index
    %get3A_2537 = vector.load %arg5[%get3A_2535, %get3A_2536] : memref<512x512xf32, #tpu.memory_space<vmem>>, vector<8x512xf32>
    %sub3A_2538 = vector.broadcast %mul3A_2126 : f32 to vector<8x512xf32>
    %sub3A_2539 = arith.subf %get3A_2537, %sub3A_2538 : vector<8x512xf32>
    %get3A_2540 = arith.constant 0 : index
    %get3A_2541 = arith.constant 80 : index
    %get3A_2542 = arith.constant 0 : index
    %get3A_2543 = vector.load %arg2[%get3A_2540, %get3A_2541, %get3A_2542] : memref<1x512x512xf32, #tpu.memory_space<vmem>>, vector<1x8x512xf32>
    %get3A_2544 = vector.shape_cast %get3A_2543 : vector<1x8x512xf32> to vector<8x512xf32>
    %mul3A_2545 = arith.mulf %sub3A_2534, %sub3A_2534 : vector<8x512xf32>
    %mul3A_2546 = arith.mulf %sub3A_2539, %sub3A_2539 : vector<8x512xf32>
    %add3A_2547 = arith.addf %mul3A_2545, %mul3A_2546 : vector<8x512xf32>
    %max3A_2548 = arith.constant 1.000000e-36 : f32
    %max3A_2549 = vector.broadcast %max3A_2548 : f32 to vector<8x512xf32>
    %max3A_2550 = arith.maximumf %add3A_2547, %max3A_2549 : vector<8x512xf32>
    %rsqrt3A_2551 = math.rsqrt %max3A_2550 : vector<8x512xf32>
    %mul3A_2552 = arith.mulf %max3A_2550, %rsqrt3A_2551 : vector<8x512xf32>
    %mul3A_2553 = arith.constant -9.64874458 : f32
    %mul3A_2554 = vector.broadcast %mul3A_2553 : f32 to vector<8x512xf32>
    %mul3A_2555 = arith.mulf %mul3A_2554, %mul3A_2552 : vector<8x512xf32>
    %add3A_2556 = arith.constant 6.73411417 : f32
    %add3A_2557 = vector.broadcast %add3A_2556 : f32 to vector<8x512xf32>
    %add3A_2558 = arith.addf %add3A_2557, %mul3A_2555 : vector<8x512xf32>
    %exp23A_2559 = math.exp2 %add3A_2558 : vector<8x512xf32>
    %add3A_2560 = arith.addf %add3A_2520, %exp23A_2559 : vector<8x512xf32>
    %mul3A_2561 = arith.mulf %exp23A_2559, %exp23A_2559 : vector<8x512xf32>
    %add3A_2562 = arith.addf %add3A_2522, %mul3A_2561 : vector<8x512xf32>
    %mul3A_2563 = arith.mulf %exp23A_2559, %get3A_2544 : vector<8x512xf32>
    %add3A_2564 = arith.addf %add3A_2524, %mul3A_2563 : vector<8x512xf32>
    %add3A_2565 = arith.addf %add3A_2525, %get3A_2544 : vector<8x512xf32>
    %mul3A_2566 = arith.mulf %get3A_2544, %get3A_2544 : vector<8x512xf32>
    %add3A_2567 = arith.addf %add3A_2527, %mul3A_2566 : vector<8x512xf32>
    %min3A_2568 = arith.minimumf %min3A_2528, %exp23A_2559 : vector<8x512xf32>
    %max3A_2569 = arith.maximumf %max3A_2529, %exp23A_2559 : vector<8x512xf32>
    %get3A_2570 = arith.constant 88 : index
    %get3A_2571 = arith.constant 0 : index
    %get3A_2572 = vector.load %arg4[%get3A_2570, %get3A_2571] : memref<512x512xf32, #tpu.memory_space<vmem>>, vector<8x512xf32>
    %sub3A_2573 = vector.broadcast %mul3A_2119 : f32 to vector<8x512xf32>
    %sub3A_2574 = arith.subf %get3A_2572, %sub3A_2573 : vector<8x512xf32>
    %get3A_2575 = arith.constant 88 : index
    %get3A_2576 = arith.constant 0 : index
    %get3A_2577 = vector.load %arg5[%get3A_2575, %get3A_2576] : memref<512x512xf32, #tpu.memory_space<vmem>>, vector<8x512xf32>
    %sub3A_2578 = vector.broadcast %mul3A_2126 : f32 to vector<8x512xf32>
    %sub3A_2579 = arith.subf %get3A_2577, %sub3A_2578 : vector<8x512xf32>
    %get3A_2580 = arith.constant 0 : index
    %get3A_2581 = arith.constant 88 : index
    %get3A_2582 = arith.constant 0 : index
    %get3A_2583 = vector.load %arg2[%get3A_2580, %get3A_2581, %get3A_2582] : memref<1x512x512xf32, #tpu.memory_space<vmem>>, vector<1x8x512xf32>
    %get3A_2584 = vector.shape_cast %get3A_2583 : vector<1x8x512xf32> to vector<8x512xf32>
    %mul3A_2585 = arith.mulf %sub3A_2574, %sub3A_2574 : vector<8x512xf32>
    %mul3A_2586 = arith.mulf %sub3A_2579, %sub3A_2579 : vector<8x512xf32>
    %add3A_2587 = arith.addf %mul3A_2585, %mul3A_2586 : vector<8x512xf32>
    %max3A_2588 = arith.constant 1.000000e-36 : f32
    %max3A_2589 = vector.broadcast %max3A_2588 : f32 to vector<8x512xf32>
    %max3A_2590 = arith.maximumf %add3A_2587, %max3A_2589 : vector<8x512xf32>
    %rsqrt3A_2591 = math.rsqrt %max3A_2590 : vector<8x512xf32>
    %mul3A_2592 = arith.mulf %max3A_2590, %rsqrt3A_2591 : vector<8x512xf32>
    %mul3A_2593 = arith.constant -9.64874458 : f32
    %mul3A_2594 = vector.broadcast %mul3A_2593 : f32 to vector<8x512xf32>
    %mul3A_2595 = arith.mulf %mul3A_2594, %mul3A_2592 : vector<8x512xf32>
    %add3A_2596 = arith.constant 6.73411417 : f32
    %add3A_2597 = vector.broadcast %add3A_2596 : f32 to vector<8x512xf32>
    %add3A_2598 = arith.addf %add3A_2597, %mul3A_2595 : vector<8x512xf32>
    %exp23A_2599 = math.exp2 %add3A_2598 : vector<8x512xf32>
    %add3A_2600 = arith.addf %add3A_2560, %exp23A_2599 : vector<8x512xf32>
    %mul3A_2601 = arith.mulf %exp23A_2599, %exp23A_2599 : vector<8x512xf32>
    %add3A_2602 = arith.addf %add3A_2562, %mul3A_2601 : vector<8x512xf32>
    %mul3A_2603 = arith.mulf %exp23A_2599, %get3A_2584 : vector<8x512xf32>
    %add3A_2604 = arith.addf %add3A_2564, %mul3A_2603 : vector<8x512xf32>
    %add3A_2605 = arith.addf %add3A_2565, %get3A_2584 : vector<8x512xf32>
    %mul3A_2606 = arith.mulf %get3A_2584, %get3A_2584 : vector<8x512xf32>
    %add3A_2607 = arith.addf %add3A_2567, %mul3A_2606 : vector<8x512xf32>
    %min3A_2608 = arith.minimumf %min3A_2568, %exp23A_2599 : vector<8x512xf32>
    %max3A_2609 = arith.maximumf %max3A_2569, %exp23A_2599 : vector<8x512xf32>
    %get3A_2610 = arith.constant 96 : index
    %get3A_2611 = arith.constant 0 : index
    %get3A_2612 = vector.load %arg4[%get3A_2610, %get3A_2611] : memref<512x512xf32, #tpu.memory_space<vmem>>, vector<8x512xf32>
    %sub3A_2613 = vector.broadcast %mul3A_2119 : f32 to vector<8x512xf32>
    %sub3A_2614 = arith.subf %get3A_2612, %sub3A_2613 : vector<8x512xf32>
    %get3A_2615 = arith.constant 96 : index
    %get3A_2616 = arith.constant 0 : index
    %get3A_2617 = vector.load %arg5[%get3A_2615, %get3A_2616] : memref<512x512xf32, #tpu.memory_space<vmem>>, vector<8x512xf32>
    %sub3A_2618 = vector.broadcast %mul3A_2126 : f32 to vector<8x512xf32>
    %sub3A_2619 = arith.subf %get3A_2617, %sub3A_2618 : vector<8x512xf32>
    %get3A_2620 = arith.constant 0 : index
    %get3A_2621 = arith.constant 96 : index
    %get3A_2622 = arith.constant 0 : index
    %get3A_2623 = vector.load %arg2[%get3A_2620, %get3A_2621, %get3A_2622] : memref<1x512x512xf32, #tpu.memory_space<vmem>>, vector<1x8x512xf32>
    %get3A_2624 = vector.shape_cast %get3A_2623 : vector<1x8x512xf32> to vector<8x512xf32>
    %mul3A_2625 = arith.mulf %sub3A_2614, %sub3A_2614 : vector<8x512xf32>
    %mul3A_2626 = arith.mulf %sub3A_2619, %sub3A_2619 : vector<8x512xf32>
    %add3A_2627 = arith.addf %mul3A_2625, %mul3A_2626 : vector<8x512xf32>
    %max3A_2628 = arith.constant 1.000000e-36 : f32
    %max3A_2629 = vector.broadcast %max3A_2628 : f32 to vector<8x512xf32>
    %max3A_2630 = arith.maximumf %add3A_2627, %max3A_2629 : vector<8x512xf32>
    %rsqrt3A_2631 = math.rsqrt %max3A_2630 : vector<8x512xf32>
    %mul3A_2632 = arith.mulf %max3A_2630, %rsqrt3A_2631 : vector<8x512xf32>
    %mul3A_2633 = arith.constant -9.64874458 : f32
    %mul3A_2634 = vector.broadcast %mul3A_2633 : f32 to vector<8x512xf32>
    %mul3A_2635 = arith.mulf %mul3A_2634, %mul3A_2632 : vector<8x512xf32>
    %add3A_2636 = arith.constant 6.73411417 : f32
    %add3A_2637 = vector.broadcast %add3A_2636 : f32 to vector<8x512xf32>
    %add3A_2638 = arith.addf %add3A_2637, %mul3A_2635 : vector<8x512xf32>
    %exp23A_2639 = math.exp2 %add3A_2638 : vector<8x512xf32>
    %add3A_2640 = arith.addf %add3A_2600, %exp23A_2639 : vector<8x512xf32>
    %mul3A_2641 = arith.mulf %exp23A_2639, %exp23A_2639 : vector<8x512xf32>
    %add3A_2642 = arith.addf %add3A_2602, %mul3A_2641 : vector<8x512xf32>
    %mul3A_2643 = arith.mulf %exp23A_2639, %get3A_2624 : vector<8x512xf32>
    %add3A_2644 = arith.addf %add3A_2604, %mul3A_2643 : vector<8x512xf32>
    %add3A_2645 = arith.addf %add3A_2605, %get3A_2624 : vector<8x512xf32>
    %mul3A_2646 = arith.mulf %get3A_2624, %get3A_2624 : vector<8x512xf32>
    %add3A_2647 = arith.addf %add3A_2607, %mul3A_2646 : vector<8x512xf32>
    %min3A_2648 = arith.minimumf %min3A_2608, %exp23A_2639 : vector<8x512xf32>
    %max3A_2649 = arith.maximumf %max3A_2609, %exp23A_2639 : vector<8x512xf32>
    %get3A_2650 = arith.constant 104 : index
    %get3A_2651 = arith.constant 0 : index
    %get3A_2652 = vector.load %arg4[%get3A_2650, %get3A_2651] : memref<512x512xf32, #tpu.memory_space<vmem>>, vector<8x512xf32>
    %sub3A_2653 = vector.broadcast %mul3A_2119 : f32 to vector<8x512xf32>
    %sub3A_2654 = arith.subf %get3A_2652, %sub3A_2653 : vector<8x512xf32>
    %get3A_2655 = arith.constant 104 : index
    %get3A_2656 = arith.constant 0 : index
    %get3A_2657 = vector.load %arg5[%get3A_2655, %get3A_2656] : memref<512x512xf32, #tpu.memory_space<vmem>>, vector<8x512xf32>
    %sub3A_2658 = vector.broadcast %mul3A_2126 : f32 to vector<8x512xf32>
    %sub3A_2659 = arith.subf %get3A_2657, %sub3A_2658 : vector<8x512xf32>
    %get3A_2660 = arith.constant 0 : index
    %get3A_2661 = arith.constant 104 : index
    %get3A_2662 = arith.constant 0 : index
    %get3A_2663 = vector.load %arg2[%get3A_2660, %get3A_2661, %get3A_2662] : memref<1x512x512xf32, #tpu.memory_space<vmem>>, vector<1x8x512xf32>
    %get3A_2664 = vector.shape_cast %get3A_2663 : vector<1x8x512xf32> to vector<8x512xf32>
    %mul3A_2665 = arith.mulf %sub3A_2654, %sub3A_2654 : vector<8x512xf32>
    %mul3A_2666 = arith.mulf %sub3A_2659, %sub3A_2659 : vector<8x512xf32>
    %add3A_2667 = arith.addf %mul3A_2665, %mul3A_2666 : vector<8x512xf32>
    %max3A_2668 = arith.constant 1.000000e-36 : f32
    %max3A_2669 = vector.broadcast %max3A_2668 : f32 to vector<8x512xf32>
    %max3A_2670 = arith.maximumf %add3A_2667, %max3A_2669 : vector<8x512xf32>
    %rsqrt3A_2671 = math.rsqrt %max3A_2670 : vector<8x512xf32>
    %mul3A_2672 = arith.mulf %max3A_2670, %rsqrt3A_2671 : vector<8x512xf32>
    %mul3A_2673 = arith.constant -9.64874458 : f32
    %mul3A_2674 = vector.broadcast %mul3A_2673 : f32 to vector<8x512xf32>
    %mul3A_2675 = arith.mulf %mul3A_2674, %mul3A_2672 : vector<8x512xf32>
    %add3A_2676 = arith.constant 6.73411417 : f32
    %add3A_2677 = vector.broadcast %add3A_2676 : f32 to vector<8x512xf32>
    %add3A_2678 = arith.addf %add3A_2677, %mul3A_2675 : vector<8x512xf32>
    %exp23A_2679 = math.exp2 %add3A_2678 : vector<8x512xf32>
    %add3A_2680 = arith.addf %add3A_2640, %exp23A_2679 : vector<8x512xf32>
    %mul3A_2681 = arith.mulf %exp23A_2679, %exp23A_2679 : vector<8x512xf32>
    %add3A_2682 = arith.addf %add3A_2642, %mul3A_2681 : vector<8x512xf32>
    %mul3A_2683 = arith.mulf %exp23A_2679, %get3A_2664 : vector<8x512xf32>
    %add3A_2684 = arith.addf %add3A_2644, %mul3A_2683 : vector<8x512xf32>
    %add3A_2685 = arith.addf %add3A_2645, %get3A_2664 : vector<8x512xf32>
    %mul3A_2686 = arith.mulf %get3A_2664, %get3A_2664 : vector<8x512xf32>
    %add3A_2687 = arith.addf %add3A_2647, %mul3A_2686 : vector<8x512xf32>
    %min3A_2688 = arith.minimumf %min3A_2648, %exp23A_2679 : vector<8x512xf32>
    %max3A_2689 = arith.maximumf %max3A_2649, %exp23A_2679 : vector<8x512xf32>
    %get3A_2690 = arith.constant 112 : index
    %get3A_2691 = arith.constant 0 : index
    %get3A_2692 = vector.load %arg4[%get3A_2690, %get3A_2691] : memref<512x512xf32, #tpu.memory_space<vmem>>, vector<8x512xf32>
    %sub3A_2693 = vector.broadcast %mul3A_2119 : f32 to vector<8x512xf32>
    %sub3A_2694 = arith.subf %get3A_2692, %sub3A_2693 : vector<8x512xf32>
    %get3A_2695 = arith.constant 112 : index
    %get3A_2696 = arith.constant 0 : index
    %get3A_2697 = vector.load %arg5[%get3A_2695, %get3A_2696] : memref<512x512xf32, #tpu.memory_space<vmem>>, vector<8x512xf32>
    %sub3A_2698 = vector.broadcast %mul3A_2126 : f32 to vector<8x512xf32>
    %sub3A_2699 = arith.subf %get3A_2697, %sub3A_2698 : vector<8x512xf32>
    %get3A_2700 = arith.constant 0 : index
    %get3A_2701 = arith.constant 112 : index
    %get3A_2702 = arith.constant 0 : index
    %get3A_2703 = vector.load %arg2[%get3A_2700, %get3A_2701, %get3A_2702] : memref<1x512x512xf32, #tpu.memory_space<vmem>>, vector<1x8x512xf32>
    %get3A_2704 = vector.shape_cast %get3A_2703 : vector<1x8x512xf32> to vector<8x512xf32>
    %mul3A_2705 = arith.mulf %sub3A_2694, %sub3A_2694 : vector<8x512xf32>
    %mul3A_2706 = arith.mulf %sub3A_2699, %sub3A_2699 : vector<8x512xf32>
    %add3A_2707 = arith.addf %mul3A_2705, %mul3A_2706 : vector<8x512xf32>
    %max3A_2708 = arith.constant 1.000000e-36 : f32
    %max3A_2709 = vector.broadcast %max3A_2708 : f32 to vector<8x512xf32>
    %max3A_2710 = arith.maximumf %add3A_2707, %max3A_2709 : vector<8x512xf32>
    %rsqrt3A_2711 = math.rsqrt %max3A_2710 : vector<8x512xf32>
    %mul3A_2712 = arith.mulf %max3A_2710, %rsqrt3A_2711 : vector<8x512xf32>
    %mul3A_2713 = arith.constant -9.64874458 : f32
    %mul3A_2714 = vector.broadcast %mul3A_2713 : f32 to vector<8x512xf32>
    %mul3A_2715 = arith.mulf %mul3A_2714, %mul3A_2712 : vector<8x512xf32>
    %add3A_2716 = arith.constant 6.73411417 : f32
    %add3A_2717 = vector.broadcast %add3A_2716 : f32 to vector<8x512xf32>
    %add3A_2718 = arith.addf %add3A_2717, %mul3A_2715 : vector<8x512xf32>
    %exp23A_2719 = math.exp2 %add3A_2718 : vector<8x512xf32>
    %add3A_2720 = arith.addf %add3A_2680, %exp23A_2719 : vector<8x512xf32>
    %mul3A_2721 = arith.mulf %exp23A_2719, %exp23A_2719 : vector<8x512xf32>
    %add3A_2722 = arith.addf %add3A_2682, %mul3A_2721 : vector<8x512xf32>
    %mul3A_2723 = arith.mulf %exp23A_2719, %get3A_2704 : vector<8x512xf32>
    %add3A_2724 = arith.addf %add3A_2684, %mul3A_2723 : vector<8x512xf32>
    %add3A_2725 = arith.addf %add3A_2685, %get3A_2704 : vector<8x512xf32>
    %mul3A_2726 = arith.mulf %get3A_2704, %get3A_2704 : vector<8x512xf32>
    %add3A_2727 = arith.addf %add3A_2687, %mul3A_2726 : vector<8x512xf32>
    %min3A_2728 = arith.minimumf %min3A_2688, %exp23A_2719 : vector<8x512xf32>
    %max3A_2729 = arith.maximumf %max3A_2689, %exp23A_2719 : vector<8x512xf32>
    %get3A_2730 = arith.constant 120 : index
    %get3A_2731 = arith.constant 0 : index
    %get3A_2732 = vector.load %arg4[%get3A_2730, %get3A_2731] : memref<512x512xf32, #tpu.memory_space<vmem>>, vector<8x512xf32>
    %sub3A_2733 = vector.broadcast %mul3A_2119 : f32 to vector<8x512xf32>
    %sub3A_2734 = arith.subf %get3A_2732, %sub3A_2733 : vector<8x512xf32>
    %get3A_2735 = arith.constant 120 : index
    %get3A_2736 = arith.constant 0 : index
    %get3A_2737 = vector.load %arg5[%get3A_2735, %get3A_2736] : memref<512x512xf32, #tpu.memory_space<vmem>>, vector<8x512xf32>
    %sub3A_2738 = vector.broadcast %mul3A_2126 : f32 to vector<8x512xf32>
    %sub3A_2739 = arith.subf %get3A_2737, %sub3A_2738 : vector<8x512xf32>
    %get3A_2740 = arith.constant 0 : index
    %get3A_2741 = arith.constant 120 : index
    %get3A_2742 = arith.constant 0 : index
    %get3A_2743 = vector.load %arg2[%get3A_2740, %get3A_2741, %get3A_2742] : memref<1x512x512xf32, #tpu.memory_space<vmem>>, vector<1x8x512xf32>
    %get3A_2744 = vector.shape_cast %get3A_2743 : vector<1x8x512xf32> to vector<8x512xf32>
    %mul3A_2745 = arith.mulf %sub3A_2734, %sub3A_2734 : vector<8x512xf32>
    %mul3A_2746 = arith.mulf %sub3A_2739, %sub3A_2739 : vector<8x512xf32>
    %add3A_2747 = arith.addf %mul3A_2745, %mul3A_2746 : vector<8x512xf32>
    %max3A_2748 = arith.constant 1.000000e-36 : f32
    %max3A_2749 = vector.broadcast %max3A_2748 : f32 to vector<8x512xf32>
    %max3A_2750 = arith.maximumf %add3A_2747, %max3A_2749 : vector<8x512xf32>
    %rsqrt3A_2751 = math.rsqrt %max3A_2750 : vector<8x512xf32>
    %mul3A_2752 = arith.mulf %max3A_2750, %rsqrt3A_2751 : vector<8x512xf32>
    %mul3A_2753 = arith.constant -9.64874458 : f32
    %mul3A_2754 = vector.broadcast %mul3A_2753 : f32 to vector<8x512xf32>
    %mul3A_2755 = arith.mulf %mul3A_2754, %mul3A_2752 : vector<8x512xf32>
    %add3A_2756 = arith.constant 6.73411417 : f32
    %add3A_2757 = vector.broadcast %add3A_2756 : f32 to vector<8x512xf32>
    %add3A_2758 = arith.addf %add3A_2757, %mul3A_2755 : vector<8x512xf32>
    %exp23A_2759 = math.exp2 %add3A_2758 : vector<8x512xf32>
    %add3A_2760 = arith.addf %add3A_2720, %exp23A_2759 : vector<8x512xf32>
    %mul3A_2761 = arith.mulf %exp23A_2759, %exp23A_2759 : vector<8x512xf32>
    %add3A_2762 = arith.addf %add3A_2722, %mul3A_2761 : vector<8x512xf32>
    %mul3A_2763 = arith.mulf %exp23A_2759, %get3A_2744 : vector<8x512xf32>
    %add3A_2764 = arith.addf %add3A_2724, %mul3A_2763 : vector<8x512xf32>
    %add3A_2765 = arith.addf %add3A_2725, %get3A_2744 : vector<8x512xf32>
    %mul3A_2766 = arith.mulf %get3A_2744, %get3A_2744 : vector<8x512xf32>
    %add3A_2767 = arith.addf %add3A_2727, %mul3A_2766 : vector<8x512xf32>
    %min3A_2768 = arith.minimumf %min3A_2728, %exp23A_2759 : vector<8x512xf32>
    %max3A_2769 = arith.maximumf %max3A_2729, %exp23A_2759 : vector<8x512xf32>
    %get3A_2770 = arith.constant 128 : index
    %get3A_2771 = arith.constant 0 : index
    %get3A_2772 = vector.load %arg4[%get3A_2770, %get3A_2771] : memref<512x512xf32, #tpu.memory_space<vmem>>, vector<8x512xf32>
    %sub3A_2773 = vector.broadcast %mul3A_2119 : f32 to vector<8x512xf32>
    %sub3A_2774 = arith.subf %get3A_2772, %sub3A_2773 : vector<8x512xf32>
    %get3A_2775 = arith.constant 128 : index
    %get3A_2776 = arith.constant 0 : index
    %get3A_2777 = vector.load %arg5[%get3A_2775, %get3A_2776] : memref<512x512xf32, #tpu.memory_space<vmem>>, vector<8x512xf32>
    %sub3A_2778 = vector.broadcast %mul3A_2126 : f32 to vector<8x512xf32>
    %sub3A_2779 = arith.subf %get3A_2777, %sub3A_2778 : vector<8x512xf32>
    %get3A_2780 = arith.constant 0 : index
    %get3A_2781 = arith.constant 128 : index
    %get3A_2782 = arith.constant 0 : index
    %get3A_2783 = vector.load %arg2[%get3A_2780, %get3A_2781, %get3A_2782] : memref<1x512x512xf32, #tpu.memory_space<vmem>>, vector<1x8x512xf32>
    %get3A_2784 = vector.shape_cast %get3A_2783 : vector<1x8x512xf32> to vector<8x512xf32>
    %mul3A_2785 = arith.mulf %sub3A_2774, %sub3A_2774 : vector<8x512xf32>
    %mul3A_2786 = arith.mulf %sub3A_2779, %sub3A_2779 : vector<8x512xf32>
    %add3A_2787 = arith.addf %mul3A_2785, %mul3A_2786 : vector<8x512xf32>
    %max3A_2788 = arith.constant 1.000000e-36 : f32
    %max3A_2789 = vector.broadcast %max3A_2788 : f32 to vector<8x512xf32>
    %max3A_2790 = arith.maximumf %add3A_2787, %max3A_2789 : vector<8x512xf32>
    %rsqrt3A_2791 = math.rsqrt %max3A_2790 : vector<8x512xf32>
    %mul3A_2792 = arith.mulf %max3A_2790, %rsqrt3A_2791 : vector<8x512xf32>
    %mul3A_2793 = arith.constant -9.64874458 : f32
    %mul3A_2794 = vector.broadcast %mul3A_2793 : f32 to vector<8x512xf32>
    %mul3A_2795 = arith.mulf %mul3A_2794, %mul3A_2792 : vector<8x512xf32>
    %add3A_2796 = arith.constant 6.73411417 : f32
    %add3A_2797 = vector.broadcast %add3A_2796 : f32 to vector<8x512xf32>
    %add3A_2798 = arith.addf %add3A_2797, %mul3A_2795 : vector<8x512xf32>
    %exp23A_2799 = math.exp2 %add3A_2798 : vector<8x512xf32>
    %add3A_2800 = arith.addf %add3A_2760, %exp23A_2799 : vector<8x512xf32>
    %mul3A_2801 = arith.mulf %exp23A_2799, %exp23A_2799 : vector<8x512xf32>
    %add3A_2802 = arith.addf %add3A_2762, %mul3A_2801 : vector<8x512xf32>
    %mul3A_2803 = arith.mulf %exp23A_2799, %get3A_2784 : vector<8x512xf32>
    %add3A_2804 = arith.addf %add3A_2764, %mul3A_2803 : vector<8x512xf32>
    %add3A_2805 = arith.addf %add3A_2765, %get3A_2784 : vector<8x512xf32>
    %mul3A_2806 = arith.mulf %get3A_2784, %get3A_2784 : vector<8x512xf32>
    %add3A_2807 = arith.addf %add3A_2767, %mul3A_2806 : vector<8x512xf32>
    %min3A_2808 = arith.minimumf %min3A_2768, %exp23A_2799 : vector<8x512xf32>
    %max3A_2809 = arith.maximumf %max3A_2769, %exp23A_2799 : vector<8x512xf32>
    %get3A_2810 = arith.constant 136 : index
    %get3A_2811 = arith.constant 0 : index
    %get3A_2812 = vector.load %arg4[%get3A_2810, %get3A_2811] : memref<512x512xf32, #tpu.memory_space<vmem>>, vector<8x512xf32>
    %sub3A_2813 = vector.broadcast %mul3A_2119 : f32 to vector<8x512xf32>
    %sub3A_2814 = arith.subf %get3A_2812, %sub3A_2813 : vector<8x512xf32>
    %get3A_2815 = arith.constant 136 : index
    %get3A_2816 = arith.constant 0 : index
    %get3A_2817 = vector.load %arg5[%get3A_2815, %get3A_2816] : memref<512x512xf32, #tpu.memory_space<vmem>>, vector<8x512xf32>
    %sub3A_2818 = vector.broadcast %mul3A_2126 : f32 to vector<8x512xf32>
    %sub3A_2819 = arith.subf %get3A_2817, %sub3A_2818 : vector<8x512xf32>
    %get3A_2820 = arith.constant 0 : index
    %get3A_2821 = arith.constant 136 : index
    %get3A_2822 = arith.constant 0 : index
    %get3A_2823 = vector.load %arg2[%get3A_2820, %get3A_2821, %get3A_2822] : memref<1x512x512xf32, #tpu.memory_space<vmem>>, vector<1x8x512xf32>
    %get3A_2824 = vector.shape_cast %get3A_2823 : vector<1x8x512xf32> to vector<8x512xf32>
    %mul3A_2825 = arith.mulf %sub3A_2814, %sub3A_2814 : vector<8x512xf32>
    %mul3A_2826 = arith.mulf %sub3A_2819, %sub3A_2819 : vector<8x512xf32>
    %add3A_2827 = arith.addf %mul3A_2825, %mul3A_2826 : vector<8x512xf32>
    %max3A_2828 = arith.constant 1.000000e-36 : f32
    %max3A_2829 = vector.broadcast %max3A_2828 : f32 to vector<8x512xf32>
    %max3A_2830 = arith.maximumf %add3A_2827, %max3A_2829 : vector<8x512xf32>
    %rsqrt3A_2831 = math.rsqrt %max3A_2830 : vector<8x512xf32>
    %mul3A_2832 = arith.mulf %max3A_2830, %rsqrt3A_2831 : vector<8x512xf32>
    %mul3A_2833 = arith.constant -9.64874458 : f32
    %mul3A_2834 = vector.broadcast %mul3A_2833 : f32 to vector<8x512xf32>
    %mul3A_2835 = arith.mulf %mul3A_2834, %mul3A_2832 : vector<8x512xf32>
    %add3A_2836 = arith.constant 6.73411417 : f32
    %add3A_2837 = vector.broadcast %add3A_2836 : f32 to vector<8x512xf32>
    %add3A_2838 = arith.addf %add3A_2837, %mul3A_2835 : vector<8x512xf32>
    %exp23A_2839 = math.exp2 %add3A_2838 : vector<8x512xf32>
    %add3A_2840 = arith.addf %add3A_2800, %exp23A_2839 : vector<8x512xf32>
    %mul3A_2841 = arith.mulf %exp23A_2839, %exp23A_2839 : vector<8x512xf32>
    %add3A_2842 = arith.addf %add3A_2802, %mul3A_2841 : vector<8x512xf32>
    %mul3A_2843 = arith.mulf %exp23A_2839, %get3A_2824 : vector<8x512xf32>
    %add3A_2844 = arith.addf %add3A_2804, %mul3A_2843 : vector<8x512xf32>
    %add3A_2845 = arith.addf %add3A_2805, %get3A_2824 : vector<8x512xf32>
    %mul3A_2846 = arith.mulf %get3A_2824, %get3A_2824 : vector<8x512xf32>
    %add3A_2847 = arith.addf %add3A_2807, %mul3A_2846 : vector<8x512xf32>
    %min3A_2848 = arith.minimumf %min3A_2808, %exp23A_2839 : vector<8x512xf32>
    %max3A_2849 = arith.maximumf %max3A_2809, %exp23A_2839 : vector<8x512xf32>
    %get3A_2850 = arith.constant 144 : index
    %get3A_2851 = arith.constant 0 : index
    %get3A_2852 = vector.load %arg4[%get3A_2850, %get3A_2851] : memref<512x512xf32, #tpu.memory_space<vmem>>, vector<8x512xf32>
    %sub3A_2853 = vector.broadcast %mul3A_2119 : f32 to vector<8x512xf32>
    %sub3A_2854 = arith.subf %get3A_2852, %sub3A_2853 : vector<8x512xf32>
    %get3A_2855 = arith.constant 144 : index
    %get3A_2856 = arith.constant 0 : index
    %get3A_2857 = vector.load %arg5[%get3A_2855, %get3A_2856] : memref<512x512xf32, #tpu.memory_space<vmem>>, vector<8x512xf32>
    %sub3A_2858 = vector.broadcast %mul3A_2126 : f32 to vector<8x512xf32>
    %sub3A_2859 = arith.subf %get3A_2857, %sub3A_2858 : vector<8x512xf32>
    %get3A_2860 = arith.constant 0 : index
    %get3A_2861 = arith.constant 144 : index
    %get3A_2862 = arith.constant 0 : index
    %get3A_2863 = vector.load %arg2[%get3A_2860, %get3A_2861, %get3A_2862] : memref<1x512x512xf32, #tpu.memory_space<vmem>>, vector<1x8x512xf32>
    %get3A_2864 = vector.shape_cast %get3A_2863 : vector<1x8x512xf32> to vector<8x512xf32>
    %mul3A_2865 = arith.mulf %sub3A_2854, %sub3A_2854 : vector<8x512xf32>
    %mul3A_2866 = arith.mulf %sub3A_2859, %sub3A_2859 : vector<8x512xf32>
    %add3A_2867 = arith.addf %mul3A_2865, %mul3A_2866 : vector<8x512xf32>
    %max3A_2868 = arith.constant 1.000000e-36 : f32
    %max3A_2869 = vector.broadcast %max3A_2868 : f32 to vector<8x512xf32>
    %max3A_2870 = arith.maximumf %add3A_2867, %max3A_2869 : vector<8x512xf32>
    %rsqrt3A_2871 = math.rsqrt %max3A_2870 : vector<8x512xf32>
    %mul3A_2872 = arith.mulf %max3A_2870, %rsqrt3A_2871 : vector<8x512xf32>
    %mul3A_2873 = arith.constant -9.64874458 : f32
    %mul3A_2874 = vector.broadcast %mul3A_2873 : f32 to vector<8x512xf32>
    %mul3A_2875 = arith.mulf %mul3A_2874, %mul3A_2872 : vector<8x512xf32>
    %add3A_2876 = arith.constant 6.73411417 : f32
    %add3A_2877 = vector.broadcast %add3A_2876 : f32 to vector<8x512xf32>
    %add3A_2878 = arith.addf %add3A_2877, %mul3A_2875 : vector<8x512xf32>
    %exp23A_2879 = math.exp2 %add3A_2878 : vector<8x512xf32>
    %add3A_2880 = arith.addf %add3A_2840, %exp23A_2879 : vector<8x512xf32>
    %mul3A_2881 = arith.mulf %exp23A_2879, %exp23A_2879 : vector<8x512xf32>
    %add3A_2882 = arith.addf %add3A_2842, %mul3A_2881 : vector<8x512xf32>
    %mul3A_2883 = arith.mulf %exp23A_2879, %get3A_2864 : vector<8x512xf32>
    %add3A_2884 = arith.addf %add3A_2844, %mul3A_2883 : vector<8x512xf32>
    %add3A_2885 = arith.addf %add3A_2845, %get3A_2864 : vector<8x512xf32>
    %mul3A_2886 = arith.mulf %get3A_2864, %get3A_2864 : vector<8x512xf32>
    %add3A_2887 = arith.addf %add3A_2847, %mul3A_2886 : vector<8x512xf32>
    %min3A_2888 = arith.minimumf %min3A_2848, %exp23A_2879 : vector<8x512xf32>
    %max3A_2889 = arith.maximumf %max3A_2849, %exp23A_2879 : vector<8x512xf32>
    %get3A_2890 = arith.constant 152 : index
    %get3A_2891 = arith.constant 0 : index
    %get3A_2892 = vector.load %arg4[%get3A_2890, %get3A_2891] : memref<512x512xf32, #tpu.memory_space<vmem>>, vector<8x512xf32>
    %sub3A_2893 = vector.broadcast %mul3A_2119 : f32 to vector<8x512xf32>
    %sub3A_2894 = arith.subf %get3A_2892, %sub3A_2893 : vector<8x512xf32>
    %get3A_2895 = arith.constant 152 : index
    %get3A_2896 = arith.constant 0 : index
    %get3A_2897 = vector.load %arg5[%get3A_2895, %get3A_2896] : memref<512x512xf32, #tpu.memory_space<vmem>>, vector<8x512xf32>
    %sub3A_2898 = vector.broadcast %mul3A_2126 : f32 to vector<8x512xf32>
    %sub3A_2899 = arith.subf %get3A_2897, %sub3A_2898 : vector<8x512xf32>
    %get3A_2900 = arith.constant 0 : index
    %get3A_2901 = arith.constant 152 : index
    %get3A_2902 = arith.constant 0 : index
    %get3A_2903 = vector.load %arg2[%get3A_2900, %get3A_2901, %get3A_2902] : memref<1x512x512xf32, #tpu.memory_space<vmem>>, vector<1x8x512xf32>
    %get3A_2904 = vector.shape_cast %get3A_2903 : vector<1x8x512xf32> to vector<8x512xf32>
    %mul3A_2905 = arith.mulf %sub3A_2894, %sub3A_2894 : vector<8x512xf32>
    %mul3A_2906 = arith.mulf %sub3A_2899, %sub3A_2899 : vector<8x512xf32>
    %add3A_2907 = arith.addf %mul3A_2905, %mul3A_2906 : vector<8x512xf32>
    %max3A_2908 = arith.constant 1.000000e-36 : f32
    %max3A_2909 = vector.broadcast %max3A_2908 : f32 to vector<8x512xf32>
    %max3A_2910 = arith.maximumf %add3A_2907, %max3A_2909 : vector<8x512xf32>
    %rsqrt3A_2911 = math.rsqrt %max3A_2910 : vector<8x512xf32>
    %mul3A_2912 = arith.mulf %max3A_2910, %rsqrt3A_2911 : vector<8x512xf32>
    %mul3A_2913 = arith.constant -9.64874458 : f32
    %mul3A_2914 = vector.broadcast %mul3A_2913 : f32 to vector<8x512xf32>
    %mul3A_2915 = arith.mulf %mul3A_2914, %mul3A_2912 : vector<8x512xf32>
    %add3A_2916 = arith.constant 6.73411417 : f32
    %add3A_2917 = vector.broadcast %add3A_2916 : f32 to vector<8x512xf32>
    %add3A_2918 = arith.addf %add3A_2917, %mul3A_2915 : vector<8x512xf32>
    %exp23A_2919 = math.exp2 %add3A_2918 : vector<8x512xf32>
    %add3A_2920 = arith.addf %add3A_2880, %exp23A_2919 : vector<8x512xf32>
    %mul3A_2921 = arith.mulf %exp23A_2919, %exp23A_2919 : vector<8x512xf32>
    %add3A_2922 = arith.addf %add3A_2882, %mul3A_2921 : vector<8x512xf32>
    %mul3A_2923 = arith.mulf %exp23A_2919, %get3A_2904 : vector<8x512xf32>
    %add3A_2924 = arith.addf %add3A_2884, %mul3A_2923 : vector<8x512xf32>
    %add3A_2925 = arith.addf %add3A_2885, %get3A_2904 : vector<8x512xf32>
    %mul3A_2926 = arith.mulf %get3A_2904, %get3A_2904 : vector<8x512xf32>
    %add3A_2927 = arith.addf %add3A_2887, %mul3A_2926 : vector<8x512xf32>
    %min3A_2928 = arith.minimumf %min3A_2888, %exp23A_2919 : vector<8x512xf32>
    %max3A_2929 = arith.maximumf %max3A_2889, %exp23A_2919 : vector<8x512xf32>
    %get3A_2930 = arith.constant 160 : index
    %get3A_2931 = arith.constant 0 : index
    %get3A_2932 = vector.load %arg4[%get3A_2930, %get3A_2931] : memref<512x512xf32, #tpu.memory_space<vmem>>, vector<8x512xf32>
    %sub3A_2933 = vector.broadcast %mul3A_2119 : f32 to vector<8x512xf32>
    %sub3A_2934 = arith.subf %get3A_2932, %sub3A_2933 : vector<8x512xf32>
    %get3A_2935 = arith.constant 160 : index
    %get3A_2936 = arith.constant 0 : index
    %get3A_2937 = vector.load %arg5[%get3A_2935, %get3A_2936] : memref<512x512xf32, #tpu.memory_space<vmem>>, vector<8x512xf32>
    %sub3A_2938 = vector.broadcast %mul3A_2126 : f32 to vector<8x512xf32>
    %sub3A_2939 = arith.subf %get3A_2937, %sub3A_2938 : vector<8x512xf32>
    %get3A_2940 = arith.constant 0 : index
    %get3A_2941 = arith.constant 160 : index
    %get3A_2942 = arith.constant 0 : index
    %get3A_2943 = vector.load %arg2[%get3A_2940, %get3A_2941, %get3A_2942] : memref<1x512x512xf32, #tpu.memory_space<vmem>>, vector<1x8x512xf32>
    %get3A_2944 = vector.shape_cast %get3A_2943 : vector<1x8x512xf32> to vector<8x512xf32>
    %mul3A_2945 = arith.mulf %sub3A_2934, %sub3A_2934 : vector<8x512xf32>
    %mul3A_2946 = arith.mulf %sub3A_2939, %sub3A_2939 : vector<8x512xf32>
    %add3A_2947 = arith.addf %mul3A_2945, %mul3A_2946 : vector<8x512xf32>
    %max3A_2948 = arith.constant 1.000000e-36 : f32
    %max3A_2949 = vector.broadcast %max3A_2948 : f32 to vector<8x512xf32>
    %max3A_2950 = arith.maximumf %add3A_2947, %max3A_2949 : vector<8x512xf32>
    %rsqrt3A_2951 = math.rsqrt %max3A_2950 : vector<8x512xf32>
    %mul3A_2952 = arith.mulf %max3A_2950, %rsqrt3A_2951 : vector<8x512xf32>
    %mul3A_2953 = arith.constant -9.64874458 : f32
    %mul3A_2954 = vector.broadcast %mul3A_2953 : f32 to vector<8x512xf32>
    %mul3A_2955 = arith.mulf %mul3A_2954, %mul3A_2952 : vector<8x512xf32>
    %add3A_2956 = arith.constant 6.73411417 : f32
    %add3A_2957 = vector.broadcast %add3A_2956 : f32 to vector<8x512xf32>
    %add3A_2958 = arith.addf %add3A_2957, %mul3A_2955 : vector<8x512xf32>
    %exp23A_2959 = math.exp2 %add3A_2958 : vector<8x512xf32>
    %add3A_2960 = arith.addf %add3A_2920, %exp23A_2959 : vector<8x512xf32>
    %mul3A_2961 = arith.mulf %exp23A_2959, %exp23A_2959 : vector<8x512xf32>
    %add3A_2962 = arith.addf %add3A_2922, %mul3A_2961 : vector<8x512xf32>
    %mul3A_2963 = arith.mulf %exp23A_2959, %get3A_2944 : vector<8x512xf32>
    %add3A_2964 = arith.addf %add3A_2924, %mul3A_2963 : vector<8x512xf32>
    %add3A_2965 = arith.addf %add3A_2925, %get3A_2944 : vector<8x512xf32>
    %mul3A_2966 = arith.mulf %get3A_2944, %get3A_2944 : vector<8x512xf32>
    %add3A_2967 = arith.addf %add3A_2927, %mul3A_2966 : vector<8x512xf32>
    %min3A_2968 = arith.minimumf %min3A_2928, %exp23A_2959 : vector<8x512xf32>
    %max3A_2969 = arith.maximumf %max3A_2929, %exp23A_2959 : vector<8x512xf32>
    %get3A_2970 = arith.constant 168 : index
    %get3A_2971 = arith.constant 0 : index
    %get3A_2972 = vector.load %arg4[%get3A_2970, %get3A_2971] : memref<512x512xf32, #tpu.memory_space<vmem>>, vector<8x512xf32>
    %sub3A_2973 = vector.broadcast %mul3A_2119 : f32 to vector<8x512xf32>
    %sub3A_2974 = arith.subf %get3A_2972, %sub3A_2973 : vector<8x512xf32>
    %get3A_2975 = arith.constant 168 : index
    %get3A_2976 = arith.constant 0 : index
    %get3A_2977 = vector.load %arg5[%get3A_2975, %get3A_2976] : memref<512x512xf32, #tpu.memory_space<vmem>>, vector<8x512xf32>
    %sub3A_2978 = vector.broadcast %mul3A_2126 : f32 to vector<8x512xf32>
    %sub3A_2979 = arith.subf %get3A_2977, %sub3A_2978 : vector<8x512xf32>
    %get3A_2980 = arith.constant 0 : index
    %get3A_2981 = arith.constant 168 : index
    %get3A_2982 = arith.constant 0 : index
    %get3A_2983 = vector.load %arg2[%get3A_2980, %get3A_2981, %get3A_2982] : memref<1x512x512xf32, #tpu.memory_space<vmem>>, vector<1x8x512xf32>
    %get3A_2984 = vector.shape_cast %get3A_2983 : vector<1x8x512xf32> to vector<8x512xf32>
    %mul3A_2985 = arith.mulf %sub3A_2974, %sub3A_2974 : vector<8x512xf32>
    %mul3A_2986 = arith.mulf %sub3A_2979, %sub3A_2979 : vector<8x512xf32>
    %add3A_2987 = arith.addf %mul3A_2985, %mul3A_2986 : vector<8x512xf32>
    %max3A_2988 = arith.constant 1.000000e-36 : f32
    %max3A_2989 = vector.broadcast %max3A_2988 : f32 to vector<8x512xf32>
    %max3A_2990 = arith.maximumf %add3A_2987, %max3A_2989 : vector<8x512xf32>
    %rsqrt3A_2991 = math.rsqrt %max3A_2990 : vector<8x512xf32>
    %mul3A_2992 = arith.mulf %max3A_2990, %rsqrt3A_2991 : vector<8x512xf32>
    %mul3A_2993 = arith.constant -9.64874458 : f32
    %mul3A_2994 = vector.broadcast %mul3A_2993 : f32 to vector<8x512xf32>
    %mul3A_2995 = arith.mulf %mul3A_2994, %mul3A_2992 : vector<8x512xf32>
    %add3A_2996 = arith.constant 6.73411417 : f32
    %add3A_2997 = vector.broadcast %add3A_2996 : f32 to vector<8x512xf32>
    %add3A_2998 = arith.addf %add3A_2997, %mul3A_2995 : vector<8x512xf32>
    %exp23A_2999 = math.exp2 %add3A_2998 : vector<8x512xf32>
    %add3A_3000 = arith.addf %add3A_2960, %exp23A_2999 : vector<8x512xf32>
    %mul3A_3001 = arith.mulf %exp23A_2999, %exp23A_2999 : vector<8x512xf32>
    %add3A_3002 = arith.addf %add3A_2962, %mul3A_3001 : vector<8x512xf32>
    %mul3A_3003 = arith.mulf %exp23A_2999, %get3A_2984 : vector<8x512xf32>
    %add3A_3004 = arith.addf %add3A_2964, %mul3A_3003 : vector<8x512xf32>
    %add3A_3005 = arith.addf %add3A_2965, %get3A_2984 : vector<8x512xf32>
    %mul3A_3006 = arith.mulf %get3A_2984, %get3A_2984 : vector<8x512xf32>
    %add3A_3007 = arith.addf %add3A_2967, %mul3A_3006 : vector<8x512xf32>
    %min3A_3008 = arith.minimumf %min3A_2968, %exp23A_2999 : vector<8x512xf32>
    %max3A_3009 = arith.maximumf %max3A_2969, %exp23A_2999 : vector<8x512xf32>
    %get3A_3010 = arith.constant 176 : index
    %get3A_3011 = arith.constant 0 : index
    %get3A_3012 = vector.load %arg4[%get3A_3010, %get3A_3011] : memref<512x512xf32, #tpu.memory_space<vmem>>, vector<8x512xf32>
    %sub3A_3013 = vector.broadcast %mul3A_2119 : f32 to vector<8x512xf32>
    %sub3A_3014 = arith.subf %get3A_3012, %sub3A_3013 : vector<8x512xf32>
    %get3A_3015 = arith.constant 176 : index
    %get3A_3016 = arith.constant 0 : index
    %get3A_3017 = vector.load %arg5[%get3A_3015, %get3A_3016] : memref<512x512xf32, #tpu.memory_space<vmem>>, vector<8x512xf32>
    %sub3A_3018 = vector.broadcast %mul3A_2126 : f32 to vector<8x512xf32>
    %sub3A_3019 = arith.subf %get3A_3017, %sub3A_3018 : vector<8x512xf32>
    %get3A_3020 = arith.constant 0 : index
    %get3A_3021 = arith.constant 176 : index
    %get3A_3022 = arith.constant 0 : index
    %get3A_3023 = vector.load %arg2[%get3A_3020, %get3A_3021, %get3A_3022] : memref<1x512x512xf32, #tpu.memory_space<vmem>>, vector<1x8x512xf32>
    %get3A_3024 = vector.shape_cast %get3A_3023 : vector<1x8x512xf32> to vector<8x512xf32>
    %mul3A_3025 = arith.mulf %sub3A_3014, %sub3A_3014 : vector<8x512xf32>
    %mul3A_3026 = arith.mulf %sub3A_3019, %sub3A_3019 : vector<8x512xf32>
    %add3A_3027 = arith.addf %mul3A_3025, %mul3A_3026 : vector<8x512xf32>
    %max3A_3028 = arith.constant 1.000000e-36 : f32
    %max3A_3029 = vector.broadcast %max3A_3028 : f32 to vector<8x512xf32>
    %max3A_3030 = arith.maximumf %add3A_3027, %max3A_3029 : vector<8x512xf32>
    %rsqrt3A_3031 = math.rsqrt %max3A_3030 : vector<8x512xf32>
    %mul3A_3032 = arith.mulf %max3A_3030, %rsqrt3A_3031 : vector<8x512xf32>
    %mul3A_3033 = arith.constant -9.64874458 : f32
    %mul3A_3034 = vector.broadcast %mul3A_3033 : f32 to vector<8x512xf32>
    %mul3A_3035 = arith.mulf %mul3A_3034, %mul3A_3032 : vector<8x512xf32>
    %add3A_3036 = arith.constant 6.73411417 : f32
    %add3A_3037 = vector.broadcast %add3A_3036 : f32 to vector<8x512xf32>
    %add3A_3038 = arith.addf %add3A_3037, %mul3A_3035 : vector<8x512xf32>
    %exp23A_3039 = math.exp2 %add3A_3038 : vector<8x512xf32>
    %add3A_3040 = arith.addf %add3A_3000, %exp23A_3039 : vector<8x512xf32>
    %mul3A_3041 = arith.mulf %exp23A_3039, %exp23A_3039 : vector<8x512xf32>
    %add3A_3042 = arith.addf %add3A_3002, %mul3A_3041 : vector<8x512xf32>
    %mul3A_3043 = arith.mulf %exp23A_3039, %get3A_3024 : vector<8x512xf32>
    %add3A_3044 = arith.addf %add3A_3004, %mul3A_3043 : vector<8x512xf32>
    %add3A_3045 = arith.addf %add3A_3005, %get3A_3024 : vector<8x512xf32>
    %mul3A_3046 = arith.mulf %get3A_3024, %get3A_3024 : vector<8x512xf32>
    %add3A_3047 = arith.addf %add3A_3007, %mul3A_3046 : vector<8x512xf32>
    %min3A_3048 = arith.minimumf %min3A_3008, %exp23A_3039 : vector<8x512xf32>
    %max3A_3049 = arith.maximumf %max3A_3009, %exp23A_3039 : vector<8x512xf32>
    %get3A_3050 = arith.constant 184 : index
    %get3A_3051 = arith.constant 0 : index
    %get3A_3052 = vector.load %arg4[%get3A_3050, %get3A_3051] : memref<512x512xf32, #tpu.memory_space<vmem>>, vector<8x512xf32>
    %sub3A_3053 = vector.broadcast %mul3A_2119 : f32 to vector<8x512xf32>
    %sub3A_3054 = arith.subf %get3A_3052, %sub3A_3053 : vector<8x512xf32>
    %get3A_3055 = arith.constant 184 : index
    %get3A_3056 = arith.constant 0 : index
    %get3A_3057 = vector.load %arg5[%get3A_3055, %get3A_3056] : memref<512x512xf32, #tpu.memory_space<vmem>>, vector<8x512xf32>
    %sub3A_3058 = vector.broadcast %mul3A_2126 : f32 to vector<8x512xf32>
    %sub3A_3059 = arith.subf %get3A_3057, %sub3A_3058 : vector<8x512xf32>
    %get3A_3060 = arith.constant 0 : index
    %get3A_3061 = arith.constant 184 : index
    %get3A_3062 = arith.constant 0 : index
    %get3A_3063 = vector.load %arg2[%get3A_3060, %get3A_3061, %get3A_3062] : memref<1x512x512xf32, #tpu.memory_space<vmem>>, vector<1x8x512xf32>
    %get3A_3064 = vector.shape_cast %get3A_3063 : vector<1x8x512xf32> to vector<8x512xf32>
    %mul3A_3065 = arith.mulf %sub3A_3054, %sub3A_3054 : vector<8x512xf32>
    %mul3A_3066 = arith.mulf %sub3A_3059, %sub3A_3059 : vector<8x512xf32>
    %add3A_3067 = arith.addf %mul3A_3065, %mul3A_3066 : vector<8x512xf32>
    %max3A_3068 = arith.constant 1.000000e-36 : f32
    %max3A_3069 = vector.broadcast %max3A_3068 : f32 to vector<8x512xf32>
    %max3A_3070 = arith.maximumf %add3A_3067, %max3A_3069 : vector<8x512xf32>
    %rsqrt3A_3071 = math.rsqrt %max3A_3070 : vector<8x512xf32>
    %mul3A_3072 = arith.mulf %max3A_3070, %rsqrt3A_3071 : vector<8x512xf32>
    %mul3A_3073 = arith.constant -9.64874458 : f32
    %mul3A_3074 = vector.broadcast %mul3A_3073 : f32 to vector<8x512xf32>
    %mul3A_3075 = arith.mulf %mul3A_3074, %mul3A_3072 : vector<8x512xf32>
    %add3A_3076 = arith.constant 6.73411417 : f32
    %add3A_3077 = vector.broadcast %add3A_3076 : f32 to vector<8x512xf32>
    %add3A_3078 = arith.addf %add3A_3077, %mul3A_3075 : vector<8x512xf32>
    %exp23A_3079 = math.exp2 %add3A_3078 : vector<8x512xf32>
    %add3A_3080 = arith.addf %add3A_3040, %exp23A_3079 : vector<8x512xf32>
    %mul3A_3081 = arith.mulf %exp23A_3079, %exp23A_3079 : vector<8x512xf32>
    %add3A_3082 = arith.addf %add3A_3042, %mul3A_3081 : vector<8x512xf32>
    %mul3A_3083 = arith.mulf %exp23A_3079, %get3A_3064 : vector<8x512xf32>
    %add3A_3084 = arith.addf %add3A_3044, %mul3A_3083 : vector<8x512xf32>
    %add3A_3085 = arith.addf %add3A_3045, %get3A_3064 : vector<8x512xf32>
    %mul3A_3086 = arith.mulf %get3A_3064, %get3A_3064 : vector<8x512xf32>
    %add3A_3087 = arith.addf %add3A_3047, %mul3A_3086 : vector<8x512xf32>
    %min3A_3088 = arith.minimumf %min3A_3048, %exp23A_3079 : vector<8x512xf32>
    %max3A_3089 = arith.maximumf %max3A_3049, %exp23A_3079 : vector<8x512xf32>
    %get3A_3090 = arith.constant 192 : index
    %get3A_3091 = arith.constant 0 : index
    %get3A_3092 = vector.load %arg4[%get3A_3090, %get3A_3091] : memref<512x512xf32, #tpu.memory_space<vmem>>, vector<8x512xf32>
    %sub3A_3093 = vector.broadcast %mul3A_2119 : f32 to vector<8x512xf32>
    %sub3A_3094 = arith.subf %get3A_3092, %sub3A_3093 : vector<8x512xf32>
    %get3A_3095 = arith.constant 192 : index
    %get3A_3096 = arith.constant 0 : index
    %get3A_3097 = vector.load %arg5[%get3A_3095, %get3A_3096] : memref<512x512xf32, #tpu.memory_space<vmem>>, vector<8x512xf32>
    %sub3A_3098 = vector.broadcast %mul3A_2126 : f32 to vector<8x512xf32>
    %sub3A_3099 = arith.subf %get3A_3097, %sub3A_3098 : vector<8x512xf32>
    %get3A_3100 = arith.constant 0 : index
    %get3A_3101 = arith.constant 192 : index
    %get3A_3102 = arith.constant 0 : index
    %get3A_3103 = vector.load %arg2[%get3A_3100, %get3A_3101, %get3A_3102] : memref<1x512x512xf32, #tpu.memory_space<vmem>>, vector<1x8x512xf32>
    %get3A_3104 = vector.shape_cast %get3A_3103 : vector<1x8x512xf32> to vector<8x512xf32>
    %mul3A_3105 = arith.mulf %sub3A_3094, %sub3A_3094 : vector<8x512xf32>
    %mul3A_3106 = arith.mulf %sub3A_3099, %sub3A_3099 : vector<8x512xf32>
    %add3A_3107 = arith.addf %mul3A_3105, %mul3A_3106 : vector<8x512xf32>
    %max3A_3108 = arith.constant 1.000000e-36 : f32
    %max3A_3109 = vector.broadcast %max3A_3108 : f32 to vector<8x512xf32>
    %max3A_3110 = arith.maximumf %add3A_3107, %max3A_3109 : vector<8x512xf32>
    %rsqrt3A_3111 = math.rsqrt %max3A_3110 : vector<8x512xf32>
    %mul3A_3112 = arith.mulf %max3A_3110, %rsqrt3A_3111 : vector<8x512xf32>
    %mul3A_3113 = arith.constant -9.64874458 : f32
    %mul3A_3114 = vector.broadcast %mul3A_3113 : f32 to vector<8x512xf32>
    %mul3A_3115 = arith.mulf %mul3A_3114, %mul3A_3112 : vector<8x512xf32>
    %add3A_3116 = arith.constant 6.73411417 : f32
    %add3A_3117 = vector.broadcast %add3A_3116 : f32 to vector<8x512xf32>
    %add3A_3118 = arith.addf %add3A_3117, %mul3A_3115 : vector<8x512xf32>
    %exp23A_3119 = math.exp2 %add3A_3118 : vector<8x512xf32>
    %add3A_3120 = arith.addf %add3A_3080, %exp23A_3119 : vector<8x512xf32>
    %mul3A_3121 = arith.mulf %exp23A_3119, %exp23A_3119 : vector<8x512xf32>
    %add3A_3122 = arith.addf %add3A_3082, %mul3A_3121 : vector<8x512xf32>
    %mul3A_3123 = arith.mulf %exp23A_3119, %get3A_3104 : vector<8x512xf32>
    %add3A_3124 = arith.addf %add3A_3084, %mul3A_3123 : vector<8x512xf32>
    %add3A_3125 = arith.addf %add3A_3085, %get3A_3104 : vector<8x512xf32>
    %mul3A_3126 = arith.mulf %get3A_3104, %get3A_3104 : vector<8x512xf32>
    %add3A_3127 = arith.addf %add3A_3087, %mul3A_3126 : vector<8x512xf32>
    %min3A_3128 = arith.minimumf %min3A_3088, %exp23A_3119 : vector<8x512xf32>
    %max3A_3129 = arith.maximumf %max3A_3089, %exp23A_3119 : vector<8x512xf32>
    %get3A_3130 = arith.constant 200 : index
    %get3A_3131 = arith.constant 0 : index
    %get3A_3132 = vector.load %arg4[%get3A_3130, %get3A_3131] : memref<512x512xf32, #tpu.memory_space<vmem>>, vector<8x512xf32>
    %sub3A_3133 = vector.broadcast %mul3A_2119 : f32 to vector<8x512xf32>
    %sub3A_3134 = arith.subf %get3A_3132, %sub3A_3133 : vector<8x512xf32>
    %get3A_3135 = arith.constant 200 : index
    %get3A_3136 = arith.constant 0 : index
    %get3A_3137 = vector.load %arg5[%get3A_3135, %get3A_3136] : memref<512x512xf32, #tpu.memory_space<vmem>>, vector<8x512xf32>
    %sub3A_3138 = vector.broadcast %mul3A_2126 : f32 to vector<8x512xf32>
    %sub3A_3139 = arith.subf %get3A_3137, %sub3A_3138 : vector<8x512xf32>
    %get3A_3140 = arith.constant 0 : index
    %get3A_3141 = arith.constant 200 : index
    %get3A_3142 = arith.constant 0 : index
    %get3A_3143 = vector.load %arg2[%get3A_3140, %get3A_3141, %get3A_3142] : memref<1x512x512xf32, #tpu.memory_space<vmem>>, vector<1x8x512xf32>
    %get3A_3144 = vector.shape_cast %get3A_3143 : vector<1x8x512xf32> to vector<8x512xf32>
    %mul3A_3145 = arith.mulf %sub3A_3134, %sub3A_3134 : vector<8x512xf32>
    %mul3A_3146 = arith.mulf %sub3A_3139, %sub3A_3139 : vector<8x512xf32>
    %add3A_3147 = arith.addf %mul3A_3145, %mul3A_3146 : vector<8x512xf32>
    %max3A_3148 = arith.constant 1.000000e-36 : f32
    %max3A_3149 = vector.broadcast %max3A_3148 : f32 to vector<8x512xf32>
    %max3A_3150 = arith.maximumf %add3A_3147, %max3A_3149 : vector<8x512xf32>
    %rsqrt3A_3151 = math.rsqrt %max3A_3150 : vector<8x512xf32>
    %mul3A_3152 = arith.mulf %max3A_3150, %rsqrt3A_3151 : vector<8x512xf32>
    %mul3A_3153 = arith.constant -9.64874458 : f32
    %mul3A_3154 = vector.broadcast %mul3A_3153 : f32 to vector<8x512xf32>
    %mul3A_3155 = arith.mulf %mul3A_3154, %mul3A_3152 : vector<8x512xf32>
    %add3A_3156 = arith.constant 6.73411417 : f32
    %add3A_3157 = vector.broadcast %add3A_3156 : f32 to vector<8x512xf32>
    %add3A_3158 = arith.addf %add3A_3157, %mul3A_3155 : vector<8x512xf32>
    %exp23A_3159 = math.exp2 %add3A_3158 : vector<8x512xf32>
    %add3A_3160 = arith.addf %add3A_3120, %exp23A_3159 : vector<8x512xf32>
    %mul3A_3161 = arith.mulf %exp23A_3159, %exp23A_3159 : vector<8x512xf32>
    %add3A_3162 = arith.addf %add3A_3122, %mul3A_3161 : vector<8x512xf32>
    %mul3A_3163 = arith.mulf %exp23A_3159, %get3A_3144 : vector<8x512xf32>
    %add3A_3164 = arith.addf %add3A_3124, %mul3A_3163 : vector<8x512xf32>
    %add3A_3165 = arith.addf %add3A_3125, %get3A_3144 : vector<8x512xf32>
    %mul3A_3166 = arith.mulf %get3A_3144, %get3A_3144 : vector<8x512xf32>
    %add3A_3167 = arith.addf %add3A_3127, %mul3A_3166 : vector<8x512xf32>
    %min3A_3168 = arith.minimumf %min3A_3128, %exp23A_3159 : vector<8x512xf32>
    %max3A_3169 = arith.maximumf %max3A_3129, %exp23A_3159 : vector<8x512xf32>
    %get3A_3170 = arith.constant 208 : index
    %get3A_3171 = arith.constant 0 : index
    %get3A_3172 = vector.load %arg4[%get3A_3170, %get3A_3171] : memref<512x512xf32, #tpu.memory_space<vmem>>, vector<8x512xf32>
    %sub3A_3173 = vector.broadcast %mul3A_2119 : f32 to vector<8x512xf32>
    %sub3A_3174 = arith.subf %get3A_3172, %sub3A_3173 : vector<8x512xf32>
    %get3A_3175 = arith.constant 208 : index
    %get3A_3176 = arith.constant 0 : index
    %get3A_3177 = vector.load %arg5[%get3A_3175, %get3A_3176] : memref<512x512xf32, #tpu.memory_space<vmem>>, vector<8x512xf32>
    %sub3A_3178 = vector.broadcast %mul3A_2126 : f32 to vector<8x512xf32>
    %sub3A_3179 = arith.subf %get3A_3177, %sub3A_3178 : vector<8x512xf32>
    %get3A_3180 = arith.constant 0 : index
    %get3A_3181 = arith.constant 208 : index
    %get3A_3182 = arith.constant 0 : index
    %get3A_3183 = vector.load %arg2[%get3A_3180, %get3A_3181, %get3A_3182] : memref<1x512x512xf32, #tpu.memory_space<vmem>>, vector<1x8x512xf32>
    %get3A_3184 = vector.shape_cast %get3A_3183 : vector<1x8x512xf32> to vector<8x512xf32>
    %mul3A_3185 = arith.mulf %sub3A_3174, %sub3A_3174 : vector<8x512xf32>
    %mul3A_3186 = arith.mulf %sub3A_3179, %sub3A_3179 : vector<8x512xf32>
    %add3A_3187 = arith.addf %mul3A_3185, %mul3A_3186 : vector<8x512xf32>
    %max3A_3188 = arith.constant 1.000000e-36 : f32
    %max3A_3189 = vector.broadcast %max3A_3188 : f32 to vector<8x512xf32>
    %max3A_3190 = arith.maximumf %add3A_3187, %max3A_3189 : vector<8x512xf32>
    %rsqrt3A_3191 = math.rsqrt %max3A_3190 : vector<8x512xf32>
    %mul3A_3192 = arith.mulf %max3A_3190, %rsqrt3A_3191 : vector<8x512xf32>
    %mul3A_3193 = arith.constant -9.64874458 : f32
    %mul3A_3194 = vector.broadcast %mul3A_3193 : f32 to vector<8x512xf32>
    %mul3A_3195 = arith.mulf %mul3A_3194, %mul3A_3192 : vector<8x512xf32>
    %add3A_3196 = arith.constant 6.73411417 : f32
    %add3A_3197 = vector.broadcast %add3A_3196 : f32 to vector<8x512xf32>
    %add3A_3198 = arith.addf %add3A_3197, %mul3A_3195 : vector<8x512xf32>
    %exp23A_3199 = math.exp2 %add3A_3198 : vector<8x512xf32>
    %add3A_3200 = arith.addf %add3A_3160, %exp23A_3199 : vector<8x512xf32>
    %mul3A_3201 = arith.mulf %exp23A_3199, %exp23A_3199 : vector<8x512xf32>
    %add3A_3202 = arith.addf %add3A_3162, %mul3A_3201 : vector<8x512xf32>
    %mul3A_3203 = arith.mulf %exp23A_3199, %get3A_3184 : vector<8x512xf32>
    %add3A_3204 = arith.addf %add3A_3164, %mul3A_3203 : vector<8x512xf32>
    %add3A_3205 = arith.addf %add3A_3165, %get3A_3184 : vector<8x512xf32>
    %mul3A_3206 = arith.mulf %get3A_3184, %get3A_3184 : vector<8x512xf32>
    %add3A_3207 = arith.addf %add3A_3167, %mul3A_3206 : vector<8x512xf32>
    %min3A_3208 = arith.minimumf %min3A_3168, %exp23A_3199 : vector<8x512xf32>
    %max3A_3209 = arith.maximumf %max3A_3169, %exp23A_3199 : vector<8x512xf32>
    %get3A_3210 = arith.constant 216 : index
    %get3A_3211 = arith.constant 0 : index
    %get3A_3212 = vector.load %arg4[%get3A_3210, %get3A_3211] : memref<512x512xf32, #tpu.memory_space<vmem>>, vector<8x512xf32>
    %sub3A_3213 = vector.broadcast %mul3A_2119 : f32 to vector<8x512xf32>
    %sub3A_3214 = arith.subf %get3A_3212, %sub3A_3213 : vector<8x512xf32>
    %get3A_3215 = arith.constant 216 : index
    %get3A_3216 = arith.constant 0 : index
    %get3A_3217 = vector.load %arg5[%get3A_3215, %get3A_3216] : memref<512x512xf32, #tpu.memory_space<vmem>>, vector<8x512xf32>
    %sub3A_3218 = vector.broadcast %mul3A_2126 : f32 to vector<8x512xf32>
    %sub3A_3219 = arith.subf %get3A_3217, %sub3A_3218 : vector<8x512xf32>
    %get3A_3220 = arith.constant 0 : index
    %get3A_3221 = arith.constant 216 : index
    %get3A_3222 = arith.constant 0 : index
    %get3A_3223 = vector.load %arg2[%get3A_3220, %get3A_3221, %get3A_3222] : memref<1x512x512xf32, #tpu.memory_space<vmem>>, vector<1x8x512xf32>
    %get3A_3224 = vector.shape_cast %get3A_3223 : vector<1x8x512xf32> to vector<8x512xf32>
    %mul3A_3225 = arith.mulf %sub3A_3214, %sub3A_3214 : vector<8x512xf32>
    %mul3A_3226 = arith.mulf %sub3A_3219, %sub3A_3219 : vector<8x512xf32>
    %add3A_3227 = arith.addf %mul3A_3225, %mul3A_3226 : vector<8x512xf32>
    %max3A_3228 = arith.constant 1.000000e-36 : f32
    %max3A_3229 = vector.broadcast %max3A_3228 : f32 to vector<8x512xf32>
    %max3A_3230 = arith.maximumf %add3A_3227, %max3A_3229 : vector<8x512xf32>
    %rsqrt3A_3231 = math.rsqrt %max3A_3230 : vector<8x512xf32>
    %mul3A_3232 = arith.mulf %max3A_3230, %rsqrt3A_3231 : vector<8x512xf32>
    %mul3A_3233 = arith.constant -9.64874458 : f32
    %mul3A_3234 = vector.broadcast %mul3A_3233 : f32 to vector<8x512xf32>
    %mul3A_3235 = arith.mulf %mul3A_3234, %mul3A_3232 : vector<8x512xf32>
    %add3A_3236 = arith.constant 6.73411417 : f32
    %add3A_3237 = vector.broadcast %add3A_3236 : f32 to vector<8x512xf32>
    %add3A_3238 = arith.addf %add3A_3237, %mul3A_3235 : vector<8x512xf32>
    %exp23A_3239 = math.exp2 %add3A_3238 : vector<8x512xf32>
    %add3A_3240 = arith.addf %add3A_3200, %exp23A_3239 : vector<8x512xf32>
    %mul3A_3241 = arith.mulf %exp23A_3239, %exp23A_3239 : vector<8x512xf32>
    %add3A_3242 = arith.addf %add3A_3202, %mul3A_3241 : vector<8x512xf32>
    %mul3A_3243 = arith.mulf %exp23A_3239, %get3A_3224 : vector<8x512xf32>
    %add3A_3244 = arith.addf %add3A_3204, %mul3A_3243 : vector<8x512xf32>
    %add3A_3245 = arith.addf %add3A_3205, %get3A_3224 : vector<8x512xf32>
    %mul3A_3246 = arith.mulf %get3A_3224, %get3A_3224 : vector<8x512xf32>
    %add3A_3247 = arith.addf %add3A_3207, %mul3A_3246 : vector<8x512xf32>
    %min3A_3248 = arith.minimumf %min3A_3208, %exp23A_3239 : vector<8x512xf32>
    %max3A_3249 = arith.maximumf %max3A_3209, %exp23A_3239 : vector<8x512xf32>
    %get3A_3250 = arith.constant 224 : index
    %get3A_3251 = arith.constant 0 : index
    %get3A_3252 = vector.load %arg4[%get3A_3250, %get3A_3251] : memref<512x512xf32, #tpu.memory_space<vmem>>, vector<8x512xf32>
    %sub3A_3253 = vector.broadcast %mul3A_2119 : f32 to vector<8x512xf32>
    %sub3A_3254 = arith.subf %get3A_3252, %sub3A_3253 : vector<8x512xf32>
    %get3A_3255 = arith.constant 224 : index
    %get3A_3256 = arith.constant 0 : index
    %get3A_3257 = vector.load %arg5[%get3A_3255, %get3A_3256] : memref<512x512xf32, #tpu.memory_space<vmem>>, vector<8x512xf32>
    %sub3A_3258 = vector.broadcast %mul3A_2126 : f32 to vector<8x512xf32>
    %sub3A_3259 = arith.subf %get3A_3257, %sub3A_3258 : vector<8x512xf32>
    %get3A_3260 = arith.constant 0 : index
    %get3A_3261 = arith.constant 224 : index
    %get3A_3262 = arith.constant 0 : index
    %get3A_3263 = vector.load %arg2[%get3A_3260, %get3A_3261, %get3A_3262] : memref<1x512x512xf32, #tpu.memory_space<vmem>>, vector<1x8x512xf32>
    %get3A_3264 = vector.shape_cast %get3A_3263 : vector<1x8x512xf32> to vector<8x512xf32>
    %mul3A_3265 = arith.mulf %sub3A_3254, %sub3A_3254 : vector<8x512xf32>
    %mul3A_3266 = arith.mulf %sub3A_3259, %sub3A_3259 : vector<8x512xf32>
    %add3A_3267 = arith.addf %mul3A_3265, %mul3A_3266 : vector<8x512xf32>
    %max3A_3268 = arith.constant 1.000000e-36 : f32
    %max3A_3269 = vector.broadcast %max3A_3268 : f32 to vector<8x512xf32>
    %max3A_3270 = arith.maximumf %add3A_3267, %max3A_3269 : vector<8x512xf32>
    %rsqrt3A_3271 = math.rsqrt %max3A_3270 : vector<8x512xf32>
    %mul3A_3272 = arith.mulf %max3A_3270, %rsqrt3A_3271 : vector<8x512xf32>
    %mul3A_3273 = arith.constant -9.64874458 : f32
    %mul3A_3274 = vector.broadcast %mul3A_3273 : f32 to vector<8x512xf32>
    %mul3A_3275 = arith.mulf %mul3A_3274, %mul3A_3272 : vector<8x512xf32>
    %add3A_3276 = arith.constant 6.73411417 : f32
    %add3A_3277 = vector.broadcast %add3A_3276 : f32 to vector<8x512xf32>
    %add3A_3278 = arith.addf %add3A_3277, %mul3A_3275 : vector<8x512xf32>
    %exp23A_3279 = math.exp2 %add3A_3278 : vector<8x512xf32>
    %add3A_3280 = arith.addf %add3A_3240, %exp23A_3279 : vector<8x512xf32>
    %mul3A_3281 = arith.mulf %exp23A_3279, %exp23A_3279 : vector<8x512xf32>
    %add3A_3282 = arith.addf %add3A_3242, %mul3A_3281 : vector<8x512xf32>
    %mul3A_3283 = arith.mulf %exp23A_3279, %get3A_3264 : vector<8x512xf32>
    %add3A_3284 = arith.addf %add3A_3244, %mul3A_3283 : vector<8x512xf32>
    %add3A_3285 = arith.addf %add3A_3245, %get3A_3264 : vector<8x512xf32>
    %mul3A_3286 = arith.mulf %get3A_3264, %get3A_3264 : vector<8x512xf32>
    %add3A_3287 = arith.addf %add3A_3247, %mul3A_3286 : vector<8x512xf32>
    %min3A_3288 = arith.minimumf %min3A_3248, %exp23A_3279 : vector<8x512xf32>
    %max3A_3289 = arith.maximumf %max3A_3249, %exp23A_3279 : vector<8x512xf32>
    %get3A_3290 = arith.constant 232 : index
    %get3A_3291 = arith.constant 0 : index
    %get3A_3292 = vector.load %arg4[%get3A_3290, %get3A_3291] : memref<512x512xf32, #tpu.memory_space<vmem>>, vector<8x512xf32>
    %sub3A_3293 = vector.broadcast %mul3A_2119 : f32 to vector<8x512xf32>
    %sub3A_3294 = arith.subf %get3A_3292, %sub3A_3293 : vector<8x512xf32>
    %get3A_3295 = arith.constant 232 : index
    %get3A_3296 = arith.constant 0 : index
    %get3A_3297 = vector.load %arg5[%get3A_3295, %get3A_3296] : memref<512x512xf32, #tpu.memory_space<vmem>>, vector<8x512xf32>
    %sub3A_3298 = vector.broadcast %mul3A_2126 : f32 to vector<8x512xf32>
    %sub3A_3299 = arith.subf %get3A_3297, %sub3A_3298 : vector<8x512xf32>
    %get3A_3300 = arith.constant 0 : index
    %get3A_3301 = arith.constant 232 : index
    %get3A_3302 = arith.constant 0 : index
    %get3A_3303 = vector.load %arg2[%get3A_3300, %get3A_3301, %get3A_3302] : memref<1x512x512xf32, #tpu.memory_space<vmem>>, vector<1x8x512xf32>
    %get3A_3304 = vector.shape_cast %get3A_3303 : vector<1x8x512xf32> to vector<8x512xf32>
    %mul3A_3305 = arith.mulf %sub3A_3294, %sub3A_3294 : vector<8x512xf32>
    %mul3A_3306 = arith.mulf %sub3A_3299, %sub3A_3299 : vector<8x512xf32>
    %add3A_3307 = arith.addf %mul3A_3305, %mul3A_3306 : vector<8x512xf32>
    %max3A_3308 = arith.constant 1.000000e-36 : f32
    %max3A_3309 = vector.broadcast %max3A_3308 : f32 to vector<8x512xf32>
    %max3A_3310 = arith.maximumf %add3A_3307, %max3A_3309 : vector<8x512xf32>
    %rsqrt3A_3311 = math.rsqrt %max3A_3310 : vector<8x512xf32>
    %mul3A_3312 = arith.mulf %max3A_3310, %rsqrt3A_3311 : vector<8x512xf32>
    %mul3A_3313 = arith.constant -9.64874458 : f32
    %mul3A_3314 = vector.broadcast %mul3A_3313 : f32 to vector<8x512xf32>
    %mul3A_3315 = arith.mulf %mul3A_3314, %mul3A_3312 : vector<8x512xf32>
    %add3A_3316 = arith.constant 6.73411417 : f32
    %add3A_3317 = vector.broadcast %add3A_3316 : f32 to vector<8x512xf32>
    %add3A_3318 = arith.addf %add3A_3317, %mul3A_3315 : vector<8x512xf32>
    %exp23A_3319 = math.exp2 %add3A_3318 : vector<8x512xf32>
    %add3A_3320 = arith.addf %add3A_3280, %exp23A_3319 : vector<8x512xf32>
    %mul3A_3321 = arith.mulf %exp23A_3319, %exp23A_3319 : vector<8x512xf32>
    %add3A_3322 = arith.addf %add3A_3282, %mul3A_3321 : vector<8x512xf32>
    %mul3A_3323 = arith.mulf %exp23A_3319, %get3A_3304 : vector<8x512xf32>
    %add3A_3324 = arith.addf %add3A_3284, %mul3A_3323 : vector<8x512xf32>
    %add3A_3325 = arith.addf %add3A_3285, %get3A_3304 : vector<8x512xf32>
    %mul3A_3326 = arith.mulf %get3A_3304, %get3A_3304 : vector<8x512xf32>
    %add3A_3327 = arith.addf %add3A_3287, %mul3A_3326 : vector<8x512xf32>
    %min3A_3328 = arith.minimumf %min3A_3288, %exp23A_3319 : vector<8x512xf32>
    %max3A_3329 = arith.maximumf %max3A_3289, %exp23A_3319 : vector<8x512xf32>
    %get3A_3330 = arith.constant 240 : index
    %get3A_3331 = arith.constant 0 : index
    %get3A_3332 = vector.load %arg4[%get3A_3330, %get3A_3331] : memref<512x512xf32, #tpu.memory_space<vmem>>, vector<8x512xf32>
    %sub3A_3333 = vector.broadcast %mul3A_2119 : f32 to vector<8x512xf32>
    %sub3A_3334 = arith.subf %get3A_3332, %sub3A_3333 : vector<8x512xf32>
    %get3A_3335 = arith.constant 240 : index
    %get3A_3336 = arith.constant 0 : index
    %get3A_3337 = vector.load %arg5[%get3A_3335, %get3A_3336] : memref<512x512xf32, #tpu.memory_space<vmem>>, vector<8x512xf32>
    %sub3A_3338 = vector.broadcast %mul3A_2126 : f32 to vector<8x512xf32>
    %sub3A_3339 = arith.subf %get3A_3337, %sub3A_3338 : vector<8x512xf32>
    %get3A_3340 = arith.constant 0 : index
    %get3A_3341 = arith.constant 240 : index
    %get3A_3342 = arith.constant 0 : index
    %get3A_3343 = vector.load %arg2[%get3A_3340, %get3A_3341, %get3A_3342] : memref<1x512x512xf32, #tpu.memory_space<vmem>>, vector<1x8x512xf32>
    %get3A_3344 = vector.shape_cast %get3A_3343 : vector<1x8x512xf32> to vector<8x512xf32>
    %mul3A_3345 = arith.mulf %sub3A_3334, %sub3A_3334 : vector<8x512xf32>
    %mul3A_3346 = arith.mulf %sub3A_3339, %sub3A_3339 : vector<8x512xf32>
    %add3A_3347 = arith.addf %mul3A_3345, %mul3A_3346 : vector<8x512xf32>
    %max3A_3348 = arith.constant 1.000000e-36 : f32
    %max3A_3349 = vector.broadcast %max3A_3348 : f32 to vector<8x512xf32>
    %max3A_3350 = arith.maximumf %add3A_3347, %max3A_3349 : vector<8x512xf32>
    %rsqrt3A_3351 = math.rsqrt %max3A_3350 : vector<8x512xf32>
    %mul3A_3352 = arith.mulf %max3A_3350, %rsqrt3A_3351 : vector<8x512xf32>
    %mul3A_3353 = arith.constant -9.64874458 : f32
    %mul3A_3354 = vector.broadcast %mul3A_3353 : f32 to vector<8x512xf32>
    %mul3A_3355 = arith.mulf %mul3A_3354, %mul3A_3352 : vector<8x512xf32>
    %add3A_3356 = arith.constant 6.73411417 : f32
    %add3A_3357 = vector.broadcast %add3A_3356 : f32 to vector<8x512xf32>
    %add3A_3358 = arith.addf %add3A_3357, %mul3A_3355 : vector<8x512xf32>
    %exp23A_3359 = math.exp2 %add3A_3358 : vector<8x512xf32>
    %add3A_3360 = arith.addf %add3A_3320, %exp23A_3359 : vector<8x512xf32>
    %mul3A_3361 = arith.mulf %exp23A_3359, %exp23A_3359 : vector<8x512xf32>
    %add3A_3362 = arith.addf %add3A_3322, %mul3A_3361 : vector<8x512xf32>
    %mul3A_3363 = arith.mulf %exp23A_3359, %get3A_3344 : vector<8x512xf32>
    %add3A_3364 = arith.addf %add3A_3324, %mul3A_3363 : vector<8x512xf32>
    %add3A_3365 = arith.addf %add3A_3325, %get3A_3344 : vector<8x512xf32>
    %mul3A_3366 = arith.mulf %get3A_3344, %get3A_3344 : vector<8x512xf32>
    %add3A_3367 = arith.addf %add3A_3327, %mul3A_3366 : vector<8x512xf32>
    %min3A_3368 = arith.minimumf %min3A_3328, %exp23A_3359 : vector<8x512xf32>
    %max3A_3369 = arith.maximumf %max3A_3329, %exp23A_3359 : vector<8x512xf32>
    %get3A_3370 = arith.constant 248 : index
    %get3A_3371 = arith.constant 0 : index
    %get3A_3372 = vector.load %arg4[%get3A_3370, %get3A_3371] : memref<512x512xf32, #tpu.memory_space<vmem>>, vector<8x512xf32>
    %sub3A_3373 = vector.broadcast %mul3A_2119 : f32 to vector<8x512xf32>
    %sub3A_3374 = arith.subf %get3A_3372, %sub3A_3373 : vector<8x512xf32>
    %get3A_3375 = arith.constant 248 : index
    %get3A_3376 = arith.constant 0 : index
    %get3A_3377 = vector.load %arg5[%get3A_3375, %get3A_3376] : memref<512x512xf32, #tpu.memory_space<vmem>>, vector<8x512xf32>
    %sub3A_3378 = vector.broadcast %mul3A_2126 : f32 to vector<8x512xf32>
    %sub3A_3379 = arith.subf %get3A_3377, %sub3A_3378 : vector<8x512xf32>
    %get3A_3380 = arith.constant 0 : index
    %get3A_3381 = arith.constant 248 : index
    %get3A_3382 = arith.constant 0 : index
    %get3A_3383 = vector.load %arg2[%get3A_3380, %get3A_3381, %get3A_3382] : memref<1x512x512xf32, #tpu.memory_space<vmem>>, vector<1x8x512xf32>
    %get3A_3384 = vector.shape_cast %get3A_3383 : vector<1x8x512xf32> to vector<8x512xf32>
    %mul3A_3385 = arith.mulf %sub3A_3374, %sub3A_3374 : vector<8x512xf32>
    %mul3A_3386 = arith.mulf %sub3A_3379, %sub3A_3379 : vector<8x512xf32>
    %add3A_3387 = arith.addf %mul3A_3385, %mul3A_3386 : vector<8x512xf32>
    %max3A_3388 = arith.constant 1.000000e-36 : f32
    %max3A_3389 = vector.broadcast %max3A_3388 : f32 to vector<8x512xf32>
    %max3A_3390 = arith.maximumf %add3A_3387, %max3A_3389 : vector<8x512xf32>
    %rsqrt3A_3391 = math.rsqrt %max3A_3390 : vector<8x512xf32>
    %mul3A_3392 = arith.mulf %max3A_3390, %rsqrt3A_3391 : vector<8x512xf32>
    %mul3A_3393 = arith.constant -9.64874458 : f32
    %mul3A_3394 = vector.broadcast %mul3A_3393 : f32 to vector<8x512xf32>
    %mul3A_3395 = arith.mulf %mul3A_3394, %mul3A_3392 : vector<8x512xf32>
    %add3A_3396 = arith.constant 6.73411417 : f32
    %add3A_3397 = vector.broadcast %add3A_3396 : f32 to vector<8x512xf32>
    %add3A_3398 = arith.addf %add3A_3397, %mul3A_3395 : vector<8x512xf32>
    %exp23A_3399 = math.exp2 %add3A_3398 : vector<8x512xf32>
    %add3A_3400 = arith.addf %add3A_3360, %exp23A_3399 : vector<8x512xf32>
    %mul3A_3401 = arith.mulf %exp23A_3399, %exp23A_3399 : vector<8x512xf32>
    %add3A_3402 = arith.addf %add3A_3362, %mul3A_3401 : vector<8x512xf32>
    %mul3A_3403 = arith.mulf %exp23A_3399, %get3A_3384 : vector<8x512xf32>
    %add3A_3404 = arith.addf %add3A_3364, %mul3A_3403 : vector<8x512xf32>
    %add3A_3405 = arith.addf %add3A_3365, %get3A_3384 : vector<8x512xf32>
    %mul3A_3406 = arith.mulf %get3A_3384, %get3A_3384 : vector<8x512xf32>
    %add3A_3407 = arith.addf %add3A_3367, %mul3A_3406 : vector<8x512xf32>
    %min3A_3408 = arith.minimumf %min3A_3368, %exp23A_3399 : vector<8x512xf32>
    %max3A_3409 = arith.maximumf %max3A_3369, %exp23A_3399 : vector<8x512xf32>
    %get3A_3410 = arith.constant 256 : index
    %get3A_3411 = arith.constant 0 : index
    %get3A_3412 = vector.load %arg4[%get3A_3410, %get3A_3411] : memref<512x512xf32, #tpu.memory_space<vmem>>, vector<8x512xf32>
    %sub3A_3413 = vector.broadcast %mul3A_2119 : f32 to vector<8x512xf32>
    %sub3A_3414 = arith.subf %get3A_3412, %sub3A_3413 : vector<8x512xf32>
    %get3A_3415 = arith.constant 256 : index
    %get3A_3416 = arith.constant 0 : index
    %get3A_3417 = vector.load %arg5[%get3A_3415, %get3A_3416] : memref<512x512xf32, #tpu.memory_space<vmem>>, vector<8x512xf32>
    %sub3A_3418 = vector.broadcast %mul3A_2126 : f32 to vector<8x512xf32>
    %sub3A_3419 = arith.subf %get3A_3417, %sub3A_3418 : vector<8x512xf32>
    %get3A_3420 = arith.constant 0 : index
    %get3A_3421 = arith.constant 256 : index
    %get3A_3422 = arith.constant 0 : index
    %get3A_3423 = vector.load %arg2[%get3A_3420, %get3A_3421, %get3A_3422] : memref<1x512x512xf32, #tpu.memory_space<vmem>>, vector<1x8x512xf32>
    %get3A_3424 = vector.shape_cast %get3A_3423 : vector<1x8x512xf32> to vector<8x512xf32>
    %mul3A_3425 = arith.mulf %sub3A_3414, %sub3A_3414 : vector<8x512xf32>
    %mul3A_3426 = arith.mulf %sub3A_3419, %sub3A_3419 : vector<8x512xf32>
    %add3A_3427 = arith.addf %mul3A_3425, %mul3A_3426 : vector<8x512xf32>
    %max3A_3428 = arith.constant 1.000000e-36 : f32
    %max3A_3429 = vector.broadcast %max3A_3428 : f32 to vector<8x512xf32>
    %max3A_3430 = arith.maximumf %add3A_3427, %max3A_3429 : vector<8x512xf32>
    %rsqrt3A_3431 = math.rsqrt %max3A_3430 : vector<8x512xf32>
    %mul3A_3432 = arith.mulf %max3A_3430, %rsqrt3A_3431 : vector<8x512xf32>
    %mul3A_3433 = arith.constant -9.64874458 : f32
    %mul3A_3434 = vector.broadcast %mul3A_3433 : f32 to vector<8x512xf32>
    %mul3A_3435 = arith.mulf %mul3A_3434, %mul3A_3432 : vector<8x512xf32>
    %add3A_3436 = arith.constant 6.73411417 : f32
    %add3A_3437 = vector.broadcast %add3A_3436 : f32 to vector<8x512xf32>
    %add3A_3438 = arith.addf %add3A_3437, %mul3A_3435 : vector<8x512xf32>
    %exp23A_3439 = math.exp2 %add3A_3438 : vector<8x512xf32>
    %add3A_3440 = arith.addf %add3A_3400, %exp23A_3439 : vector<8x512xf32>
    %mul3A_3441 = arith.mulf %exp23A_3439, %exp23A_3439 : vector<8x512xf32>
    %add3A_3442 = arith.addf %add3A_3402, %mul3A_3441 : vector<8x512xf32>
    %mul3A_3443 = arith.mulf %exp23A_3439, %get3A_3424 : vector<8x512xf32>
    %add3A_3444 = arith.addf %add3A_3404, %mul3A_3443 : vector<8x512xf32>
    %add3A_3445 = arith.addf %add3A_3405, %get3A_3424 : vector<8x512xf32>
    %mul3A_3446 = arith.mulf %get3A_3424, %get3A_3424 : vector<8x512xf32>
    %add3A_3447 = arith.addf %add3A_3407, %mul3A_3446 : vector<8x512xf32>
    %min3A_3448 = arith.minimumf %min3A_3408, %exp23A_3439 : vector<8x512xf32>
    %max3A_3449 = arith.maximumf %max3A_3409, %exp23A_3439 : vector<8x512xf32>
    %get3A_3450 = arith.constant 264 : index
    %get3A_3451 = arith.constant 0 : index
    %get3A_3452 = vector.load %arg4[%get3A_3450, %get3A_3451] : memref<512x512xf32, #tpu.memory_space<vmem>>, vector<8x512xf32>
    %sub3A_3453 = vector.broadcast %mul3A_2119 : f32 to vector<8x512xf32>
    %sub3A_3454 = arith.subf %get3A_3452, %sub3A_3453 : vector<8x512xf32>
    %get3A_3455 = arith.constant 264 : index
    %get3A_3456 = arith.constant 0 : index
    %get3A_3457 = vector.load %arg5[%get3A_3455, %get3A_3456] : memref<512x512xf32, #tpu.memory_space<vmem>>, vector<8x512xf32>
    %sub3A_3458 = vector.broadcast %mul3A_2126 : f32 to vector<8x512xf32>
    %sub3A_3459 = arith.subf %get3A_3457, %sub3A_3458 : vector<8x512xf32>
    %get3A_3460 = arith.constant 0 : index
    %get3A_3461 = arith.constant 264 : index
    %get3A_3462 = arith.constant 0 : index
    %get3A_3463 = vector.load %arg2[%get3A_3460, %get3A_3461, %get3A_3462] : memref<1x512x512xf32, #tpu.memory_space<vmem>>, vector<1x8x512xf32>
    %get3A_3464 = vector.shape_cast %get3A_3463 : vector<1x8x512xf32> to vector<8x512xf32>
    %mul3A_3465 = arith.mulf %sub3A_3454, %sub3A_3454 : vector<8x512xf32>
    %mul3A_3466 = arith.mulf %sub3A_3459, %sub3A_3459 : vector<8x512xf32>
    %add3A_3467 = arith.addf %mul3A_3465, %mul3A_3466 : vector<8x512xf32>
    %max3A_3468 = arith.constant 1.000000e-36 : f32
    %max3A_3469 = vector.broadcast %max3A_3468 : f32 to vector<8x512xf32>
    %max3A_3470 = arith.maximumf %add3A_3467, %max3A_3469 : vector<8x512xf32>
    %rsqrt3A_3471 = math.rsqrt %max3A_3470 : vector<8x512xf32>
    %mul3A_3472 = arith.mulf %max3A_3470, %rsqrt3A_3471 : vector<8x512xf32>
    %mul3A_3473 = arith.constant -9.64874458 : f32
    %mul3A_3474 = vector.broadcast %mul3A_3473 : f32 to vector<8x512xf32>
    %mul3A_3475 = arith.mulf %mul3A_3474, %mul3A_3472 : vector<8x512xf32>
    %add3A_3476 = arith.constant 6.73411417 : f32
    %add3A_3477 = vector.broadcast %add3A_3476 : f32 to vector<8x512xf32>
    %add3A_3478 = arith.addf %add3A_3477, %mul3A_3475 : vector<8x512xf32>
    %exp23A_3479 = math.exp2 %add3A_3478 : vector<8x512xf32>
    %add3A_3480 = arith.addf %add3A_3440, %exp23A_3479 : vector<8x512xf32>
    %mul3A_3481 = arith.mulf %exp23A_3479, %exp23A_3479 : vector<8x512xf32>
    %add3A_3482 = arith.addf %add3A_3442, %mul3A_3481 : vector<8x512xf32>
    %mul3A_3483 = arith.mulf %exp23A_3479, %get3A_3464 : vector<8x512xf32>
    %add3A_3484 = arith.addf %add3A_3444, %mul3A_3483 : vector<8x512xf32>
    %add3A_3485 = arith.addf %add3A_3445, %get3A_3464 : vector<8x512xf32>
    %mul3A_3486 = arith.mulf %get3A_3464, %get3A_3464 : vector<8x512xf32>
    %add3A_3487 = arith.addf %add3A_3447, %mul3A_3486 : vector<8x512xf32>
    %min3A_3488 = arith.minimumf %min3A_3448, %exp23A_3479 : vector<8x512xf32>
    %max3A_3489 = arith.maximumf %max3A_3449, %exp23A_3479 : vector<8x512xf32>
    %get3A_3490 = arith.constant 272 : index
    %get3A_3491 = arith.constant 0 : index
    %get3A_3492 = vector.load %arg4[%get3A_3490, %get3A_3491] : memref<512x512xf32, #tpu.memory_space<vmem>>, vector<8x512xf32>
    %sub3A_3493 = vector.broadcast %mul3A_2119 : f32 to vector<8x512xf32>
    %sub3A_3494 = arith.subf %get3A_3492, %sub3A_3493 : vector<8x512xf32>
    %get3A_3495 = arith.constant 272 : index
    %get3A_3496 = arith.constant 0 : index
    %get3A_3497 = vector.load %arg5[%get3A_3495, %get3A_3496] : memref<512x512xf32, #tpu.memory_space<vmem>>, vector<8x512xf32>
    %sub3A_3498 = vector.broadcast %mul3A_2126 : f32 to vector<8x512xf32>
    %sub3A_3499 = arith.subf %get3A_3497, %sub3A_3498 : vector<8x512xf32>
    %get3A_3500 = arith.constant 0 : index
    %get3A_3501 = arith.constant 272 : index
    %get3A_3502 = arith.constant 0 : index
    %get3A_3503 = vector.load %arg2[%get3A_3500, %get3A_3501, %get3A_3502] : memref<1x512x512xf32, #tpu.memory_space<vmem>>, vector<1x8x512xf32>
    %get3A_3504 = vector.shape_cast %get3A_3503 : vector<1x8x512xf32> to vector<8x512xf32>
    %mul3A_3505 = arith.mulf %sub3A_3494, %sub3A_3494 : vector<8x512xf32>
    %mul3A_3506 = arith.mulf %sub3A_3499, %sub3A_3499 : vector<8x512xf32>
    %add3A_3507 = arith.addf %mul3A_3505, %mul3A_3506 : vector<8x512xf32>
    %max3A_3508 = arith.constant 1.000000e-36 : f32
    %max3A_3509 = vector.broadcast %max3A_3508 : f32 to vector<8x512xf32>
    %max3A_3510 = arith.maximumf %add3A_3507, %max3A_3509 : vector<8x512xf32>
    %rsqrt3A_3511 = math.rsqrt %max3A_3510 : vector<8x512xf32>
    %mul3A_3512 = arith.mulf %max3A_3510, %rsqrt3A_3511 : vector<8x512xf32>
    %mul3A_3513 = arith.constant -9.64874458 : f32
    %mul3A_3514 = vector.broadcast %mul3A_3513 : f32 to vector<8x512xf32>
    %mul3A_3515 = arith.mulf %mul3A_3514, %mul3A_3512 : vector<8x512xf32>
    %add3A_3516 = arith.constant 6.73411417 : f32
    %add3A_3517 = vector.broadcast %add3A_3516 : f32 to vector<8x512xf32>
    %add3A_3518 = arith.addf %add3A_3517, %mul3A_3515 : vector<8x512xf32>
    %exp23A_3519 = math.exp2 %add3A_3518 : vector<8x512xf32>
    %add3A_3520 = arith.addf %add3A_3480, %exp23A_3519 : vector<8x512xf32>
    %mul3A_3521 = arith.mulf %exp23A_3519, %exp23A_3519 : vector<8x512xf32>
    %add3A_3522 = arith.addf %add3A_3482, %mul3A_3521 : vector<8x512xf32>
    %mul3A_3523 = arith.mulf %exp23A_3519, %get3A_3504 : vector<8x512xf32>
    %add3A_3524 = arith.addf %add3A_3484, %mul3A_3523 : vector<8x512xf32>
    %add3A_3525 = arith.addf %add3A_3485, %get3A_3504 : vector<8x512xf32>
    %mul3A_3526 = arith.mulf %get3A_3504, %get3A_3504 : vector<8x512xf32>
    %add3A_3527 = arith.addf %add3A_3487, %mul3A_3526 : vector<8x512xf32>
    %min3A_3528 = arith.minimumf %min3A_3488, %exp23A_3519 : vector<8x512xf32>
    %max3A_3529 = arith.maximumf %max3A_3489, %exp23A_3519 : vector<8x512xf32>
    %get3A_3530 = arith.constant 280 : index
    %get3A_3531 = arith.constant 0 : index
    %get3A_3532 = vector.load %arg4[%get3A_3530, %get3A_3531] : memref<512x512xf32, #tpu.memory_space<vmem>>, vector<8x512xf32>
    %sub3A_3533 = vector.broadcast %mul3A_2119 : f32 to vector<8x512xf32>
    %sub3A_3534 = arith.subf %get3A_3532, %sub3A_3533 : vector<8x512xf32>
    %get3A_3535 = arith.constant 280 : index
    %get3A_3536 = arith.constant 0 : index
    %get3A_3537 = vector.load %arg5[%get3A_3535, %get3A_3536] : memref<512x512xf32, #tpu.memory_space<vmem>>, vector<8x512xf32>
    %sub3A_3538 = vector.broadcast %mul3A_2126 : f32 to vector<8x512xf32>
    %sub3A_3539 = arith.subf %get3A_3537, %sub3A_3538 : vector<8x512xf32>
    %get3A_3540 = arith.constant 0 : index
    %get3A_3541 = arith.constant 280 : index
    %get3A_3542 = arith.constant 0 : index
    %get3A_3543 = vector.load %arg2[%get3A_3540, %get3A_3541, %get3A_3542] : memref<1x512x512xf32, #tpu.memory_space<vmem>>, vector<1x8x512xf32>
    %get3A_3544 = vector.shape_cast %get3A_3543 : vector<1x8x512xf32> to vector<8x512xf32>
    %mul3A_3545 = arith.mulf %sub3A_3534, %sub3A_3534 : vector<8x512xf32>
    %mul3A_3546 = arith.mulf %sub3A_3539, %sub3A_3539 : vector<8x512xf32>
    %add3A_3547 = arith.addf %mul3A_3545, %mul3A_3546 : vector<8x512xf32>
    %max3A_3548 = arith.constant 1.000000e-36 : f32
    %max3A_3549 = vector.broadcast %max3A_3548 : f32 to vector<8x512xf32>
    %max3A_3550 = arith.maximumf %add3A_3547, %max3A_3549 : vector<8x512xf32>
    %rsqrt3A_3551 = math.rsqrt %max3A_3550 : vector<8x512xf32>
    %mul3A_3552 = arith.mulf %max3A_3550, %rsqrt3A_3551 : vector<8x512xf32>
    %mul3A_3553 = arith.constant -9.64874458 : f32
    %mul3A_3554 = vector.broadcast %mul3A_3553 : f32 to vector<8x512xf32>
    %mul3A_3555 = arith.mulf %mul3A_3554, %mul3A_3552 : vector<8x512xf32>
    %add3A_3556 = arith.constant 6.73411417 : f32
    %add3A_3557 = vector.broadcast %add3A_3556 : f32 to vector<8x512xf32>
    %add3A_3558 = arith.addf %add3A_3557, %mul3A_3555 : vector<8x512xf32>
    %exp23A_3559 = math.exp2 %add3A_3558 : vector<8x512xf32>
    %add3A_3560 = arith.addf %add3A_3520, %exp23A_3559 : vector<8x512xf32>
    %mul3A_3561 = arith.mulf %exp23A_3559, %exp23A_3559 : vector<8x512xf32>
    %add3A_3562 = arith.addf %add3A_3522, %mul3A_3561 : vector<8x512xf32>
    %mul3A_3563 = arith.mulf %exp23A_3559, %get3A_3544 : vector<8x512xf32>
    %add3A_3564 = arith.addf %add3A_3524, %mul3A_3563 : vector<8x512xf32>
    %add3A_3565 = arith.addf %add3A_3525, %get3A_3544 : vector<8x512xf32>
    %mul3A_3566 = arith.mulf %get3A_3544, %get3A_3544 : vector<8x512xf32>
    %add3A_3567 = arith.addf %add3A_3527, %mul3A_3566 : vector<8x512xf32>
    %min3A_3568 = arith.minimumf %min3A_3528, %exp23A_3559 : vector<8x512xf32>
    %max3A_3569 = arith.maximumf %max3A_3529, %exp23A_3559 : vector<8x512xf32>
    %get3A_3570 = arith.constant 288 : index
    %get3A_3571 = arith.constant 0 : index
    %get3A_3572 = vector.load %arg4[%get3A_3570, %get3A_3571] : memref<512x512xf32, #tpu.memory_space<vmem>>, vector<8x512xf32>
    %sub3A_3573 = vector.broadcast %mul3A_2119 : f32 to vector<8x512xf32>
    %sub3A_3574 = arith.subf %get3A_3572, %sub3A_3573 : vector<8x512xf32>
    %get3A_3575 = arith.constant 288 : index
    %get3A_3576 = arith.constant 0 : index
    %get3A_3577 = vector.load %arg5[%get3A_3575, %get3A_3576] : memref<512x512xf32, #tpu.memory_space<vmem>>, vector<8x512xf32>
    %sub3A_3578 = vector.broadcast %mul3A_2126 : f32 to vector<8x512xf32>
    %sub3A_3579 = arith.subf %get3A_3577, %sub3A_3578 : vector<8x512xf32>
    %get3A_3580 = arith.constant 0 : index
    %get3A_3581 = arith.constant 288 : index
    %get3A_3582 = arith.constant 0 : index
    %get3A_3583 = vector.load %arg2[%get3A_3580, %get3A_3581, %get3A_3582] : memref<1x512x512xf32, #tpu.memory_space<vmem>>, vector<1x8x512xf32>
    %get3A_3584 = vector.shape_cast %get3A_3583 : vector<1x8x512xf32> to vector<8x512xf32>
    %mul3A_3585 = arith.mulf %sub3A_3574, %sub3A_3574 : vector<8x512xf32>
    %mul3A_3586 = arith.mulf %sub3A_3579, %sub3A_3579 : vector<8x512xf32>
    %add3A_3587 = arith.addf %mul3A_3585, %mul3A_3586 : vector<8x512xf32>
    %max3A_3588 = arith.constant 1.000000e-36 : f32
    %max3A_3589 = vector.broadcast %max3A_3588 : f32 to vector<8x512xf32>
    %max3A_3590 = arith.maximumf %add3A_3587, %max3A_3589 : vector<8x512xf32>
    %rsqrt3A_3591 = math.rsqrt %max3A_3590 : vector<8x512xf32>
    %mul3A_3592 = arith.mulf %max3A_3590, %rsqrt3A_3591 : vector<8x512xf32>
    %mul3A_3593 = arith.constant -9.64874458 : f32
    %mul3A_3594 = vector.broadcast %mul3A_3593 : f32 to vector<8x512xf32>
    %mul3A_3595 = arith.mulf %mul3A_3594, %mul3A_3592 : vector<8x512xf32>
    %add3A_3596 = arith.constant 6.73411417 : f32
    %add3A_3597 = vector.broadcast %add3A_3596 : f32 to vector<8x512xf32>
    %add3A_3598 = arith.addf %add3A_3597, %mul3A_3595 : vector<8x512xf32>
    %exp23A_3599 = math.exp2 %add3A_3598 : vector<8x512xf32>
    %add3A_3600 = arith.addf %add3A_3560, %exp23A_3599 : vector<8x512xf32>
    %mul3A_3601 = arith.mulf %exp23A_3599, %exp23A_3599 : vector<8x512xf32>
    %add3A_3602 = arith.addf %add3A_3562, %mul3A_3601 : vector<8x512xf32>
    %mul3A_3603 = arith.mulf %exp23A_3599, %get3A_3584 : vector<8x512xf32>
    %add3A_3604 = arith.addf %add3A_3564, %mul3A_3603 : vector<8x512xf32>
    %add3A_3605 = arith.addf %add3A_3565, %get3A_3584 : vector<8x512xf32>
    %mul3A_3606 = arith.mulf %get3A_3584, %get3A_3584 : vector<8x512xf32>
    %add3A_3607 = arith.addf %add3A_3567, %mul3A_3606 : vector<8x512xf32>
    %min3A_3608 = arith.minimumf %min3A_3568, %exp23A_3599 : vector<8x512xf32>
    %max3A_3609 = arith.maximumf %max3A_3569, %exp23A_3599 : vector<8x512xf32>
    %get3A_3610 = arith.constant 296 : index
    %get3A_3611 = arith.constant 0 : index
    %get3A_3612 = vector.load %arg4[%get3A_3610, %get3A_3611] : memref<512x512xf32, #tpu.memory_space<vmem>>, vector<8x512xf32>
    %sub3A_3613 = vector.broadcast %mul3A_2119 : f32 to vector<8x512xf32>
    %sub3A_3614 = arith.subf %get3A_3612, %sub3A_3613 : vector<8x512xf32>
    %get3A_3615 = arith.constant 296 : index
    %get3A_3616 = arith.constant 0 : index
    %get3A_3617 = vector.load %arg5[%get3A_3615, %get3A_3616] : memref<512x512xf32, #tpu.memory_space<vmem>>, vector<8x512xf32>
    %sub3A_3618 = vector.broadcast %mul3A_2126 : f32 to vector<8x512xf32>
    %sub3A_3619 = arith.subf %get3A_3617, %sub3A_3618 : vector<8x512xf32>
    %get3A_3620 = arith.constant 0 : index
    %get3A_3621 = arith.constant 296 : index
    %get3A_3622 = arith.constant 0 : index
    %get3A_3623 = vector.load %arg2[%get3A_3620, %get3A_3621, %get3A_3622] : memref<1x512x512xf32, #tpu.memory_space<vmem>>, vector<1x8x512xf32>
    %get3A_3624 = vector.shape_cast %get3A_3623 : vector<1x8x512xf32> to vector<8x512xf32>
    %mul3A_3625 = arith.mulf %sub3A_3614, %sub3A_3614 : vector<8x512xf32>
    %mul3A_3626 = arith.mulf %sub3A_3619, %sub3A_3619 : vector<8x512xf32>
    %add3A_3627 = arith.addf %mul3A_3625, %mul3A_3626 : vector<8x512xf32>
    %max3A_3628 = arith.constant 1.000000e-36 : f32
    %max3A_3629 = vector.broadcast %max3A_3628 : f32 to vector<8x512xf32>
    %max3A_3630 = arith.maximumf %add3A_3627, %max3A_3629 : vector<8x512xf32>
    %rsqrt3A_3631 = math.rsqrt %max3A_3630 : vector<8x512xf32>
    %mul3A_3632 = arith.mulf %max3A_3630, %rsqrt3A_3631 : vector<8x512xf32>
    %mul3A_3633 = arith.constant -9.64874458 : f32
    %mul3A_3634 = vector.broadcast %mul3A_3633 : f32 to vector<8x512xf32>
    %mul3A_3635 = arith.mulf %mul3A_3634, %mul3A_3632 : vector<8x512xf32>
    %add3A_3636 = arith.constant 6.73411417 : f32
    %add3A_3637 = vector.broadcast %add3A_3636 : f32 to vector<8x512xf32>
    %add3A_3638 = arith.addf %add3A_3637, %mul3A_3635 : vector<8x512xf32>
    %exp23A_3639 = math.exp2 %add3A_3638 : vector<8x512xf32>
    %add3A_3640 = arith.addf %add3A_3600, %exp23A_3639 : vector<8x512xf32>
    %mul3A_3641 = arith.mulf %exp23A_3639, %exp23A_3639 : vector<8x512xf32>
    %add3A_3642 = arith.addf %add3A_3602, %mul3A_3641 : vector<8x512xf32>
    %mul3A_3643 = arith.mulf %exp23A_3639, %get3A_3624 : vector<8x512xf32>
    %add3A_3644 = arith.addf %add3A_3604, %mul3A_3643 : vector<8x512xf32>
    %add3A_3645 = arith.addf %add3A_3605, %get3A_3624 : vector<8x512xf32>
    %mul3A_3646 = arith.mulf %get3A_3624, %get3A_3624 : vector<8x512xf32>
    %add3A_3647 = arith.addf %add3A_3607, %mul3A_3646 : vector<8x512xf32>
    %min3A_3648 = arith.minimumf %min3A_3608, %exp23A_3639 : vector<8x512xf32>
    %max3A_3649 = arith.maximumf %max3A_3609, %exp23A_3639 : vector<8x512xf32>
    %get3A_3650 = arith.constant 304 : index
    %get3A_3651 = arith.constant 0 : index
    %get3A_3652 = vector.load %arg4[%get3A_3650, %get3A_3651] : memref<512x512xf32, #tpu.memory_space<vmem>>, vector<8x512xf32>
    %sub3A_3653 = vector.broadcast %mul3A_2119 : f32 to vector<8x512xf32>
    %sub3A_3654 = arith.subf %get3A_3652, %sub3A_3653 : vector<8x512xf32>
    %get3A_3655 = arith.constant 304 : index
    %get3A_3656 = arith.constant 0 : index
    %get3A_3657 = vector.load %arg5[%get3A_3655, %get3A_3656] : memref<512x512xf32, #tpu.memory_space<vmem>>, vector<8x512xf32>
    %sub3A_3658 = vector.broadcast %mul3A_2126 : f32 to vector<8x512xf32>
    %sub3A_3659 = arith.subf %get3A_3657, %sub3A_3658 : vector<8x512xf32>
    %get3A_3660 = arith.constant 0 : index
    %get3A_3661 = arith.constant 304 : index
    %get3A_3662 = arith.constant 0 : index
    %get3A_3663 = vector.load %arg2[%get3A_3660, %get3A_3661, %get3A_3662] : memref<1x512x512xf32, #tpu.memory_space<vmem>>, vector<1x8x512xf32>
    %get3A_3664 = vector.shape_cast %get3A_3663 : vector<1x8x512xf32> to vector<8x512xf32>
    %mul3A_3665 = arith.mulf %sub3A_3654, %sub3A_3654 : vector<8x512xf32>
    %mul3A_3666 = arith.mulf %sub3A_3659, %sub3A_3659 : vector<8x512xf32>
    %add3A_3667 = arith.addf %mul3A_3665, %mul3A_3666 : vector<8x512xf32>
    %max3A_3668 = arith.constant 1.000000e-36 : f32
    %max3A_3669 = vector.broadcast %max3A_3668 : f32 to vector<8x512xf32>
    %max3A_3670 = arith.maximumf %add3A_3667, %max3A_3669 : vector<8x512xf32>
    %rsqrt3A_3671 = math.rsqrt %max3A_3670 : vector<8x512xf32>
    %mul3A_3672 = arith.mulf %max3A_3670, %rsqrt3A_3671 : vector<8x512xf32>
    %mul3A_3673 = arith.constant -9.64874458 : f32
    %mul3A_3674 = vector.broadcast %mul3A_3673 : f32 to vector<8x512xf32>
    %mul3A_3675 = arith.mulf %mul3A_3674, %mul3A_3672 : vector<8x512xf32>
    %add3A_3676 = arith.constant 6.73411417 : f32
    %add3A_3677 = vector.broadcast %add3A_3676 : f32 to vector<8x512xf32>
    %add3A_3678 = arith.addf %add3A_3677, %mul3A_3675 : vector<8x512xf32>
    %exp23A_3679 = math.exp2 %add3A_3678 : vector<8x512xf32>
    %add3A_3680 = arith.addf %add3A_3640, %exp23A_3679 : vector<8x512xf32>
    %mul3A_3681 = arith.mulf %exp23A_3679, %exp23A_3679 : vector<8x512xf32>
    %add3A_3682 = arith.addf %add3A_3642, %mul3A_3681 : vector<8x512xf32>
    %mul3A_3683 = arith.mulf %exp23A_3679, %get3A_3664 : vector<8x512xf32>
    %add3A_3684 = arith.addf %add3A_3644, %mul3A_3683 : vector<8x512xf32>
    %add3A_3685 = arith.addf %add3A_3645, %get3A_3664 : vector<8x512xf32>
    %mul3A_3686 = arith.mulf %get3A_3664, %get3A_3664 : vector<8x512xf32>
    %add3A_3687 = arith.addf %add3A_3647, %mul3A_3686 : vector<8x512xf32>
    %min3A_3688 = arith.minimumf %min3A_3648, %exp23A_3679 : vector<8x512xf32>
    %max3A_3689 = arith.maximumf %max3A_3649, %exp23A_3679 : vector<8x512xf32>
    %get3A_3690 = arith.constant 312 : index
    %get3A_3691 = arith.constant 0 : index
    %get3A_3692 = vector.load %arg4[%get3A_3690, %get3A_3691] : memref<512x512xf32, #tpu.memory_space<vmem>>, vector<8x512xf32>
    %sub3A_3693 = vector.broadcast %mul3A_2119 : f32 to vector<8x512xf32>
    %sub3A_3694 = arith.subf %get3A_3692, %sub3A_3693 : vector<8x512xf32>
    %get3A_3695 = arith.constant 312 : index
    %get3A_3696 = arith.constant 0 : index
    %get3A_3697 = vector.load %arg5[%get3A_3695, %get3A_3696] : memref<512x512xf32, #tpu.memory_space<vmem>>, vector<8x512xf32>
    %sub3A_3698 = vector.broadcast %mul3A_2126 : f32 to vector<8x512xf32>
    %sub3A_3699 = arith.subf %get3A_3697, %sub3A_3698 : vector<8x512xf32>
    %get3A_3700 = arith.constant 0 : index
    %get3A_3701 = arith.constant 312 : index
    %get3A_3702 = arith.constant 0 : index
    %get3A_3703 = vector.load %arg2[%get3A_3700, %get3A_3701, %get3A_3702] : memref<1x512x512xf32, #tpu.memory_space<vmem>>, vector<1x8x512xf32>
    %get3A_3704 = vector.shape_cast %get3A_3703 : vector<1x8x512xf32> to vector<8x512xf32>
    %mul3A_3705 = arith.mulf %sub3A_3694, %sub3A_3694 : vector<8x512xf32>
    %mul3A_3706 = arith.mulf %sub3A_3699, %sub3A_3699 : vector<8x512xf32>
    %add3A_3707 = arith.addf %mul3A_3705, %mul3A_3706 : vector<8x512xf32>
    %max3A_3708 = arith.constant 1.000000e-36 : f32
    %max3A_3709 = vector.broadcast %max3A_3708 : f32 to vector<8x512xf32>
    %max3A_3710 = arith.maximumf %add3A_3707, %max3A_3709 : vector<8x512xf32>
    %rsqrt3A_3711 = math.rsqrt %max3A_3710 : vector<8x512xf32>
    %mul3A_3712 = arith.mulf %max3A_3710, %rsqrt3A_3711 : vector<8x512xf32>
    %mul3A_3713 = arith.constant -9.64874458 : f32
    %mul3A_3714 = vector.broadcast %mul3A_3713 : f32 to vector<8x512xf32>
    %mul3A_3715 = arith.mulf %mul3A_3714, %mul3A_3712 : vector<8x512xf32>
    %add3A_3716 = arith.constant 6.73411417 : f32
    %add3A_3717 = vector.broadcast %add3A_3716 : f32 to vector<8x512xf32>
    %add3A_3718 = arith.addf %add3A_3717, %mul3A_3715 : vector<8x512xf32>
    %exp23A_3719 = math.exp2 %add3A_3718 : vector<8x512xf32>
    %add3A_3720 = arith.addf %add3A_3680, %exp23A_3719 : vector<8x512xf32>
    %mul3A_3721 = arith.mulf %exp23A_3719, %exp23A_3719 : vector<8x512xf32>
    %add3A_3722 = arith.addf %add3A_3682, %mul3A_3721 : vector<8x512xf32>
    %mul3A_3723 = arith.mulf %exp23A_3719, %get3A_3704 : vector<8x512xf32>
    %add3A_3724 = arith.addf %add3A_3684, %mul3A_3723 : vector<8x512xf32>
    %add3A_3725 = arith.addf %add3A_3685, %get3A_3704 : vector<8x512xf32>
    %mul3A_3726 = arith.mulf %get3A_3704, %get3A_3704 : vector<8x512xf32>
    %add3A_3727 = arith.addf %add3A_3687, %mul3A_3726 : vector<8x512xf32>
    %min3A_3728 = arith.minimumf %min3A_3688, %exp23A_3719 : vector<8x512xf32>
    %max3A_3729 = arith.maximumf %max3A_3689, %exp23A_3719 : vector<8x512xf32>
    %get3A_3730 = arith.constant 320 : index
    %get3A_3731 = arith.constant 0 : index
    %get3A_3732 = vector.load %arg4[%get3A_3730, %get3A_3731] : memref<512x512xf32, #tpu.memory_space<vmem>>, vector<8x512xf32>
    %sub3A_3733 = vector.broadcast %mul3A_2119 : f32 to vector<8x512xf32>
    %sub3A_3734 = arith.subf %get3A_3732, %sub3A_3733 : vector<8x512xf32>
    %get3A_3735 = arith.constant 320 : index
    %get3A_3736 = arith.constant 0 : index
    %get3A_3737 = vector.load %arg5[%get3A_3735, %get3A_3736] : memref<512x512xf32, #tpu.memory_space<vmem>>, vector<8x512xf32>
    %sub3A_3738 = vector.broadcast %mul3A_2126 : f32 to vector<8x512xf32>
    %sub3A_3739 = arith.subf %get3A_3737, %sub3A_3738 : vector<8x512xf32>
    %get3A_3740 = arith.constant 0 : index
    %get3A_3741 = arith.constant 320 : index
    %get3A_3742 = arith.constant 0 : index
    %get3A_3743 = vector.load %arg2[%get3A_3740, %get3A_3741, %get3A_3742] : memref<1x512x512xf32, #tpu.memory_space<vmem>>, vector<1x8x512xf32>
    %get3A_3744 = vector.shape_cast %get3A_3743 : vector<1x8x512xf32> to vector<8x512xf32>
    %mul3A_3745 = arith.mulf %sub3A_3734, %sub3A_3734 : vector<8x512xf32>
    %mul3A_3746 = arith.mulf %sub3A_3739, %sub3A_3739 : vector<8x512xf32>
    %add3A_3747 = arith.addf %mul3A_3745, %mul3A_3746 : vector<8x512xf32>
    %max3A_3748 = arith.constant 1.000000e-36 : f32
    %max3A_3749 = vector.broadcast %max3A_3748 : f32 to vector<8x512xf32>
    %max3A_3750 = arith.maximumf %add3A_3747, %max3A_3749 : vector<8x512xf32>
    %rsqrt3A_3751 = math.rsqrt %max3A_3750 : vector<8x512xf32>
    %mul3A_3752 = arith.mulf %max3A_3750, %rsqrt3A_3751 : vector<8x512xf32>
    %mul3A_3753 = arith.constant -9.64874458 : f32
    %mul3A_3754 = vector.broadcast %mul3A_3753 : f32 to vector<8x512xf32>
    %mul3A_3755 = arith.mulf %mul3A_3754, %mul3A_3752 : vector<8x512xf32>
    %add3A_3756 = arith.constant 6.73411417 : f32
    %add3A_3757 = vector.broadcast %add3A_3756 : f32 to vector<8x512xf32>
    %add3A_3758 = arith.addf %add3A_3757, %mul3A_3755 : vector<8x512xf32>
    %exp23A_3759 = math.exp2 %add3A_3758 : vector<8x512xf32>
    %add3A_3760 = arith.addf %add3A_3720, %exp23A_3759 : vector<8x512xf32>
    %mul3A_3761 = arith.mulf %exp23A_3759, %exp23A_3759 : vector<8x512xf32>
    %add3A_3762 = arith.addf %add3A_3722, %mul3A_3761 : vector<8x512xf32>
    %mul3A_3763 = arith.mulf %exp23A_3759, %get3A_3744 : vector<8x512xf32>
    %add3A_3764 = arith.addf %add3A_3724, %mul3A_3763 : vector<8x512xf32>
    %add3A_3765 = arith.addf %add3A_3725, %get3A_3744 : vector<8x512xf32>
    %mul3A_3766 = arith.mulf %get3A_3744, %get3A_3744 : vector<8x512xf32>
    %add3A_3767 = arith.addf %add3A_3727, %mul3A_3766 : vector<8x512xf32>
    %min3A_3768 = arith.minimumf %min3A_3728, %exp23A_3759 : vector<8x512xf32>
    %max3A_3769 = arith.maximumf %max3A_3729, %exp23A_3759 : vector<8x512xf32>
    %get3A_3770 = arith.constant 328 : index
    %get3A_3771 = arith.constant 0 : index
    %get3A_3772 = vector.load %arg4[%get3A_3770, %get3A_3771] : memref<512x512xf32, #tpu.memory_space<vmem>>, vector<8x512xf32>
    %sub3A_3773 = vector.broadcast %mul3A_2119 : f32 to vector<8x512xf32>
    %sub3A_3774 = arith.subf %get3A_3772, %sub3A_3773 : vector<8x512xf32>
    %get3A_3775 = arith.constant 328 : index
    %get3A_3776 = arith.constant 0 : index
    %get3A_3777 = vector.load %arg5[%get3A_3775, %get3A_3776] : memref<512x512xf32, #tpu.memory_space<vmem>>, vector<8x512xf32>
    %sub3A_3778 = vector.broadcast %mul3A_2126 : f32 to vector<8x512xf32>
    %sub3A_3779 = arith.subf %get3A_3777, %sub3A_3778 : vector<8x512xf32>
    %get3A_3780 = arith.constant 0 : index
    %get3A_3781 = arith.constant 328 : index
    %get3A_3782 = arith.constant 0 : index
    %get3A_3783 = vector.load %arg2[%get3A_3780, %get3A_3781, %get3A_3782] : memref<1x512x512xf32, #tpu.memory_space<vmem>>, vector<1x8x512xf32>
    %get3A_3784 = vector.shape_cast %get3A_3783 : vector<1x8x512xf32> to vector<8x512xf32>
    %mul3A_3785 = arith.mulf %sub3A_3774, %sub3A_3774 : vector<8x512xf32>
    %mul3A_3786 = arith.mulf %sub3A_3779, %sub3A_3779 : vector<8x512xf32>
    %add3A_3787 = arith.addf %mul3A_3785, %mul3A_3786 : vector<8x512xf32>
    %max3A_3788 = arith.constant 1.000000e-36 : f32
    %max3A_3789 = vector.broadcast %max3A_3788 : f32 to vector<8x512xf32>
    %max3A_3790 = arith.maximumf %add3A_3787, %max3A_3789 : vector<8x512xf32>
    %rsqrt3A_3791 = math.rsqrt %max3A_3790 : vector<8x512xf32>
    %mul3A_3792 = arith.mulf %max3A_3790, %rsqrt3A_3791 : vector<8x512xf32>
    %mul3A_3793 = arith.constant -9.64874458 : f32
    %mul3A_3794 = vector.broadcast %mul3A_3793 : f32 to vector<8x512xf32>
    %mul3A_3795 = arith.mulf %mul3A_3794, %mul3A_3792 : vector<8x512xf32>
    %add3A_3796 = arith.constant 6.73411417 : f32
    %add3A_3797 = vector.broadcast %add3A_3796 : f32 to vector<8x512xf32>
    %add3A_3798 = arith.addf %add3A_3797, %mul3A_3795 : vector<8x512xf32>
    %exp23A_3799 = math.exp2 %add3A_3798 : vector<8x512xf32>
    %add3A_3800 = arith.addf %add3A_3760, %exp23A_3799 : vector<8x512xf32>
    %mul3A_3801 = arith.mulf %exp23A_3799, %exp23A_3799 : vector<8x512xf32>
    %add3A_3802 = arith.addf %add3A_3762, %mul3A_3801 : vector<8x512xf32>
    %mul3A_3803 = arith.mulf %exp23A_3799, %get3A_3784 : vector<8x512xf32>
    %add3A_3804 = arith.addf %add3A_3764, %mul3A_3803 : vector<8x512xf32>
    %add3A_3805 = arith.addf %add3A_3765, %get3A_3784 : vector<8x512xf32>
    %mul3A_3806 = arith.mulf %get3A_3784, %get3A_3784 : vector<8x512xf32>
    %add3A_3807 = arith.addf %add3A_3767, %mul3A_3806 : vector<8x512xf32>
    %min3A_3808 = arith.minimumf %min3A_3768, %exp23A_3799 : vector<8x512xf32>
    %max3A_3809 = arith.maximumf %max3A_3769, %exp23A_3799 : vector<8x512xf32>
    %get3A_3810 = arith.constant 336 : index
    %get3A_3811 = arith.constant 0 : index
    %get3A_3812 = vector.load %arg4[%get3A_3810, %get3A_3811] : memref<512x512xf32, #tpu.memory_space<vmem>>, vector<8x512xf32>
    %sub3A_3813 = vector.broadcast %mul3A_2119 : f32 to vector<8x512xf32>
    %sub3A_3814 = arith.subf %get3A_3812, %sub3A_3813 : vector<8x512xf32>
    %get3A_3815 = arith.constant 336 : index
    %get3A_3816 = arith.constant 0 : index
    %get3A_3817 = vector.load %arg5[%get3A_3815, %get3A_3816] : memref<512x512xf32, #tpu.memory_space<vmem>>, vector<8x512xf32>
    %sub3A_3818 = vector.broadcast %mul3A_2126 : f32 to vector<8x512xf32>
    %sub3A_3819 = arith.subf %get3A_3817, %sub3A_3818 : vector<8x512xf32>
    %get3A_3820 = arith.constant 0 : index
    %get3A_3821 = arith.constant 336 : index
    %get3A_3822 = arith.constant 0 : index
    %get3A_3823 = vector.load %arg2[%get3A_3820, %get3A_3821, %get3A_3822] : memref<1x512x512xf32, #tpu.memory_space<vmem>>, vector<1x8x512xf32>
    %get3A_3824 = vector.shape_cast %get3A_3823 : vector<1x8x512xf32> to vector<8x512xf32>
    %mul3A_3825 = arith.mulf %sub3A_3814, %sub3A_3814 : vector<8x512xf32>
    %mul3A_3826 = arith.mulf %sub3A_3819, %sub3A_3819 : vector<8x512xf32>
    %add3A_3827 = arith.addf %mul3A_3825, %mul3A_3826 : vector<8x512xf32>
    %max3A_3828 = arith.constant 1.000000e-36 : f32
    %max3A_3829 = vector.broadcast %max3A_3828 : f32 to vector<8x512xf32>
    %max3A_3830 = arith.maximumf %add3A_3827, %max3A_3829 : vector<8x512xf32>
    %rsqrt3A_3831 = math.rsqrt %max3A_3830 : vector<8x512xf32>
    %mul3A_3832 = arith.mulf %max3A_3830, %rsqrt3A_3831 : vector<8x512xf32>
    %mul3A_3833 = arith.constant -9.64874458 : f32
    %mul3A_3834 = vector.broadcast %mul3A_3833 : f32 to vector<8x512xf32>
    %mul3A_3835 = arith.mulf %mul3A_3834, %mul3A_3832 : vector<8x512xf32>
    %add3A_3836 = arith.constant 6.73411417 : f32
    %add3A_3837 = vector.broadcast %add3A_3836 : f32 to vector<8x512xf32>
    %add3A_3838 = arith.addf %add3A_3837, %mul3A_3835 : vector<8x512xf32>
    %exp23A_3839 = math.exp2 %add3A_3838 : vector<8x512xf32>
    %add3A_3840 = arith.addf %add3A_3800, %exp23A_3839 : vector<8x512xf32>
    %mul3A_3841 = arith.mulf %exp23A_3839, %exp23A_3839 : vector<8x512xf32>
    %add3A_3842 = arith.addf %add3A_3802, %mul3A_3841 : vector<8x512xf32>
    %mul3A_3843 = arith.mulf %exp23A_3839, %get3A_3824 : vector<8x512xf32>
    %add3A_3844 = arith.addf %add3A_3804, %mul3A_3843 : vector<8x512xf32>
    %add3A_3845 = arith.addf %add3A_3805, %get3A_3824 : vector<8x512xf32>
    %mul3A_3846 = arith.mulf %get3A_3824, %get3A_3824 : vector<8x512xf32>
    %add3A_3847 = arith.addf %add3A_3807, %mul3A_3846 : vector<8x512xf32>
    %min3A_3848 = arith.minimumf %min3A_3808, %exp23A_3839 : vector<8x512xf32>
    %max3A_3849 = arith.maximumf %max3A_3809, %exp23A_3839 : vector<8x512xf32>
    %get3A_3850 = arith.constant 344 : index
    %get3A_3851 = arith.constant 0 : index
    %get3A_3852 = vector.load %arg4[%get3A_3850, %get3A_3851] : memref<512x512xf32, #tpu.memory_space<vmem>>, vector<8x512xf32>
    %sub3A_3853 = vector.broadcast %mul3A_2119 : f32 to vector<8x512xf32>
    %sub3A_3854 = arith.subf %get3A_3852, %sub3A_3853 : vector<8x512xf32>
    %get3A_3855 = arith.constant 344 : index
    %get3A_3856 = arith.constant 0 : index
    %get3A_3857 = vector.load %arg5[%get3A_3855, %get3A_3856] : memref<512x512xf32, #tpu.memory_space<vmem>>, vector<8x512xf32>
    %sub3A_3858 = vector.broadcast %mul3A_2126 : f32 to vector<8x512xf32>
    %sub3A_3859 = arith.subf %get3A_3857, %sub3A_3858 : vector<8x512xf32>
    %get3A_3860 = arith.constant 0 : index
    %get3A_3861 = arith.constant 344 : index
    %get3A_3862 = arith.constant 0 : index
    %get3A_3863 = vector.load %arg2[%get3A_3860, %get3A_3861, %get3A_3862] : memref<1x512x512xf32, #tpu.memory_space<vmem>>, vector<1x8x512xf32>
    %get3A_3864 = vector.shape_cast %get3A_3863 : vector<1x8x512xf32> to vector<8x512xf32>
    %mul3A_3865 = arith.mulf %sub3A_3854, %sub3A_3854 : vector<8x512xf32>
    %mul3A_3866 = arith.mulf %sub3A_3859, %sub3A_3859 : vector<8x512xf32>
    %add3A_3867 = arith.addf %mul3A_3865, %mul3A_3866 : vector<8x512xf32>
    %max3A_3868 = arith.constant 1.000000e-36 : f32
    %max3A_3869 = vector.broadcast %max3A_3868 : f32 to vector<8x512xf32>
    %max3A_3870 = arith.maximumf %add3A_3867, %max3A_3869 : vector<8x512xf32>
    %rsqrt3A_3871 = math.rsqrt %max3A_3870 : vector<8x512xf32>
    %mul3A_3872 = arith.mulf %max3A_3870, %rsqrt3A_3871 : vector<8x512xf32>
    %mul3A_3873 = arith.constant -9.64874458 : f32
    %mul3A_3874 = vector.broadcast %mul3A_3873 : f32 to vector<8x512xf32>
    %mul3A_3875 = arith.mulf %mul3A_3874, %mul3A_3872 : vector<8x512xf32>
    %add3A_3876 = arith.constant 6.73411417 : f32
    %add3A_3877 = vector.broadcast %add3A_3876 : f32 to vector<8x512xf32>
    %add3A_3878 = arith.addf %add3A_3877, %mul3A_3875 : vector<8x512xf32>
    %exp23A_3879 = math.exp2 %add3A_3878 : vector<8x512xf32>
    %add3A_3880 = arith.addf %add3A_3840, %exp23A_3879 : vector<8x512xf32>
    %mul3A_3881 = arith.mulf %exp23A_3879, %exp23A_3879 : vector<8x512xf32>
    %add3A_3882 = arith.addf %add3A_3842, %mul3A_3881 : vector<8x512xf32>
    %mul3A_3883 = arith.mulf %exp23A_3879, %get3A_3864 : vector<8x512xf32>
    %add3A_3884 = arith.addf %add3A_3844, %mul3A_3883 : vector<8x512xf32>
    %add3A_3885 = arith.addf %add3A_3845, %get3A_3864 : vector<8x512xf32>
    %mul3A_3886 = arith.mulf %get3A_3864, %get3A_3864 : vector<8x512xf32>
    %add3A_3887 = arith.addf %add3A_3847, %mul3A_3886 : vector<8x512xf32>
    %min3A_3888 = arith.minimumf %min3A_3848, %exp23A_3879 : vector<8x512xf32>
    %max3A_3889 = arith.maximumf %max3A_3849, %exp23A_3879 : vector<8x512xf32>
    %get3A_3890 = arith.constant 352 : index
    %get3A_3891 = arith.constant 0 : index
    %get3A_3892 = vector.load %arg4[%get3A_3890, %get3A_3891] : memref<512x512xf32, #tpu.memory_space<vmem>>, vector<8x512xf32>
    %sub3A_3893 = vector.broadcast %mul3A_2119 : f32 to vector<8x512xf32>
    %sub3A_3894 = arith.subf %get3A_3892, %sub3A_3893 : vector<8x512xf32>
    %get3A_3895 = arith.constant 352 : index
    %get3A_3896 = arith.constant 0 : index
    %get3A_3897 = vector.load %arg5[%get3A_3895, %get3A_3896] : memref<512x512xf32, #tpu.memory_space<vmem>>, vector<8x512xf32>
    %sub3A_3898 = vector.broadcast %mul3A_2126 : f32 to vector<8x512xf32>
    %sub3A_3899 = arith.subf %get3A_3897, %sub3A_3898 : vector<8x512xf32>
    %get3A_3900 = arith.constant 0 : index
    %get3A_3901 = arith.constant 352 : index
    %get3A_3902 = arith.constant 0 : index
    %get3A_3903 = vector.load %arg2[%get3A_3900, %get3A_3901, %get3A_3902] : memref<1x512x512xf32, #tpu.memory_space<vmem>>, vector<1x8x512xf32>
    %get3A_3904 = vector.shape_cast %get3A_3903 : vector<1x8x512xf32> to vector<8x512xf32>
    %mul3A_3905 = arith.mulf %sub3A_3894, %sub3A_3894 : vector<8x512xf32>
    %mul3A_3906 = arith.mulf %sub3A_3899, %sub3A_3899 : vector<8x512xf32>
    %add3A_3907 = arith.addf %mul3A_3905, %mul3A_3906 : vector<8x512xf32>
    %max3A_3908 = arith.constant 1.000000e-36 : f32
    %max3A_3909 = vector.broadcast %max3A_3908 : f32 to vector<8x512xf32>
    %max3A_3910 = arith.maximumf %add3A_3907, %max3A_3909 : vector<8x512xf32>
    %rsqrt3A_3911 = math.rsqrt %max3A_3910 : vector<8x512xf32>
    %mul3A_3912 = arith.mulf %max3A_3910, %rsqrt3A_3911 : vector<8x512xf32>
    %mul3A_3913 = arith.constant -9.64874458 : f32
    %mul3A_3914 = vector.broadcast %mul3A_3913 : f32 to vector<8x512xf32>
    %mul3A_3915 = arith.mulf %mul3A_3914, %mul3A_3912 : vector<8x512xf32>
    %add3A_3916 = arith.constant 6.73411417 : f32
    %add3A_3917 = vector.broadcast %add3A_3916 : f32 to vector<8x512xf32>
    %add3A_3918 = arith.addf %add3A_3917, %mul3A_3915 : vector<8x512xf32>
    %exp23A_3919 = math.exp2 %add3A_3918 : vector<8x512xf32>
    %add3A_3920 = arith.addf %add3A_3880, %exp23A_3919 : vector<8x512xf32>
    %mul3A_3921 = arith.mulf %exp23A_3919, %exp23A_3919 : vector<8x512xf32>
    %add3A_3922 = arith.addf %add3A_3882, %mul3A_3921 : vector<8x512xf32>
    %mul3A_3923 = arith.mulf %exp23A_3919, %get3A_3904 : vector<8x512xf32>
    %add3A_3924 = arith.addf %add3A_3884, %mul3A_3923 : vector<8x512xf32>
    %add3A_3925 = arith.addf %add3A_3885, %get3A_3904 : vector<8x512xf32>
    %mul3A_3926 = arith.mulf %get3A_3904, %get3A_3904 : vector<8x512xf32>
    %add3A_3927 = arith.addf %add3A_3887, %mul3A_3926 : vector<8x512xf32>
    %min3A_3928 = arith.minimumf %min3A_3888, %exp23A_3919 : vector<8x512xf32>
    %max3A_3929 = arith.maximumf %max3A_3889, %exp23A_3919 : vector<8x512xf32>
    %get3A_3930 = arith.constant 360 : index
    %get3A_3931 = arith.constant 0 : index
    %get3A_3932 = vector.load %arg4[%get3A_3930, %get3A_3931] : memref<512x512xf32, #tpu.memory_space<vmem>>, vector<8x512xf32>
    %sub3A_3933 = vector.broadcast %mul3A_2119 : f32 to vector<8x512xf32>
    %sub3A_3934 = arith.subf %get3A_3932, %sub3A_3933 : vector<8x512xf32>
    %get3A_3935 = arith.constant 360 : index
    %get3A_3936 = arith.constant 0 : index
    %get3A_3937 = vector.load %arg5[%get3A_3935, %get3A_3936] : memref<512x512xf32, #tpu.memory_space<vmem>>, vector<8x512xf32>
    %sub3A_3938 = vector.broadcast %mul3A_2126 : f32 to vector<8x512xf32>
    %sub3A_3939 = arith.subf %get3A_3937, %sub3A_3938 : vector<8x512xf32>
    %get3A_3940 = arith.constant 0 : index
    %get3A_3941 = arith.constant 360 : index
    %get3A_3942 = arith.constant 0 : index
    %get3A_3943 = vector.load %arg2[%get3A_3940, %get3A_3941, %get3A_3942] : memref<1x512x512xf32, #tpu.memory_space<vmem>>, vector<1x8x512xf32>
    %get3A_3944 = vector.shape_cast %get3A_3943 : vector<1x8x512xf32> to vector<8x512xf32>
    %mul3A_3945 = arith.mulf %sub3A_3934, %sub3A_3934 : vector<8x512xf32>
    %mul3A_3946 = arith.mulf %sub3A_3939, %sub3A_3939 : vector<8x512xf32>
    %add3A_3947 = arith.addf %mul3A_3945, %mul3A_3946 : vector<8x512xf32>
    %max3A_3948 = arith.constant 1.000000e-36 : f32
    %max3A_3949 = vector.broadcast %max3A_3948 : f32 to vector<8x512xf32>
    %max3A_3950 = arith.maximumf %add3A_3947, %max3A_3949 : vector<8x512xf32>
    %rsqrt3A_3951 = math.rsqrt %max3A_3950 : vector<8x512xf32>
    %mul3A_3952 = arith.mulf %max3A_3950, %rsqrt3A_3951 : vector<8x512xf32>
    %mul3A_3953 = arith.constant -9.64874458 : f32
    %mul3A_3954 = vector.broadcast %mul3A_3953 : f32 to vector<8x512xf32>
    %mul3A_3955 = arith.mulf %mul3A_3954, %mul3A_3952 : vector<8x512xf32>
    %add3A_3956 = arith.constant 6.73411417 : f32
    %add3A_3957 = vector.broadcast %add3A_3956 : f32 to vector<8x512xf32>
    %add3A_3958 = arith.addf %add3A_3957, %mul3A_3955 : vector<8x512xf32>
    %exp23A_3959 = math.exp2 %add3A_3958 : vector<8x512xf32>
    %add3A_3960 = arith.addf %add3A_3920, %exp23A_3959 : vector<8x512xf32>
    %mul3A_3961 = arith.mulf %exp23A_3959, %exp23A_3959 : vector<8x512xf32>
    %add3A_3962 = arith.addf %add3A_3922, %mul3A_3961 : vector<8x512xf32>
    %mul3A_3963 = arith.mulf %exp23A_3959, %get3A_3944 : vector<8x512xf32>
    %add3A_3964 = arith.addf %add3A_3924, %mul3A_3963 : vector<8x512xf32>
    %add3A_3965 = arith.addf %add3A_3925, %get3A_3944 : vector<8x512xf32>
    %mul3A_3966 = arith.mulf %get3A_3944, %get3A_3944 : vector<8x512xf32>
    %add3A_3967 = arith.addf %add3A_3927, %mul3A_3966 : vector<8x512xf32>
    %min3A_3968 = arith.minimumf %min3A_3928, %exp23A_3959 : vector<8x512xf32>
    %max3A_3969 = arith.maximumf %max3A_3929, %exp23A_3959 : vector<8x512xf32>
    %get3A_3970 = arith.constant 368 : index
    %get3A_3971 = arith.constant 0 : index
    %get3A_3972 = vector.load %arg4[%get3A_3970, %get3A_3971] : memref<512x512xf32, #tpu.memory_space<vmem>>, vector<8x512xf32>
    %sub3A_3973 = vector.broadcast %mul3A_2119 : f32 to vector<8x512xf32>
    %sub3A_3974 = arith.subf %get3A_3972, %sub3A_3973 : vector<8x512xf32>
    %get3A_3975 = arith.constant 368 : index
    %get3A_3976 = arith.constant 0 : index
    %get3A_3977 = vector.load %arg5[%get3A_3975, %get3A_3976] : memref<512x512xf32, #tpu.memory_space<vmem>>, vector<8x512xf32>
    %sub3A_3978 = vector.broadcast %mul3A_2126 : f32 to vector<8x512xf32>
    %sub3A_3979 = arith.subf %get3A_3977, %sub3A_3978 : vector<8x512xf32>
    %get3A_3980 = arith.constant 0 : index
    %get3A_3981 = arith.constant 368 : index
    %get3A_3982 = arith.constant 0 : index
    %get3A_3983 = vector.load %arg2[%get3A_3980, %get3A_3981, %get3A_3982] : memref<1x512x512xf32, #tpu.memory_space<vmem>>, vector<1x8x512xf32>
    %get3A_3984 = vector.shape_cast %get3A_3983 : vector<1x8x512xf32> to vector<8x512xf32>
    %mul3A_3985 = arith.mulf %sub3A_3974, %sub3A_3974 : vector<8x512xf32>
    %mul3A_3986 = arith.mulf %sub3A_3979, %sub3A_3979 : vector<8x512xf32>
    %add3A_3987 = arith.addf %mul3A_3985, %mul3A_3986 : vector<8x512xf32>
    %max3A_3988 = arith.constant 1.000000e-36 : f32
    %max3A_3989 = vector.broadcast %max3A_3988 : f32 to vector<8x512xf32>
    %max3A_3990 = arith.maximumf %add3A_3987, %max3A_3989 : vector<8x512xf32>
    %rsqrt3A_3991 = math.rsqrt %max3A_3990 : vector<8x512xf32>
    %mul3A_3992 = arith.mulf %max3A_3990, %rsqrt3A_3991 : vector<8x512xf32>
    %mul3A_3993 = arith.constant -9.64874458 : f32
    %mul3A_3994 = vector.broadcast %mul3A_3993 : f32 to vector<8x512xf32>
    %mul3A_3995 = arith.mulf %mul3A_3994, %mul3A_3992 : vector<8x512xf32>
    %add3A_3996 = arith.constant 6.73411417 : f32
    %add3A_3997 = vector.broadcast %add3A_3996 : f32 to vector<8x512xf32>
    %add3A_3998 = arith.addf %add3A_3997, %mul3A_3995 : vector<8x512xf32>
    %exp23A_3999 = math.exp2 %add3A_3998 : vector<8x512xf32>
    %add3A_4000 = arith.addf %add3A_3960, %exp23A_3999 : vector<8x512xf32>
    %mul3A_4001 = arith.mulf %exp23A_3999, %exp23A_3999 : vector<8x512xf32>
    %add3A_4002 = arith.addf %add3A_3962, %mul3A_4001 : vector<8x512xf32>
    %mul3A_4003 = arith.mulf %exp23A_3999, %get3A_3984 : vector<8x512xf32>
    %add3A_4004 = arith.addf %add3A_3964, %mul3A_4003 : vector<8x512xf32>
    %add3A_4005 = arith.addf %add3A_3965, %get3A_3984 : vector<8x512xf32>
    %mul3A_4006 = arith.mulf %get3A_3984, %get3A_3984 : vector<8x512xf32>
    %add3A_4007 = arith.addf %add3A_3967, %mul3A_4006 : vector<8x512xf32>
    %min3A_4008 = arith.minimumf %min3A_3968, %exp23A_3999 : vector<8x512xf32>
    %max3A_4009 = arith.maximumf %max3A_3969, %exp23A_3999 : vector<8x512xf32>
    %get3A_4010 = arith.constant 376 : index
    %get3A_4011 = arith.constant 0 : index
    %get3A_4012 = vector.load %arg4[%get3A_4010, %get3A_4011] : memref<512x512xf32, #tpu.memory_space<vmem>>, vector<8x512xf32>
    %sub3A_4013 = vector.broadcast %mul3A_2119 : f32 to vector<8x512xf32>
    %sub3A_4014 = arith.subf %get3A_4012, %sub3A_4013 : vector<8x512xf32>
    %get3A_4015 = arith.constant 376 : index
    %get3A_4016 = arith.constant 0 : index
    %get3A_4017 = vector.load %arg5[%get3A_4015, %get3A_4016] : memref<512x512xf32, #tpu.memory_space<vmem>>, vector<8x512xf32>
    %sub3A_4018 = vector.broadcast %mul3A_2126 : f32 to vector<8x512xf32>
    %sub3A_4019 = arith.subf %get3A_4017, %sub3A_4018 : vector<8x512xf32>
    %get3A_4020 = arith.constant 0 : index
    %get3A_4021 = arith.constant 376 : index
    %get3A_4022 = arith.constant 0 : index
    %get3A_4023 = vector.load %arg2[%get3A_4020, %get3A_4021, %get3A_4022] : memref<1x512x512xf32, #tpu.memory_space<vmem>>, vector<1x8x512xf32>
    %get3A_4024 = vector.shape_cast %get3A_4023 : vector<1x8x512xf32> to vector<8x512xf32>
    %mul3A_4025 = arith.mulf %sub3A_4014, %sub3A_4014 : vector<8x512xf32>
    %mul3A_4026 = arith.mulf %sub3A_4019, %sub3A_4019 : vector<8x512xf32>
    %add3A_4027 = arith.addf %mul3A_4025, %mul3A_4026 : vector<8x512xf32>
    %max3A_4028 = arith.constant 1.000000e-36 : f32
    %max3A_4029 = vector.broadcast %max3A_4028 : f32 to vector<8x512xf32>
    %max3A_4030 = arith.maximumf %add3A_4027, %max3A_4029 : vector<8x512xf32>
    %rsqrt3A_4031 = math.rsqrt %max3A_4030 : vector<8x512xf32>
    %mul3A_4032 = arith.mulf %max3A_4030, %rsqrt3A_4031 : vector<8x512xf32>
    %mul3A_4033 = arith.constant -9.64874458 : f32
    %mul3A_4034 = vector.broadcast %mul3A_4033 : f32 to vector<8x512xf32>
    %mul3A_4035 = arith.mulf %mul3A_4034, %mul3A_4032 : vector<8x512xf32>
    %add3A_4036 = arith.constant 6.73411417 : f32
    %add3A_4037 = vector.broadcast %add3A_4036 : f32 to vector<8x512xf32>
    %add3A_4038 = arith.addf %add3A_4037, %mul3A_4035 : vector<8x512xf32>
    %exp23A_4039 = math.exp2 %add3A_4038 : vector<8x512xf32>
    %add3A_4040 = arith.addf %add3A_4000, %exp23A_4039 : vector<8x512xf32>
    %mul3A_4041 = arith.mulf %exp23A_4039, %exp23A_4039 : vector<8x512xf32>
    %add3A_4042 = arith.addf %add3A_4002, %mul3A_4041 : vector<8x512xf32>
    %mul3A_4043 = arith.mulf %exp23A_4039, %get3A_4024 : vector<8x512xf32>
    %add3A_4044 = arith.addf %add3A_4004, %mul3A_4043 : vector<8x512xf32>
    %add3A_4045 = arith.addf %add3A_4005, %get3A_4024 : vector<8x512xf32>
    %mul3A_4046 = arith.mulf %get3A_4024, %get3A_4024 : vector<8x512xf32>
    %add3A_4047 = arith.addf %add3A_4007, %mul3A_4046 : vector<8x512xf32>
    %min3A_4048 = arith.minimumf %min3A_4008, %exp23A_4039 : vector<8x512xf32>
    %max3A_4049 = arith.maximumf %max3A_4009, %exp23A_4039 : vector<8x512xf32>
    %get3A_4050 = arith.constant 384 : index
    %get3A_4051 = arith.constant 0 : index
    %get3A_4052 = vector.load %arg4[%get3A_4050, %get3A_4051] : memref<512x512xf32, #tpu.memory_space<vmem>>, vector<8x512xf32>
    %sub3A_4053 = vector.broadcast %mul3A_2119 : f32 to vector<8x512xf32>
    %sub3A_4054 = arith.subf %get3A_4052, %sub3A_4053 : vector<8x512xf32>
    %get3A_4055 = arith.constant 384 : index
    %get3A_4056 = arith.constant 0 : index
    %get3A_4057 = vector.load %arg5[%get3A_4055, %get3A_4056] : memref<512x512xf32, #tpu.memory_space<vmem>>, vector<8x512xf32>
    %sub3A_4058 = vector.broadcast %mul3A_2126 : f32 to vector<8x512xf32>
    %sub3A_4059 = arith.subf %get3A_4057, %sub3A_4058 : vector<8x512xf32>
    %get3A_4060 = arith.constant 0 : index
    %get3A_4061 = arith.constant 384 : index
    %get3A_4062 = arith.constant 0 : index
    %get3A_4063 = vector.load %arg2[%get3A_4060, %get3A_4061, %get3A_4062] : memref<1x512x512xf32, #tpu.memory_space<vmem>>, vector<1x8x512xf32>
    %get3A_4064 = vector.shape_cast %get3A_4063 : vector<1x8x512xf32> to vector<8x512xf32>
    %mul3A_4065 = arith.mulf %sub3A_4054, %sub3A_4054 : vector<8x512xf32>
    %mul3A_4066 = arith.mulf %sub3A_4059, %sub3A_4059 : vector<8x512xf32>
    %add3A_4067 = arith.addf %mul3A_4065, %mul3A_4066 : vector<8x512xf32>
    %max3A_4068 = arith.constant 1.000000e-36 : f32
    %max3A_4069 = vector.broadcast %max3A_4068 : f32 to vector<8x512xf32>
    %max3A_4070 = arith.maximumf %add3A_4067, %max3A_4069 : vector<8x512xf32>
    %rsqrt3A_4071 = math.rsqrt %max3A_4070 : vector<8x512xf32>
    %mul3A_4072 = arith.mulf %max3A_4070, %rsqrt3A_4071 : vector<8x512xf32>
    %mul3A_4073 = arith.constant -9.64874458 : f32
    %mul3A_4074 = vector.broadcast %mul3A_4073 : f32 to vector<8x512xf32>
    %mul3A_4075 = arith.mulf %mul3A_4074, %mul3A_4072 : vector<8x512xf32>
    %add3A_4076 = arith.constant 6.73411417 : f32
    %add3A_4077 = vector.broadcast %add3A_4076 : f32 to vector<8x512xf32>
    %add3A_4078 = arith.addf %add3A_4077, %mul3A_4075 : vector<8x512xf32>
    %exp23A_4079 = math.exp2 %add3A_4078 : vector<8x512xf32>
    %add3A_4080 = arith.addf %add3A_4040, %exp23A_4079 : vector<8x512xf32>
    %mul3A_4081 = arith.mulf %exp23A_4079, %exp23A_4079 : vector<8x512xf32>
    %add3A_4082 = arith.addf %add3A_4042, %mul3A_4081 : vector<8x512xf32>
    %mul3A_4083 = arith.mulf %exp23A_4079, %get3A_4064 : vector<8x512xf32>
    %add3A_4084 = arith.addf %add3A_4044, %mul3A_4083 : vector<8x512xf32>
    %add3A_4085 = arith.addf %add3A_4045, %get3A_4064 : vector<8x512xf32>
    %mul3A_4086 = arith.mulf %get3A_4064, %get3A_4064 : vector<8x512xf32>
    %add3A_4087 = arith.addf %add3A_4047, %mul3A_4086 : vector<8x512xf32>
    %min3A_4088 = arith.minimumf %min3A_4048, %exp23A_4079 : vector<8x512xf32>
    %max3A_4089 = arith.maximumf %max3A_4049, %exp23A_4079 : vector<8x512xf32>
    %get3A_4090 = arith.constant 392 : index
    %get3A_4091 = arith.constant 0 : index
    %get3A_4092 = vector.load %arg4[%get3A_4090, %get3A_4091] : memref<512x512xf32, #tpu.memory_space<vmem>>, vector<8x512xf32>
    %sub3A_4093 = vector.broadcast %mul3A_2119 : f32 to vector<8x512xf32>
    %sub3A_4094 = arith.subf %get3A_4092, %sub3A_4093 : vector<8x512xf32>
    %get3A_4095 = arith.constant 392 : index
    %get3A_4096 = arith.constant 0 : index
    %get3A_4097 = vector.load %arg5[%get3A_4095, %get3A_4096] : memref<512x512xf32, #tpu.memory_space<vmem>>, vector<8x512xf32>
    %sub3A_4098 = vector.broadcast %mul3A_2126 : f32 to vector<8x512xf32>
    %sub3A_4099 = arith.subf %get3A_4097, %sub3A_4098 : vector<8x512xf32>
    %get3A_4100 = arith.constant 0 : index
    %get3A_4101 = arith.constant 392 : index
    %get3A_4102 = arith.constant 0 : index
    %get3A_4103 = vector.load %arg2[%get3A_4100, %get3A_4101, %get3A_4102] : memref<1x512x512xf32, #tpu.memory_space<vmem>>, vector<1x8x512xf32>
    %get3A_4104 = vector.shape_cast %get3A_4103 : vector<1x8x512xf32> to vector<8x512xf32>
    %mul3A_4105 = arith.mulf %sub3A_4094, %sub3A_4094 : vector<8x512xf32>
    %mul3A_4106 = arith.mulf %sub3A_4099, %sub3A_4099 : vector<8x512xf32>
    %add3A_4107 = arith.addf %mul3A_4105, %mul3A_4106 : vector<8x512xf32>
    %max3A_4108 = arith.constant 1.000000e-36 : f32
    %max3A_4109 = vector.broadcast %max3A_4108 : f32 to vector<8x512xf32>
    %max3A_4110 = arith.maximumf %add3A_4107, %max3A_4109 : vector<8x512xf32>
    %rsqrt3A_4111 = math.rsqrt %max3A_4110 : vector<8x512xf32>
    %mul3A_4112 = arith.mulf %max3A_4110, %rsqrt3A_4111 : vector<8x512xf32>
    %mul3A_4113 = arith.constant -9.64874458 : f32
    %mul3A_4114 = vector.broadcast %mul3A_4113 : f32 to vector<8x512xf32>
    %mul3A_4115 = arith.mulf %mul3A_4114, %mul3A_4112 : vector<8x512xf32>
    %add3A_4116 = arith.constant 6.73411417 : f32
    %add3A_4117 = vector.broadcast %add3A_4116 : f32 to vector<8x512xf32>
    %add3A_4118 = arith.addf %add3A_4117, %mul3A_4115 : vector<8x512xf32>
    %exp23A_4119 = math.exp2 %add3A_4118 : vector<8x512xf32>
    %add3A_4120 = arith.addf %add3A_4080, %exp23A_4119 : vector<8x512xf32>
    %mul3A_4121 = arith.mulf %exp23A_4119, %exp23A_4119 : vector<8x512xf32>
    %add3A_4122 = arith.addf %add3A_4082, %mul3A_4121 : vector<8x512xf32>
    %mul3A_4123 = arith.mulf %exp23A_4119, %get3A_4104 : vector<8x512xf32>
    %add3A_4124 = arith.addf %add3A_4084, %mul3A_4123 : vector<8x512xf32>
    %add3A_4125 = arith.addf %add3A_4085, %get3A_4104 : vector<8x512xf32>
    %mul3A_4126 = arith.mulf %get3A_4104, %get3A_4104 : vector<8x512xf32>
    %add3A_4127 = arith.addf %add3A_4087, %mul3A_4126 : vector<8x512xf32>
    %min3A_4128 = arith.minimumf %min3A_4088, %exp23A_4119 : vector<8x512xf32>
    %max3A_4129 = arith.maximumf %max3A_4089, %exp23A_4119 : vector<8x512xf32>
    %get3A_4130 = arith.constant 400 : index
    %get3A_4131 = arith.constant 0 : index
    %get3A_4132 = vector.load %arg4[%get3A_4130, %get3A_4131] : memref<512x512xf32, #tpu.memory_space<vmem>>, vector<8x512xf32>
    %sub3A_4133 = vector.broadcast %mul3A_2119 : f32 to vector<8x512xf32>
    %sub3A_4134 = arith.subf %get3A_4132, %sub3A_4133 : vector<8x512xf32>
    %get3A_4135 = arith.constant 400 : index
    %get3A_4136 = arith.constant 0 : index
    %get3A_4137 = vector.load %arg5[%get3A_4135, %get3A_4136] : memref<512x512xf32, #tpu.memory_space<vmem>>, vector<8x512xf32>
    %sub3A_4138 = vector.broadcast %mul3A_2126 : f32 to vector<8x512xf32>
    %sub3A_4139 = arith.subf %get3A_4137, %sub3A_4138 : vector<8x512xf32>
    %get3A_4140 = arith.constant 0 : index
    %get3A_4141 = arith.constant 400 : index
    %get3A_4142 = arith.constant 0 : index
    %get3A_4143 = vector.load %arg2[%get3A_4140, %get3A_4141, %get3A_4142] : memref<1x512x512xf32, #tpu.memory_space<vmem>>, vector<1x8x512xf32>
    %get3A_4144 = vector.shape_cast %get3A_4143 : vector<1x8x512xf32> to vector<8x512xf32>
    %mul3A_4145 = arith.mulf %sub3A_4134, %sub3A_4134 : vector<8x512xf32>
    %mul3A_4146 = arith.mulf %sub3A_4139, %sub3A_4139 : vector<8x512xf32>
    %add3A_4147 = arith.addf %mul3A_4145, %mul3A_4146 : vector<8x512xf32>
    %max3A_4148 = arith.constant 1.000000e-36 : f32
    %max3A_4149 = vector.broadcast %max3A_4148 : f32 to vector<8x512xf32>
    %max3A_4150 = arith.maximumf %add3A_4147, %max3A_4149 : vector<8x512xf32>
    %rsqrt3A_4151 = math.rsqrt %max3A_4150 : vector<8x512xf32>
    %mul3A_4152 = arith.mulf %max3A_4150, %rsqrt3A_4151 : vector<8x512xf32>
    %mul3A_4153 = arith.constant -9.64874458 : f32
    %mul3A_4154 = vector.broadcast %mul3A_4153 : f32 to vector<8x512xf32>
    %mul3A_4155 = arith.mulf %mul3A_4154, %mul3A_4152 : vector<8x512xf32>
    %add3A_4156 = arith.constant 6.73411417 : f32
    %add3A_4157 = vector.broadcast %add3A_4156 : f32 to vector<8x512xf32>
    %add3A_4158 = arith.addf %add3A_4157, %mul3A_4155 : vector<8x512xf32>
    %exp23A_4159 = math.exp2 %add3A_4158 : vector<8x512xf32>
    %add3A_4160 = arith.addf %add3A_4120, %exp23A_4159 : vector<8x512xf32>
    %mul3A_4161 = arith.mulf %exp23A_4159, %exp23A_4159 : vector<8x512xf32>
    %add3A_4162 = arith.addf %add3A_4122, %mul3A_4161 : vector<8x512xf32>
    %mul3A_4163 = arith.mulf %exp23A_4159, %get3A_4144 : vector<8x512xf32>
    %add3A_4164 = arith.addf %add3A_4124, %mul3A_4163 : vector<8x512xf32>
    %add3A_4165 = arith.addf %add3A_4125, %get3A_4144 : vector<8x512xf32>
    %mul3A_4166 = arith.mulf %get3A_4144, %get3A_4144 : vector<8x512xf32>
    %add3A_4167 = arith.addf %add3A_4127, %mul3A_4166 : vector<8x512xf32>
    %min3A_4168 = arith.minimumf %min3A_4128, %exp23A_4159 : vector<8x512xf32>
    %max3A_4169 = arith.maximumf %max3A_4129, %exp23A_4159 : vector<8x512xf32>
    %get3A_4170 = arith.constant 408 : index
    %get3A_4171 = arith.constant 0 : index
    %get3A_4172 = vector.load %arg4[%get3A_4170, %get3A_4171] : memref<512x512xf32, #tpu.memory_space<vmem>>, vector<8x512xf32>
    %sub3A_4173 = vector.broadcast %mul3A_2119 : f32 to vector<8x512xf32>
    %sub3A_4174 = arith.subf %get3A_4172, %sub3A_4173 : vector<8x512xf32>
    %get3A_4175 = arith.constant 408 : index
    %get3A_4176 = arith.constant 0 : index
    %get3A_4177 = vector.load %arg5[%get3A_4175, %get3A_4176] : memref<512x512xf32, #tpu.memory_space<vmem>>, vector<8x512xf32>
    %sub3A_4178 = vector.broadcast %mul3A_2126 : f32 to vector<8x512xf32>
    %sub3A_4179 = arith.subf %get3A_4177, %sub3A_4178 : vector<8x512xf32>
    %get3A_4180 = arith.constant 0 : index
    %get3A_4181 = arith.constant 408 : index
    %get3A_4182 = arith.constant 0 : index
    %get3A_4183 = vector.load %arg2[%get3A_4180, %get3A_4181, %get3A_4182] : memref<1x512x512xf32, #tpu.memory_space<vmem>>, vector<1x8x512xf32>
    %get3A_4184 = vector.shape_cast %get3A_4183 : vector<1x8x512xf32> to vector<8x512xf32>
    %mul3A_4185 = arith.mulf %sub3A_4174, %sub3A_4174 : vector<8x512xf32>
    %mul3A_4186 = arith.mulf %sub3A_4179, %sub3A_4179 : vector<8x512xf32>
    %add3A_4187 = arith.addf %mul3A_4185, %mul3A_4186 : vector<8x512xf32>
    %max3A_4188 = arith.constant 1.000000e-36 : f32
    %max3A_4189 = vector.broadcast %max3A_4188 : f32 to vector<8x512xf32>
    %max3A_4190 = arith.maximumf %add3A_4187, %max3A_4189 : vector<8x512xf32>
    %rsqrt3A_4191 = math.rsqrt %max3A_4190 : vector<8x512xf32>
    %mul3A_4192 = arith.mulf %max3A_4190, %rsqrt3A_4191 : vector<8x512xf32>
    %mul3A_4193 = arith.constant -9.64874458 : f32
    %mul3A_4194 = vector.broadcast %mul3A_4193 : f32 to vector<8x512xf32>
    %mul3A_4195 = arith.mulf %mul3A_4194, %mul3A_4192 : vector<8x512xf32>
    %add3A_4196 = arith.constant 6.73411417 : f32
    %add3A_4197 = vector.broadcast %add3A_4196 : f32 to vector<8x512xf32>
    %add3A_4198 = arith.addf %add3A_4197, %mul3A_4195 : vector<8x512xf32>
    %exp23A_4199 = math.exp2 %add3A_4198 : vector<8x512xf32>
    %add3A_4200 = arith.addf %add3A_4160, %exp23A_4199 : vector<8x512xf32>
    %mul3A_4201 = arith.mulf %exp23A_4199, %exp23A_4199 : vector<8x512xf32>
    %add3A_4202 = arith.addf %add3A_4162, %mul3A_4201 : vector<8x512xf32>
    %mul3A_4203 = arith.mulf %exp23A_4199, %get3A_4184 : vector<8x512xf32>
    %add3A_4204 = arith.addf %add3A_4164, %mul3A_4203 : vector<8x512xf32>
    %add3A_4205 = arith.addf %add3A_4165, %get3A_4184 : vector<8x512xf32>
    %mul3A_4206 = arith.mulf %get3A_4184, %get3A_4184 : vector<8x512xf32>
    %add3A_4207 = arith.addf %add3A_4167, %mul3A_4206 : vector<8x512xf32>
    %min3A_4208 = arith.minimumf %min3A_4168, %exp23A_4199 : vector<8x512xf32>
    %max3A_4209 = arith.maximumf %max3A_4169, %exp23A_4199 : vector<8x512xf32>
    %get3A_4210 = arith.constant 416 : index
    %get3A_4211 = arith.constant 0 : index
    %get3A_4212 = vector.load %arg4[%get3A_4210, %get3A_4211] : memref<512x512xf32, #tpu.memory_space<vmem>>, vector<8x512xf32>
    %sub3A_4213 = vector.broadcast %mul3A_2119 : f32 to vector<8x512xf32>
    %sub3A_4214 = arith.subf %get3A_4212, %sub3A_4213 : vector<8x512xf32>
    %get3A_4215 = arith.constant 416 : index
    %get3A_4216 = arith.constant 0 : index
    %get3A_4217 = vector.load %arg5[%get3A_4215, %get3A_4216] : memref<512x512xf32, #tpu.memory_space<vmem>>, vector<8x512xf32>
    %sub3A_4218 = vector.broadcast %mul3A_2126 : f32 to vector<8x512xf32>
    %sub3A_4219 = arith.subf %get3A_4217, %sub3A_4218 : vector<8x512xf32>
    %get3A_4220 = arith.constant 0 : index
    %get3A_4221 = arith.constant 416 : index
    %get3A_4222 = arith.constant 0 : index
    %get3A_4223 = vector.load %arg2[%get3A_4220, %get3A_4221, %get3A_4222] : memref<1x512x512xf32, #tpu.memory_space<vmem>>, vector<1x8x512xf32>
    %get3A_4224 = vector.shape_cast %get3A_4223 : vector<1x8x512xf32> to vector<8x512xf32>
    %mul3A_4225 = arith.mulf %sub3A_4214, %sub3A_4214 : vector<8x512xf32>
    %mul3A_4226 = arith.mulf %sub3A_4219, %sub3A_4219 : vector<8x512xf32>
    %add3A_4227 = arith.addf %mul3A_4225, %mul3A_4226 : vector<8x512xf32>
    %max3A_4228 = arith.constant 1.000000e-36 : f32
    %max3A_4229 = vector.broadcast %max3A_4228 : f32 to vector<8x512xf32>
    %max3A_4230 = arith.maximumf %add3A_4227, %max3A_4229 : vector<8x512xf32>
    %rsqrt3A_4231 = math.rsqrt %max3A_4230 : vector<8x512xf32>
    %mul3A_4232 = arith.mulf %max3A_4230, %rsqrt3A_4231 : vector<8x512xf32>
    %mul3A_4233 = arith.constant -9.64874458 : f32
    %mul3A_4234 = vector.broadcast %mul3A_4233 : f32 to vector<8x512xf32>
    %mul3A_4235 = arith.mulf %mul3A_4234, %mul3A_4232 : vector<8x512xf32>
    %add3A_4236 = arith.constant 6.73411417 : f32
    %add3A_4237 = vector.broadcast %add3A_4236 : f32 to vector<8x512xf32>
    %add3A_4238 = arith.addf %add3A_4237, %mul3A_4235 : vector<8x512xf32>
    %exp23A_4239 = math.exp2 %add3A_4238 : vector<8x512xf32>
    %add3A_4240 = arith.addf %add3A_4200, %exp23A_4239 : vector<8x512xf32>
    %mul3A_4241 = arith.mulf %exp23A_4239, %exp23A_4239 : vector<8x512xf32>
    %add3A_4242 = arith.addf %add3A_4202, %mul3A_4241 : vector<8x512xf32>
    %mul3A_4243 = arith.mulf %exp23A_4239, %get3A_4224 : vector<8x512xf32>
    %add3A_4244 = arith.addf %add3A_4204, %mul3A_4243 : vector<8x512xf32>
    %add3A_4245 = arith.addf %add3A_4205, %get3A_4224 : vector<8x512xf32>
    %mul3A_4246 = arith.mulf %get3A_4224, %get3A_4224 : vector<8x512xf32>
    %add3A_4247 = arith.addf %add3A_4207, %mul3A_4246 : vector<8x512xf32>
    %min3A_4248 = arith.minimumf %min3A_4208, %exp23A_4239 : vector<8x512xf32>
    %max3A_4249 = arith.maximumf %max3A_4209, %exp23A_4239 : vector<8x512xf32>
    %get3A_4250 = arith.constant 424 : index
    %get3A_4251 = arith.constant 0 : index
    %get3A_4252 = vector.load %arg4[%get3A_4250, %get3A_4251] : memref<512x512xf32, #tpu.memory_space<vmem>>, vector<8x512xf32>
    %sub3A_4253 = vector.broadcast %mul3A_2119 : f32 to vector<8x512xf32>
    %sub3A_4254 = arith.subf %get3A_4252, %sub3A_4253 : vector<8x512xf32>
    %get3A_4255 = arith.constant 424 : index
    %get3A_4256 = arith.constant 0 : index
    %get3A_4257 = vector.load %arg5[%get3A_4255, %get3A_4256] : memref<512x512xf32, #tpu.memory_space<vmem>>, vector<8x512xf32>
    %sub3A_4258 = vector.broadcast %mul3A_2126 : f32 to vector<8x512xf32>
    %sub3A_4259 = arith.subf %get3A_4257, %sub3A_4258 : vector<8x512xf32>
    %get3A_4260 = arith.constant 0 : index
    %get3A_4261 = arith.constant 424 : index
    %get3A_4262 = arith.constant 0 : index
    %get3A_4263 = vector.load %arg2[%get3A_4260, %get3A_4261, %get3A_4262] : memref<1x512x512xf32, #tpu.memory_space<vmem>>, vector<1x8x512xf32>
    %get3A_4264 = vector.shape_cast %get3A_4263 : vector<1x8x512xf32> to vector<8x512xf32>
    %mul3A_4265 = arith.mulf %sub3A_4254, %sub3A_4254 : vector<8x512xf32>
    %mul3A_4266 = arith.mulf %sub3A_4259, %sub3A_4259 : vector<8x512xf32>
    %add3A_4267 = arith.addf %mul3A_4265, %mul3A_4266 : vector<8x512xf32>
    %max3A_4268 = arith.constant 1.000000e-36 : f32
    %max3A_4269 = vector.broadcast %max3A_4268 : f32 to vector<8x512xf32>
    %max3A_4270 = arith.maximumf %add3A_4267, %max3A_4269 : vector<8x512xf32>
    %rsqrt3A_4271 = math.rsqrt %max3A_4270 : vector<8x512xf32>
    %mul3A_4272 = arith.mulf %max3A_4270, %rsqrt3A_4271 : vector<8x512xf32>
    %mul3A_4273 = arith.constant -9.64874458 : f32
    %mul3A_4274 = vector.broadcast %mul3A_4273 : f32 to vector<8x512xf32>
    %mul3A_4275 = arith.mulf %mul3A_4274, %mul3A_4272 : vector<8x512xf32>
    %add3A_4276 = arith.constant 6.73411417 : f32
    %add3A_4277 = vector.broadcast %add3A_4276 : f32 to vector<8x512xf32>
    %add3A_4278 = arith.addf %add3A_4277, %mul3A_4275 : vector<8x512xf32>
    %exp23A_4279 = math.exp2 %add3A_4278 : vector<8x512xf32>
    %add3A_4280 = arith.addf %add3A_4240, %exp23A_4279 : vector<8x512xf32>
    %mul3A_4281 = arith.mulf %exp23A_4279, %exp23A_4279 : vector<8x512xf32>
    %add3A_4282 = arith.addf %add3A_4242, %mul3A_4281 : vector<8x512xf32>
    %mul3A_4283 = arith.mulf %exp23A_4279, %get3A_4264 : vector<8x512xf32>
    %add3A_4284 = arith.addf %add3A_4244, %mul3A_4283 : vector<8x512xf32>
    %add3A_4285 = arith.addf %add3A_4245, %get3A_4264 : vector<8x512xf32>
    %mul3A_4286 = arith.mulf %get3A_4264, %get3A_4264 : vector<8x512xf32>
    %add3A_4287 = arith.addf %add3A_4247, %mul3A_4286 : vector<8x512xf32>
    %min3A_4288 = arith.minimumf %min3A_4248, %exp23A_4279 : vector<8x512xf32>
    %max3A_4289 = arith.maximumf %max3A_4249, %exp23A_4279 : vector<8x512xf32>
    %get3A_4290 = arith.constant 432 : index
    %get3A_4291 = arith.constant 0 : index
    %get3A_4292 = vector.load %arg4[%get3A_4290, %get3A_4291] : memref<512x512xf32, #tpu.memory_space<vmem>>, vector<8x512xf32>
    %sub3A_4293 = vector.broadcast %mul3A_2119 : f32 to vector<8x512xf32>
    %sub3A_4294 = arith.subf %get3A_4292, %sub3A_4293 : vector<8x512xf32>
    %get3A_4295 = arith.constant 432 : index
    %get3A_4296 = arith.constant 0 : index
    %get3A_4297 = vector.load %arg5[%get3A_4295, %get3A_4296] : memref<512x512xf32, #tpu.memory_space<vmem>>, vector<8x512xf32>
    %sub3A_4298 = vector.broadcast %mul3A_2126 : f32 to vector<8x512xf32>
    %sub3A_4299 = arith.subf %get3A_4297, %sub3A_4298 : vector<8x512xf32>
    %get3A_4300 = arith.constant 0 : index
    %get3A_4301 = arith.constant 432 : index
    %get3A_4302 = arith.constant 0 : index
    %get3A_4303 = vector.load %arg2[%get3A_4300, %get3A_4301, %get3A_4302] : memref<1x512x512xf32, #tpu.memory_space<vmem>>, vector<1x8x512xf32>
    %get3A_4304 = vector.shape_cast %get3A_4303 : vector<1x8x512xf32> to vector<8x512xf32>
    %mul3A_4305 = arith.mulf %sub3A_4294, %sub3A_4294 : vector<8x512xf32>
    %mul3A_4306 = arith.mulf %sub3A_4299, %sub3A_4299 : vector<8x512xf32>
    %add3A_4307 = arith.addf %mul3A_4305, %mul3A_4306 : vector<8x512xf32>
    %max3A_4308 = arith.constant 1.000000e-36 : f32
    %max3A_4309 = vector.broadcast %max3A_4308 : f32 to vector<8x512xf32>
    %max3A_4310 = arith.maximumf %add3A_4307, %max3A_4309 : vector<8x512xf32>
    %rsqrt3A_4311 = math.rsqrt %max3A_4310 : vector<8x512xf32>
    %mul3A_4312 = arith.mulf %max3A_4310, %rsqrt3A_4311 : vector<8x512xf32>
    %mul3A_4313 = arith.constant -9.64874458 : f32
    %mul3A_4314 = vector.broadcast %mul3A_4313 : f32 to vector<8x512xf32>
    %mul3A_4315 = arith.mulf %mul3A_4314, %mul3A_4312 : vector<8x512xf32>
    %add3A_4316 = arith.constant 6.73411417 : f32
    %add3A_4317 = vector.broadcast %add3A_4316 : f32 to vector<8x512xf32>
    %add3A_4318 = arith.addf %add3A_4317, %mul3A_4315 : vector<8x512xf32>
    %exp23A_4319 = math.exp2 %add3A_4318 : vector<8x512xf32>
    %add3A_4320 = arith.addf %add3A_4280, %exp23A_4319 : vector<8x512xf32>
    %mul3A_4321 = arith.mulf %exp23A_4319, %exp23A_4319 : vector<8x512xf32>
    %add3A_4322 = arith.addf %add3A_4282, %mul3A_4321 : vector<8x512xf32>
    %mul3A_4323 = arith.mulf %exp23A_4319, %get3A_4304 : vector<8x512xf32>
    %add3A_4324 = arith.addf %add3A_4284, %mul3A_4323 : vector<8x512xf32>
    %add3A_4325 = arith.addf %add3A_4285, %get3A_4304 : vector<8x512xf32>
    %mul3A_4326 = arith.mulf %get3A_4304, %get3A_4304 : vector<8x512xf32>
    %add3A_4327 = arith.addf %add3A_4287, %mul3A_4326 : vector<8x512xf32>
    %min3A_4328 = arith.minimumf %min3A_4288, %exp23A_4319 : vector<8x512xf32>
    %max3A_4329 = arith.maximumf %max3A_4289, %exp23A_4319 : vector<8x512xf32>
    %get3A_4330 = arith.constant 440 : index
    %get3A_4331 = arith.constant 0 : index
    %get3A_4332 = vector.load %arg4[%get3A_4330, %get3A_4331] : memref<512x512xf32, #tpu.memory_space<vmem>>, vector<8x512xf32>
    %sub3A_4333 = vector.broadcast %mul3A_2119 : f32 to vector<8x512xf32>
    %sub3A_4334 = arith.subf %get3A_4332, %sub3A_4333 : vector<8x512xf32>
    %get3A_4335 = arith.constant 440 : index
    %get3A_4336 = arith.constant 0 : index
    %get3A_4337 = vector.load %arg5[%get3A_4335, %get3A_4336] : memref<512x512xf32, #tpu.memory_space<vmem>>, vector<8x512xf32>
    %sub3A_4338 = vector.broadcast %mul3A_2126 : f32 to vector<8x512xf32>
    %sub3A_4339 = arith.subf %get3A_4337, %sub3A_4338 : vector<8x512xf32>
    %get3A_4340 = arith.constant 0 : index
    %get3A_4341 = arith.constant 440 : index
    %get3A_4342 = arith.constant 0 : index
    %get3A_4343 = vector.load %arg2[%get3A_4340, %get3A_4341, %get3A_4342] : memref<1x512x512xf32, #tpu.memory_space<vmem>>, vector<1x8x512xf32>
    %get3A_4344 = vector.shape_cast %get3A_4343 : vector<1x8x512xf32> to vector<8x512xf32>
    %mul3A_4345 = arith.mulf %sub3A_4334, %sub3A_4334 : vector<8x512xf32>
    %mul3A_4346 = arith.mulf %sub3A_4339, %sub3A_4339 : vector<8x512xf32>
    %add3A_4347 = arith.addf %mul3A_4345, %mul3A_4346 : vector<8x512xf32>
    %max3A_4348 = arith.constant 1.000000e-36 : f32
    %max3A_4349 = vector.broadcast %max3A_4348 : f32 to vector<8x512xf32>
    %max3A_4350 = arith.maximumf %add3A_4347, %max3A_4349 : vector<8x512xf32>
    %rsqrt3A_4351 = math.rsqrt %max3A_4350 : vector<8x512xf32>
    %mul3A_4352 = arith.mulf %max3A_4350, %rsqrt3A_4351 : vector<8x512xf32>
    %mul3A_4353 = arith.constant -9.64874458 : f32
    %mul3A_4354 = vector.broadcast %mul3A_4353 : f32 to vector<8x512xf32>
    %mul3A_4355 = arith.mulf %mul3A_4354, %mul3A_4352 : vector<8x512xf32>
    %add3A_4356 = arith.constant 6.73411417 : f32
    %add3A_4357 = vector.broadcast %add3A_4356 : f32 to vector<8x512xf32>
    %add3A_4358 = arith.addf %add3A_4357, %mul3A_4355 : vector<8x512xf32>
    %exp23A_4359 = math.exp2 %add3A_4358 : vector<8x512xf32>
    %add3A_4360 = arith.addf %add3A_4320, %exp23A_4359 : vector<8x512xf32>
    %mul3A_4361 = arith.mulf %exp23A_4359, %exp23A_4359 : vector<8x512xf32>
    %add3A_4362 = arith.addf %add3A_4322, %mul3A_4361 : vector<8x512xf32>
    %mul3A_4363 = arith.mulf %exp23A_4359, %get3A_4344 : vector<8x512xf32>
    %add3A_4364 = arith.addf %add3A_4324, %mul3A_4363 : vector<8x512xf32>
    %add3A_4365 = arith.addf %add3A_4325, %get3A_4344 : vector<8x512xf32>
    %mul3A_4366 = arith.mulf %get3A_4344, %get3A_4344 : vector<8x512xf32>
    %add3A_4367 = arith.addf %add3A_4327, %mul3A_4366 : vector<8x512xf32>
    %min3A_4368 = arith.minimumf %min3A_4328, %exp23A_4359 : vector<8x512xf32>
    %max3A_4369 = arith.maximumf %max3A_4329, %exp23A_4359 : vector<8x512xf32>
    %get3A_4370 = arith.constant 448 : index
    %get3A_4371 = arith.constant 0 : index
    %get3A_4372 = vector.load %arg4[%get3A_4370, %get3A_4371] : memref<512x512xf32, #tpu.memory_space<vmem>>, vector<8x512xf32>
    %sub3A_4373 = vector.broadcast %mul3A_2119 : f32 to vector<8x512xf32>
    %sub3A_4374 = arith.subf %get3A_4372, %sub3A_4373 : vector<8x512xf32>
    %get3A_4375 = arith.constant 448 : index
    %get3A_4376 = arith.constant 0 : index
    %get3A_4377 = vector.load %arg5[%get3A_4375, %get3A_4376] : memref<512x512xf32, #tpu.memory_space<vmem>>, vector<8x512xf32>
    %sub3A_4378 = vector.broadcast %mul3A_2126 : f32 to vector<8x512xf32>
    %sub3A_4379 = arith.subf %get3A_4377, %sub3A_4378 : vector<8x512xf32>
    %get3A_4380 = arith.constant 0 : index
    %get3A_4381 = arith.constant 448 : index
    %get3A_4382 = arith.constant 0 : index
    %get3A_4383 = vector.load %arg2[%get3A_4380, %get3A_4381, %get3A_4382] : memref<1x512x512xf32, #tpu.memory_space<vmem>>, vector<1x8x512xf32>
    %get3A_4384 = vector.shape_cast %get3A_4383 : vector<1x8x512xf32> to vector<8x512xf32>
    %mul3A_4385 = arith.mulf %sub3A_4374, %sub3A_4374 : vector<8x512xf32>
    %mul3A_4386 = arith.mulf %sub3A_4379, %sub3A_4379 : vector<8x512xf32>
    %add3A_4387 = arith.addf %mul3A_4385, %mul3A_4386 : vector<8x512xf32>
    %max3A_4388 = arith.constant 1.000000e-36 : f32
    %max3A_4389 = vector.broadcast %max3A_4388 : f32 to vector<8x512xf32>
    %max3A_4390 = arith.maximumf %add3A_4387, %max3A_4389 : vector<8x512xf32>
    %rsqrt3A_4391 = math.rsqrt %max3A_4390 : vector<8x512xf32>
    %mul3A_4392 = arith.mulf %max3A_4390, %rsqrt3A_4391 : vector<8x512xf32>
    %mul3A_4393 = arith.constant -9.64874458 : f32
    %mul3A_4394 = vector.broadcast %mul3A_4393 : f32 to vector<8x512xf32>
    %mul3A_4395 = arith.mulf %mul3A_4394, %mul3A_4392 : vector<8x512xf32>
    %add3A_4396 = arith.constant 6.73411417 : f32
    %add3A_4397 = vector.broadcast %add3A_4396 : f32 to vector<8x512xf32>
    %add3A_4398 = arith.addf %add3A_4397, %mul3A_4395 : vector<8x512xf32>
    %exp23A_4399 = math.exp2 %add3A_4398 : vector<8x512xf32>
    %add3A_4400 = arith.addf %add3A_4360, %exp23A_4399 : vector<8x512xf32>
    %mul3A_4401 = arith.mulf %exp23A_4399, %exp23A_4399 : vector<8x512xf32>
    %add3A_4402 = arith.addf %add3A_4362, %mul3A_4401 : vector<8x512xf32>
    %mul3A_4403 = arith.mulf %exp23A_4399, %get3A_4384 : vector<8x512xf32>
    %add3A_4404 = arith.addf %add3A_4364, %mul3A_4403 : vector<8x512xf32>
    %add3A_4405 = arith.addf %add3A_4365, %get3A_4384 : vector<8x512xf32>
    %mul3A_4406 = arith.mulf %get3A_4384, %get3A_4384 : vector<8x512xf32>
    %add3A_4407 = arith.addf %add3A_4367, %mul3A_4406 : vector<8x512xf32>
    %min3A_4408 = arith.minimumf %min3A_4368, %exp23A_4399 : vector<8x512xf32>
    %max3A_4409 = arith.maximumf %max3A_4369, %exp23A_4399 : vector<8x512xf32>
    %get3A_4410 = arith.constant 456 : index
    %get3A_4411 = arith.constant 0 : index
    %get3A_4412 = vector.load %arg4[%get3A_4410, %get3A_4411] : memref<512x512xf32, #tpu.memory_space<vmem>>, vector<8x512xf32>
    %sub3A_4413 = vector.broadcast %mul3A_2119 : f32 to vector<8x512xf32>
    %sub3A_4414 = arith.subf %get3A_4412, %sub3A_4413 : vector<8x512xf32>
    %get3A_4415 = arith.constant 456 : index
    %get3A_4416 = arith.constant 0 : index
    %get3A_4417 = vector.load %arg5[%get3A_4415, %get3A_4416] : memref<512x512xf32, #tpu.memory_space<vmem>>, vector<8x512xf32>
    %sub3A_4418 = vector.broadcast %mul3A_2126 : f32 to vector<8x512xf32>
    %sub3A_4419 = arith.subf %get3A_4417, %sub3A_4418 : vector<8x512xf32>
    %get3A_4420 = arith.constant 0 : index
    %get3A_4421 = arith.constant 456 : index
    %get3A_4422 = arith.constant 0 : index
    %get3A_4423 = vector.load %arg2[%get3A_4420, %get3A_4421, %get3A_4422] : memref<1x512x512xf32, #tpu.memory_space<vmem>>, vector<1x8x512xf32>
    %get3A_4424 = vector.shape_cast %get3A_4423 : vector<1x8x512xf32> to vector<8x512xf32>
    %mul3A_4425 = arith.mulf %sub3A_4414, %sub3A_4414 : vector<8x512xf32>
    %mul3A_4426 = arith.mulf %sub3A_4419, %sub3A_4419 : vector<8x512xf32>
    %add3A_4427 = arith.addf %mul3A_4425, %mul3A_4426 : vector<8x512xf32>
    %max3A_4428 = arith.constant 1.000000e-36 : f32
    %max3A_4429 = vector.broadcast %max3A_4428 : f32 to vector<8x512xf32>
    %max3A_4430 = arith.maximumf %add3A_4427, %max3A_4429 : vector<8x512xf32>
    %rsqrt3A_4431 = math.rsqrt %max3A_4430 : vector<8x512xf32>
    %mul3A_4432 = arith.mulf %max3A_4430, %rsqrt3A_4431 : vector<8x512xf32>
    %mul3A_4433 = arith.constant -9.64874458 : f32
    %mul3A_4434 = vector.broadcast %mul3A_4433 : f32 to vector<8x512xf32>
    %mul3A_4435 = arith.mulf %mul3A_4434, %mul3A_4432 : vector<8x512xf32>
    %add3A_4436 = arith.constant 6.73411417 : f32
    %add3A_4437 = vector.broadcast %add3A_4436 : f32 to vector<8x512xf32>
    %add3A_4438 = arith.addf %add3A_4437, %mul3A_4435 : vector<8x512xf32>
    %exp23A_4439 = math.exp2 %add3A_4438 : vector<8x512xf32>
    %add3A_4440 = arith.addf %add3A_4400, %exp23A_4439 : vector<8x512xf32>
    %mul3A_4441 = arith.mulf %exp23A_4439, %exp23A_4439 : vector<8x512xf32>
    %add3A_4442 = arith.addf %add3A_4402, %mul3A_4441 : vector<8x512xf32>
    %mul3A_4443 = arith.mulf %exp23A_4439, %get3A_4424 : vector<8x512xf32>
    %add3A_4444 = arith.addf %add3A_4404, %mul3A_4443 : vector<8x512xf32>
    %add3A_4445 = arith.addf %add3A_4405, %get3A_4424 : vector<8x512xf32>
    %mul3A_4446 = arith.mulf %get3A_4424, %get3A_4424 : vector<8x512xf32>
    %add3A_4447 = arith.addf %add3A_4407, %mul3A_4446 : vector<8x512xf32>
    %min3A_4448 = arith.minimumf %min3A_4408, %exp23A_4439 : vector<8x512xf32>
    %max3A_4449 = arith.maximumf %max3A_4409, %exp23A_4439 : vector<8x512xf32>
    %get3A_4450 = arith.constant 464 : index
    %get3A_4451 = arith.constant 0 : index
    %get3A_4452 = vector.load %arg4[%get3A_4450, %get3A_4451] : memref<512x512xf32, #tpu.memory_space<vmem>>, vector<8x512xf32>
    %sub3A_4453 = vector.broadcast %mul3A_2119 : f32 to vector<8x512xf32>
    %sub3A_4454 = arith.subf %get3A_4452, %sub3A_4453 : vector<8x512xf32>
    %get3A_4455 = arith.constant 464 : index
    %get3A_4456 = arith.constant 0 : index
    %get3A_4457 = vector.load %arg5[%get3A_4455, %get3A_4456] : memref<512x512xf32, #tpu.memory_space<vmem>>, vector<8x512xf32>
    %sub3A_4458 = vector.broadcast %mul3A_2126 : f32 to vector<8x512xf32>
    %sub3A_4459 = arith.subf %get3A_4457, %sub3A_4458 : vector<8x512xf32>
    %get3A_4460 = arith.constant 0 : index
    %get3A_4461 = arith.constant 464 : index
    %get3A_4462 = arith.constant 0 : index
    %get3A_4463 = vector.load %arg2[%get3A_4460, %get3A_4461, %get3A_4462] : memref<1x512x512xf32, #tpu.memory_space<vmem>>, vector<1x8x512xf32>
    %get3A_4464 = vector.shape_cast %get3A_4463 : vector<1x8x512xf32> to vector<8x512xf32>
    %mul3A_4465 = arith.mulf %sub3A_4454, %sub3A_4454 : vector<8x512xf32>
    %mul3A_4466 = arith.mulf %sub3A_4459, %sub3A_4459 : vector<8x512xf32>
    %add3A_4467 = arith.addf %mul3A_4465, %mul3A_4466 : vector<8x512xf32>
    %max3A_4468 = arith.constant 1.000000e-36 : f32
    %max3A_4469 = vector.broadcast %max3A_4468 : f32 to vector<8x512xf32>
    %max3A_4470 = arith.maximumf %add3A_4467, %max3A_4469 : vector<8x512xf32>
    %rsqrt3A_4471 = math.rsqrt %max3A_4470 : vector<8x512xf32>
    %mul3A_4472 = arith.mulf %max3A_4470, %rsqrt3A_4471 : vector<8x512xf32>
    %mul3A_4473 = arith.constant -9.64874458 : f32
    %mul3A_4474 = vector.broadcast %mul3A_4473 : f32 to vector<8x512xf32>
    %mul3A_4475 = arith.mulf %mul3A_4474, %mul3A_4472 : vector<8x512xf32>
    %add3A_4476 = arith.constant 6.73411417 : f32
    %add3A_4477 = vector.broadcast %add3A_4476 : f32 to vector<8x512xf32>
    %add3A_4478 = arith.addf %add3A_4477, %mul3A_4475 : vector<8x512xf32>
    %exp23A_4479 = math.exp2 %add3A_4478 : vector<8x512xf32>
    %add3A_4480 = arith.addf %add3A_4440, %exp23A_4479 : vector<8x512xf32>
    %mul3A_4481 = arith.mulf %exp23A_4479, %exp23A_4479 : vector<8x512xf32>
    %add3A_4482 = arith.addf %add3A_4442, %mul3A_4481 : vector<8x512xf32>
    %mul3A_4483 = arith.mulf %exp23A_4479, %get3A_4464 : vector<8x512xf32>
    %add3A_4484 = arith.addf %add3A_4444, %mul3A_4483 : vector<8x512xf32>
    %add3A_4485 = arith.addf %add3A_4445, %get3A_4464 : vector<8x512xf32>
    %mul3A_4486 = arith.mulf %get3A_4464, %get3A_4464 : vector<8x512xf32>
    %add3A_4487 = arith.addf %add3A_4447, %mul3A_4486 : vector<8x512xf32>
    %min3A_4488 = arith.minimumf %min3A_4448, %exp23A_4479 : vector<8x512xf32>
    %max3A_4489 = arith.maximumf %max3A_4449, %exp23A_4479 : vector<8x512xf32>
    %get3A_4490 = arith.constant 472 : index
    %get3A_4491 = arith.constant 0 : index
    %get3A_4492 = vector.load %arg4[%get3A_4490, %get3A_4491] : memref<512x512xf32, #tpu.memory_space<vmem>>, vector<8x512xf32>
    %sub3A_4493 = vector.broadcast %mul3A_2119 : f32 to vector<8x512xf32>
    %sub3A_4494 = arith.subf %get3A_4492, %sub3A_4493 : vector<8x512xf32>
    %get3A_4495 = arith.constant 472 : index
    %get3A_4496 = arith.constant 0 : index
    %get3A_4497 = vector.load %arg5[%get3A_4495, %get3A_4496] : memref<512x512xf32, #tpu.memory_space<vmem>>, vector<8x512xf32>
    %sub3A_4498 = vector.broadcast %mul3A_2126 : f32 to vector<8x512xf32>
    %sub3A_4499 = arith.subf %get3A_4497, %sub3A_4498 : vector<8x512xf32>
    %get3A_4500 = arith.constant 0 : index
    %get3A_4501 = arith.constant 472 : index
    %get3A_4502 = arith.constant 0 : index
    %get3A_4503 = vector.load %arg2[%get3A_4500, %get3A_4501, %get3A_4502] : memref<1x512x512xf32, #tpu.memory_space<vmem>>, vector<1x8x512xf32>
    %get3A_4504 = vector.shape_cast %get3A_4503 : vector<1x8x512xf32> to vector<8x512xf32>
    %mul3A_4505 = arith.mulf %sub3A_4494, %sub3A_4494 : vector<8x512xf32>
    %mul3A_4506 = arith.mulf %sub3A_4499, %sub3A_4499 : vector<8x512xf32>
    %add3A_4507 = arith.addf %mul3A_4505, %mul3A_4506 : vector<8x512xf32>
    %max3A_4508 = arith.constant 1.000000e-36 : f32
    %max3A_4509 = vector.broadcast %max3A_4508 : f32 to vector<8x512xf32>
    %max3A_4510 = arith.maximumf %add3A_4507, %max3A_4509 : vector<8x512xf32>
    %rsqrt3A_4511 = math.rsqrt %max3A_4510 : vector<8x512xf32>
    %mul3A_4512 = arith.mulf %max3A_4510, %rsqrt3A_4511 : vector<8x512xf32>
    %mul3A_4513 = arith.constant -9.64874458 : f32
    %mul3A_4514 = vector.broadcast %mul3A_4513 : f32 to vector<8x512xf32>
    %mul3A_4515 = arith.mulf %mul3A_4514, %mul3A_4512 : vector<8x512xf32>
    %add3A_4516 = arith.constant 6.73411417 : f32
    %add3A_4517 = vector.broadcast %add3A_4516 : f32 to vector<8x512xf32>
    %add3A_4518 = arith.addf %add3A_4517, %mul3A_4515 : vector<8x512xf32>
    %exp23A_4519 = math.exp2 %add3A_4518 : vector<8x512xf32>
    %add3A_4520 = arith.addf %add3A_4480, %exp23A_4519 : vector<8x512xf32>
    %mul3A_4521 = arith.mulf %exp23A_4519, %exp23A_4519 : vector<8x512xf32>
    %add3A_4522 = arith.addf %add3A_4482, %mul3A_4521 : vector<8x512xf32>
    %mul3A_4523 = arith.mulf %exp23A_4519, %get3A_4504 : vector<8x512xf32>
    %add3A_4524 = arith.addf %add3A_4484, %mul3A_4523 : vector<8x512xf32>
    %add3A_4525 = arith.addf %add3A_4485, %get3A_4504 : vector<8x512xf32>
    %mul3A_4526 = arith.mulf %get3A_4504, %get3A_4504 : vector<8x512xf32>
    %add3A_4527 = arith.addf %add3A_4487, %mul3A_4526 : vector<8x512xf32>
    %min3A_4528 = arith.minimumf %min3A_4488, %exp23A_4519 : vector<8x512xf32>
    %max3A_4529 = arith.maximumf %max3A_4489, %exp23A_4519 : vector<8x512xf32>
    %get3A_4530 = arith.constant 480 : index
    %get3A_4531 = arith.constant 0 : index
    %get3A_4532 = vector.load %arg4[%get3A_4530, %get3A_4531] : memref<512x512xf32, #tpu.memory_space<vmem>>, vector<8x512xf32>
    %sub3A_4533 = vector.broadcast %mul3A_2119 : f32 to vector<8x512xf32>
    %sub3A_4534 = arith.subf %get3A_4532, %sub3A_4533 : vector<8x512xf32>
    %get3A_4535 = arith.constant 480 : index
    %get3A_4536 = arith.constant 0 : index
    %get3A_4537 = vector.load %arg5[%get3A_4535, %get3A_4536] : memref<512x512xf32, #tpu.memory_space<vmem>>, vector<8x512xf32>
    %sub3A_4538 = vector.broadcast %mul3A_2126 : f32 to vector<8x512xf32>
    %sub3A_4539 = arith.subf %get3A_4537, %sub3A_4538 : vector<8x512xf32>
    %get3A_4540 = arith.constant 0 : index
    %get3A_4541 = arith.constant 480 : index
    %get3A_4542 = arith.constant 0 : index
    %get3A_4543 = vector.load %arg2[%get3A_4540, %get3A_4541, %get3A_4542] : memref<1x512x512xf32, #tpu.memory_space<vmem>>, vector<1x8x512xf32>
    %get3A_4544 = vector.shape_cast %get3A_4543 : vector<1x8x512xf32> to vector<8x512xf32>
    %mul3A_4545 = arith.mulf %sub3A_4534, %sub3A_4534 : vector<8x512xf32>
    %mul3A_4546 = arith.mulf %sub3A_4539, %sub3A_4539 : vector<8x512xf32>
    %add3A_4547 = arith.addf %mul3A_4545, %mul3A_4546 : vector<8x512xf32>
    %max3A_4548 = arith.constant 1.000000e-36 : f32
    %max3A_4549 = vector.broadcast %max3A_4548 : f32 to vector<8x512xf32>
    %max3A_4550 = arith.maximumf %add3A_4547, %max3A_4549 : vector<8x512xf32>
    %rsqrt3A_4551 = math.rsqrt %max3A_4550 : vector<8x512xf32>
    %mul3A_4552 = arith.mulf %max3A_4550, %rsqrt3A_4551 : vector<8x512xf32>
    %mul3A_4553 = arith.constant -9.64874458 : f32
    %mul3A_4554 = vector.broadcast %mul3A_4553 : f32 to vector<8x512xf32>
    %mul3A_4555 = arith.mulf %mul3A_4554, %mul3A_4552 : vector<8x512xf32>
    %add3A_4556 = arith.constant 6.73411417 : f32
    %add3A_4557 = vector.broadcast %add3A_4556 : f32 to vector<8x512xf32>
    %add3A_4558 = arith.addf %add3A_4557, %mul3A_4555 : vector<8x512xf32>
    %exp23A_4559 = math.exp2 %add3A_4558 : vector<8x512xf32>
    %add3A_4560 = arith.addf %add3A_4520, %exp23A_4559 : vector<8x512xf32>
    %mul3A_4561 = arith.mulf %exp23A_4559, %exp23A_4559 : vector<8x512xf32>
    %add3A_4562 = arith.addf %add3A_4522, %mul3A_4561 : vector<8x512xf32>
    %mul3A_4563 = arith.mulf %exp23A_4559, %get3A_4544 : vector<8x512xf32>
    %add3A_4564 = arith.addf %add3A_4524, %mul3A_4563 : vector<8x512xf32>
    %add3A_4565 = arith.addf %add3A_4525, %get3A_4544 : vector<8x512xf32>
    %mul3A_4566 = arith.mulf %get3A_4544, %get3A_4544 : vector<8x512xf32>
    %add3A_4567 = arith.addf %add3A_4527, %mul3A_4566 : vector<8x512xf32>
    %min3A_4568 = arith.minimumf %min3A_4528, %exp23A_4559 : vector<8x512xf32>
    %max3A_4569 = arith.maximumf %max3A_4529, %exp23A_4559 : vector<8x512xf32>
    %get3A_4570 = arith.constant 488 : index
    %get3A_4571 = arith.constant 0 : index
    %get3A_4572 = vector.load %arg4[%get3A_4570, %get3A_4571] : memref<512x512xf32, #tpu.memory_space<vmem>>, vector<8x512xf32>
    %sub3A_4573 = vector.broadcast %mul3A_2119 : f32 to vector<8x512xf32>
    %sub3A_4574 = arith.subf %get3A_4572, %sub3A_4573 : vector<8x512xf32>
    %get3A_4575 = arith.constant 488 : index
    %get3A_4576 = arith.constant 0 : index
    %get3A_4577 = vector.load %arg5[%get3A_4575, %get3A_4576] : memref<512x512xf32, #tpu.memory_space<vmem>>, vector<8x512xf32>
    %sub3A_4578 = vector.broadcast %mul3A_2126 : f32 to vector<8x512xf32>
    %sub3A_4579 = arith.subf %get3A_4577, %sub3A_4578 : vector<8x512xf32>
    %get3A_4580 = arith.constant 0 : index
    %get3A_4581 = arith.constant 488 : index
    %get3A_4582 = arith.constant 0 : index
    %get3A_4583 = vector.load %arg2[%get3A_4580, %get3A_4581, %get3A_4582] : memref<1x512x512xf32, #tpu.memory_space<vmem>>, vector<1x8x512xf32>
    %get3A_4584 = vector.shape_cast %get3A_4583 : vector<1x8x512xf32> to vector<8x512xf32>
    %mul3A_4585 = arith.mulf %sub3A_4574, %sub3A_4574 : vector<8x512xf32>
    %mul3A_4586 = arith.mulf %sub3A_4579, %sub3A_4579 : vector<8x512xf32>
    %add3A_4587 = arith.addf %mul3A_4585, %mul3A_4586 : vector<8x512xf32>
    %max3A_4588 = arith.constant 1.000000e-36 : f32
    %max3A_4589 = vector.broadcast %max3A_4588 : f32 to vector<8x512xf32>
    %max3A_4590 = arith.maximumf %add3A_4587, %max3A_4589 : vector<8x512xf32>
    %rsqrt3A_4591 = math.rsqrt %max3A_4590 : vector<8x512xf32>
    %mul3A_4592 = arith.mulf %max3A_4590, %rsqrt3A_4591 : vector<8x512xf32>
    %mul3A_4593 = arith.constant -9.64874458 : f32
    %mul3A_4594 = vector.broadcast %mul3A_4593 : f32 to vector<8x512xf32>
    %mul3A_4595 = arith.mulf %mul3A_4594, %mul3A_4592 : vector<8x512xf32>
    %add3A_4596 = arith.constant 6.73411417 : f32
    %add3A_4597 = vector.broadcast %add3A_4596 : f32 to vector<8x512xf32>
    %add3A_4598 = arith.addf %add3A_4597, %mul3A_4595 : vector<8x512xf32>
    %exp23A_4599 = math.exp2 %add3A_4598 : vector<8x512xf32>
    %add3A_4600 = arith.addf %add3A_4560, %exp23A_4599 : vector<8x512xf32>
    %mul3A_4601 = arith.mulf %exp23A_4599, %exp23A_4599 : vector<8x512xf32>
    %add3A_4602 = arith.addf %add3A_4562, %mul3A_4601 : vector<8x512xf32>
    %mul3A_4603 = arith.mulf %exp23A_4599, %get3A_4584 : vector<8x512xf32>
    %add3A_4604 = arith.addf %add3A_4564, %mul3A_4603 : vector<8x512xf32>
    %add3A_4605 = arith.addf %add3A_4565, %get3A_4584 : vector<8x512xf32>
    %mul3A_4606 = arith.mulf %get3A_4584, %get3A_4584 : vector<8x512xf32>
    %add3A_4607 = arith.addf %add3A_4567, %mul3A_4606 : vector<8x512xf32>
    %min3A_4608 = arith.minimumf %min3A_4568, %exp23A_4599 : vector<8x512xf32>
    %max3A_4609 = arith.maximumf %max3A_4569, %exp23A_4599 : vector<8x512xf32>
    %get3A_4610 = arith.constant 496 : index
    %get3A_4611 = arith.constant 0 : index
    %get3A_4612 = vector.load %arg4[%get3A_4610, %get3A_4611] : memref<512x512xf32, #tpu.memory_space<vmem>>, vector<8x512xf32>
    %sub3A_4613 = vector.broadcast %mul3A_2119 : f32 to vector<8x512xf32>
    %sub3A_4614 = arith.subf %get3A_4612, %sub3A_4613 : vector<8x512xf32>
    %get3A_4615 = arith.constant 496 : index
    %get3A_4616 = arith.constant 0 : index
    %get3A_4617 = vector.load %arg5[%get3A_4615, %get3A_4616] : memref<512x512xf32, #tpu.memory_space<vmem>>, vector<8x512xf32>
    %sub3A_4618 = vector.broadcast %mul3A_2126 : f32 to vector<8x512xf32>
    %sub3A_4619 = arith.subf %get3A_4617, %sub3A_4618 : vector<8x512xf32>
    %get3A_4620 = arith.constant 0 : index
    %get3A_4621 = arith.constant 496 : index
    %get3A_4622 = arith.constant 0 : index
    %get3A_4623 = vector.load %arg2[%get3A_4620, %get3A_4621, %get3A_4622] : memref<1x512x512xf32, #tpu.memory_space<vmem>>, vector<1x8x512xf32>
    %get3A_4624 = vector.shape_cast %get3A_4623 : vector<1x8x512xf32> to vector<8x512xf32>
    %mul3A_4625 = arith.mulf %sub3A_4614, %sub3A_4614 : vector<8x512xf32>
    %mul3A_4626 = arith.mulf %sub3A_4619, %sub3A_4619 : vector<8x512xf32>
    %add3A_4627 = arith.addf %mul3A_4625, %mul3A_4626 : vector<8x512xf32>
    %max3A_4628 = arith.constant 1.000000e-36 : f32
    %max3A_4629 = vector.broadcast %max3A_4628 : f32 to vector<8x512xf32>
    %max3A_4630 = arith.maximumf %add3A_4627, %max3A_4629 : vector<8x512xf32>
    %rsqrt3A_4631 = math.rsqrt %max3A_4630 : vector<8x512xf32>
    %mul3A_4632 = arith.mulf %max3A_4630, %rsqrt3A_4631 : vector<8x512xf32>
    %mul3A_4633 = arith.constant -9.64874458 : f32
    %mul3A_4634 = vector.broadcast %mul3A_4633 : f32 to vector<8x512xf32>
    %mul3A_4635 = arith.mulf %mul3A_4634, %mul3A_4632 : vector<8x512xf32>
    %add3A_4636 = arith.constant 6.73411417 : f32
    %add3A_4637 = vector.broadcast %add3A_4636 : f32 to vector<8x512xf32>
    %add3A_4638 = arith.addf %add3A_4637, %mul3A_4635 : vector<8x512xf32>
    %exp23A_4639 = math.exp2 %add3A_4638 : vector<8x512xf32>
    %add3A_4640 = arith.addf %add3A_4600, %exp23A_4639 : vector<8x512xf32>
    %mul3A_4641 = arith.mulf %exp23A_4639, %exp23A_4639 : vector<8x512xf32>
    %add3A_4642 = arith.addf %add3A_4602, %mul3A_4641 : vector<8x512xf32>
    %mul3A_4643 = arith.mulf %exp23A_4639, %get3A_4624 : vector<8x512xf32>
    %add3A_4644 = arith.addf %add3A_4604, %mul3A_4643 : vector<8x512xf32>
    %add3A_4645 = arith.addf %add3A_4605, %get3A_4624 : vector<8x512xf32>
    %mul3A_4646 = arith.mulf %get3A_4624, %get3A_4624 : vector<8x512xf32>
    %add3A_4647 = arith.addf %add3A_4607, %mul3A_4646 : vector<8x512xf32>
    %min3A_4648 = arith.minimumf %min3A_4608, %exp23A_4639 : vector<8x512xf32>
    %max3A_4649 = arith.maximumf %max3A_4609, %exp23A_4639 : vector<8x512xf32>
    %get3A_4650 = arith.constant 504 : index
    %get3A_4651 = arith.constant 0 : index
    %get3A_4652 = vector.load %arg4[%get3A_4650, %get3A_4651] : memref<512x512xf32, #tpu.memory_space<vmem>>, vector<8x512xf32>
    %sub3A_4653 = vector.broadcast %mul3A_2119 : f32 to vector<8x512xf32>
    %sub3A_4654 = arith.subf %get3A_4652, %sub3A_4653 : vector<8x512xf32>
    %get3A_4655 = arith.constant 504 : index
    %get3A_4656 = arith.constant 0 : index
    %get3A_4657 = vector.load %arg5[%get3A_4655, %get3A_4656] : memref<512x512xf32, #tpu.memory_space<vmem>>, vector<8x512xf32>
    %sub3A_4658 = vector.broadcast %mul3A_2126 : f32 to vector<8x512xf32>
    %sub3A_4659 = arith.subf %get3A_4657, %sub3A_4658 : vector<8x512xf32>
    %get3A_4660 = arith.constant 0 : index
    %get3A_4661 = arith.constant 504 : index
    %get3A_4662 = arith.constant 0 : index
    %get3A_4663 = vector.load %arg2[%get3A_4660, %get3A_4661, %get3A_4662] : memref<1x512x512xf32, #tpu.memory_space<vmem>>, vector<1x8x512xf32>
    %get3A_4664 = vector.shape_cast %get3A_4663 : vector<1x8x512xf32> to vector<8x512xf32>
    %mul3A_4665 = arith.mulf %sub3A_4654, %sub3A_4654 : vector<8x512xf32>
    %mul3A_4666 = arith.mulf %sub3A_4659, %sub3A_4659 : vector<8x512xf32>
    %add3A_4667 = arith.addf %mul3A_4665, %mul3A_4666 : vector<8x512xf32>
    %max3A_4668 = arith.constant 1.000000e-36 : f32
    %max3A_4669 = vector.broadcast %max3A_4668 : f32 to vector<8x512xf32>
    %max3A_4670 = arith.maximumf %add3A_4667, %max3A_4669 : vector<8x512xf32>
    %rsqrt3A_4671 = math.rsqrt %max3A_4670 : vector<8x512xf32>
    %mul3A_4672 = arith.mulf %max3A_4670, %rsqrt3A_4671 : vector<8x512xf32>
    %mul3A_4673 = arith.constant -9.64874458 : f32
    %mul3A_4674 = vector.broadcast %mul3A_4673 : f32 to vector<8x512xf32>
    %mul3A_4675 = arith.mulf %mul3A_4674, %mul3A_4672 : vector<8x512xf32>
    %add3A_4676 = arith.constant 6.73411417 : f32
    %add3A_4677 = vector.broadcast %add3A_4676 : f32 to vector<8x512xf32>
    %add3A_4678 = arith.addf %add3A_4677, %mul3A_4675 : vector<8x512xf32>
    %exp23A_4679 = math.exp2 %add3A_4678 : vector<8x512xf32>
    %add3A_4680 = arith.addf %add3A_4640, %exp23A_4679 : vector<8x512xf32>
    %mul3A_4681 = arith.mulf %exp23A_4679, %exp23A_4679 : vector<8x512xf32>
    %add3A_4682 = arith.addf %add3A_4642, %mul3A_4681 : vector<8x512xf32>
    %mul3A_4683 = arith.mulf %exp23A_4679, %get3A_4664 : vector<8x512xf32>
    %add3A_4684 = arith.addf %add3A_4644, %mul3A_4683 : vector<8x512xf32>
    %add3A_4685 = arith.addf %add3A_4645, %get3A_4664 : vector<8x512xf32>
    %mul3A_4686 = arith.mulf %get3A_4664, %get3A_4664 : vector<8x512xf32>
    %add3A_4687 = arith.addf %add3A_4647, %mul3A_4686 : vector<8x512xf32>
    %min3A_4688 = arith.minimumf %min3A_4648, %exp23A_4679 : vector<8x512xf32>
    %max3A_4689 = arith.maximumf %max3A_4649, %exp23A_4679 : vector<8x512xf32>
    %reduce_sum3A = vector.shape_cast %add3A_4680 : vector<8x512xf32> to vector<1x8x512xf32>
    %reduce_sum3A_4690 = arith.constant dense<0.000000e+00> : vector<1xf32>
    %reduce_sum3A_4691 = vector.multi_reduction <add>, %reduce_sum3A, %reduce_sum3A_4690 [1, 2] : vector<1x8x512xf32> to vector<1xf32>
    %reduce_sum3A_4692 = vector.shape_cast %reduce_sum3A_4691 : vector<1xf32> to vector<1x1x1xf32>
    %reduce_sum3A_4693 = vector.extract %reduce_sum3A_4692[0, 0, 0] : f32 from vector<1x1x1xf32>
    %reduce_sum3A_4694 = vector.shape_cast %add3A_4682 : vector<8x512xf32> to vector<1x8x512xf32>
    %reduce_sum3A_4695 = arith.constant dense<0.000000e+00> : vector<1xf32>
    %reduce_sum3A_4696 = vector.multi_reduction <add>, %reduce_sum3A_4694, %reduce_sum3A_4695 [1, 2] : vector<1x8x512xf32> to vector<1xf32>
    %reduce_sum3A_4697 = vector.shape_cast %reduce_sum3A_4696 : vector<1xf32> to vector<1x1x1xf32>
    %reduce_sum3A_4698 = vector.extract %reduce_sum3A_4697[0, 0, 0] : f32 from vector<1x1x1xf32>
    %reduce_sum3A_4699 = vector.shape_cast %add3A_4684 : vector<8x512xf32> to vector<1x8x512xf32>
    %reduce_sum3A_4700 = arith.constant dense<0.000000e+00> : vector<1xf32>
    %reduce_sum3A_4701 = vector.multi_reduction <add>, %reduce_sum3A_4699, %reduce_sum3A_4700 [1, 2] : vector<1x8x512xf32> to vector<1xf32>
    %reduce_sum3A_4702 = vector.shape_cast %reduce_sum3A_4701 : vector<1xf32> to vector<1x1x1xf32>
    %reduce_sum3A_4703 = vector.extract %reduce_sum3A_4702[0, 0, 0] : f32 from vector<1x1x1xf32>
    %reduce_sum3A_4704 = vector.shape_cast %add3A_4685 : vector<8x512xf32> to vector<1x8x512xf32>
    %reduce_sum3A_4705 = arith.constant dense<0.000000e+00> : vector<1xf32>
    %reduce_sum3A_4706 = vector.multi_reduction <add>, %reduce_sum3A_4704, %reduce_sum3A_4705 [1, 2] : vector<1x8x512xf32> to vector<1xf32>
    %reduce_sum3A_4707 = vector.shape_cast %reduce_sum3A_4706 : vector<1xf32> to vector<1x1x1xf32>
    %reduce_sum3A_4708 = vector.extract %reduce_sum3A_4707[0, 0, 0] : f32 from vector<1x1x1xf32>
    %reduce_sum3A_4709 = vector.shape_cast %add3A_4687 : vector<8x512xf32> to vector<1x8x512xf32>
    %reduce_sum3A_4710 = arith.constant dense<0.000000e+00> : vector<1xf32>
    %reduce_sum3A_4711 = vector.multi_reduction <add>, %reduce_sum3A_4709, %reduce_sum3A_4710 [1, 2] : vector<1x8x512xf32> to vector<1xf32>
    %reduce_sum3A_4712 = vector.shape_cast %reduce_sum3A_4711 : vector<1xf32> to vector<1x1x1xf32>
    %reduce_sum3A_4713 = vector.extract %reduce_sum3A_4712[0, 0, 0] : f32 from vector<1x1x1xf32>
    %reduce_min3A_4714 = vector.shape_cast %min3A_4688 : vector<8x512xf32> to vector<1x8x512xf32>
    %reduce_min3A_4715 = arith.constant dense<0x7F800000> : vector<1xf32>
    %reduce_min3A_4716 = vector.multi_reduction <minimumf>, %reduce_min3A_4714, %reduce_min3A_4715 [1, 2] : vector<1x8x512xf32> to vector<1xf32>
    %reduce_min3A_4717 = vector.shape_cast %reduce_min3A_4716 : vector<1xf32> to vector<1x1x1xf32>
    %reduce_min3A_4718 = vector.extract %reduce_min3A_4717[0, 0, 0] : f32 from vector<1x1x1xf32>
    %reduce_max3A_4719 = vector.shape_cast %max3A_4689 : vector<8x512xf32> to vector<1x8x512xf32>
    %reduce_max3A_4720 = arith.constant dense<0xFF800000> : vector<1xf32>
    %reduce_max3A_4721 = vector.multi_reduction <maximumf>, %reduce_max3A_4719, %reduce_max3A_4720 [1, 2] : vector<1x8x512xf32> to vector<1xf32>
    %reduce_max3A_4722 = vector.shape_cast %reduce_max3A_4721 : vector<1xf32> to vector<1x1x1xf32>
    %reduce_max3A_4723 = vector.extract %reduce_max3A_4722[0, 0, 0] : f32 from vector<1x1x1xf32>
    %eq3A_4724 = arith.constant 0 : i32
    %eq3A_4725 = arith.cmpi eq, %arg0, %eq3A_4724 : i32
    %convert_element_type3A_4726 = arith.extui %eq3A_4725 : i1 to i32
    %cond3A = arith.constant 0 : i32
    %cond3A_4727 = arith.cmpi ne, %convert_element_type3A_4726, %cond3A : i32
    scf.if %cond3A_4727 {
      %swap3A = arith.constant 0 : index
      %swap3A_4737 = memref.load %arg7[%swap3A] : memref<8xf32, #tpu.memory_space<smem>>
      memref.store %reduce_sum3A_4693, %arg7[%swap3A] : memref<8xf32, #tpu.memory_space<smem>>
      %swap3A_4738 = arith.constant 1 : index
      %swap3A_4739 = memref.load %arg7[%swap3A_4738] : memref<8xf32, #tpu.memory_space<smem>>
      memref.store %reduce_sum3A_4698, %arg7[%swap3A_4738] : memref<8xf32, #tpu.memory_space<smem>>
      %swap3A_4740 = arith.constant 2 : index
      %swap3A_4741 = memref.load %arg7[%swap3A_4740] : memref<8xf32, #tpu.memory_space<smem>>
      memref.store %reduce_sum3A_4703, %arg7[%swap3A_4740] : memref<8xf32, #tpu.memory_space<smem>>
      %swap3A_4742 = arith.constant 3 : index
      %swap3A_4743 = memref.load %arg7[%swap3A_4742] : memref<8xf32, #tpu.memory_space<smem>>
      memref.store %reduce_sum3A_4708, %arg7[%swap3A_4742] : memref<8xf32, #tpu.memory_space<smem>>
      %swap3A_4744 = arith.constant 4 : index
      %swap3A_4745 = memref.load %arg7[%swap3A_4744] : memref<8xf32, #tpu.memory_space<smem>>
      memref.store %reduce_sum3A_4713, %arg7[%swap3A_4744] : memref<8xf32, #tpu.memory_space<smem>>
      %swap3A_4746 = arith.constant 5 : index
      %swap3A_4747 = memref.load %arg7[%swap3A_4746] : memref<8xf32, #tpu.memory_space<smem>>
      memref.store %reduce_min3A_4718, %arg7[%swap3A_4746] : memref<8xf32, #tpu.memory_space<smem>>
      %swap3A_4748 = arith.constant 6 : index
      %swap3A_4749 = memref.load %arg7[%swap3A_4748] : memref<8xf32, #tpu.memory_space<smem>>
      memref.store %reduce_max3A_4723, %arg7[%swap3A_4748] : memref<8xf32, #tpu.memory_space<smem>>
    } else {
    }
    %gt3A = arith.constant 0 : i32
    %gt3A_4728 = arith.cmpi sgt, %arg0, %gt3A : i32
    %convert_element_type3A_4729 = arith.extui %gt3A_4728 : i1 to i32
    %cond3A_4730 = arith.constant 0 : i32
    %cond3A_4731 = arith.cmpi ne, %convert_element_type3A_4729, %cond3A_4730 : i32
    scf.if %cond3A_4731 {
      %get3A_4737 = arith.constant 0 : index
      %get3A_4738 = memref.load %arg7[%get3A_4737] : memref<8xf32, #tpu.memory_space<smem>>
      %add3A_4739 = arith.addf %get3A_4738, %reduce_sum3A_4693 : f32
      %swap3A = arith.constant 0 : index
      %swap3A_4740 = memref.load %arg7[%swap3A] : memref<8xf32, #tpu.memory_space<smem>>
      memref.store %add3A_4739, %arg7[%swap3A] : memref<8xf32, #tpu.memory_space<smem>>
      %get3A_4741 = arith.constant 1 : index
      %get3A_4742 = memref.load %arg7[%get3A_4741] : memref<8xf32, #tpu.memory_space<smem>>
      %add3A_4743 = arith.addf %get3A_4742, %reduce_sum3A_4698 : f32
      %swap3A_4744 = arith.constant 1 : index
      %swap3A_4745 = memref.load %arg7[%swap3A_4744] : memref<8xf32, #tpu.memory_space<smem>>
      memref.store %add3A_4743, %arg7[%swap3A_4744] : memref<8xf32, #tpu.memory_space<smem>>
      %get3A_4746 = arith.constant 2 : index
      %get3A_4747 = memref.load %arg7[%get3A_4746] : memref<8xf32, #tpu.memory_space<smem>>
      %add3A_4748 = arith.addf %get3A_4747, %reduce_sum3A_4703 : f32
      %swap3A_4749 = arith.constant 2 : index
      %swap3A_4750 = memref.load %arg7[%swap3A_4749] : memref<8xf32, #tpu.memory_space<smem>>
      memref.store %add3A_4748, %arg7[%swap3A_4749] : memref<8xf32, #tpu.memory_space<smem>>
      %get3A_4751 = arith.constant 3 : index
      %get3A_4752 = memref.load %arg7[%get3A_4751] : memref<8xf32, #tpu.memory_space<smem>>
      %add3A_4753 = arith.addf %get3A_4752, %reduce_sum3A_4708 : f32
      %swap3A_4754 = arith.constant 3 : index
      %swap3A_4755 = memref.load %arg7[%swap3A_4754] : memref<8xf32, #tpu.memory_space<smem>>
      memref.store %add3A_4753, %arg7[%swap3A_4754] : memref<8xf32, #tpu.memory_space<smem>>
      %get3A_4756 = arith.constant 4 : index
      %get3A_4757 = memref.load %arg7[%get3A_4756] : memref<8xf32, #tpu.memory_space<smem>>
      %add3A_4758 = arith.addf %get3A_4757, %reduce_sum3A_4713 : f32
      %swap3A_4759 = arith.constant 4 : index
      %swap3A_4760 = memref.load %arg7[%swap3A_4759] : memref<8xf32, #tpu.memory_space<smem>>
      memref.store %add3A_4758, %arg7[%swap3A_4759] : memref<8xf32, #tpu.memory_space<smem>>
      %get3A_4761 = arith.constant 5 : index
      %get3A_4762 = memref.load %arg7[%get3A_4761] : memref<8xf32, #tpu.memory_space<smem>>
      %min3A_4763 = arith.minimumf %get3A_4762, %reduce_min3A_4718 : f32
      %swap3A_4764 = arith.constant 5 : index
      %swap3A_4765 = memref.load %arg7[%swap3A_4764] : memref<8xf32, #tpu.memory_space<smem>>
      memref.store %min3A_4763, %arg7[%swap3A_4764] : memref<8xf32, #tpu.memory_space<smem>>
      %get3A_4766 = arith.constant 6 : index
      %get3A_4767 = memref.load %arg7[%get3A_4766] : memref<8xf32, #tpu.memory_space<smem>>
      %max3A_4768 = arith.maximumf %get3A_4767, %reduce_max3A_4723 : f32
      %swap3A_4769 = arith.constant 6 : index
      %swap3A_4770 = memref.load %arg7[%swap3A_4769] : memref<8xf32, #tpu.memory_space<smem>>
      memref.store %max3A_4768, %arg7[%swap3A_4769] : memref<8xf32, #tpu.memory_space<smem>>
    } else {
    }
    %eq3A_4732 = arith.constant 15 : i32
    %eq3A_4733 = arith.cmpi eq, %arg0, %eq3A_4732 : i32
    %convert_element_type3A_4734 = arith.extui %eq3A_4733 : i1 to i32
    %cond3A_4735 = arith.constant 0 : i32
    %cond3A_4736 = arith.cmpi ne, %convert_element_type3A_4734, %cond3A_4735 : i32
    scf.if %cond3A_4736 {
      %get3A_4737 = arith.constant 0 : index
      %get3A_4738 = memref.load %arg7[%get3A_4737] : memref<8xf32, #tpu.memory_space<smem>>
      %get3A_4739 = arith.constant 1 : index
      %get3A_4740 = memref.load %arg7[%get3A_4739] : memref<8xf32, #tpu.memory_space<smem>>
      %get3A_4741 = arith.constant 2 : index
      %get3A_4742 = memref.load %arg7[%get3A_4741] : memref<8xf32, #tpu.memory_space<smem>>
      %get3A_4743 = arith.constant 3 : index
      %get3A_4744 = memref.load %arg7[%get3A_4743] : memref<8xf32, #tpu.memory_space<smem>>
      %get3A_4745 = arith.constant 4 : index
      %get3A_4746 = memref.load %arg7[%get3A_4745] : memref<8xf32, #tpu.memory_space<smem>>
      %get3A_4747 = arith.constant 5 : index
      %get3A_4748 = memref.load %arg7[%get3A_4747] : memref<8xf32, #tpu.memory_space<smem>>
      %get3A_4749 = arith.constant 6 : index
      %get3A_4750 = memref.load %arg7[%get3A_4749] : memref<8xf32, #tpu.memory_space<smem>>
      %sub3A_4751 = arith.subf %get3A_4750, %get3A_4748 : f32
      %div3A = arith.constant 1.000000e+00 : f32
      %div3A_4752 = arith.divf %div3A, %sub3A_4751 : f32
      %mul3A_4753 = arith.mulf %div3A_4752, %get3A_4748 : f32
      %mul3A_4754 = arith.mulf %div3A_4752, %div3A_4752 : f32
      %mul3A_4755 = arith.mulf %mul3A_4754, %get3A_4740 : f32
      %mul3A_4756 = arith.constant 2.000000e+00 : f32
      %mul3A_4757 = arith.mulf %mul3A_4756, %div3A_4752 : f32
      %mul3A_4758 = arith.mulf %mul3A_4757, %mul3A_4753 : f32
      %mul3A_4759 = arith.mulf %mul3A_4758, %get3A_4738 : f32
      %sub3A_4760 = arith.subf %mul3A_4755, %mul3A_4759 : f32
      %mul3A_4761 = arith.mulf %mul3A_4753, %mul3A_4753 : f32
      %mul3A_4762 = arith.constant 0x4A800000 : f32
      %mul3A_4763 = arith.mulf %mul3A_4761, %mul3A_4762 : f32
      %add3A_4764 = arith.addf %sub3A_4760, %mul3A_4763 : f32
      %mul3A_4765 = arith.constant 2.000000e+00 : f32
      %mul3A_4766 = arith.mulf %mul3A_4765, %div3A_4752 : f32
      %mul3A_4767 = arith.mulf %mul3A_4766, %get3A_4742 : f32
      %sub3A_4768 = arith.subf %add3A_4764, %mul3A_4767 : f32
      %mul3A_4769 = arith.constant 2.000000e+00 : f32
      %mul3A_4770 = arith.mulf %mul3A_4769, %mul3A_4753 : f32
      %mul3A_4771 = arith.mulf %mul3A_4770, %get3A_4744 : f32
      %add3A_4772 = arith.addf %sub3A_4768, %mul3A_4771 : f32
      %add3A_4773 = arith.addf %add3A_4772, %get3A_4746 : f32
      %div3A_4774 = arith.constant 0x4A800000 : f32
      %div3A_4775 = arith.divf %add3A_4773, %div3A_4774 : f32
      %swap3A = arith.constant 0 : index
      %swap3A_4776 = arith.constant 0 : index
      %swap3A_4777 = memref.load %arg6[%swap3A, %swap3A_4776] : memref<1x1xf32, #tpu.memory_space<smem>>
      memref.store %div3A_4775, %arg6[%swap3A, %swap3A_4776] : memref<1x1xf32, #tpu.memory_space<smem>>
    } else {
    }
    return
  }
  func.func @transform_0(%arg0: i32) -> (i32, i32, i32) {
    %c0_i32 = arith.constant 0 : i32
    %c0_i32_0 = arith.constant 0 : i32
    %c0_i32_1 = arith.constant 0 : i32
    return %arg0, %c0_i32, %c0_i32_0 : i32, i32, i32
  }
  func.func @transform_1(%arg0: i32) -> (i32, i32, i32) {
    %c0_i32 = arith.constant 0 : i32
    %c0_i32_0 = arith.constant 0 : i32
    %c0_i32_1 = arith.constant 0 : i32
    return %arg0, %c0_i32, %c0_i32_0 : i32, i32, i32
  }
  func.func @transform_2(%arg0: i32) -> (i32, i32) {
    %c0_i32 = arith.constant 0 : i32
    %c0_i32_0 = arith.constant 0 : i32
    %c0_i32_1 = arith.constant 0 : i32
    return %c0_i32, %c0_i32_0 : i32, i32
  }
  func.func @transform_3(%arg0: i32) -> (i32, i32) {
    %c0_i32 = arith.constant 0 : i32
    %c0_i32_0 = arith.constant 0 : i32
    %c0_i32_1 = arith.constant 0 : i32
    return %c0_i32, %c0_i32_0 : i32, i32
  }
  func.func @transform_4(%arg0: i32) -> (i32, i32) {
    %c0_i32 = arith.constant 0 : i32
    %c0_i32_0 = arith.constant 0 : i32
    %c0_i32_1 = arith.constant 0 : i32
    return %c0_i32, %c0_i32_0 : i32, i32
  }
  func.func @transform_5(%arg0: i32) -> (i32, i32) {
    %c0_i32 = arith.constant 0 : i32
    %c0_i32_0 = arith.constant 0 : i32
    %c0_i32_1 = arith.constant 0 : i32
    return %c0_i32, %c0_i32_0 : i32, i32
  }
}

</mosaic_0001>

<sc_bundles>
// kernel: kernel.4.cloned.1.call-start
scs
__scs_entry_jumppad:
0x0: {  	(pc) =	sbr.rel $0x88, $3  }
0x1: {  	(tag) =	ssettag $0x0;
	lr =	simm.s32 $0x1  }
0x2: {  	[smem:$0x3F9C] =	sst lr;
	_ =	strace $0xD0000000  }
0x3: {  	_ = 	snop  }
0x4: {  	_ = 	snop  }
0x5: {  	_ = 	snop  }
0x6: {  	_ = 	snop  }
0x7: {  	_ = 	snop  }
__scs_overlays_trampoline_lowered:
0x8: {  	[smem:$0x3FAB] =	sst s0  }
0x9: {  	[smem:$0x3FAC] =	sst s1  }
0xa: {  	[smem:$0x3FAD] =	sst s2  }
0xb: {  	[smem:$0x3FAE] =	sst s3  }
0xc: {  	[smem:$0x3FAF] =	sst s4  }
0xd: {  	[smem:$0x3FB0] =	sst s5  }
0xe: {  	[smem:$0x3FB1] =	sst s6  }
0xf: {  	[smem:$0x3FB2] =	sst s7  }
0x10: {  	[smem:$0x3FB3] =	sst s8  }
0x11: {  	[smem:$0x3FB4] =	sst s9;
	s0 =	simm.s32 @!p0 $0x0  }
0x12: {  	s1 =	sld [smem:$0x3F9A];
	s0 =	simm.s32 @p0 $0x1  }
0x13: {  	[smem:$0x3FB5] =	sst s0;
	s0 =	simm.s32 @!p1 $0x0  }
0x14: {  	s2 =	sld [smem:$0x3F99];
	s0 =	simm.s32 @p1 $0x1  }
0x15: {  	[smem:$0x3FB6] =	sst s0;
	s0 =	simm.s32 @!p2 $0x0  }
0x16: {  	s3 =	sld [smem:$0x3FDB];
	s0 =	simm.s32 @p2 $0x1  }
0x17: {  	s4 =	simm.s32 $0x1BF5;
	[smem:$0x3FB8] =	sst s0  }
0x18: {  	s0 =	sld [smem:$0x3F9B];
	_ =	swait.ge [sflag:s4], $0x0  }
0x19: {  	s7 =	sld [smem:$0x3F9C]  }
0x1a: {  	s8 =	sadd.s32 $0xFFFFE003, lr  }
0x1b: {  	s9 =	sadd.s32 $0xFFFFFEF7, lr;
	s5 =	simm.s32 $0xFFFFFFFF;
	p2 =	slt.u32 s8, $0xFFFFF086  }
0x1c: {  	p1 =	slt.u32 s9, $0xF7A;
	s5 =	simm.s32 @!p2 $0x0  }
0x1d: {  	s5 =	simm.s32 @p1 $0x1;
	p0 =	seq.s32 s7, s2  }
0x1e: {  	s7 =	smul.u32 @!p0 $0xF7A, s2;
	p2 =	seq.s32 @!p0 s5, $0x0  }
0x1f: {  	s9 =	smul.u32 $0xF7A, s1;
	s8 =	simm.s32 @!p0 $0x1BF5;
	p2 =	por !p2, p0  }
0x20: {  	[sflag:s8] =	ssyncset.s32 @!p0 $0xFFFFF086;
	s6 =	sadd.s32 @!p0 s3, s7;
	s7 =	simm.s32 @!p0 $0x108  }
0x21: {  	s3 =	sadd.s32 s3, s9;
	s6 =	sadd.s32 @!p0 $0x88, s6;
	s7 =	simm.s32 @p2 $0x1082  }
0x22: {  	[simem:s7], [sflag:s8] =	dma.local @!p0 [hbm:s6], $0xF7A  }
0x23: {  	s9 =	sor.u32 $0xD0000000, s2;
	s6 =	simm.s32 $0x108;
	_ =	swait.ge @!p0 [sflag:s8], $0x0  }
0x24: {  	s3 =	sadd.s32 $0x88, s3;
	s6 =	simm.s32 @!p1 $0x1082;
	[sflag:s4] =	ssyncset.s32 $0xFFFFF086  }
0x25: {  	[simem:s6], [sflag:s4] =	dma.local [hbm:s3], $0xF7A  }
0x26: {  	[smem:$0x3F9C] =	sst s1;
	(tag) =	ssettag s2;
	_ =	strace s9  }
0x27: {  	s1 =	sld [smem:$0x3FAC]  }
0x28: {  	s2 =	sld [smem:$0x3FAD]  }
0x29: {  	s4 =	sld [smem:$0x3FAF]  }
0x2a: {  	p0 =	seq.s32 s5, $0x0;
	s5 =	sld [smem:$0x3FB0]  }
0x2b: {  	s6 =	sld [smem:$0x3FB1]  }
0x2c: {  	s7 =	sld [smem:$0x3FB2]  }
0x2d: {  	s3 =	simm.s32 $0x108;
	s8 =	sld [smem:$0x3FB3]  }
0x2e: {  	s3 =	simm.s32 @!p0 $0x1082;
	s9 =	sld [smem:$0x3FB4]  }
0x2f: {  	lr =	sadd.s32 s0, s3;
	s0 =	sld [smem:$0x3FAB]  }
0x30: {  	s3 =	sld [smem:$0x3FAE]  }
0x31: {  	[smem:$0x3FB7] =	sst s10  }
0x32: {  	s10 =	sld [smem:$0x3FB5];
	_ =	sdelay $0x3  }
0x33: {  	p0 =	seq.s32 s10, $0x1;
	s10 =	sld [smem:$0x3FB7];
	_ =	sdelay $0x3  }
0x34: {  	[smem:$0x3FB7] =	sst s10  }
0x35: {  	s10 =	sld [smem:$0x3FB6];
	_ =	sdelay $0x3  }
0x36: {  	p1 =	seq.s32 s10, $0x1;
	s10 =	sld [smem:$0x3FB7];
	_ =	sdelay $0x3  }
0x37: {  	[smem:$0x3FB7] =	sst s10  }
0x38: {  	s10 =	sld [smem:$0x3FB8]  }
0x39: {  	_ = 	snop;
	(pc) =	sbr.ind lr, $3  }
0x3a: {  	_ = 	snop  }
0x3b: {  	_ = 	snop  }
0x3c: {  	p2 =	seq.s32 s10, $0x1;
	s10 =	sld [smem:$0x3FB7]  }
0x3d: {  	_ =	shalt  }
0x3e: {  	_ =	shalt  }
0x3f: {  	_ =	shalt  }
0x40: {  	_ =	shalt  }
0x41: {  	_ =	shalt  }
0x42: {  	_ =	shalt  }
0x43: {  	_ =	shalt  }
0x44: {  	_ =	shalt  }
0x45: {  	_ =	shalt  }
0x46: {  	_ =	shalt  }
0x47: {  	_ =	shalt  }
0x48: {  	_ =	shalt  }
0x49: {  	_ =	shalt  }
0x4a: {  	_ =	shalt  }
0x4b: {  	_ =	shalt  }
0x4c: {  	_ =	shalt  }
0x4d: {  	_ =	shalt  }
0x4e: {  	_ =	shalt  }
0x4f: {  	_ =	shalt  }
0x50: {  	_ =	shalt  }
0x51: {  	_ =	shalt  }
0x52: {  	_ =	shalt  }
0x53: {  	_ =	shalt  }
0x54: {  	_ =	shalt  }
0x55: {  	_ =	shalt  }
0x56: {  	_ =	shalt  }
0x57: {  	_ =	shalt  }
0x58: {  	_ =	shalt  }
0x59: {  	_ =	shalt  }
0x5a: {  	_ =	shalt  }
0x5b: {  	_ =	shalt  }
0x5c: {  	_ =	shalt  }
0x5d: {  	_ =	shalt  }
0x5e: {  	_ =	shalt  }
0x5f: {  	_ =	shalt  }
0x60: {  	_ =	shalt  }
0x61: {  	_ =	shalt  }
0x62: {  	_ =	shalt  }
0x63: {  	_ =	shalt  }
0x64: {  	_ =	shalt  }
0x65: {  	_ =	shalt  }
0x66: {  	_ =	shalt  }
0x67: {  	_ =	shalt  }
0x68: {  	_ =	shalt  }
0x69: {  	_ =	shalt  }
0x6a: {  	_ =	shalt  }
0x6b: {  	_ =	shalt  }
0x6c: {  	_ =	shalt  }
0x6d: {  	_ =	shalt  }
0x6e: {  	_ =	shalt  }
0x6f: {  	_ =	shalt  }
0x70: {  	_ =	shalt  }
0x71: {  	_ =	shalt  }
0x72: {  	_ =	shalt  }
0x73: {  	_ =	shalt  }
0x74: {  	_ =	shalt  }
0x75: {  	_ =	shalt  }
0x76: {  	_ =	shalt  }
0x77: {  	_ =	shalt  }
0x78: {  	_ =	shalt  }
0x79: {  	_ =	shalt  }
0x7a: {  	_ =	shalt  }
0x7b: {  	_ =	shalt  }
0x7c: {  	_ =	shalt  }
0x7d: {  	_ =	shalt  }
0x7e: {  	_ =	shalt  }
0x7f: {  	_ =	shalt  }
0x80: {  	_ =	shalt  }
0x81: {  	_ =	shalt  }
0x82: {  	_ =	shalt  }
0x83: {  	_ =	shalt  }
0x84: {  	_ =	shalt  }
0x85: {  	_ =	shalt  }
0x86: {  	_ =	shalt  }
0x87: {  	_ =	shalt  }
.Lfunc_end0:
.L_simem_size_0:
called_computation_lowered:
.L_overlay_start_0:
0x88: {  	s2 =	sld [smem:$0x3FD9]  }
0x89: {  	s3 =	sld [smem:$0x3FFE];
	_ =	sdelay $0x1  }
0x8a: {  	s1 =	srdreg.scid  }
0x8b: {  	s0 =	sand.u32 $0x1, s1  }
0x8c: {  	s17 =	sshll.u32 s0, $0xA;
	s2 =	sadd.s32 s3, s2  }
0x8d: {  	s2 =	sadd.s32 s2, s17  }
0x8e: {  	[smem:$0x3FC3] =	sst s2  }
0x8f: {  	_ = 	snop  }
0x90: {  	s2 =	sld [smem:$0x3FC7];
	(tm) =	ssettm $0x1  }
0x91: {  	s18 =	sld [smem:$0x3FFB];
	_ =	sdelay $0x3  }
0x92: {  	_ =	strace s18  }
0x93: {  	s3 =	sld [smem:$0x3FFC];
	_ =	sdelay $0x3  }
0x94: {  	_ =	strace s3  }
0x95: {  	s3 =	sld [smem:$0x3FFD];
	_ =	sdelay $0x3  }
0x96: {  	_ =	strace s3  }
0x97: {  	_ =	strace $0x8FFFFFFF  }
0x98: {  	s19 =	sld [smem:$0x3FDB];
	_ =	sdelay $0x1  }
0x99: {  	s4 =	simm.s32 $_scs_section_size  }
0x9a: {  	s5 =	simm.s32 $_size__tile_overlayer_lowered;
	s6 =	simm.s32 $_tile_overlayer_lowered  }
0x9b: {  	s22 =	simm.s32 $0x1BFF;
	s21 =	sshll.u32 s6, $0x1;
	s3 =	sadd.s32 s4, s19  }
0x9c: {  	s7 =	simm.s32 $0x0;
	s20 =	sshll.u32 s5, $0x1;
	s5 =	sadd.s32 s21, s3  }
0x9d: {  	[timem:s7], [sflag:s22] =	dma.local [hbm:s5], s20  }
0x9e: {  	_ =	swait.ge [sflag:s22], s20  }
0x9f: {  	s4 =	ssub.s32 $0x0, s20;
	[sflag:s22] =	ssyncset.done $0x0  }
0xa0: {  	[sflag:s22] =	ssyncadd.s32 s4;
	_ =	sdelay $0x1  }
0xa1: {  	s23 =	simm.s32 $0x1B8B  }
0xa2: {  	_ =	swait.ge [sflag:s23], $0x1  }
0xa3: {  	[sflag:s23] =	ssyncset.done $0x0  }
0xa4: {  	s25 =	simm.s32 $0x1B8E;
	s24 =	sld [smem:$0x3FFE];
	[sflag:s23] =	ssyncadd.s32 $0xFFFFFFFF  }
0xa5: {  	s26 =	simm.s32 $execute0_lowered;
	[smem:$0x3FD2] =	sst s25  }
0xa6: {  	s5 =	sshll.u32 s26, $0x1;
	_ =	strace $0x80000046;
	[dreg:$0x1] =	wrdreg $0xFFFFFFFF  }
0xa7: {  	s28 =	simm.s32 $_size_execute0_lowered;
	s3 =	sadd.s32 s3, s5;
	[dreg:$0x0] =	wrdreg $0x0  }
0xa8: {  	s5 =	sshll.u32 s28, $0x1;
	[dreg:$0x2] =	wrdreg s3  }
0xa9: {  	[dreg:$0x3] =	wrdreg s5  }
0xaa: {  	[dreg:$0x4] =	wrdreg $0xC0  }
0xab: {  	_ =	task [dreg:s7], $0x5FFFF  }
0xac: {  	[dreg:$0x1] =	wrdreg $0xFFFFFFFF  }
0xad: {  	[dreg:$0x0] =	wrdreg $0x60  }
0xae: {  	[dreg:$0x2] =	wrdreg s2  }
0xaf: {  	[dreg:$0x3] =	wrdreg s24  }
0xb0: {  	[dreg:$0x4] =	wrdreg $0xD1000  }
0xb1: {  	[dreg:$0x5] =	wrdreg $0x9  }
0xb2: {  	_ =	task.clear_ibuf [dreg:s7], $0x6FFFF;
	_ =	strace $0x90000046  }
0xb3: {  	s29 =	simm.s32 $0x9;
	_ =	strace $0x80000048  }
0xb4: {  	_ =	swait.ge [sflag:s29], $0x1  }
0xb5: {  	[sflag:s29] =	ssyncadd.s32 $0xFFFFFFFF  }
0xb6: {  	_ =	strace $0x90000048  }
0xb7: {  	_ =	sfence  }
0xb8: {  	s30 =	sld [smem:$0x0];
	_ =	sdelay $0x2  }
0xb9: {  	s31 =	sshll.u32 s1, $0xD;
	s1 =	sshrl.u32 s1, $0x2  }
0xba: {  	s3 =	sand.u32 $0x4000, s31;
	s1 =	sadd.s32 s1, s30  }
0xbb: {  	s0 =	sor.u32 s3, s0;
	s1 =	sshll.u32 s1, $0x11  }
0xbc: {  	s0 =	sor.u32 s1, s0  }
0xbd: {  	s0 =	sadd.s32 $0x8F2B, s0  }
0xbe: {  	[sflag:s0] =	ssyncadd.remote.s32 $0x1  }
0xbf: {  	_ =	sfence.sel $0xFFFF  }
0xc0: {  	[dreg:$0x0] =	wrdreg $0xFFFFFFFF;
	(pc) =	sbr.abs _section_cstart, $3  }
0xc1: {  	[dreg:$0x1] =	wrdreg $0xFFFFFFFF  }
0xc2: {  	_ =	task.clear_ibuf [dreg:s7], $0x2FFFF;
	_ =	strace $0x9FFFFFFF  }
0xc3: {  	(tm) =	ssettm $0x7FFFFFFF  }
tec
execute0_lowered:
.L_overlay_start_1:
0x0: {  	(tag) =	ssettag $0x1  }
0x1: {  	s0 =	rddreg [dreg:$0x0]  }
0x2: {  	s1 =	rddreg [dreg:$0x1]  }
0x3: {  	s10 =	rddreg [dreg:$0x2];
	s12 =	simm.s32 $0x0;
	s2 =	srdreg.scid  }
0x4: {  	s3 =	stileid.u32;
	s11 =	simm.s32 $0x3;
	s13 =	simm.s32 $0x9100  }
0x5: {  	s14 =	simm.s32 $0x2;
	[smem:$0x7FF] =	sst s12;
	s2 =	sand.u32 $0x1, s2  }
0x6: {  	s6 =	sshll.u32 s3, $0xE;
	s5 =	sshll.u32 s3, $0xD;
	s4 =	sshll.u32 s2, $0x11  }
0x7: {  	s7 =	smax.u32 s6, $0x2880;
	_ =	strace $0x80000047;
	s2 =	ssub.s32 $0x2, s2  }
0x8: {  	s4 =	sor.u32 s5, s4;
	s5 =	smin.u32 s7, $0x39780;
	s9 =	sshrl.u32 s2, $0x1  }
0x9: {  	s29 =	sadd.s32 s6, s10;
	s8 =	sadd.s32 $0xFFFFD780, s5;
	s2 =	ssub.s32 s2, s9  }
0xa: {  	[dreg:$0x6] =	wrdreg s29;
	s8 =	sshrl.u32 s8, $0x3;
	s31 =	smax.u32 s2, $0x1  }
0xb: {  	s26 =	sshrl.u32 s4, $0x3;
	s28 =	sadd.s32 s0, s8;
	[dreg:$0x8] =	wrdreg s31  }
0xc: {  	s1 =	sadd.s32 s26, s1;
	s0 =	sadd.s32 s0, s26;
	[dreg:$0x4] =	wrdreg s28  }
0xd: {  	s17 =	simm.s32 $0x1;
	s30 =	sadd.s32 $0x800, s1;
	[dreg:$0x5] =	wrdreg s0  }
0xe: {  	v1 =	vlaneseq.u32;
	s19 =	simm.s32 $0x0;
	s3 =	simm.s32 $0x11100;
	v0 =	vmov s6;
	[dreg:$0x7] =	wrdreg s30  }
.LBB2_1:
0xf: {  	s0 =	rddreg [dreg:$0x4];
	s18 =	sadd.s32 $0x0, s5  }
0x10: {  	[tilespmem:s12], [sflag:$0x3] =	stream.linear.gather [hbm4b:s0+s12], $0x9100, $0x38;
	[tilespmem:$0x17100] =	vst v63  }
0x11: {  	s28 =	simm.s32 $0x100;
	s30 =	sadd.s32 $0xFFFFD780, s18  }
0x12: {  	s31 =	sadd.s32 $0xFFFFD790, s18;
	s0 =	sadd.s32 $0xFFFFD7A0, s18;
	s1 =	sadd.s32 $0xFFFFD7B0, s18  }
0x13: {  	s2 =	sadd.s32 $0xFFFFD7C0, s18;
	s15 =	sadd.s32 $0xFFFFD7E0, s18;
	_ =	swait.ge [sflag:s11], $0x9100  }
0x14: {  	s16 =	sadd.s32 $0xFFFFD7F0, s18;
	s6 =	sadd.s32 $0xFFFFD810, s18;
	[sflag:s11] =	ssyncset.done $0x0  }
0x15: {  	s24 =	sadd.s32 $0xFFFFD820, s18;
	s26 =	rddreg [dreg:$0x5];
	[sflag:s11] =	ssyncadd.s32 $0xFFFF6F00  }
0x16: {  	[tilespmem:s3], [sflag:$0x2] =	stream.linear.gather [hbm4b:s26+s12], $0x2000, $0x38;
	[tilespmem:$0x17100] =	vst v63  }
0x17: {  	s29 =	sadd.s32 $0xFFFFD830, s18;
	s22 =	sadd.s32 $0xFFFFD840, s18;
	s26 =	simm.s32 $0x80  }
0x18: {  	s20 =	sadd.s32 $0xFFFFD850, s18;
	s25 =	sadd.s32 $0xFFFFD7D0, s18;
	s23 =	sadd.s32 $0xFFFFD860, s18;
	v8 =	vld [tilespmem:s26+$0xFFFFFF80]  }
0x19: {  	s21 =	sadd.s32 $0xFFFFD870, s18;
	v2 =	vadd.s32 s25, v1;
	s25 =	simm.s32 $0x80;
	s12 =	sadd.s32 $0xFFFFD800, s18;
	v7 =	vld [tilespmem:s26+$0xFFFFFF90]  }
.LBB2_2:
0x1a: {  	p0 =	sne.s32 s28, $0x9000  }
0x1b: {  	s26 =	sadd.s32 $0x100, s26;
	s18 =	smov.u32 s28;
	s28 =	sadd.s32 $0x100, s28  }
0x1c: {  	v5 =	vadd.s32 s12, v1;
	v4 =	vadd.s32 s6, v1;
	v3 =	vadd.s32 s29, v1  }
0x1d: {  	v10 =	vadd.s32 s2, v1;
	v11 =	vadd.s32 s15, v1;
	v6 =	vadd.s32 s16, v1;
	v9 =	vld [tilespmem:s25+$0xFFFFFFC0]  }
0x1e: {  	v14 =	vadd.s32 s0, v1;
	v15 =	vadd.s32 s1, v1;
	v12 =	vld [tilespmem:s25+$0xFFFFFFD0];
	v13 =	vand.u32 $0x7F, v8  }
0x1f: {  	v18 =	vadd.s32 s31, v1;
	v8 =	vsub.s32 v8, v0;
	v16 =	vld [tilespmem:s25+$0xFFFFFFA0];
	v17 =	vsub.s32 v7, v0  }
0x20: {  	v20 =	vor.u32 s30, v1;
	v7 =	vand.u32 $0x7F, v7;
	v19 =	vld [tilespmem:s25+$0xFFFFFFE0];
	v21 =	vand.u32 $0xFFFFFF80, v17  }
0x21: {  	vm3 =	vlt.u32 v17, $0x4000;
	v17 =	vand.u32 $0xFFFFFF80, v8;
	v22 =	vld [tilespmem:s25+$0xFFFFFFF0];
	v7 =	vor.u32 v7, v21  }
0x22: {  	v13 =	vor.u32 v13, v17;
	v21 =	vsub.s32 v9, v0;
	v9 =	vand.u32 $0x7F, v9  }
0x23: {  	vm5 =	vlt.u32 v8, $0x4000;
	v17 =	vld [tilespmem:s25+$0xFFFFFFB0];
	vm1 =	vlt.u32 v21, $0x4000;
	v8 =	vand.u32 $0xFFFFFF80, v21  }
0x24: {  	v23 =	vsub.s32 v12, v0;
	v21 =	vld [tilespmem:s25+$0x70];
	v8 =	vor.u32 v9, v8;
	v9 =	vand.u32 $0x7F, v12  }
0x25: {  	vm2 =	vlt.u32 v23, $0x4000;
	v24 =	vand.u32 $0x7F, v16;
	v23 =	vand.u32 $0xFFFFFF80, v23;
	v12 =	vld [tilespmem:s25+$0x60]  }
0x26: {  	v16 =	vsub.s32 v16, v0;
	v26 =	vsub.s32 v19, v0;
	v9 =	vor.u32 v9, v23;
	v25 =	vld [tilespmem:s25+$0x50]  }
0x27: {  	v28 =	vand.u32 $0xFFFFFF80, v16;
	v27 =	vsub.s32 v22, v0;
	v22 =	vand.u32 $0x7F, v22;
	v23 =	vld [tilespmem:s25+$0x40]  }
0x28: {  	vm0 =	vlt.u32 v27, $0x4000;
	v27 =	vand.u32 $0xFFFFFF80, v27;
	v29 =	vld [tilespmem:s25+$0x30];
	v30 =	vand.u32 $0x7F, v17  }
0x29: {  	v24 =	vor.u32 v24, v28;
	v17 =	vsub.s32 v17, v0;
	v22 =	vor.u32 v22, v27;
	v31 =	vld [tilespmem:s25+$0x0]  }
0x2a: {  	vm7 =	vlt.u32 v16, $0x4000;
	vm6 =	vlt.u32 v17, $0x4000;
	v16 =	vand.u32 $0xFFFFFF80, v17;
	v27 =	vld [tilespmem:s25+$0x10]  }
0x2b: {  	v16 =	vor.u32 v30, v16;
	v30 =	vand.u32 $0xFFFFFF80, v26;
	v17 =	vld [tilespmem:s25+$0x20];
	v28 =	vsub.s32 v25, v0;
	s25 =	smov.u32 s26  }
0x2c: {  	vm4 =	vlt.u32 v26, $0x4000;
	[tilespmem:v13+s13+$0x0] =	vst.idx.msk vm5, v20;
	v13 =	vand.u32 $0x7F, v19;
	v19 =	vand.u32 $0x7F, v25  }
0x2d: {  	v20 =	vsub.s32 v29, v0;
	[tilespmem:v7+s13+$0x0] =	vst.idx.msk vm3, v18;
	v7 =	vor.u32 v13, v30;
	v13 =	vand.u32 $0x7F, v12  }
0x2e: {  	v18 =	vsub.s32 v31, v0;
	v25 =	vand.u32 $0x7F, v31;
	v26 =	vand.u32 $0xFFFFFF80, v20  }
0x2f: {  	vm5 =	vlt.u32 v18, $0x4000;
	v18 =	vand.u32 $0xFFFFFF80, v18;
	v30 =	vand.u32 $0x7F, v27  }
0x30: {  	s18 =	sadd.s32 s18, s5;
	v31 =	vsub.s32 v17, v0;
	[tilespmem:v24+s13+$0x0] =	vst.idx.msk vm7, v14;
	v14 =	vor.u32 v25, v18;
	v17 =	vand.u32 $0x7F, v17  }
0x31: {  	s30 =	sadd.s32 $0xFFFFD780, s18;
	s31 =	sadd.s32 $0xFFFFD790, s18;
	s0 =	sadd.s32 $0xFFFFD7A0, s18;
	v18 =	vsub.s32 v27, v0;
	vm3 =	vlt.u32 v31, $0x4000;
	[tilespmem:v16+s13+$0x0] =	vst.idx.msk vm6, v15;
	v15 =	vand.u32 $0xFFFFFF80, v31  }
0x32: {  	s1 =	sadd.s32 $0xFFFFD7B0, s18;
	s2 =	sadd.s32 $0xFFFFD7C0, s18;
	s15 =	sadd.s32 $0xFFFFD7E0, s18;
	vm6 =	vlt.u32 v18, $0x4000;
	[tilespmem:v8+s13+$0x0] =	vst.idx.msk vm1, v10;
	v8 =	vand.u32 $0xFFFFFF80, v18;
	v10 =	vor.u32 v17, v15  }
0x33: {  	s16 =	sadd.s32 $0xFFFFD7F0, s18;
	s12 =	sadd.s32 $0xFFFFD800, s18;
	s6 =	sadd.s32 $0xFFFFD810, s18;
	vm1 =	vlt.u32 v20, $0x4000;
	[tilespmem:v9+s13+$0x0] =	vst.idx.msk vm2, v2;
	v2 =	vor.u32 v30, v8;
	v8 =	vand.u32 $0x7F, v29  }
0x34: {  	s7 =	sadd.s32 $0xFFFFD820, s18;
	s29 =	sadd.s32 $0xFFFFD830, s18;
	s8 =	sadd.s32 $0xFFFFD840, s18;
	v9 =	vsub.s32 v23, v0;
	[tilespmem:v7+s13+$0x0] =	vst.idx.msk vm4, v11;
	v7 =	vor.u32 v8, v26;
	v8 =	vand.u32 $0x7F, v23  }
0x35: {  	s9 =	sadd.s32 $0xFFFFD850, s18;
	s10 =	sadd.s32 $0xFFFFD860, s18;
	s3 =	sadd.s32 $0xFFFFD870, s18;
	vm2 =	vlt.u32 v28, $0x4000;
	vm4 =	vlt.u32 v9, $0x4000;
	[tilespmem:v22+s13+$0x0] =	vst.idx.msk vm0, v6;
	v6 =	vand.u32 $0xFFFFFF80, v28  }
0x36: {  	v11 =	vsub.s32 v12, v0;
	[tilespmem:v14+s13+$0x0] =	vst.idx.msk vm5, v5;
	v5 =	vand.u32 $0xFFFFFF80, v9;
	v6 =	vor.u32 v19, v6  }
0x37: {  	vm0 =	vlt.u32 v11, $0x4000;
	v5 =	vor.u32 v8, v5;
	v8 =	vand.u32 $0xFFFFFF80, v11  }
0x38: {  	v9 =	vsub.s32 v21, v0;
	[tilespmem:v2+s13+$0x0] =	vst.idx.msk vm6, v4;
	v2 =	vadd.s32 s24, v1;
	v4 =	vor.u32 v13, v8;
	s24 =	smov.u32 s7  }
0x39: {  	vm5 =	vlt.u32 v9, $0x4000;
	v8 =	vand.u32 $0x7F, v21;
	[tilespmem:v10+s13+$0x0] =	vst.idx.msk vm3, v2;
	v2 =	vand.u32 $0xFFFFFF80, v9  }
0x3a: {  	[tilespmem:v7+s13+$0x0] =	vst.idx.msk vm1, v3;
	v2 =	vor.u32 v8, v2  }
0x3b: {  	v3 =	vadd.s32 s22, v1;
	s22 =	smov.u32 s8  }
0x3c: {  	[tilespmem:v5+s13+$0x0] =	vst.idx.msk vm4, v3;
	v3 =	vadd.s32 s20, v1;
	s20 =	smov.u32 s9  }
.Ltmp0:
0x3d: {  	[tilespmem:v6+s13+$0x0] =	vst.idx.msk vm2, v3;
	v3 =	vadd.s32 s23, v1;
	s23 =	smov.u32 s10;
	(pc) =	sbr.rel @p0 .LBB2_2-.Ltmp0, $4  }
0x3e: {  	[tilespmem:v4+s13+$0x0] =	vst.idx.msk vm0, v3;
	v3 =	vadd.s32 s21, v1;
	s21 =	smov.u32 s3  }
0x3f: {  	[tilespmem:v2+s13+$0x0] =	vst.idx.msk vm5, v3  }
0x40: {  	s3 =	sadd.s32 $0xFFFFD7D0, s18;
	v8 =	vld [tilespmem:s26+$0xFFFFFF80]  }
0x41: {  	v2 =	vadd.s32 s3, v1;
	v7 =	vld [tilespmem:s26+$0xFFFFFF90]  }
0x42: {  	v5 =	vld [tilespmem:s25+$0xFFFFFFC0]  }
0x43: {  	v14 =	vld [tilespmem:s25+$0xFFFFFFD0]  }
0x44: {  	v17 =	vld [tilespmem:s25+$0xFFFFFFA0]  }
0x45: {  	v20 =	vld [tilespmem:s25+$0xFFFFFFE0]  }
0x46: {  	v3 =	vadd.s32 s12, v1;
	v4 =	vadd.s32 s6, v1;
	v36 =	vld [tilespmem:s25+$0xFFFFFFF0]  }
0x47: {  	v6 =	vadd.s32 s2, v1;
	v9 =	vadd.s32 s15, v1;
	v10 =	vadd.s32 s16, v1;
	v37 =	vld [tilespmem:s25+$0xFFFFFFB0]  }
0x48: {  	v12 =	vadd.s32 s0, v1;
	v13 =	vadd.s32 s1, v1;
	v16 =	vadd.s32 s31, v1;
	v22 =	vld [tilespmem:s25+$0x50]  }
0x49: {  	v18 =	vor.u32 s30, v1;
	v42 =	vld [tilespmem:s25+$0x60];
	v59 =	vadd.s32 s24, v1;
	v11 =	vand.u32 $0x7F, v8  }
0x4a: {  	v26 =	vld [tilespmem:s25+$0x30];
	v33 =	vsub.s32 v8, v0;
	v15 =	vsub.s32 v7, v0;
	v34 =	vand.u32 $0x7F, v7  }
0x4b: {  	v28 =	vld [tilespmem:s25+$0x0];
	v35 =	vand.u32 $0xFFFFFF80, v33;
	vm4 =	vlt.u32 v33, $0x4000;
	v19 =	vand.u32 $0xFFFFFF80, v15  }
0x4c: {  	v43 =	vld [tilespmem:s25+$0x10];
	vm2 =	vlt.u32 v15, $0x4000;
	v21 =	vsub.s32 v5, v0;
	v11 =	vor.u32 v11, v35  }
0x4d: {  	v44 =	vld [tilespmem:s25+$0x20];
	v5 =	vand.u32 $0x7F, v5;
	v39 =	vsub.s32 v14, v0;
	v40 =	vand.u32 $0x7F, v14  }
0x4e: {  	v32 =	vld [tilespmem:s25+$0x40];
	v41 =	vand.u32 $0x7F, v17;
	v17 =	vsub.s32 v17, v0;
	v23 =	vsub.s32 v20, v0  }
0x4f: {  	v29 =	vld [tilespmem:s25+$0x70];
	v24 =	vsub.s32 v36, v0;
	v27 =	vand.u32 $0x7F, v37;
	v15 =	vsub.s32 v37, v0  }
0x50: {  	v45 =	vsub.s32 v22, v0;
	v20 =	vand.u32 $0x7F, v20;
	v22 =	vand.u32 $0x7F, v22  }
0x51: {  	v47 =	vsub.s32 v26, v0;
	v48 =	vand.u32 $0x7F, v42;
	v30 =	vsub.s32 v28, v0  }
0x52: {  	v28 =	vand.u32 $0x7F, v28;
	v33 =	vand.u32 $0x7F, v43;
	v50 =	vsub.s32 v44, v0  }
0x53: {  	v51 =	vsub.s32 v43, v0;
	v54 =	vand.u32 $0x7F, v26;
	v55 =	vsub.s32 v32, v0  }
0x54: {  	v57 =	vand.u32 $0x7F, v32;
	v58 =	vsub.s32 v42, v0;
	v60 =	vand.u32 $0x7F, v29  }
0x55: {  	v7 =	vor.u32 v34, v19;
	vm0 =	vlt.u32 v21, $0x4000;
	v38 =	vand.u32 $0xFFFFFF80, v21  }
0x56: {  	vm1 =	vlt.u32 v39, $0x4000;
	v25 =	vand.u32 $0xFFFFFF80, v17;
	vm7 =	vlt.u32 v17, $0x4000  }
0x57: {  	vm8 =	vlt.u32 v15, $0x4000;
	v15 =	vand.u32 $0xFFFFFF80, v15;
	v14 =	vor.u32 v41, v25  }
0x58: {  	v21 =	vand.u32 $0xFFFFFF80, v39;
	v19 =	vand.u32 $0x7F, v36;
	v15 =	vor.u32 v27, v15  }
0x59: {  	vm3 =	vlt.u32 v24, $0x4000;
	v24 =	vand.u32 $0xFFFFFF80, v24;
	v5 =	vor.u32 v5, v38  }
0x5a: {  	v46 =	vand.u32 $0xFFFFFF80, v23;
	vm5 =	vlt.u32 v23, $0x4000;
	v8 =	vor.u32 v40, v21;
	[tilespmem:v11+s13+$0x0] =	vst.idx.msk vm4, v18  }
0x5b: {  	v31 =	vand.u32 $0xFFFFFF80, v47;
	vm6 =	vlt.u32 v30, $0x4000;
	v20 =	vor.u32 v20, v46;
	[tilespmem:v7+s13+$0x0] =	vst.idx.msk vm2, v16  }
0x5c: {  	v30 =	vand.u32 $0xFFFFFF80, v30;
	v17 =	vand.u32 $0x7F, v44;
	v19 =	vor.u32 v19, v24;
	[tilespmem:v14+s13+$0x0] =	vst.idx.msk vm7, v12  }
0x5d: {  	vm10 =	vlt.u32 v51, $0x4000;
	v49 =	vor.u32 v28, v30;
	v7 =	vand.u32 $0xFFFFFF80, v51;
	[tilespmem:v15+s13+$0x0] =	vst.idx.msk vm8, v13  }
0x5e: {  	vm9 =	vlt.u32 v50, $0x4000;
	v52 =	vand.u32 $0xFFFFFF80, v50;
	v7 =	vor.u32 v33, v7;
	[tilespmem:v5+s13+$0x0] =	vst.idx.msk vm0, v6  }
0x5f: {  	vm11 =	vlt.u32 v47, $0x4000;
	vm12 =	vlt.u32 v55, $0x4000;
	v53 =	vor.u32 v17, v52;
	[tilespmem:v8+s13+$0x0] =	vst.idx.msk vm1, v2  }
0x60: {  	vm13 =	vlt.u32 v45, $0x4000;
	v56 =	vor.u32 v54, v31;
	v5 =	vand.u32 $0xFFFFFF80, v55;
	[tilespmem:v20+s13+$0x0] =	vst.idx.msk vm5, v9  }
0x61: {  	vm14 =	vlt.u32 v58, $0x4000;
	v2 =	vand.u32 $0xFFFFFF80, v45;
	v5 =	vor.u32 v57, v5;
	[tilespmem:v19+s13+$0x0] =	vst.idx.msk vm3, v10  }
0x62: {  	v8 =	vand.u32 $0xFFFFFF80, v58;
	v2 =	vor.u32 v22, v2;
	[tilespmem:v49+s13+$0x0] =	vst.idx.msk vm6, v3;
	v3 =	vsub.s32 v29, v0  }
0x63: {  	v8 =	vor.u32 v48, v8;
	[tilespmem:v7+s13+$0x0] =	vst.idx.msk vm10, v4;
	vm15 =	vlt.u32 v3, $0x4000;
	v3 =	vand.u32 $0xFFFFFF80, v3  }
0x64: {  	v61 =	vadd.s32 s29, v1;
	[tilespmem:v53+s13+$0x0] =	vst.idx.msk vm9, v59;
	v3 =	vor.u32 v60, v3  }
0x65: {  	v62 =	vadd.s32 s22, v1;
	[tilespmem:v56+s13+$0x0] =	vst.idx.msk vm11, v61  }
0x66: {  	v63 =	vadd.s32 s20, v1;
	[tilespmem:v5+s13+$0x0] =	vst.idx.msk vm12, v62  }
0x67: {  	[tilespmem:v2+s13+$0x0] =	vst.idx.msk vm13, v63;
	v2 =	vadd.s32 s23, v1  }
0x68: {  	[tilespmem:v8+s13+$0x0] =	vst.idx.msk vm14, v2;
	v2 =	vadd.s32 s21, v1  }
0x69: {  	s28 =	rddreg [dreg:$0x6];
	[tilespmem:v3+s13+$0x0] =	vst.idx.msk vm15, v2  }
0x6a: {  	[spmem:s28] =	stream.linear.scatter [tilespmem:s13], [sflag:$0x3], $0x4000, $0x38;
	[tilespmem:$0x17100] =	vst v63  }
0x6b: {  	_ =	swait.ge [sflag:s11], $0x4000  }
0x6c: {  	[sflag:s11] =	ssyncset.done $0x0  }
0x6d: {  	[sflag:s11] =	ssyncadd.s32 $0xFFFFC000  }
0x6e: {  	[bflag:$0x0] =	sbarrier.arrive $0xFFFF  }
0x6f: {  	_ =	swait.ge [sflag:s14], $0x2000  }
0x70: {  	[sflag:s14] =	ssyncset.done $0x0  }
0x71: {  	s3 =	simm.s32 $0x11100;
	[sflag:s14] =	ssyncadd.s32 $0xFFFFE000  }
0x72: {  	s30 =	simm.s32 $0x2000;
	s31 =	simm.s32 $0x13100;
	s29 =	rddreg [dreg:$0x2]  }
0x73: {  	[tilespmem:s31], [sflag:$0x1] =	stream.indirect.gather [spmem:s29], $0x1, s3, s30, $0xb8;
	[tilespmem:$0x17100] =	vst v63  }
0x74: {  	_ =	swait.ge [sflag:s17], $0x2000  }
0x75: {  	s20 =	simm.s32 $0x0;
	s22 =	simm.s32 $0x11200;
	[sflag:s17] =	ssyncset.done $0x0  }
0x76: {  	s23 =	simm.s32 $0x0;
	s21 =	simm.s32 $0x13200;
	[sflag:s17] =	ssyncadd.s32 $0xFFFFE000  }
.LBB2_4:
0x77: {  	v2 =	vld [tilespmem:s22+$0xFFFFFF00]  }
0x78: {  	v3 =	vld [tilespmem:s22+$0xFFFFFF10]  }
0x79: {  	v4 =	vld [tilespmem:s22+$0xFFFFFF20]  }
0x7a: {  	v5 =	vld [tilespmem:s21+$0xFFFFFF00]  }
0x7b: {  	v6 =	vld [tilespmem:s21+$0xFFFFFF10]  }
0x7c: {  	v7 =	vld [tilespmem:s21+$0xFFFFFF20]  }
0x7d: {  	v8 =	vld [tilespmem:s21+$0xFFFFFF30];
	s24 =	sadd.s32 s23, s4  }
0x7e: {  	v9 =	vld [tilespmem:s22+$0xFFFFFF30];
	v10 =	vor.u32 s24, v1;
	s0 =	sadd.s32 $0x10, s24  }
0x7f: {  	s1 =	sand.u32 $0x1000, s23;
	s2 =	sand.u32 $0x380, s20;
	s6 =	sadd.s32 $0x20, s24;
	v51 =	vor.u32 s0, v1;
	vm0 =	veq.s32 v5, v10  }
0x80: {  	s1 =	sor.u32 s2, s1;
	s7 =	sadd.s32 $0x30, s24;
	v52 =	vor.u32 s6, v1;
	vm9 =	veq.s32 v6, v51;
	v2 =	vnsel vm0, $0x10000000, v2  }
0x81: {  	s25 =	sadd.s32 $0x15100, s1;
	vm10 =	veq.s32 v7, v52;
	[tilespmem:s1+$0x15100] =	vst v2;
	v2 =	vnsel vm9, $0x10000000, v3;
	v3 =	vor.u32 s7, v1  }
0x82: {  	[tilespmem:s25+$0x10] =	vst v2;
	v2 =	vnsel vm10, $0x10000000, v4;
	vm11 =	veq.s32 v8, v3  }
0x83: {  	[tilespmem:s25+$0x20] =	vst v2;
	v2 =	vnsel vm11, $0x10000000, v9  }
0x84: {  	[tilespmem:s25+$0x30] =	vst v2  }
0x85: {  	v2 =	vld [tilespmem:s22+$0xFFFFFF40]  }
0x86: {  	v3 =	vld [tilespmem:s22+$0xFFFFFF50]  }
0x87: {  	v53 =	vld [tilespmem:s22+$0xFFFFFF60]  }
0x88: {  	v54 =	vld [tilespmem:s21+$0xFFFFFF40]  }
0x89: {  	v55 =	vld [tilespmem:s21+$0xFFFFFF50]  }
0x8a: {  	v56 =	vld [tilespmem:s21+$0xFFFFFF60]  }
0x8b: {  	s8 =	sadd.s32 $0x40, s24;
	v57 =	vld [tilespmem:s21+$0xFFFFFF70]  }
0x8c: {  	s9 =	sadd.s32 $0x50, s24;
	v59 =	vor.u32 s8, v1;
	v58 =	vld [tilespmem:s22+$0xFFFFFF70]  }
0x8d: {  	s10 =	sadd.s32 $0x60, s24;
	v60 =	vor.u32 s9, v1;
	vm12 =	veq.s32 v54, v59  }
0x8e: {  	s12 =	sadd.s32 $0x70, s24;
	v61 =	vor.u32 s10, v1;
	vm13 =	veq.s32 v55, v60;
	v2 =	vnsel vm12, $0x10000000, v2  }
0x8f: {  	vm14 =	veq.s32 v56, v61;
	[tilespmem:s25+$0x40] =	vst v2;
	v2 =	vnsel vm13, $0x10000000, v3;
	v3 =	vor.u32 s12, v1  }
0x90: {  	[tilespmem:s25+$0x50] =	vst v2;
	v2 =	vnsel vm14, $0x10000000, v53;
	vm15 =	veq.s32 v57, v3  }
0x91: {  	[tilespmem:s25+$0x60] =	vst v2;
	v2 =	vnsel vm15, $0x10000000, v58  }
0x92: {  	[tilespmem:s25+$0x70] =	vst v2  }
0x93: {  	v2 =	vld [tilespmem:s22+$0xFFFFFF80]  }
0x94: {  	v3 =	vld [tilespmem:s22+$0xFFFFFF90]  }
0x95: {  	v62 =	vld [tilespmem:s22+$0xFFFFFFA0]  }
0x96: {  	v63 =	vld [tilespmem:s21+$0xFFFFFF80]  }
0x97: {  	v12 =	vld [tilespmem:s21+$0xFFFFFF90]  }
0x98: {  	v13 =	vld [tilespmem:s21+$0xFFFFFFA0]  }
0x99: {  	s15 =	sadd.s32 $0x80, s24;
	v14 =	vld [tilespmem:s21+$0xFFFFFFB0]  }
0x9a: {  	s16 =	sadd.s32 $0x90, s24;
	v16 =	vor.u32 s15, v1;
	v15 =	vld [tilespmem:s22+$0xFFFFFFB0]  }
0x9b: {  	s18 =	sadd.s32 $0xA0, s24;
	v17 =	vor.u32 s16, v1;
	vm4 =	veq.s32 v63, v16  }
0x9c: {  	s26 =	sadd.s32 $0xB0, s24;
	v18 =	vor.u32 s18, v1;
	vm5 =	veq.s32 v12, v17;
	v2 =	vnsel vm4, $0x10000000, v2  }
0x9d: {  	vm6 =	veq.s32 v13, v18;
	[tilespmem:s25+$0x400] =	vst v2;
	v2 =	vnsel vm5, $0x10000000, v3;
	v3 =	vor.u32 s26, v1  }
0x9e: {  	[tilespmem:s25+$0x410] =	vst v2;
	v2 =	vnsel vm6, $0x10000000, v62;
	vm7 =	veq.s32 v14, v3  }
0x9f: {  	[tilespmem:s25+$0x420] =	vst v2;
	v2 =	vnsel vm7, $0x10000000, v15  }
0xa0: {  	[tilespmem:s25+$0x430] =	vst v2  }
0xa1: {  	v2 =	vld [tilespmem:s22+$0xFFFFFFC0]  }
0xa2: {  	v3 =	vld [tilespmem:s22+$0xFFFFFFD0]  }
0xa3: {  	v19 =	vld [tilespmem:s22+$0xFFFFFFE0]  }
0xa4: {  	v20 =	vld [tilespmem:s21+$0xFFFFFFC0]  }
0xa5: {  	v21 =	vld [tilespmem:s21+$0xFFFFFFD0]  }
0xa6: {  	v22 =	vld [tilespmem:s21+$0xFFFFFFE0]  }
0xa7: {  	s28 =	sadd.s32 $0xC0, s24;
	v23 =	vld [tilespmem:s21+$0xFFFFFFF0]  }
0xa8: {  	s29 =	sadd.s32 $0xD0, s24;
	v25 =	vor.u32 s28, v1;
	v24 =	vld [tilespmem:s22+$0xFFFFFFF0]  }
0xa9: {  	s30 =	sadd.s32 $0xE0, s24;
	v26 =	vor.u32 s29, v1;
	vm8 =	veq.s32 v20, v25  }
0xaa: {  	s31 =	sadd.s32 $0xF0, s24;
	v27 =	vor.u32 s30, v1;
	vm9 =	veq.s32 v21, v26;
	v2 =	vnsel vm8, $0x10000000, v2  }
0xab: {  	vm10 =	veq.s32 v22, v27;
	[tilespmem:s25+$0x440] =	vst v2;
	v2 =	vnsel vm9, $0x10000000, v3;
	v3 =	vor.u32 s31, v1  }
0xac: {  	[tilespmem:s25+$0x450] =	vst v2;
	v2 =	vnsel vm10, $0x10000000, v19;
	vm11 =	veq.s32 v23, v3  }
0xad: {  	[tilespmem:s25+$0x460] =	vst v2;
	v2 =	vnsel vm11, $0x10000000, v24  }
0xae: {  	[tilespmem:s25+$0x470] =	vst v2  }
0xaf: {  	v2 =	vld [tilespmem:s22+$0x0]  }
0xb0: {  	v3 =	vld [tilespmem:s22+$0x10]  }
0xb1: {  	v28 =	vld [tilespmem:s22+$0x20]  }
0xb2: {  	v29 =	vld [tilespmem:s21+$0x0]  }
0xb3: {  	v30 =	vld [tilespmem:s21+$0x10]  }
0xb4: {  	v31 =	vld [tilespmem:s21+$0x20]  }
0xb5: {  	s1 =	sadd.s32 $0x100, s24;
	v32 =	vld [tilespmem:s21+$0x30]  }
0xb6: {  	s2 =	sadd.s32 $0x110, s24;
	v34 =	vor.u32 s1, v1;
	v33 =	vld [tilespmem:s22+$0x30]  }
0xb7: {  	v35 =	vor.u32 s2, v1;
	s6 =	sadd.s32 $0x120, s24;
	vm12 =	veq.s32 v29, v34  }
0xb8: {  	v36 =	vor.u32 s6, v1;
	s7 =	sadd.s32 $0x130, s24;
	vm13 =	veq.s32 v30, v35;
	v2 =	vnsel vm12, $0x10000000, v2  }
0xb9: {  	vm14 =	veq.s32 v31, v36;
	[tilespmem:s25+$0x800] =	vst v2;
	v2 =	vnsel vm13, $0x10000000, v3;
	v3 =	vor.u32 s7, v1  }
0xba: {  	[tilespmem:s25+$0x810] =	vst v2;
	v2 =	vnsel vm14, $0x10000000, v28;
	vm15 =	veq.s32 v32, v3  }
0xbb: {  	[tilespmem:s25+$0x820] =	vst v2;
	v2 =	vnsel vm15, $0x10000000, v33  }
0xbc: {  	[tilespmem:s25+$0x830] =	vst v2  }
0xbd: {  	v2 =	vld [tilespmem:s22+$0x40]  }
0xbe: {  	v3 =	vld [tilespmem:s22+$0x50]  }
0xbf: {  	v37 =	vld [tilespmem:s22+$0x60]  }
0xc0: {  	v38 =	vld [tilespmem:s21+$0x40]  }
0xc1: {  	v39 =	vld [tilespmem:s21+$0x50]  }
0xc2: {  	v40 =	vld [tilespmem:s21+$0x60]  }
0xc3: {  	s8 =	sadd.s32 $0x140, s24;
	v41 =	vld [tilespmem:s21+$0x70]  }
0xc4: {  	s9 =	sadd.s32 $0x150, s24;
	v43 =	vor.u32 s8, v1;
	v42 =	vld [tilespmem:s22+$0x70]  }
0xc5: {  	s10 =	sadd.s32 $0x160, s24;
	v44 =	vor.u32 s9, v1;
	vm4 =	veq.s32 v38, v43  }
0xc6: {  	v45 =	vor.u32 s10, v1;
	s12 =	sadd.s32 $0x170, s24;
	vm5 =	veq.s32 v39, v44;
	v2 =	vnsel vm4, $0x10000000, v2  }
0xc7: {  	vm6 =	veq.s32 v40, v45;
	[tilespmem:s25+$0x840] =	vst v2;
	v2 =	vnsel vm5, $0x10000000, v3;
	v3 =	vor.u32 s12, v1  }
0xc8: {  	[tilespmem:s25+$0x850] =	vst v2;
	v2 =	vnsel vm6, $0x10000000, v37;
	vm7 =	veq.s32 v41, v3  }
0xc9: {  	[tilespmem:s25+$0x860] =	vst v2;
	v2 =	vnsel vm7, $0x10000000, v42  }
0xca: {  	[tilespmem:s25+$0x870] =	vst v2  }
0xcb: {  	v2 =	vld [tilespmem:s22+$0x80]  }
0xcc: {  	v3 =	vld [tilespmem:s22+$0x90]  }
0xcd: {  	v46 =	vld [tilespmem:s22+$0xA0]  }
0xce: {  	v47 =	vld [tilespmem:s21+$0x80]  }
0xcf: {  	v48 =	vld [tilespmem:s21+$0x90]  }
0xd0: {  	v49 =	vld [tilespmem:s21+$0xA0]  }
0xd1: {  	s15 =	sadd.s32 $0x180, s24;
	v50 =	vld [tilespmem:s21+$0xB0]  }
0xd2: {  	s16 =	sadd.s32 $0x190, s24;
	v52 =	vor.u32 s15, v1;
	v51 =	vld [tilespmem:s22+$0xB0]  }
0xd3: {  	s18 =	sadd.s32 $0x1A0, s24;
	v53 =	vor.u32 s16, v1;
	vm8 =	veq.s32 v47, v52  }
0xd4: {  	v54 =	vor.u32 s18, v1;
	s26 =	sadd.s32 $0x1B0, s24;
	vm9 =	veq.s32 v48, v53;
	v2 =	vnsel vm8, $0x10000000, v2  }
0xd5: {  	vm10 =	veq.s32 v49, v54;
	[tilespmem:s25+$0xC00] =	vst v2;
	v2 =	vnsel vm9, $0x10000000, v3;
	v3 =	vor.u32 s26, v1  }
0xd6: {  	[tilespmem:s25+$0xC10] =	vst v2;
	v2 =	vnsel vm10, $0x10000000, v46;
	vm11 =	veq.s32 v50, v3  }
0xd7: {  	[tilespmem:s25+$0xC20] =	vst v2;
	v2 =	vnsel vm11, $0x10000000, v51  }
0xd8: {  	[tilespmem:s25+$0xC30] =	vst v2  }
0xd9: {  	v2 =	vld [tilespmem:s22+$0xC0]  }
0xda: {  	v3 =	vld [tilespmem:s22+$0xD0]  }
0xdb: {  	v55 =	vld [tilespmem:s22+$0xE0]  }
0xdc: {  	v56 =	vld [tilespmem:s21+$0xC0]  }
0xdd: {  	v57 =	vld [tilespmem:s21+$0xD0]  }
0xde: {  	v58 =	vld [tilespmem:s21+$0xE0]  }
0xdf: {  	s28 =	sadd.s32 $0x1C0, s24;
	v59 =	vld [tilespmem:s21+$0xF0]  }
0xe0: {  	s29 =	sadd.s32 $0x1D0, s24;
	v61 =	vor.u32 s28, v1;
	v60 =	vld [tilespmem:s22+$0xF0]  }
0xe1: {  	p0 =	sne.s32 s23, $0x1E00;
	s30 =	sadd.s32 $0x1E0, s24;
	v62 =	vor.u32 s29, v1;
	vm12 =	veq.s32 v56, v61  }
.Ltmp1:
0xe2: {  	v63 =	vor.u32 s30, v1;
	s31 =	sadd.s32 $0x1F0, s24;
	vm13 =	veq.s32 v57, v62;
	v2 =	vnsel vm12, $0x10000000, v2;
	(pc) =	sbr.rel @p0 .LBB2_4-.Ltmp1, $4  }
0xe3: {  	vm14 =	veq.s32 v58, v63;
	[tilespmem:s25+$0xC40] =	vst v2;
	v2 =	vnsel vm13, $0x10000000, v3;
	v3 =	vor.u32 s31, v1  }
0xe4: {  	[tilespmem:s25+$0xC50] =	vst v2;
	v2 =	vnsel vm14, $0x10000000, v55;
	vm15 =	veq.s32 v59, v3  }
0xe5: {  	s20 =	sadd.s32 $0x80, s20;
	[tilespmem:s25+$0xC60] =	vst v2;
	v2 =	vnsel vm15, $0x10000000, v60  }
0xe6: {  	s23 =	sadd.s32 $0x200, s23;
	s21 =	sadd.s32 $0x200, s21;
	s22 =	sadd.s32 $0x200, s22;
	[tilespmem:s25+$0xC70] =	vst v2  }
0xe7: {  	s12 =	simm.s32 $0x0;
	s0 =	rddreg [dreg:$0x7];
	s1 =	simm.s32 $0x15100  }
0xe8: {  	[hbm4b:s0+s12] =	stream.linear.scatter [tilespmem:s1], [sflag:$0x3], $0x2000, $0x38;
	[tilespmem:$0x17100] =	vst v63  }
0xe9: {  	_ =	swait.ge [sflag:s11], $0x2000  }
0xea: {  	s19 =	sadd.s32 $0x1, s19;
	s31 =	rddreg [dreg:$0x8]  }
0xeb: {  	p0 =	sne.s32 s19, s31  }
.Ltmp2:
0xec: {  	_ = 	snop;
	(pc) =	sbr.rel @p0 .LBB2_1-.Ltmp2, $3  }
0xed: {  	_ =	sdelay $0x1  }
0xee: {  	[sflag:s11] =	ssyncset.done $0x0  }
0xef: {  	[sflag:s11] =	ssyncadd.s32 $0xFFFFE000  }
0xf0: {  	_ =	sfence.sel $0x180000  }
0xf1: {  	[bflag:$0x0] =	sbarrier.arrive $0xFFFF  }
0xf2: {  	_ =	strace $0x90000047  }
0xf3: {  	s0 =	stileid.u32;
	[bflag:$0x2] =	sbarrier.arrive $0xFFFF  }
0xf4: {  	p0 =	sne.s32 s0, $0x0;
	s0 =	rddreg [dreg:$0x3]  }
0xf5: {  	s0 =	sadd.s32 @!p0 $0x100000, s0  }
0xf6: {  	[sflag:s0] =	ssyncadd.tile.s32 @!p0 $0x1;
	_ =	shalt  }
.Lfunc_end2:
_tile_overlayer_lowered:
.L_overlay_start_2:
0xf7: {  	(tag) =	ssettag $0x2  }
0xf8: {  	s0 =	rddreg [dreg:$0x0];
	s2 =	stileid.u32  }
0xf9: {  	s1 =	rddreg [dreg:$0x1];
	p0 =	sne.s32 s2, $0x0  }
0xfa: {  	s3 =	rddreg [dreg:$0x2];
	[bflag:$0x3] =	sbarrier.arrive $0xFFFF;
	s2 =	simm.s32 @!p0 $0x1C03  }
0xfb: {  	[timem:s3], [sflag:s2] =	dma.local @!p0 [hbm:s0], s1  }
0xfc: {  	s0 =	simm.s32 @!p0 $0x3  }
0xfd: {  	_ =	swait.ge @!p0 [sflag:s0], s1  }
0xfe: {  	s1 =	ssub.s32 @!p0 $0x0, s1;
	[sflag:s0] =	ssyncset.done @!p0 $0x0  }
0xff: {  	[sflag:s0] =	ssyncadd.s32 @!p0 s1  }
0x100: {  	[bflag:$0x3] =	sbarrier.arrive $0xFFFF  }
0x101: {  	_ =	shalt  }

</sc_bundles>
